<compile_context>
chip_gen: v7x
topology: tpu7x:2x2x1
jax: 0.10.2.dev20260603
libtpu: 0.0.44.dev20260713+nightly
codegen_flags: <defaults>
</compile_context>

<pallas_src>
import functools

import jax
import jax.numpy as jnp
from jax import lax
from jax.experimental import pallas as pl
from jax.experimental.pallas import tpu as pltpu
from jax.experimental.pallas import tpu_sc as plsc

N = 10000
E = 160000
EMB = 300
L = 5
HALF = EMB // 2
HPAD = 160
CW = 32
NTILES = 16
NPAD = 10240
RPT = NPAD // NTILES
CHUNK = 128
SCH = 80
EPAD = 163840
SPMM_CH = EPAD // NTILES // SCH
CNT_CH = EPAD // 2 // NTILES // CHUNK
VOCABS = (119, 8, 12, 15, 10, 6, 7, 3, 3)
TOFF = (0, 119, 127, 139, 154, 164, 170, 177, 180)
TCAT = 192
BN = 1000
NB = N // BN

def _counts_body(oh_hbm, aid_hbm, dst_hbm, init_hbm, out_hbm,
                 acc, aid_v, dst_v, rows_v, sem):
    c = lax.axis_index("c")
    s = lax.axis_index("s")
    pltpu.sync_copy(init_hbm.at[c, pl.ds(s * RPT, RPT)],
                    acc.at[pl.ds(s * RPT, RPT)])
    pltpu.sync_copy(aid_hbm.at[c, s], aid_v)
    pltpu.sync_copy(dst_hbm.at[c, s], dst_v)
    plsc.subcore_barrier()

    def body(j, carry):
        pltpu.async_copy(oh_hbm.at[aid_v.at[j]], rows_v, sem).wait()
        pltpu.sync_copy(rows_v, acc.at[dst_v.at[j]], add=True)
        return carry

    lax.fori_loop(0, CNT_CH, body, 0)
    plsc.subcore_barrier()
    pltpu.sync_copy(acc.at[pl.ds(s * RPT, RPT)],
                    out_hbm.at[c, pl.ds(s * RPT, RPT)])


def _spmm_body(h_hbm, src_hbm, dst_hbm, out_hbm,
               acc, sidx, didx, rows_v, sem0, sem1):
    c = lax.axis_index("c")
    s = lax.axis_index("s")
    pltpu.sync_copy(
        h_hbm.at[pl.ds(c * NPAD + s * RPT, RPT)],
        acc.at[pl.ds(s * RPT, RPT)])

    def load_idx(j, buf):
        pltpu.sync_copy(src_hbm.at[c, s, j], sidx.at[buf])
        pltpu.sync_copy(dst_hbm.at[s, j], didx.at[buf])

    def gather(buf, sem):
        return pltpu.make_async_copy(h_hbm.at[sidx.at[buf]], rows_v.at[buf],
                                     sem)

    load_idx(0, 0)
    plsc.subcore_barrier()
    gather(0, sem0).start()

    def body(j2, carry):
        j = 2 * j2
        load_idx(j + 1, 1)
        gather(1, sem1).start()
        gather(0, sem0).wait()
        pltpu.sync_copy(rows_v.at[0], acc.at[didx.at[0]], add=True)

        @pl.when(j + 2 < SPMM_CH)
        def _():
            load_idx(j + 2, 0)
            gather(0, sem0).start()

        gather(1, sem1).wait()
        pltpu.sync_copy(rows_v.at[1], acc.at[didx.at[1]], add=True)
        return carry

    lax.fori_loop(0, SPMM_CH // 2, body, 0)
    plsc.subcore_barrier()
    pltpu.sync_copy(acc.at[pl.ds(s * RPT, RPT)],
                    out_hbm.at[c, pl.ds(s * RPT, RPT)])


@functools.lru_cache(maxsize=1)
def _sc_kernels():
    mesh = plsc.VectorSubcoreMesh(core_axis_name="c", subcore_axis_name="s")
    params = pltpu.CompilerParams(use_tc_tiling_on_sc=False)
    counts = pl.kernel(
        _counts_body,
        out_type=jax.ShapeDtypeStruct((2, NPAD, CW), jnp.float32),
        mesh=mesh,
        scratch_types=[
            pltpu.VMEM_SHARED((NPAD, CW), jnp.float32),
            pltpu.VMEM((CNT_CH, CHUNK), jnp.int32),
            pltpu.VMEM((CNT_CH, CHUNK), jnp.int32),
            pltpu.VMEM((CHUNK, CW), jnp.float32),
            pltpu.SemaphoreType.DMA,
        ],
        compiler_params=params,
    )
    spmm = pl.kernel(
        _spmm_body,
        out_type=jax.ShapeDtypeStruct((2, NPAD, HPAD), jnp.float32),
        mesh=mesh,
        scratch_types=[
            pltpu.VMEM_SHARED((NPAD, HPAD), jnp.float32),
            pltpu.VMEM((2, SCH), jnp.int32),
            pltpu.VMEM((2, SCH), jnp.int32),
            pltpu.VMEM((2, SCH, HPAD), jnp.float32),
            pltpu.SemaphoreType.DMA,
            pltpu.SemaphoreType.DMA,
        ],
        compiler_params=params,
    )
    return counts, spmm


def _init_body(xt_ref, tcat_ref, out_ref):
    iot = lax.broadcasted_iota(jnp.int32, (BN, TCAT), 1)
    b = jnp.zeros((BN, TCAT), jnp.float32)
    for f in range(9):
        idx = xt_ref[0, f, :] + TOFF[f]
        b = b + (iot == idx[:, None]).astype(jnp.float32)
    h = jnp.dot(b, tcat_ref[...], preferred_element_type=jnp.float32,
                precision=lax.Precision.HIGHEST)
    out_ref[0, :, :HALF] = h[:, :HALF]
    out_ref[1, :, :HALF] = h[:, HALF:]
    out_ref[0, :, HALF:] = jnp.zeros((BN, HPAD - HALF), jnp.float32)
    out_ref[1, :, HALF:] = jnp.zeros((BN, HPAD - HALF), jnp.float32)


def _mlp1_body(neigh_ref, c2_ref, ecat_ref, w1_ref, b1_ref, w2_ref, b2_ref,
               g_ref, stats_ref):
    i = pl.program_id(0)
    aggr = jnp.concatenate([neigh_ref[0, :, :HALF], neigh_ref[1, :, :HALF]],
                           axis=1)
    cc = c2_ref[0] + c2_ref[1]
    aggr = aggr + jnp.dot(cc, ecat_ref[...], preferred_element_type=jnp.float32,
                          precision=lax.Precision.HIGHEST)
    bf = jnp.bfloat16
    hmid = jnp.maximum(
        jnp.dot(aggr.astype(bf), w1_ref[...].astype(bf),
                preferred_element_type=jnp.float32)
        + b1_ref[...], 0.0)
    g = jnp.dot(hmid.astype(bf), w2_ref[...].astype(bf),
                preferred_element_type=jnp.float32) \
        + b2_ref[...]
    g_ref[...] = g
    s = jnp.sum(g, axis=0)

    @pl.when(i == 0)
    def _():
        c = s * (1.0 / BN)
        d = g - c
        stats_ref[0] = s
        stats_ref[1] = jnp.sum(d * d, axis=0)
        stats_ref[2] = c

    @pl.when(i > 0)
    def _():
        d = g - stats_ref[2]
        stats_ref[0] = stats_ref[0] + s
        stats_ref[1] = stats_ref[1] + jnp.sum(d * d, axis=0)


def _bn_body(g_ref, stats_ref, gamma_ref, beta_ref, out_ref, *, relu, split):
    mean = stats_ref[0] * (1.0 / N)
    dm = mean - stats_ref[2]
    var = stats_ref[1] * (1.0 / N) - dm * dm
    scale = gamma_ref[0] / jnp.sqrt(var + 1e-5)
    h = (g_ref[...] - mean) * scale + beta_ref[0]
    if relu:
        h = jnp.maximum(h, 0.0)
    if split:
        out_ref[0, :, :HALF] = h[:, :HALF]
        out_ref[1, :, :HALF] = h[:, HALF:]
        out_ref[0, :, HALF:] = jnp.zeros((BN, HPAD - HALF), jnp.float32)
        out_ref[1, :, HALF:] = jnp.zeros((BN, HPAD - HALF), jnp.float32)
    else:
        out_ref[...] = h


_init_call = pl.pallas_call(
    _init_body,
    grid=(NB,),
    in_specs=[
        pl.BlockSpec((1, 16, BN), lambda i: (i, 0, 0)),
        pl.BlockSpec((TCAT, EMB), lambda i: (0, 0)),
    ],
    out_specs=pl.BlockSpec((2, BN, HPAD), lambda i: (0, i, 0)),
    out_shape=jax.ShapeDtypeStruct((2, NPAD, HPAD), jnp.float32),
)

_mlp1_call = pl.pallas_call(
    _mlp1_body,
    grid=(NB,),
    in_specs=[
        pl.BlockSpec((2, BN, HPAD), lambda i: (0, i, 0)),
        pl.BlockSpec((2, BN, CW), lambda i: (0, i, 0)),
        pl.BlockSpec((CW, EMB), lambda i: (0, 0)),
        pl.BlockSpec((EMB, 2 * EMB), lambda i: (0, 0)),
        pl.BlockSpec((1, 2 * EMB), lambda i: (0, 0)),
        pl.BlockSpec((2 * EMB, EMB), lambda i: (0, 0)),
        pl.BlockSpec((1, EMB), lambda i: (0, 0)),
    ],
    out_specs=[
        pl.BlockSpec((BN, EMB), lambda i: (i, 0)),
        pl.BlockSpec((8, EMB), lambda i: (0, 0)),
    ],
    out_shape=[
        jax.ShapeDtypeStruct((N, EMB), jnp.float32),
        jax.ShapeDtypeStruct((8, EMB), jnp.float32),
    ],
)


def _bn_call(relu, split):
    return pl.pallas_call(
        functools.partial(_bn_body, relu=relu, split=split),
        grid=(NB,),
        in_specs=[
            pl.BlockSpec((BN, EMB), lambda i: (i, 0)),
            pl.BlockSpec((8, EMB), lambda i: (0, 0)),
            pl.BlockSpec((1, EMB), lambda i: (0, 0)),
            pl.BlockSpec((1, EMB), lambda i: (0, 0)),
        ],
        out_specs=(pl.BlockSpec((2, BN, HPAD), lambda i: (0, i, 0))
                   if split else pl.BlockSpec((BN, EMB), lambda i: (i, 0))),
        out_shape=(jax.ShapeDtypeStruct((2, NPAD, HPAD), jnp.float32)
                   if split else jax.ShapeDtypeStruct((N, EMB), jnp.float32)),
    )


_bn_split = _bn_call(relu=True, split=True)
_bn_final = _bn_call(relu=False, split=False)


def kernel(x, edge_index, edge_attr, xt1, xt2, xt3, xt4, xt5, xt6, xt7, xt8,
           xt9, W1, b1, W2, b2, e1, e2, e3, gamma, beta):
    f32 = jnp.float32
    src = edge_index[0].astype(jnp.int32)
    dst = edge_index[1].astype(jnp.int32)
    ea = edge_attr.astype(jnp.int32)

    npad = EPAD - E
    ar = jnp.arange(npad, dtype=jnp.int32)
    src_full = jnp.concatenate([src, ar % N])
    dst_full = jnp.concatenate([dst, N + (ar % 16)])
    src_rs = jnp.stack([src_full, src_full + NPAD]).reshape(2, NTILES,
                                                            SPMM_CH, SCH)
    dst_rs = dst_full.reshape(NTILES, SPMM_CH, SCH)

    aid = ea[:, 0] * 12 + ea[:, 1] * 2 + ea[:, 2]
    aid_full = jnp.concatenate([aid, ar % 276])
    aid_rs = aid_full.reshape(2, NTILES, CNT_CH, CHUNK)
    dst_c = dst_full.reshape(2, NTILES, CNT_CH, CHUNK)

    a = jnp.arange(276)
    oh = jnp.concatenate(
        [(a[:, None] // 12 == jnp.arange(23)[None]).astype(f32),
         ((a[:, None] // 2) % 6 == jnp.arange(6)[None]).astype(f32),
         (a[:, None] % 2 == jnp.arange(2)[None]).astype(f32),
         jnp.zeros((276, 1), f32)], axis=1)
    sl_row = jnp.zeros((CW,), f32).at[22].set(1.0).at[23].set(1.0) \
        .at[29].set(1.0)
    init_c = jnp.stack([jnp.tile(sl_row, (NPAD, 1)),
                        jnp.zeros((NPAD, CW), f32)])

    xt_p = jnp.zeros((16, N), jnp.int32).at[:9].set(x.T.astype(jnp.int32))
    xt_p = xt_p.reshape(16, NB, BN).swapaxes(0, 1)
    tcat = jnp.zeros((TCAT, EMB), f32).at[:183].set(
        jnp.concatenate([xt1, xt2, xt3, xt4, xt5, xt6, xt7, xt8, xt9], axis=0))
    counts_kernel, spmm_kernel = _sc_kernels()
    h_split = _init_call(xt_p, tcat)
    c2 = counts_kernel(oh, aid_rs, dst_c, init_c)

    h = None
    for l in range(L):
        ecat = jnp.zeros((CW, EMB), f32).at[:31].set(
            jnp.concatenate([e1[l], e2[l], e3[l]], axis=0))
        neigh = spmm_kernel(h_split.reshape(2 * NPAD, HPAD), src_rs, dst_rs)
        g, stats = _mlp1_call(neigh, c2, ecat, W1[l], b1[l][None], W2[l],
                              b2[l][None])
        if l != L - 1:
            h_split = _bn_split(g, stats, gamma[l][None], beta[l][None])
        else:
            h = _bn_final(g, stats, gamma[l][None], beta[l][None])
    return h

# --- scband reference (transcript-rebuilt; emitter-appended) ---
"""Pipeline reference for scband-ginet-node-encoder-89567247991437 (READ-ONLY COPY).

The authoritative reference and input builder live on the scoring server;
editing this copy changes nothing except your own understanding.
"""

import jax, jax.numpy as jnp
import numpy as np

N = 10000
E = 160000
EMB = 300
L = 5


def setup_inputs(seed: int = 0) -> dict:
    key = jax.random.key(seed)
    ks = jax.random.split(key, 32)
    inp = {}
    inp["x"] = jax.random.randint(ks[0], (N, 9), 0, 3)
    inp["edge_index"] = jax.random.randint(ks[1], (2, E), 0, N)
    inp["edge_attr"] = jax.random.randint(ks[2], (E, 3), 0, 2)
    vocabs = [119, 8, 12, 15, 10, 6, 7, 3, 3]
    for i, v in enumerate(vocabs):
        inp[f"xt{i+1}"] = jax.random.normal(ks[3 + i], (v, EMB), dtype=jnp.float32) * 0.1
    inp["W1"] = jax.random.normal(ks[12], (L, EMB, 2 * EMB), dtype=jnp.float32) * 0.05
    inp["b1"] = jnp.zeros((L, 2 * EMB), dtype=jnp.float32)
    inp["W2"] = jax.random.normal(ks[13], (L, 2 * EMB, EMB), dtype=jnp.float32) * 0.05
    inp["b2"] = jnp.zeros((L, EMB), dtype=jnp.float32)
    inp["e1"] = jax.random.normal(ks[14], (L, 23, EMB), dtype=jnp.float32) * 0.1
    inp["e2"] = jax.random.normal(ks[15], (L, 6, EMB), dtype=jnp.float32) * 0.1
    inp["e3"] = jax.random.normal(ks[16], (L, 2, EMB), dtype=jnp.float32) * 0.1
    inp["gamma"] = jnp.ones((L, EMB), dtype=jnp.float32)
    inp["beta"] = jnp.zeros((L, EMB), dtype=jnp.float32)
    return inp


def reference(x, edge_index, edge_attr, xt1, xt2, xt3, xt4, xt5, xt6, xt7, xt8, xt9,
              W1, b1, W2, b2, e1, e2, e3, gamma, beta):
    tables = [xt1, xt2, xt3, xt4, xt5, xt6, xt7, xt8, xt9]
    # initial node embedding: sum of 9 per-feature embedding lookups
    h = tables[0][x[:, 0]]
    for i in range(1, 9):
        h = h + tables[i][x[:, i]]
    n = h.shape[0]
    loops = jnp.arange(n, dtype=edge_index.dtype)
    ei = jnp.concatenate([edge_index, jnp.stack([loops, loops], axis=0)], axis=1)
    sl_attr = jnp.zeros((n, 3), dtype=edge_attr.dtype).at[:, 0].set(22)
    ea = jnp.concatenate([edge_attr, sl_attr], axis=0)
    src = ei[0]
    dst = ei[1]
    for l in range(L):
        edge_emb = e1[l][ea[:, 0]] + e2[l][ea[:, 1]] + e3[l][ea[:, 2]]
        msg = h[src] + edge_emb
        aggr = jax.ops.segment_sum(msg, dst, num_segments=n)
        hmid = jnp.maximum(aggr @ W1[l] + b1[l], 0.0)
        h = hmid @ W2[l] + b2[l]
        mean = jnp.mean(h, axis=0)
        var = jnp.var(h, axis=0)
        h = (h - mean) / jnp.sqrt(var + 1e-5) * gamma[l] + beta[l]
        if l != L - 1:
            h = jnp.maximum(h, 0.0)
    return h

if __name__ == "__main__":
    import jax
    _d = setup_inputs()
    print(jax.jit(kernel)(*tuple(_d.values())))

</pallas_src>

<mosaic_0001>
#map = affine_map<(d0, d1) -> (0, 0)>
#map1 = affine_map<(d0, d1) -> (0, 0, 0, 0)>
#map2 = affine_map<(d0, d1) -> (0, 0, 0)>
module attributes {stable_mosaic.version = 14 : i64} {
  func.func @_spmm_body(%arg0: i32, %arg1: i32, %arg2: memref<20480x160xf32, #tpu.memory_space<hbm>>, %arg3: memref<2x16x128x80xi32, #tpu.memory_space<hbm>>, %arg4: memref<16x128x80xi32, #tpu.memory_space<hbm>>, %arg5: memref<2x10240x160xf32, #tpu.memory_space<hbm>>, %arg6: memref<10240x160xf32, #tpu.memory_space<vmem_shared>>, %arg7: memref<2x80xi32, #tpu.memory_space<vmem>>, %arg8: memref<2x80xi32, #tpu.memory_space<vmem>>, %arg9: memref<2x80x160xf32, #tpu.memory_space<vmem>>, %arg10: memref<!tpu.dma_semaphore, #tpu.memory_space<semaphore_mem>>, %arg11: memref<!tpu.dma_semaphore, #tpu.memory_space<semaphore_mem>>) attributes {dimension_semantics = [#tpu.dimension_semantics<core_parallel>, #tpu.dimension_semantics<subcore_parallel>], iteration_bounds = array<i64: 2, 16>, scalar_prefetch = 0 : i64, scratch_operands = 6 : i64, tpu.core_type = #tpu.core_type<sc_vector_subcore>, window_params = [{transform_indices = #map}, {transform_indices = #map1}, {transform_indices = #map2}, {transform_indices = #map2}]} {
    %mul3A = arith.constant 10240 : i32
    %mul3A_0 = arith.muli %arg0, %mul3A : i32
    %mul3A_1 = arith.constant 640 : i32
    %mul3A_2 = arith.muli %arg1, %mul3A_1 : i32
    %add3A = arith.addi %mul3A_0, %mul3A_2 : i32
    %mul3A_3 = arith.constant 640 : i32
    %mul3A_4 = arith.muli %arg1, %mul3A_3 : i32
    "tpu.region"() ({
      %run_scoped3A_29 = tpu.sem_alloc : memref<!tpu.dma_semaphore, #tpu.memory_space<semaphore_mem>>
      %dma_start3A_30 = arith.constant 0 : i32
      %dma_start3A_31 = tpu.memref_slice %arg6[%mul3A_4, %dma_start3A_30] : memref<10240x160xf32, #tpu.memory_space<vmem_shared>> -> memref<640x160xf32, #tpu.memory_space<vmem_shared>>
      %dma_start3A_32 = arith.constant 0 : i32
      %dma_start3A_33 = tpu.memref_slice %arg2[%add3A, %dma_start3A_32] : memref<20480x160xf32, #tpu.memory_space<hbm>> -> memref<640x160xf32, #tpu.memory_space<hbm>>
      tpu.enqueue_dma source(%dma_start3A_33 : memref<640x160xf32, #tpu.memory_space<hbm>>) target(%dma_start3A_31 : memref<640x160xf32, #tpu.memory_space<vmem_shared>>) target_semaphore(%run_scoped3A_29 : memref<!tpu.dma_semaphore, #tpu.memory_space<semaphore_mem>>)
      %dma_wait3A = arith.constant 0 : i32
      %dma_wait3A_34 = tpu.memref_slice %arg6[%mul3A_4, %dma_wait3A] : memref<10240x160xf32, #tpu.memory_space<vmem_shared>> -> memref<640x160xf32, #tpu.memory_space<vmem_shared>>
      %dma_wait3A_35 = arith.constant 0 : i32
      %dma_wait3A_36 = tpu.memref_slice %arg2[%add3A, %dma_wait3A_35] : memref<20480x160xf32, #tpu.memory_space<hbm>> -> memref<640x160xf32, #tpu.memory_space<hbm>>
      tpu.wait_dma2 semaphore(%run_scoped3A_29 : memref<!tpu.dma_semaphore, #tpu.memory_space<semaphore_mem>>) src(%dma_wait3A_36 : memref<640x160xf32, #tpu.memory_space<hbm>>) dst(%dma_wait3A_34 : memref<640x160xf32, #tpu.memory_space<vmem_shared>>)
      tpu.yield
    }) : () -> ()
    %run_scoped3A = arith.constant 0 : i32
    %run_scoped3A_5 = arith.constant 0 : i32
    "tpu.region"() ({
      %run_scoped3A_29 = tpu.sem_alloc : memref<!tpu.dma_semaphore, #tpu.memory_space<semaphore_mem>>
      %dma_start3A_30 = arith.constant 0 : i32
      %dma_start3A_31 = tpu.memref_slice %arg7[%run_scoped3A_5, %dma_start3A_30] : memref<2x80xi32, #tpu.memory_space<vmem>> -> memref<1x80xi32, #tpu.memory_space<vmem>>
      %dma_start3A_32 = tpu.memref_squeeze %dma_start3A_31 : memref<1x80xi32, #tpu.memory_space<vmem>> -> memref<80xi32, #tpu.memory_space<vmem>>
      %dma_start3A_33 = arith.constant 0 : i32
      %dma_start3A_34 = tpu.memref_slice %arg3[%arg0, %arg1, %run_scoped3A, %dma_start3A_33] : memref<2x16x128x80xi32, #tpu.memory_space<hbm>> -> memref<1x1x1x80xi32, #tpu.memory_space<hbm>>
      %dma_start3A_35 = tpu.memref_squeeze %dma_start3A_34 : memref<1x1x1x80xi32, #tpu.memory_space<hbm>> -> memref<80xi32, #tpu.memory_space<hbm>>
      %dma_start3A_36 = arith.constant 0 : i32
      %dma_start3A_37 = tpu.memref_slice %arg7[%run_scoped3A_5, %dma_start3A_36] : memref<2x80xi32, #tpu.memory_space<vmem>> -> memref<1x80xi32, #tpu.memory_space<vmem>>
      %dma_start3A_38 = tpu.memref_squeeze %dma_start3A_37 : memref<1x80xi32, #tpu.memory_space<vmem>> -> memref<80xi32, #tpu.memory_space<vmem>>
      %dma_start3A_39 = arith.constant 0 : i32
      %dma_start3A_40 = tpu.memref_slice %arg3[%arg0, %arg1, %run_scoped3A, %dma_start3A_39] : memref<2x16x128x80xi32, #tpu.memory_space<hbm>> -> memref<1x1x1x80xi32, #tpu.memory_space<hbm>>
      %dma_start3A_41 = tpu.memref_squeeze %dma_start3A_40 : memref<1x1x1x80xi32, #tpu.memory_space<hbm>> -> memref<80xi32, #tpu.memory_space<hbm>>
      tpu.enqueue_dma source(%dma_start3A_41 : memref<80xi32, #tpu.memory_space<hbm>>) target(%dma_start3A_38 : memref<80xi32, #tpu.memory_space<vmem>>) target_semaphore(%run_scoped3A_29 : memref<!tpu.dma_semaphore, #tpu.memory_space<semaphore_mem>>)
      %dma_wait3A = arith.constant 0 : i32
      %dma_wait3A_42 = tpu.memref_slice %arg7[%run_scoped3A_5, %dma_wait3A] : memref<2x80xi32, #tpu.memory_space<vmem>> -> memref<1x80xi32, #tpu.memory_space<vmem>>
      %dma_wait3A_43 = tpu.memref_squeeze %dma_wait3A_42 : memref<1x80xi32, #tpu.memory_space<vmem>> -> memref<80xi32, #tpu.memory_space<vmem>>
      %dma_wait3A_44 = arith.constant 0 : i32
      %dma_wait3A_45 = tpu.memref_slice %arg3[%arg0, %arg1, %run_scoped3A, %dma_wait3A_44] : memref<2x16x128x80xi32, #tpu.memory_space<hbm>> -> memref<1x1x1x80xi32, #tpu.memory_space<hbm>>
      %dma_wait3A_46 = tpu.memref_squeeze %dma_wait3A_45 : memref<1x1x1x80xi32, #tpu.memory_space<hbm>> -> memref<80xi32, #tpu.memory_space<hbm>>
      %dma_wait3A_47 = arith.constant 0 : i32
      %dma_wait3A_48 = tpu.memref_slice %arg7[%run_scoped3A_5, %dma_wait3A_47] : memref<2x80xi32, #tpu.memory_space<vmem>> -> memref<1x80xi32, #tpu.memory_space<vmem>>
      %dma_wait3A_49 = tpu.memref_squeeze %dma_wait3A_48 : memref<1x80xi32, #tpu.memory_space<vmem>> -> memref<80xi32, #tpu.memory_space<vmem>>
      %dma_wait3A_50 = arith.constant 0 : i32
      %dma_wait3A_51 = tpu.memref_slice %arg3[%arg0, %arg1, %run_scoped3A, %dma_wait3A_50] : memref<2x16x128x80xi32, #tpu.memory_space<hbm>> -> memref<1x1x1x80xi32, #tpu.memory_space<hbm>>
      %dma_wait3A_52 = tpu.memref_squeeze %dma_wait3A_51 : memref<1x1x1x80xi32, #tpu.memory_space<hbm>> -> memref<80xi32, #tpu.memory_space<hbm>>
      tpu.wait_dma2 semaphore(%run_scoped3A_29 : memref<!tpu.dma_semaphore, #tpu.memory_space<semaphore_mem>>) src(%dma_wait3A_52 : memref<80xi32, #tpu.memory_space<hbm>>) dst(%dma_wait3A_49 : memref<80xi32, #tpu.memory_space<vmem>>)
      tpu.yield
    }) : () -> ()
    %run_scoped3A_6 = arith.constant 0 : i32
    %run_scoped3A_7 = arith.constant 0 : i32
    "tpu.region"() ({
      %run_scoped3A_29 = tpu.sem_alloc : memref<!tpu.dma_semaphore, #tpu.memory_space<semaphore_mem>>
      %dma_start3A_30 = arith.constant 0 : i32
      %dma_start3A_31 = tpu.memref_slice %arg8[%run_scoped3A_7, %dma_start3A_30] : memref<2x80xi32, #tpu.memory_space<vmem>> -> memref<1x80xi32, #tpu.memory_space<vmem>>
      %dma_start3A_32 = tpu.memref_squeeze %dma_start3A_31 : memref<1x80xi32, #tpu.memory_space<vmem>> -> memref<80xi32, #tpu.memory_space<vmem>>
      %dma_start3A_33 = arith.constant 0 : i32
      %dma_start3A_34 = tpu.memref_slice %arg4[%arg1, %run_scoped3A_6, %dma_start3A_33] : memref<16x128x80xi32, #tpu.memory_space<hbm>> -> memref<1x1x80xi32, #tpu.memory_space<hbm>>
      %dma_start3A_35 = tpu.memref_squeeze %dma_start3A_34 : memref<1x1x80xi32, #tpu.memory_space<hbm>> -> memref<80xi32, #tpu.memory_space<hbm>>
      %dma_start3A_36 = arith.constant 0 : i32
      %dma_start3A_37 = tpu.memref_slice %arg8[%run_scoped3A_7, %dma_start3A_36] : memref<2x80xi32, #tpu.memory_space<vmem>> -> memref<1x80xi32, #tpu.memory_space<vmem>>
      %dma_start3A_38 = tpu.memref_squeeze %dma_start3A_37 : memref<1x80xi32, #tpu.memory_space<vmem>> -> memref<80xi32, #tpu.memory_space<vmem>>
      %dma_start3A_39 = arith.constant 0 : i32
      %dma_start3A_40 = tpu.memref_slice %arg4[%arg1, %run_scoped3A_6, %dma_start3A_39] : memref<16x128x80xi32, #tpu.memory_space<hbm>> -> memref<1x1x80xi32, #tpu.memory_space<hbm>>
      %dma_start3A_41 = tpu.memref_squeeze %dma_start3A_40 : memref<1x1x80xi32, #tpu.memory_space<hbm>> -> memref<80xi32, #tpu.memory_space<hbm>>
      tpu.enqueue_dma source(%dma_start3A_41 : memref<80xi32, #tpu.memory_space<hbm>>) target(%dma_start3A_38 : memref<80xi32, #tpu.memory_space<vmem>>) target_semaphore(%run_scoped3A_29 : memref<!tpu.dma_semaphore, #tpu.memory_space<semaphore_mem>>)
      %dma_wait3A = arith.constant 0 : i32
      %dma_wait3A_42 = tpu.memref_slice %arg8[%run_scoped3A_7, %dma_wait3A] : memref<2x80xi32, #tpu.memory_space<vmem>> -> memref<1x80xi32, #tpu.memory_space<vmem>>
      %dma_wait3A_43 = tpu.memref_squeeze %dma_wait3A_42 : memref<1x80xi32, #tpu.memory_space<vmem>> -> memref<80xi32, #tpu.memory_space<vmem>>
      %dma_wait3A_44 = arith.constant 0 : i32
      %dma_wait3A_45 = tpu.memref_slice %arg4[%arg1, %run_scoped3A_6, %dma_wait3A_44] : memref<16x128x80xi32, #tpu.memory_space<hbm>> -> memref<1x1x80xi32, #tpu.memory_space<hbm>>
      %dma_wait3A_46 = tpu.memref_squeeze %dma_wait3A_45 : memref<1x1x80xi32, #tpu.memory_space<hbm>> -> memref<80xi32, #tpu.memory_space<hbm>>
      %dma_wait3A_47 = arith.constant 0 : i32
      %dma_wait3A_48 = tpu.memref_slice %arg8[%run_scoped3A_7, %dma_wait3A_47] : memref<2x80xi32, #tpu.memory_space<vmem>> -> memref<1x80xi32, #tpu.memory_space<vmem>>
      %dma_wait3A_49 = tpu.memref_squeeze %dma_wait3A_48 : memref<1x80xi32, #tpu.memory_space<vmem>> -> memref<80xi32, #tpu.memory_space<vmem>>
      %dma_wait3A_50 = arith.constant 0 : i32
      %dma_wait3A_51 = tpu.memref_slice %arg4[%arg1, %run_scoped3A_6, %dma_wait3A_50] : memref<16x128x80xi32, #tpu.memory_space<hbm>> -> memref<1x1x80xi32, #tpu.memory_space<hbm>>
      %dma_wait3A_52 = tpu.memref_squeeze %dma_wait3A_51 : memref<1x1x80xi32, #tpu.memory_space<hbm>> -> memref<80xi32, #tpu.memory_space<hbm>>
      tpu.wait_dma2 semaphore(%run_scoped3A_29 : memref<!tpu.dma_semaphore, #tpu.memory_space<semaphore_mem>>) src(%dma_wait3A_52 : memref<80xi32, #tpu.memory_space<hbm>>) dst(%dma_wait3A_49 : memref<80xi32, #tpu.memory_space<vmem>>)
      tpu.yield
    }) : () -> ()
    %barrier3A = arith.constant 0 : index
    tpu.barrier barrier_id(%barrier3A)
    %dma_start3A = arith.constant 0 : i32
    %dma_start3A_8 = arith.constant 0 : i32
    %dma_start3A_9 = arith.constant 0 : i32
    %dma_start3A_10 = arith.constant 0 : i32
    %dma_start3A_11 = tpu.memref_slice %arg9[%dma_start3A_8, %dma_start3A_9, %dma_start3A_10] : memref<2x80x160xf32, #tpu.memory_space<vmem>> -> memref<1x80x160xf32, #tpu.memory_space<vmem>>
    %dma_start3A_12 = tpu.memref_squeeze %dma_start3A_11 : memref<1x80x160xf32, #tpu.memory_space<vmem>> -> memref<80x160xf32, #tpu.memory_space<vmem>>
    %dma_start3A_13 = arith.constant 0 : i32
    %dma_start3A_14 = tpu.memref_slice %arg7[%dma_start3A, %dma_start3A_13] : memref<2x80xi32, #tpu.memory_space<vmem>> -> memref<1x80xi32, #tpu.memory_space<vmem>>
    %dma_start3A_15 = tpu.memref_squeeze %dma_start3A_14 : memref<1x80xi32, #tpu.memory_space<vmem>> -> memref<80xi32, #tpu.memory_space<vmem>>
    %dma_start3A_16 = arith.constant 0 : i32
    %dma_start3A_17 = arith.constant 0 : i32
    %dma_start3A_18 = tpu.memref_slice %arg2[%dma_start3A_16, %dma_start3A_17] : memref<20480x160xf32, #tpu.memory_space<hbm>> -> memref<20480x160xf32, #tpu.memory_space<hbm>>
    tpu.enqueue_indirect_dma source(%dma_start3A_18 : memref<20480x160xf32, #tpu.memory_space<hbm>>) target(%dma_start3A_12 : memref<80x160xf32, #tpu.memory_space<vmem>>) offsets(%dma_start3A_15 : memref<80xi32, #tpu.memory_space<vmem>>) semaphore(%arg10 : memref<!tpu.dma_semaphore, #tpu.memory_space<semaphore_mem>>)
    %scan3A = arith.constant 0 : i32
    %scan3A_19 = arith.constant 0 : i32
    %scan3A_20 = arith.constant 64 : i32
    %scan3A_21 = arith.addi %scan3A_19, %scan3A_20 : i32
    %scan3A_22 = arith.constant 1 : i32
    scf.for %scan3A_29 = %scan3A_19 to %scan3A_21 step %scan3A_22  : i32 {
      %mul3A_30 = arith.constant 2 : i32
      %mul3A_31 = arith.muli %mul3A_30, %scan3A_29 : i32
      %add3A_32 = arith.constant 1 : i32
      %add3A_33 = arith.addi %mul3A_31, %add3A_32 : i32
      %run_scoped3A_34 = arith.constant 1 : i32
      "tpu.region"() ({
        %run_scoped3A_79 = tpu.sem_alloc : memref<!tpu.dma_semaphore, #tpu.memory_space<semaphore_mem>>
        %dma_start3A_80 = arith.constant 0 : i32
        %dma_start3A_81 = tpu.memref_slice %arg7[%run_scoped3A_34, %dma_start3A_80] : memref<2x80xi32, #tpu.memory_space<vmem>> -> memref<1x80xi32, #tpu.memory_space<vmem>>
        %dma_start3A_82 = tpu.memref_squeeze %dma_start3A_81 : memref<1x80xi32, #tpu.memory_space<vmem>> -> memref<80xi32, #tpu.memory_space<vmem>>
        %dma_start3A_83 = arith.constant 0 : i32
        %dma_start3A_84 = tpu.memref_slice %arg3[%arg0, %arg1, %add3A_33, %dma_start3A_83] : memref<2x16x128x80xi32, #tpu.memory_space<hbm>> -> memref<1x1x1x80xi32, #tpu.memory_space<hbm>>
        %dma_start3A_85 = tpu.memref_squeeze %dma_start3A_84 : memref<1x1x1x80xi32, #tpu.memory_space<hbm>> -> memref<80xi32, #tpu.memory_space<hbm>>
        %dma_start3A_86 = arith.constant 0 : i32
        %dma_start3A_87 = tpu.memref_slice %arg7[%run_scoped3A_34, %dma_start3A_86] : memref<2x80xi32, #tpu.memory_space<vmem>> -> memref<1x80xi32, #tpu.memory_space<vmem>>
        %dma_start3A_88 = tpu.memref_squeeze %dma_start3A_87 : memref<1x80xi32, #tpu.memory_space<vmem>> -> memref<80xi32, #tpu.memory_space<vmem>>
        %dma_start3A_89 = arith.constant 0 : i32
        %dma_start3A_90 = tpu.memref_slice %arg3[%arg0, %arg1, %add3A_33, %dma_start3A_89] : memref<2x16x128x80xi32, #tpu.memory_space<hbm>> -> memref<1x1x1x80xi32, #tpu.memory_space<hbm>>
        %dma_start3A_91 = tpu.memref_squeeze %dma_start3A_90 : memref<1x1x1x80xi32, #tpu.memory_space<hbm>> -> memref<80xi32, #tpu.memory_space<hbm>>
        tpu.enqueue_dma source(%dma_start3A_91 : memref<80xi32, #tpu.memory_space<hbm>>) target(%dma_start3A_88 : memref<80xi32, #tpu.memory_space<vmem>>) target_semaphore(%run_scoped3A_79 : memref<!tpu.dma_semaphore, #tpu.memory_space<semaphore_mem>>)
        %dma_wait3A_92 = arith.constant 0 : i32
        %dma_wait3A_93 = tpu.memref_slice %arg7[%run_scoped3A_34, %dma_wait3A_92] : memref<2x80xi32, #tpu.memory_space<vmem>> -> memref<1x80xi32, #tpu.memory_space<vmem>>
        %dma_wait3A_94 = tpu.memref_squeeze %dma_wait3A_93 : memref<1x80xi32, #tpu.memory_space<vmem>> -> memref<80xi32, #tpu.memory_space<vmem>>
        %dma_wait3A_95 = arith.constant 0 : i32
        %dma_wait3A_96 = tpu.memref_slice %arg3[%arg0, %arg1, %add3A_33, %dma_wait3A_95] : memref<2x16x128x80xi32, #tpu.memory_space<hbm>> -> memref<1x1x1x80xi32, #tpu.memory_space<hbm>>
        %dma_wait3A_97 = tpu.memref_squeeze %dma_wait3A_96 : memref<1x1x1x80xi32, #tpu.memory_space<hbm>> -> memref<80xi32, #tpu.memory_space<hbm>>
        %dma_wait3A_98 = arith.constant 0 : i32
        %dma_wait3A_99 = tpu.memref_slice %arg7[%run_scoped3A_34, %dma_wait3A_98] : memref<2x80xi32, #tpu.memory_space<vmem>> -> memref<1x80xi32, #tpu.memory_space<vmem>>
        %dma_wait3A_100 = tpu.memref_squeeze %dma_wait3A_99 : memref<1x80xi32, #tpu.memory_space<vmem>> -> memref<80xi32, #tpu.memory_space<vmem>>
        %dma_wait3A_101 = arith.constant 0 : i32
        %dma_wait3A_102 = tpu.memref_slice %arg3[%arg0, %arg1, %add3A_33, %dma_wait3A_101] : memref<2x16x128x80xi32, #tpu.memory_space<hbm>> -> memref<1x1x1x80xi32, #tpu.memory_space<hbm>>
        %dma_wait3A_103 = tpu.memref_squeeze %dma_wait3A_102 : memref<1x1x1x80xi32, #tpu.memory_space<hbm>> -> memref<80xi32, #tpu.memory_space<hbm>>
        tpu.wait_dma2 semaphore(%run_scoped3A_79 : memref<!tpu.dma_semaphore, #tpu.memory_space<semaphore_mem>>) src(%dma_wait3A_103 : memref<80xi32, #tpu.memory_space<hbm>>) dst(%dma_wait3A_100 : memref<80xi32, #tpu.memory_space<vmem>>)
        tpu.yield
      }) : () -> ()
      %run_scoped3A_35 = arith.constant 1 : i32
      "tpu.region"() ({
        %run_scoped3A_79 = tpu.sem_alloc : memref<!tpu.dma_semaphore, #tpu.memory_space<semaphore_mem>>
        %dma_start3A_80 = arith.constant 0 : i32
        %dma_start3A_81 = tpu.memref_slice %arg8[%run_scoped3A_35, %dma_start3A_80] : memref<2x80xi32, #tpu.memory_space<vmem>> -> memref<1x80xi32, #tpu.memory_space<vmem>>
        %dma_start3A_82 = tpu.memref_squeeze %dma_start3A_81 : memref<1x80xi32, #tpu.memory_space<vmem>> -> memref<80xi32, #tpu.memory_space<vmem>>
        %dma_start3A_83 = arith.constant 0 : i32
        %dma_start3A_84 = tpu.memref_slice %arg4[%arg1, %add3A_33, %dma_start3A_83] : memref<16x128x80xi32, #tpu.memory_space<hbm>> -> memref<1x1x80xi32, #tpu.memory_space<hbm>>
        %dma_start3A_85 = tpu.memref_squeeze %dma_start3A_84 : memref<1x1x80xi32, #tpu.memory_space<hbm>> -> memref<80xi32, #tpu.memory_space<hbm>>
        %dma_start3A_86 = arith.constant 0 : i32
        %dma_start3A_87 = tpu.memref_slice %arg8[%run_scoped3A_35, %dma_start3A_86] : memref<2x80xi32, #tpu.memory_space<vmem>> -> memref<1x80xi32, #tpu.memory_space<vmem>>
        %dma_start3A_88 = tpu.memref_squeeze %dma_start3A_87 : memref<1x80xi32, #tpu.memory_space<vmem>> -> memref<80xi32, #tpu.memory_space<vmem>>
        %dma_start3A_89 = arith.constant 0 : i32
        %dma_start3A_90 = tpu.memref_slice %arg4[%arg1, %add3A_33, %dma_start3A_89] : memref<16x128x80xi32, #tpu.memory_space<hbm>> -> memref<1x1x80xi32, #tpu.memory_space<hbm>>
        %dma_start3A_91 = tpu.memref_squeeze %dma_start3A_90 : memref<1x1x80xi32, #tpu.memory_space<hbm>> -> memref<80xi32, #tpu.memory_space<hbm>>
        tpu.enqueue_dma source(%dma_start3A_91 : memref<80xi32, #tpu.memory_space<hbm>>) target(%dma_start3A_88 : memref<80xi32, #tpu.memory_space<vmem>>) target_semaphore(%run_scoped3A_79 : memref<!tpu.dma_semaphore, #tpu.memory_space<semaphore_mem>>)
        %dma_wait3A_92 = arith.constant 0 : i32
        %dma_wait3A_93 = tpu.memref_slice %arg8[%run_scoped3A_35, %dma_wait3A_92] : memref<2x80xi32, #tpu.memory_space<vmem>> -> memref<1x80xi32, #tpu.memory_space<vmem>>
        %dma_wait3A_94 = tpu.memref_squeeze %dma_wait3A_93 : memref<1x80xi32, #tpu.memory_space<vmem>> -> memref<80xi32, #tpu.memory_space<vmem>>
        %dma_wait3A_95 = arith.constant 0 : i32
        %dma_wait3A_96 = tpu.memref_slice %arg4[%arg1, %add3A_33, %dma_wait3A_95] : memref<16x128x80xi32, #tpu.memory_space<hbm>> -> memref<1x1x80xi32, #tpu.memory_space<hbm>>
        %dma_wait3A_97 = tpu.memref_squeeze %dma_wait3A_96 : memref<1x1x80xi32, #tpu.memory_space<hbm>> -> memref<80xi32, #tpu.memory_space<hbm>>
        %dma_wait3A_98 = arith.constant 0 : i32
        %dma_wait3A_99 = tpu.memref_slice %arg8[%run_scoped3A_35, %dma_wait3A_98] : memref<2x80xi32, #tpu.memory_space<vmem>> -> memref<1x80xi32, #tpu.memory_space<vmem>>
        %dma_wait3A_100 = tpu.memref_squeeze %dma_wait3A_99 : memref<1x80xi32, #tpu.memory_space<vmem>> -> memref<80xi32, #tpu.memory_space<vmem>>
        %dma_wait3A_101 = arith.constant 0 : i32
        %dma_wait3A_102 = tpu.memref_slice %arg4[%arg1, %add3A_33, %dma_wait3A_101] : memref<16x128x80xi32, #tpu.memory_space<hbm>> -> memref<1x1x80xi32, #tpu.memory_space<hbm>>
        %dma_wait3A_103 = tpu.memref_squeeze %dma_wait3A_102 : memref<1x1x80xi32, #tpu.memory_space<hbm>> -> memref<80xi32, #tpu.memory_space<hbm>>
        tpu.wait_dma2 semaphore(%run_scoped3A_79 : memref<!tpu.dma_semaphore, #tpu.memory_space<semaphore_mem>>) src(%dma_wait3A_103 : memref<80xi32, #tpu.memory_space<hbm>>) dst(%dma_wait3A_100 : memref<80xi32, #tpu.memory_space<vmem>>)
        tpu.yield
      }) : () -> ()
      %dma_start3A_36 = arith.constant 1 : i32
      %dma_start3A_37 = arith.constant 1 : i32
      %dma_start3A_38 = arith.constant 0 : i32
      %dma_start3A_39 = arith.constant 0 : i32
      %dma_start3A_40 = tpu.memref_slice %arg9[%dma_start3A_37, %dma_start3A_38, %dma_start3A_39] : memref<2x80x160xf32, #tpu.memory_space<vmem>> -> memref<1x80x160xf32, #tpu.memory_space<vmem>>
      %dma_start3A_41 = tpu.memref_squeeze %dma_start3A_40 : memref<1x80x160xf32, #tpu.memory_space<vmem>> -> memref<80x160xf32, #tpu.memory_space<vmem>>
      %dma_start3A_42 = arith.constant 0 : i32
      %dma_start3A_43 = tpu.memref_slice %arg7[%dma_start3A_36, %dma_start3A_42] : memref<2x80xi32, #tpu.memory_space<vmem>> -> memref<1x80xi32, #tpu.memory_space<vmem>>
      %dma_start3A_44 = tpu.memref_squeeze %dma_start3A_43 : memref<1x80xi32, #tpu.memory_space<vmem>> -> memref<80xi32, #tpu.memory_space<vmem>>
      %dma_start3A_45 = arith.constant 0 : i32
      %dma_start3A_46 = arith.constant 0 : i32
      %dma_start3A_47 = tpu.memref_slice %arg2[%dma_start3A_45, %dma_start3A_46] : memref<20480x160xf32, #tpu.memory_space<hbm>> -> memref<20480x160xf32, #tpu.memory_space<hbm>>
      tpu.enqueue_indirect_dma source(%dma_start3A_47 : memref<20480x160xf32, #tpu.memory_space<hbm>>) target(%dma_start3A_41 : memref<80x160xf32, #tpu.memory_space<vmem>>) offsets(%dma_start3A_44 : memref<80xi32, #tpu.memory_space<vmem>>) semaphore(%arg11 : memref<!tpu.dma_semaphore, #tpu.memory_space<semaphore_mem>>)
      %dma_wait3A = arith.constant 0 : i32
      %dma_wait3A_48 = arith.constant 0 : i32
      %dma_wait3A_49 = arith.constant 0 : i32
      %dma_wait3A_50 = arith.constant 0 : i32
      %dma_wait3A_51 = tpu.memref_slice %arg9[%dma_wait3A_48, %dma_wait3A_49, %dma_wait3A_50] : memref<2x80x160xf32, #tpu.memory_space<vmem>> -> memref<1x80x160xf32, #tpu.memory_space<vmem>>
      %dma_wait3A_52 = tpu.memref_squeeze %dma_wait3A_51 : memref<1x80x160xf32, #tpu.memory_space<vmem>> -> memref<80x160xf32, #tpu.memory_space<vmem>>
      %dma_wait3A_53 = arith.constant 0 : i32
      %dma_wait3A_54 = tpu.memref_slice %arg7[%dma_wait3A, %dma_wait3A_53] : memref<2x80xi32, #tpu.memory_space<vmem>> -> memref<1x80xi32, #tpu.memory_space<vmem>>
      %dma_wait3A_55 = tpu.memref_squeeze %dma_wait3A_54 : memref<1x80xi32, #tpu.memory_space<vmem>> -> memref<80xi32, #tpu.memory_space<vmem>>
      %dma_wait3A_56 = arith.constant 0 : i32
      %dma_wait3A_57 = arith.constant 0 : i32
      %dma_wait3A_58 = tpu.memref_slice %arg2[%dma_wait3A_56, %dma_wait3A_57] : memref<20480x160xf32, #tpu.memory_space<hbm>> -> memref<20480x160xf32, #tpu.memory_space<hbm>>
      tpu.wait_indirect_dma semaphore(%arg10 : memref<!tpu.dma_semaphore, #tpu.memory_space<semaphore_mem>>) src(%dma_wait3A_58 : memref<20480x160xf32, #tpu.memory_space<hbm>>) dst(%dma_wait3A_52 : memref<80x160xf32, #tpu.memory_space<vmem>>)
      %run_scoped3A_59 = arith.constant 0 : i32
      %run_scoped3A_60 = arith.constant 0 : i32
      "tpu.region"() ({
        %run_scoped3A_79 = tpu.sem_alloc : memref<!tpu.dma_semaphore, #tpu.memory_space<semaphore_mem>>
        %dma_start3A_80 = arith.constant 0 : i32
        %dma_start3A_81 = arith.constant 0 : i32
        %dma_start3A_82 = tpu.memref_slice %arg9[%run_scoped3A_59, %dma_start3A_80, %dma_start3A_81] : memref<2x80x160xf32, #tpu.memory_space<vmem>> -> memref<1x80x160xf32, #tpu.memory_space<vmem>>
        %dma_start3A_83 = tpu.memref_squeeze %dma_start3A_82 : memref<1x80x160xf32, #tpu.memory_space<vmem>> -> memref<80x160xf32, #tpu.memory_space<vmem>>
        %dma_start3A_84 = arith.constant 0 : i32
        %dma_start3A_85 = tpu.memref_slice %arg8[%run_scoped3A_60, %dma_start3A_84] : memref<2x80xi32, #tpu.memory_space<vmem>> -> memref<1x80xi32, #tpu.memory_space<vmem>>
        %dma_start3A_86 = tpu.memref_squeeze %dma_start3A_85 : memref<1x80xi32, #tpu.memory_space<vmem>> -> memref<80xi32, #tpu.memory_space<vmem>>
        %dma_start3A_87 = arith.constant 0 : i32
        %dma_start3A_88 = arith.constant 0 : i32
        %dma_start3A_89 = tpu.memref_slice %arg6[%dma_start3A_87, %dma_start3A_88] : memref<10240x160xf32, #tpu.memory_space<vmem_shared>> -> memref<10240x160xf32, #tpu.memory_space<vmem_shared>>
        tpu.enqueue_indirect_dma source(%dma_start3A_83 : memref<80x160xf32, #tpu.memory_space<vmem>>) target(%dma_start3A_89 : memref<10240x160xf32, #tpu.memory_space<vmem_shared>>) offsets(%dma_start3A_86 : memref<80xi32, #tpu.memory_space<vmem>>) semaphore(%run_scoped3A_79 : memref<!tpu.dma_semaphore, #tpu.memory_space<semaphore_mem>>) {add = true}
        %dma_wait3A_90 = arith.constant 0 : i32
        %dma_wait3A_91 = arith.constant 0 : i32
        %dma_wait3A_92 = tpu.memref_slice %arg9[%run_scoped3A_59, %dma_wait3A_90, %dma_wait3A_91] : memref<2x80x160xf32, #tpu.memory_space<vmem>> -> memref<1x80x160xf32, #tpu.memory_space<vmem>>
        %dma_wait3A_93 = tpu.memref_squeeze %dma_wait3A_92 : memref<1x80x160xf32, #tpu.memory_space<vmem>> -> memref<80x160xf32, #tpu.memory_space<vmem>>
        %dma_wait3A_94 = arith.constant 0 : i32
        %dma_wait3A_95 = tpu.memref_slice %arg8[%run_scoped3A_60, %dma_wait3A_94] : memref<2x80xi32, #tpu.memory_space<vmem>> -> memref<1x80xi32, #tpu.memory_space<vmem>>
        %dma_wait3A_96 = tpu.memref_squeeze %dma_wait3A_95 : memref<1x80xi32, #tpu.memory_space<vmem>> -> memref<80xi32, #tpu.memory_space<vmem>>
        %dma_wait3A_97 = arith.constant 0 : i32
        %dma_wait3A_98 = arith.constant 0 : i32
        %dma_wait3A_99 = tpu.memref_slice %arg6[%dma_wait3A_97, %dma_wait3A_98] : memref<10240x160xf32, #tpu.memory_space<vmem_shared>> -> memref<10240x160xf32, #tpu.memory_space<vmem_shared>>
        tpu.wait_indirect_dma semaphore(%run_scoped3A_79 : memref<!tpu.dma_semaphore, #tpu.memory_space<semaphore_mem>>) src(%dma_wait3A_93 : memref<80x160xf32, #tpu.memory_space<vmem>>) dst(%dma_wait3A_99 : memref<10240x160xf32, #tpu.memory_space<vmem_shared>>)
        tpu.yield
      }) : () -> ()
      %add3A_61 = arith.constant 2 : i32
      %add3A_62 = arith.addi %mul3A_31, %add3A_61 : i32
      %lt3A = arith.constant 128 : i32
      %lt3A_63 = arith.cmpi slt, %add3A_62, %lt3A : i32
      %convert_element_type3A = arith.extui %lt3A_63 : i1 to i32
      %cond3A = arith.constant 0 : i32
      %cond3A_64 = arith.cmpi ne, %convert_element_type3A, %cond3A : i32
      scf.if %cond3A_64 {
        %add3A_79 = arith.constant 2 : i32
        %add3A_80 = arith.addi %mul3A_31, %add3A_79 : i32
        %run_scoped3A_81 = arith.constant 0 : i32
        "tpu.region"() ({
          %run_scoped3A_95 = tpu.sem_alloc : memref<!tpu.dma_semaphore, #tpu.memory_space<semaphore_mem>>
          %dma_start3A_96 = arith.constant 0 : i32
          %dma_start3A_97 = tpu.memref_slice %arg7[%run_scoped3A_81, %dma_start3A_96] : memref<2x80xi32, #tpu.memory_space<vmem>> -> memref<1x80xi32, #tpu.memory_space<vmem>>
          %dma_start3A_98 = tpu.memref_squeeze %dma_start3A_97 : memref<1x80xi32, #tpu.memory_space<vmem>> -> memref<80xi32, #tpu.memory_space<vmem>>
          %dma_start3A_99 = arith.constant 0 : i32
          %dma_start3A_100 = tpu.memref_slice %arg3[%arg0, %arg1, %add3A_80, %dma_start3A_99] : memref<2x16x128x80xi32, #tpu.memory_space<hbm>> -> memref<1x1x1x80xi32, #tpu.memory_space<hbm>>
          %dma_start3A_101 = tpu.memref_squeeze %dma_start3A_100 : memref<1x1x1x80xi32, #tpu.memory_space<hbm>> -> memref<80xi32, #tpu.memory_space<hbm>>
          %dma_start3A_102 = arith.constant 0 : i32
          %dma_start3A_103 = tpu.memref_slice %arg7[%run_scoped3A_81, %dma_start3A_102] : memref<2x80xi32, #tpu.memory_space<vmem>> -> memref<1x80xi32, #tpu.memory_space<vmem>>
          %dma_start3A_104 = tpu.memref_squeeze %dma_start3A_103 : memref<1x80xi32, #tpu.memory_space<vmem>> -> memref<80xi32, #tpu.memory_space<vmem>>
          %dma_start3A_105 = arith.constant 0 : i32
          %dma_start3A_106 = tpu.memref_slice %arg3[%arg0, %arg1, %add3A_80, %dma_start3A_105] : memref<2x16x128x80xi32, #tpu.memory_space<hbm>> -> memref<1x1x1x80xi32, #tpu.memory_space<hbm>>
          %dma_start3A_107 = tpu.memref_squeeze %dma_start3A_106 : memref<1x1x1x80xi32, #tpu.memory_space<hbm>> -> memref<80xi32, #tpu.memory_space<hbm>>
          tpu.enqueue_dma source(%dma_start3A_107 : memref<80xi32, #tpu.memory_space<hbm>>) target(%dma_start3A_104 : memref<80xi32, #tpu.memory_space<vmem>>) target_semaphore(%run_scoped3A_95 : memref<!tpu.dma_semaphore, #tpu.memory_space<semaphore_mem>>)
          %dma_wait3A_108 = arith.constant 0 : i32
          %dma_wait3A_109 = tpu.memref_slice %arg7[%run_scoped3A_81, %dma_wait3A_108] : memref<2x80xi32, #tpu.memory_space<vmem>> -> memref<1x80xi32, #tpu.memory_space<vmem>>
          %dma_wait3A_110 = tpu.memref_squeeze %dma_wait3A_109 : memref<1x80xi32, #tpu.memory_space<vmem>> -> memref<80xi32, #tpu.memory_space<vmem>>
          %dma_wait3A_111 = arith.constant 0 : i32
          %dma_wait3A_112 = tpu.memref_slice %arg3[%arg0, %arg1, %add3A_80, %dma_wait3A_111] : memref<2x16x128x80xi32, #tpu.memory_space<hbm>> -> memref<1x1x1x80xi32, #tpu.memory_space<hbm>>
          %dma_wait3A_113 = tpu.memref_squeeze %dma_wait3A_112 : memref<1x1x1x80xi32, #tpu.memory_space<hbm>> -> memref<80xi32, #tpu.memory_space<hbm>>
          %dma_wait3A_114 = arith.constant 0 : i32
          %dma_wait3A_115 = tpu.memref_slice %arg7[%run_scoped3A_81, %dma_wait3A_114] : memref<2x80xi32, #tpu.memory_space<vmem>> -> memref<1x80xi32, #tpu.memory_space<vmem>>
          %dma_wait3A_116 = tpu.memref_squeeze %dma_wait3A_115 : memref<1x80xi32, #tpu.memory_space<vmem>> -> memref<80xi32, #tpu.memory_space<vmem>>
          %dma_wait3A_117 = arith.constant 0 : i32
          %dma_wait3A_118 = tpu.memref_slice %arg3[%arg0, %arg1, %add3A_80, %dma_wait3A_117] : memref<2x16x128x80xi32, #tpu.memory_space<hbm>> -> memref<1x1x1x80xi32, #tpu.memory_space<hbm>>
          %dma_wait3A_119 = tpu.memref_squeeze %dma_wait3A_118 : memref<1x1x1x80xi32, #tpu.memory_space<hbm>> -> memref<80xi32, #tpu.memory_space<hbm>>
          tpu.wait_dma2 semaphore(%run_scoped3A_95 : memref<!tpu.dma_semaphore, #tpu.memory_space<semaphore_mem>>) src(%dma_wait3A_119 : memref<80xi32, #tpu.memory_space<hbm>>) dst(%dma_wait3A_116 : memref<80xi32, #tpu.memory_space<vmem>>)
          tpu.yield
        }) : () -> ()
        %run_scoped3A_82 = arith.constant 0 : i32
        "tpu.region"() ({
          %run_scoped3A_95 = tpu.sem_alloc : memref<!tpu.dma_semaphore, #tpu.memory_space<semaphore_mem>>
          %dma_start3A_96 = arith.constant 0 : i32
          %dma_start3A_97 = tpu.memref_slice %arg8[%run_scoped3A_82, %dma_start3A_96] : memref<2x80xi32, #tpu.memory_space<vmem>> -> memref<1x80xi32, #tpu.memory_space<vmem>>
          %dma_start3A_98 = tpu.memref_squeeze %dma_start3A_97 : memref<1x80xi32, #tpu.memory_space<vmem>> -> memref<80xi32, #tpu.memory_space<vmem>>
          %dma_start3A_99 = arith.constant 0 : i32
          %dma_start3A_100 = tpu.memref_slice %arg4[%arg1, %add3A_80, %dma_start3A_99] : memref<16x128x80xi32, #tpu.memory_space<hbm>> -> memref<1x1x80xi32, #tpu.memory_space<hbm>>
          %dma_start3A_101 = tpu.memref_squeeze %dma_start3A_100 : memref<1x1x80xi32, #tpu.memory_space<hbm>> -> memref<80xi32, #tpu.memory_space<hbm>>
          %dma_start3A_102 = arith.constant 0 : i32
          %dma_start3A_103 = tpu.memref_slice %arg8[%run_scoped3A_82, %dma_start3A_102] : memref<2x80xi32, #tpu.memory_space<vmem>> -> memref<1x80xi32, #tpu.memory_space<vmem>>
          %dma_start3A_104 = tpu.memref_squeeze %dma_start3A_103 : memref<1x80xi32, #tpu.memory_space<vmem>> -> memref<80xi32, #tpu.memory_space<vmem>>
          %dma_start3A_105 = arith.constant 0 : i32
          %dma_start3A_106 = tpu.memref_slice %arg4[%arg1, %add3A_80, %dma_start3A_105] : memref<16x128x80xi32, #tpu.memory_space<hbm>> -> memref<1x1x80xi32, #tpu.memory_space<hbm>>
          %dma_start3A_107 = tpu.memref_squeeze %dma_start3A_106 : memref<1x1x80xi32, #tpu.memory_space<hbm>> -> memref<80xi32, #tpu.memory_space<hbm>>
          tpu.enqueue_dma source(%dma_start3A_107 : memref<80xi32, #tpu.memory_space<hbm>>) target(%dma_start3A_104 : memref<80xi32, #tpu.memory_space<vmem>>) target_semaphore(%run_scoped3A_95 : memref<!tpu.dma_semaphore, #tpu.memory_space<semaphore_mem>>)
          %dma_wait3A_108 = arith.constant 0 : i32
          %dma_wait3A_109 = tpu.memref_slice %arg8[%run_scoped3A_82, %dma_wait3A_108] : memref<2x80xi32, #tpu.memory_space<vmem>> -> memref<1x80xi32, #tpu.memory_space<vmem>>
          %dma_wait3A_110 = tpu.memref_squeeze %dma_wait3A_109 : memref<1x80xi32, #tpu.memory_space<vmem>> -> memref<80xi32, #tpu.memory_space<vmem>>
          %dma_wait3A_111 = arith.constant 0 : i32
          %dma_wait3A_112 = tpu.memref_slice %arg4[%arg1, %add3A_80, %dma_wait3A_111] : memref<16x128x80xi32, #tpu.memory_space<hbm>> -> memref<1x1x80xi32, #tpu.memory_space<hbm>>
          %dma_wait3A_113 = tpu.memref_squeeze %dma_wait3A_112 : memref<1x1x80xi32, #tpu.memory_space<hbm>> -> memref<80xi32, #tpu.memory_space<hbm>>
          %dma_wait3A_114 = arith.constant 0 : i32
          %dma_wait3A_115 = tpu.memref_slice %arg8[%run_scoped3A_82, %dma_wait3A_114] : memref<2x80xi32, #tpu.memory_space<vmem>> -> memref<1x80xi32, #tpu.memory_space<vmem>>
          %dma_wait3A_116 = tpu.memref_squeeze %dma_wait3A_115 : memref<1x80xi32, #tpu.memory_space<vmem>> -> memref<80xi32, #tpu.memory_space<vmem>>
          %dma_wait3A_117 = arith.constant 0 : i32
          %dma_wait3A_118 = tpu.memref_slice %arg4[%arg1, %add3A_80, %dma_wait3A_117] : memref<16x128x80xi32, #tpu.memory_space<hbm>> -> memref<1x1x80xi32, #tpu.memory_space<hbm>>
          %dma_wait3A_119 = tpu.memref_squeeze %dma_wait3A_118 : memref<1x1x80xi32, #tpu.memory_space<hbm>> -> memref<80xi32, #tpu.memory_space<hbm>>
          tpu.wait_dma2 semaphore(%run_scoped3A_95 : memref<!tpu.dma_semaphore, #tpu.memory_space<semaphore_mem>>) src(%dma_wait3A_119 : memref<80xi32, #tpu.memory_space<hbm>>) dst(%dma_wait3A_116 : memref<80xi32, #tpu.memory_space<vmem>>)
          tpu.yield
        }) : () -> ()
        %dma_start3A_83 = arith.constant 0 : i32
        %dma_start3A_84 = arith.constant 0 : i32
        %dma_start3A_85 = arith.constant 0 : i32
        %dma_start3A_86 = arith.constant 0 : i32
        %dma_start3A_87 = tpu.memref_slice %arg9[%dma_start3A_84, %dma_start3A_85, %dma_start3A_86] : memref<2x80x160xf32, #tpu.memory_space<vmem>> -> memref<1x80x160xf32, #tpu.memory_space<vmem>>
        %dma_start3A_88 = tpu.memref_squeeze %dma_start3A_87 : memref<1x80x160xf32, #tpu.memory_space<vmem>> -> memref<80x160xf32, #tpu.memory_space<vmem>>
        %dma_start3A_89 = arith.constant 0 : i32
        %dma_start3A_90 = tpu.memref_slice %arg7[%dma_start3A_83, %dma_start3A_89] : memref<2x80xi32, #tpu.memory_space<vmem>> -> memref<1x80xi32, #tpu.memory_space<vmem>>
        %dma_start3A_91 = tpu.memref_squeeze %dma_start3A_90 : memref<1x80xi32, #tpu.memory_space<vmem>> -> memref<80xi32, #tpu.memory_space<vmem>>
        %dma_start3A_92 = arith.constant 0 : i32
        %dma_start3A_93 = arith.constant 0 : i32
        %dma_start3A_94 = tpu.memref_slice %arg2[%dma_start3A_92, %dma_start3A_93] : memref<20480x160xf32, #tpu.memory_space<hbm>> -> memref<20480x160xf32, #tpu.memory_space<hbm>>
        tpu.enqueue_indirect_dma source(%dma_start3A_94 : memref<20480x160xf32, #tpu.memory_space<hbm>>) target(%dma_start3A_88 : memref<80x160xf32, #tpu.memory_space<vmem>>) offsets(%dma_start3A_91 : memref<80xi32, #tpu.memory_space<vmem>>) semaphore(%arg10 : memref<!tpu.dma_semaphore, #tpu.memory_space<semaphore_mem>>)
      } else {
      }
      %dma_wait3A_65 = arith.constant 1 : i32
      %dma_wait3A_66 = arith.constant 1 : i32
      %dma_wait3A_67 = arith.constant 0 : i32
      %dma_wait3A_68 = arith.constant 0 : i32
      %dma_wait3A_69 = tpu.memref_slice %arg9[%dma_wait3A_66, %dma_wait3A_67, %dma_wait3A_68] : memref<2x80x160xf32, #tpu.memory_space<vmem>> -> memref<1x80x160xf32, #tpu.memory_space<vmem>>
      %dma_wait3A_70 = tpu.memref_squeeze %dma_wait3A_69 : memref<1x80x160xf32, #tpu.memory_space<vmem>> -> memref<80x160xf32, #tpu.memory_space<vmem>>
      %dma_wait3A_71 = arith.constant 0 : i32
      %dma_wait3A_72 = tpu.memref_slice %arg7[%dma_wait3A_65, %dma_wait3A_71] : memref<2x80xi32, #tpu.memory_space<vmem>> -> memref<1x80xi32, #tpu.memory_space<vmem>>
      %dma_wait3A_73 = tpu.memref_squeeze %dma_wait3A_72 : memref<1x80xi32, #tpu.memory_space<vmem>> -> memref<80xi32, #tpu.memory_space<vmem>>
      %dma_wait3A_74 = arith.constant 0 : i32
      %dma_wait3A_75 = arith.constant 0 : i32
      %dma_wait3A_76 = tpu.memref_slice %arg2[%dma_wait3A_74, %dma_wait3A_75] : memref<20480x160xf32, #tpu.memory_space<hbm>> -> memref<20480x160xf32, #tpu.memory_space<hbm>>
      tpu.wait_indirect_dma semaphore(%arg11 : memref<!tpu.dma_semaphore, #tpu.memory_space<semaphore_mem>>) src(%dma_wait3A_76 : memref<20480x160xf32, #tpu.memory_space<hbm>>) dst(%dma_wait3A_70 : memref<80x160xf32, #tpu.memory_space<vmem>>)
      %run_scoped3A_77 = arith.constant 1 : i32
      %run_scoped3A_78 = arith.constant 1 : i32
      "tpu.region"() ({
        %run_scoped3A_79 = tpu.sem_alloc : memref<!tpu.dma_semaphore, #tpu.memory_space<semaphore_mem>>
        %dma_start3A_80 = arith.constant 0 : i32
        %dma_start3A_81 = arith.constant 0 : i32
        %dma_start3A_82 = tpu.memref_slice %arg9[%run_scoped3A_77, %dma_start3A_80, %dma_start3A_81] : memref<2x80x160xf32, #tpu.memory_space<vmem>> -> memref<1x80x160xf32, #tpu.memory_space<vmem>>
        %dma_start3A_83 = tpu.memref_squeeze %dma_start3A_82 : memref<1x80x160xf32, #tpu.memory_space<vmem>> -> memref<80x160xf32, #tpu.memory_space<vmem>>
        %dma_start3A_84 = arith.constant 0 : i32
        %dma_start3A_85 = tpu.memref_slice %arg8[%run_scoped3A_78, %dma_start3A_84] : memref<2x80xi32, #tpu.memory_space<vmem>> -> memref<1x80xi32, #tpu.memory_space<vmem>>
        %dma_start3A_86 = tpu.memref_squeeze %dma_start3A_85 : memref<1x80xi32, #tpu.memory_space<vmem>> -> memref<80xi32, #tpu.memory_space<vmem>>
        %dma_start3A_87 = arith.constant 0 : i32
        %dma_start3A_88 = arith.constant 0 : i32
        %dma_start3A_89 = tpu.memref_slice %arg6[%dma_start3A_87, %dma_start3A_88] : memref<10240x160xf32, #tpu.memory_space<vmem_shared>> -> memref<10240x160xf32, #tpu.memory_space<vmem_shared>>
        tpu.enqueue_indirect_dma source(%dma_start3A_83 : memref<80x160xf32, #tpu.memory_space<vmem>>) target(%dma_start3A_89 : memref<10240x160xf32, #tpu.memory_space<vmem_shared>>) offsets(%dma_start3A_86 : memref<80xi32, #tpu.memory_space<vmem>>) semaphore(%run_scoped3A_79 : memref<!tpu.dma_semaphore, #tpu.memory_space<semaphore_mem>>) {add = true}
        %dma_wait3A_90 = arith.constant 0 : i32
        %dma_wait3A_91 = arith.constant 0 : i32
        %dma_wait3A_92 = tpu.memref_slice %arg9[%run_scoped3A_77, %dma_wait3A_90, %dma_wait3A_91] : memref<2x80x160xf32, #tpu.memory_space<vmem>> -> memref<1x80x160xf32, #tpu.memory_space<vmem>>
        %dma_wait3A_93 = tpu.memref_squeeze %dma_wait3A_92 : memref<1x80x160xf32, #tpu.memory_space<vmem>> -> memref<80x160xf32, #tpu.memory_space<vmem>>
        %dma_wait3A_94 = arith.constant 0 : i32
        %dma_wait3A_95 = tpu.memref_slice %arg8[%run_scoped3A_78, %dma_wait3A_94] : memref<2x80xi32, #tpu.memory_space<vmem>> -> memref<1x80xi32, #tpu.memory_space<vmem>>
        %dma_wait3A_96 = tpu.memref_squeeze %dma_wait3A_95 : memref<1x80xi32, #tpu.memory_space<vmem>> -> memref<80xi32, #tpu.memory_space<vmem>>
        %dma_wait3A_97 = arith.constant 0 : i32
        %dma_wait3A_98 = arith.constant 0 : i32
        %dma_wait3A_99 = tpu.memref_slice %arg6[%dma_wait3A_97, %dma_wait3A_98] : memref<10240x160xf32, #tpu.memory_space<vmem_shared>> -> memref<10240x160xf32, #tpu.memory_space<vmem_shared>>
        tpu.wait_indirect_dma semaphore(%run_scoped3A_79 : memref<!tpu.dma_semaphore, #tpu.memory_space<semaphore_mem>>) src(%dma_wait3A_93 : memref<80x160xf32, #tpu.memory_space<vmem>>) dst(%dma_wait3A_99 : memref<10240x160xf32, #tpu.memory_space<vmem_shared>>)
        tpu.yield
      }) : () -> ()
    }
    %scan3A_23 = arith.constant 64 : i32
    %barrier3A_24 = arith.constant 0 : index
    tpu.barrier barrier_id(%barrier3A_24)
    %mul3A_25 = arith.constant 640 : i32
    %mul3A_26 = arith.muli %arg1, %mul3A_25 : i32
    %mul3A_27 = arith.constant 640 : i32
    %mul3A_28 = arith.muli %arg1, %mul3A_27 : i32
    "tpu.region"() ({
      %run_scoped3A_29 = tpu.sem_alloc : memref<!tpu.dma_semaphore, #tpu.memory_space<semaphore_mem>>
      %dma_start3A_30 = arith.constant 0 : i32
      %dma_start3A_31 = tpu.memref_slice %arg5[%arg0, %mul3A_28, %dma_start3A_30] : memref<2x10240x160xf32, #tpu.memory_space<hbm>> -> memref<1x640x160xf32, #tpu.memory_space<hbm>>
      %dma_start3A_32 = tpu.memref_squeeze %dma_start3A_31 : memref<1x640x160xf32, #tpu.memory_space<hbm>> -> memref<640x160xf32, #tpu.memory_space<hbm>>
      %dma_start3A_33 = arith.constant 0 : i32
      %dma_start3A_34 = tpu.memref_slice %arg6[%mul3A_26, %dma_start3A_33] : memref<10240x160xf32, #tpu.memory_space<vmem_shared>> -> memref<640x160xf32, #tpu.memory_space<vmem_shared>>
      tpu.enqueue_dma source(%dma_start3A_34 : memref<640x160xf32, #tpu.memory_space<vmem_shared>>) target(%dma_start3A_32 : memref<640x160xf32, #tpu.memory_space<hbm>>) target_semaphore(%run_scoped3A_29 : memref<!tpu.dma_semaphore, #tpu.memory_space<semaphore_mem>>)
      %dma_wait3A = arith.constant 0 : i32
      %dma_wait3A_35 = tpu.memref_slice %arg5[%arg0, %mul3A_28, %dma_wait3A] : memref<2x10240x160xf32, #tpu.memory_space<hbm>> -> memref<1x640x160xf32, #tpu.memory_space<hbm>>
      %dma_wait3A_36 = tpu.memref_squeeze %dma_wait3A_35 : memref<1x640x160xf32, #tpu.memory_space<hbm>> -> memref<640x160xf32, #tpu.memory_space<hbm>>
      %dma_wait3A_37 = arith.constant 0 : i32
      %dma_wait3A_38 = tpu.memref_slice %arg6[%mul3A_26, %dma_wait3A_37] : memref<10240x160xf32, #tpu.memory_space<vmem_shared>> -> memref<640x160xf32, #tpu.memory_space<vmem_shared>>
      tpu.wait_dma2 semaphore(%run_scoped3A_29 : memref<!tpu.dma_semaphore, #tpu.memory_space<semaphore_mem>>) src(%dma_wait3A_38 : memref<640x160xf32, #tpu.memory_space<vmem_shared>>) dst(%dma_wait3A_36 : memref<640x160xf32, #tpu.memory_space<hbm>>)
      tpu.yield
    }) : () -> ()
    return
  }
}

#map = affine_map<(d0, d1) -> (0, 0)>
#map1 = affine_map<(d0, d1) -> (0, 0, 0, 0)>
#map2 = affine_map<(d0, d1) -> (0, 0, 0)>
module attributes {stable_mosaic.version = 14 : i64} {
  func.func @_spmm_body(%arg0: i32, %arg1: i32, %arg2: memref<20480x160xf32, #tpu.memory_space<hbm>>, %arg3: memref<2x16x128x80xi32, #tpu.memory_space<hbm>>, %arg4: memref<16x128x80xi32, #tpu.memory_space<hbm>>, %arg5: memref<2x10240x160xf32, #tpu.memory_space<hbm>>, %arg6: memref<10240x160xf32, #tpu.memory_space<vmem_shared>>, %arg7: memref<2x80xi32, #tpu.memory_space<vmem>>, %arg8: memref<2x80xi32, #tpu.memory_space<vmem>>, %arg9: memref<2x80x160xf32, #tpu.memory_space<vmem>>, %arg10: memref<!tpu.dma_semaphore, #tpu.memory_space<semaphore_mem>>, %arg11: memref<!tpu.dma_semaphore, #tpu.memory_space<semaphore_mem>>) attributes {dimension_semantics = [#tpu.dimension_semantics<core_parallel>, #tpu.dimension_semantics<subcore_parallel>], iteration_bounds = array<i64: 2, 16>, scalar_prefetch = 0 : i64, scratch_operands = 6 : i64, tpu.core_type = #tpu.core_type<sc_vector_subcore>, window_params = [{transform_indices = #map}, {transform_indices = #map1}, {transform_indices = #map2}, {transform_indices = #map2}]} {
    %mul3A = arith.constant 10240 : i32
    %mul3A_0 = arith.muli %arg0, %mul3A : i32
    %mul3A_1 = arith.constant 640 : i32
    %mul3A_2 = arith.muli %arg1, %mul3A_1 : i32
    %add3A = arith.addi %mul3A_0, %mul3A_2 : i32
    %mul3A_3 = arith.constant 640 : i32
    %mul3A_4 = arith.muli %arg1, %mul3A_3 : i32
    "tpu.region"() ({
      %run_scoped3A_29 = tpu.sem_alloc : memref<!tpu.dma_semaphore, #tpu.memory_space<semaphore_mem>>
      %dma_start3A_30 = arith.constant 0 : i32
      %dma_start3A_31 = tpu.memref_slice %arg6[%mul3A_4, %dma_start3A_30] : memref<10240x160xf32, #tpu.memory_space<vmem_shared>> -> memref<640x160xf32, #tpu.memory_space<vmem_shared>>
      %dma_start3A_32 = arith.constant 0 : i32
      %dma_start3A_33 = tpu.memref_slice %arg2[%add3A, %dma_start3A_32] : memref<20480x160xf32, #tpu.memory_space<hbm>> -> memref<640x160xf32, #tpu.memory_space<hbm>>
      tpu.enqueue_dma source(%dma_start3A_33 : memref<640x160xf32, #tpu.memory_space<hbm>>) target(%dma_start3A_31 : memref<640x160xf32, #tpu.memory_space<vmem_shared>>) target_semaphore(%run_scoped3A_29 : memref<!tpu.dma_semaphore, #tpu.memory_space<semaphore_mem>>)
      %dma_wait3A = arith.constant 0 : i32
      %dma_wait3A_34 = tpu.memref_slice %arg6[%mul3A_4, %dma_wait3A] : memref<10240x160xf32, #tpu.memory_space<vmem_shared>> -> memref<640x160xf32, #tpu.memory_space<vmem_shared>>
      %dma_wait3A_35 = arith.constant 0 : i32
      %dma_wait3A_36 = tpu.memref_slice %arg2[%add3A, %dma_wait3A_35] : memref<20480x160xf32, #tpu.memory_space<hbm>> -> memref<640x160xf32, #tpu.memory_space<hbm>>
      tpu.wait_dma2 semaphore(%run_scoped3A_29 : memref<!tpu.dma_semaphore, #tpu.memory_space<semaphore_mem>>) src(%dma_wait3A_36 : memref<640x160xf32, #tpu.memory_space<hbm>>) dst(%dma_wait3A_34 : memref<640x160xf32, #tpu.memory_space<vmem_shared>>)
      tpu.yield
    }) : () -> ()
    %run_scoped3A = arith.constant 0 : i32
    %run_scoped3A_5 = arith.constant 0 : i32
    "tpu.region"() ({
      %run_scoped3A_29 = tpu.sem_alloc : memref<!tpu.dma_semaphore, #tpu.memory_space<semaphore_mem>>
      %dma_start3A_30 = arith.constant 0 : i32
      %dma_start3A_31 = tpu.memref_slice %arg7[%run_scoped3A_5, %dma_start3A_30] : memref<2x80xi32, #tpu.memory_space<vmem>> -> memref<1x80xi32, #tpu.memory_space<vmem>>
      %dma_start3A_32 = tpu.memref_squeeze %dma_start3A_31 : memref<1x80xi32, #tpu.memory_space<vmem>> -> memref<80xi32, #tpu.memory_space<vmem>>
      %dma_start3A_33 = arith.constant 0 : i32
      %dma_start3A_34 = tpu.memref_slice %arg3[%arg0, %arg1, %run_scoped3A, %dma_start3A_33] : memref<2x16x128x80xi32, #tpu.memory_space<hbm>> -> memref<1x1x1x80xi32, #tpu.memory_space<hbm>>
      %dma_start3A_35 = tpu.memref_squeeze %dma_start3A_34 : memref<1x1x1x80xi32, #tpu.memory_space<hbm>> -> memref<80xi32, #tpu.memory_space<hbm>>
      %dma_start3A_36 = arith.constant 0 : i32
      %dma_start3A_37 = tpu.memref_slice %arg7[%run_scoped3A_5, %dma_start3A_36] : memref<2x80xi32, #tpu.memory_space<vmem>> -> memref<1x80xi32, #tpu.memory_space<vmem>>
      %dma_start3A_38 = tpu.memref_squeeze %dma_start3A_37 : memref<1x80xi32, #tpu.memory_space<vmem>> -> memref<80xi32, #tpu.memory_space<vmem>>
      %dma_start3A_39 = arith.constant 0 : i32
      %dma_start3A_40 = tpu.memref_slice %arg3[%arg0, %arg1, %run_scoped3A, %dma_start3A_39] : memref<2x16x128x80xi32, #tpu.memory_space<hbm>> -> memref<1x1x1x80xi32, #tpu.memory_space<hbm>>
      %dma_start3A_41 = tpu.memref_squeeze %dma_start3A_40 : memref<1x1x1x80xi32, #tpu.memory_space<hbm>> -> memref<80xi32, #tpu.memory_space<hbm>>
      tpu.enqueue_dma source(%dma_start3A_41 : memref<80xi32, #tpu.memory_space<hbm>>) target(%dma_start3A_38 : memref<80xi32, #tpu.memory_space<vmem>>) target_semaphore(%run_scoped3A_29 : memref<!tpu.dma_semaphore, #tpu.memory_space<semaphore_mem>>)
      %dma_wait3A = arith.constant 0 : i32
      %dma_wait3A_42 = tpu.memref_slice %arg7[%run_scoped3A_5, %dma_wait3A] : memref<2x80xi32, #tpu.memory_space<vmem>> -> memref<1x80xi32, #tpu.memory_space<vmem>>
      %dma_wait3A_43 = tpu.memref_squeeze %dma_wait3A_42 : memref<1x80xi32, #tpu.memory_space<vmem>> -> memref<80xi32, #tpu.memory_space<vmem>>
      %dma_wait3A_44 = arith.constant 0 : i32
      %dma_wait3A_45 = tpu.memref_slice %arg3[%arg0, %arg1, %run_scoped3A, %dma_wait3A_44] : memref<2x16x128x80xi32, #tpu.memory_space<hbm>> -> memref<1x1x1x80xi32, #tpu.memory_space<hbm>>
      %dma_wait3A_46 = tpu.memref_squeeze %dma_wait3A_45 : memref<1x1x1x80xi32, #tpu.memory_space<hbm>> -> memref<80xi32, #tpu.memory_space<hbm>>
      %dma_wait3A_47 = arith.constant 0 : i32
      %dma_wait3A_48 = tpu.memref_slice %arg7[%run_scoped3A_5, %dma_wait3A_47] : memref<2x80xi32, #tpu.memory_space<vmem>> -> memref<1x80xi32, #tpu.memory_space<vmem>>
      %dma_wait3A_49 = tpu.memref_squeeze %dma_wait3A_48 : memref<1x80xi32, #tpu.memory_space<vmem>> -> memref<80xi32, #tpu.memory_space<vmem>>
      %dma_wait3A_50 = arith.constant 0 : i32
      %dma_wait3A_51 = tpu.memref_slice %arg3[%arg0, %arg1, %run_scoped3A, %dma_wait3A_50] : memref<2x16x128x80xi32, #tpu.memory_space<hbm>> -> memref<1x1x1x80xi32, #tpu.memory_space<hbm>>
      %dma_wait3A_52 = tpu.memref_squeeze %dma_wait3A_51 : memref<1x1x1x80xi32, #tpu.memory_space<hbm>> -> memref<80xi32, #tpu.memory_space<hbm>>
      tpu.wait_dma2 semaphore(%run_scoped3A_29 : memref<!tpu.dma_semaphore, #tpu.memory_space<semaphore_mem>>) src(%dma_wait3A_52 : memref<80xi32, #tpu.memory_space<hbm>>) dst(%dma_wait3A_49 : memref<80xi32, #tpu.memory_space<vmem>>)
      tpu.yield
    }) : () -> ()
    %run_scoped3A_6 = arith.constant 0 : i32
    %run_scoped3A_7 = arith.constant 0 : i32
    "tpu.region"() ({
      %run_scoped3A_29 = tpu.sem_alloc : memref<!tpu.dma_semaphore, #tpu.memory_space<semaphore_mem>>
      %dma_start3A_30 = arith.constant 0 : i32
      %dma_start3A_31 = tpu.memref_slice %arg8[%run_scoped3A_7, %dma_start3A_30] : memref<2x80xi32, #tpu.memory_space<vmem>> -> memref<1x80xi32, #tpu.memory_space<vmem>>
      %dma_start3A_32 = tpu.memref_squeeze %dma_start3A_31 : memref<1x80xi32, #tpu.memory_space<vmem>> -> memref<80xi32, #tpu.memory_space<vmem>>
      %dma_start3A_33 = arith.constant 0 : i32
      %dma_start3A_34 = tpu.memref_slice %arg4[%arg1, %run_scoped3A_6, %dma_start3A_33] : memref<16x128x80xi32, #tpu.memory_space<hbm>> -> memref<1x1x80xi32, #tpu.memory_space<hbm>>
      %dma_start3A_35 = tpu.memref_squeeze %dma_start3A_34 : memref<1x1x80xi32, #tpu.memory_space<hbm>> -> memref<80xi32, #tpu.memory_space<hbm>>
      %dma_start3A_36 = arith.constant 0 : i32
      %dma_start3A_37 = tpu.memref_slice %arg8[%run_scoped3A_7, %dma_start3A_36] : memref<2x80xi32, #tpu.memory_space<vmem>> -> memref<1x80xi32, #tpu.memory_space<vmem>>
      %dma_start3A_38 = tpu.memref_squeeze %dma_start3A_37 : memref<1x80xi32, #tpu.memory_space<vmem>> -> memref<80xi32, #tpu.memory_space<vmem>>
      %dma_start3A_39 = arith.constant 0 : i32
      %dma_start3A_40 = tpu.memref_slice %arg4[%arg1, %run_scoped3A_6, %dma_start3A_39] : memref<16x128x80xi32, #tpu.memory_space<hbm>> -> memref<1x1x80xi32, #tpu.memory_space<hbm>>
      %dma_start3A_41 = tpu.memref_squeeze %dma_start3A_40 : memref<1x1x80xi32, #tpu.memory_space<hbm>> -> memref<80xi32, #tpu.memory_space<hbm>>
      tpu.enqueue_dma source(%dma_start3A_41 : memref<80xi32, #tpu.memory_space<hbm>>) target(%dma_start3A_38 : memref<80xi32, #tpu.memory_space<vmem>>) target_semaphore(%run_scoped3A_29 : memref<!tpu.dma_semaphore, #tpu.memory_space<semaphore_mem>>)
      %dma_wait3A = arith.constant 0 : i32
      %dma_wait3A_42 = tpu.memref_slice %arg8[%run_scoped3A_7, %dma_wait3A] : memref<2x80xi32, #tpu.memory_space<vmem>> -> memref<1x80xi32, #tpu.memory_space<vmem>>
      %dma_wait3A_43 = tpu.memref_squeeze %dma_wait3A_42 : memref<1x80xi32, #tpu.memory_space<vmem>> -> memref<80xi32, #tpu.memory_space<vmem>>
      %dma_wait3A_44 = arith.constant 0 : i32
      %dma_wait3A_45 = tpu.memref_slice %arg4[%arg1, %run_scoped3A_6, %dma_wait3A_44] : memref<16x128x80xi32, #tpu.memory_space<hbm>> -> memref<1x1x80xi32, #tpu.memory_space<hbm>>
      %dma_wait3A_46 = tpu.memref_squeeze %dma_wait3A_45 : memref<1x1x80xi32, #tpu.memory_space<hbm>> -> memref<80xi32, #tpu.memory_space<hbm>>
      %dma_wait3A_47 = arith.constant 0 : i32
      %dma_wait3A_48 = tpu.memref_slice %arg8[%run_scoped3A_7, %dma_wait3A_47] : memref<2x80xi32, #tpu.memory_space<vmem>> -> memref<1x80xi32, #tpu.memory_space<vmem>>
      %dma_wait3A_49 = tpu.memref_squeeze %dma_wait3A_48 : memref<1x80xi32, #tpu.memory_space<vmem>> -> memref<80xi32, #tpu.memory_space<vmem>>
      %dma_wait3A_50 = arith.constant 0 : i32
      %dma_wait3A_51 = tpu.memref_slice %arg4[%arg1, %run_scoped3A_6, %dma_wait3A_50] : memref<16x128x80xi32, #tpu.memory_space<hbm>> -> memref<1x1x80xi32, #tpu.memory_space<hbm>>
      %dma_wait3A_52 = tpu.memref_squeeze %dma_wait3A_51 : memref<1x1x80xi32, #tpu.memory_space<hbm>> -> memref<80xi32, #tpu.memory_space<hbm>>
      tpu.wait_dma2 semaphore(%run_scoped3A_29 : memref<!tpu.dma_semaphore, #tpu.memory_space<semaphore_mem>>) src(%dma_wait3A_52 : memref<80xi32, #tpu.memory_space<hbm>>) dst(%dma_wait3A_49 : memref<80xi32, #tpu.memory_space<vmem>>)
      tpu.yield
    }) : () -> ()
    %barrier3A = arith.constant 0 : index
    tpu.barrier barrier_id(%barrier3A)
    %dma_start3A = arith.constant 0 : i32
    %dma_start3A_8 = arith.constant 0 : i32
    %dma_start3A_9 = arith.constant 0 : i32
    %dma_start3A_10 = arith.constant 0 : i32
    %dma_start3A_11 = tpu.memref_slice %arg9[%dma_start3A_8, %dma_start3A_9, %dma_start3A_10] : memref<2x80x160xf32, #tpu.memory_space<vmem>> -> memref<1x80x160xf32, #tpu.memory_space<vmem>>
    %dma_start3A_12 = tpu.memref_squeeze %dma_start3A_11 : memref<1x80x160xf32, #tpu.memory_space<vmem>> -> memref<80x160xf32, #tpu.memory_space<vmem>>
    %dma_start3A_13 = arith.constant 0 : i32
    %dma_start3A_14 = tpu.memref_slice %arg7[%dma_start3A, %dma_start3A_13] : memref<2x80xi32, #tpu.memory_space<vmem>> -> memref<1x80xi32, #tpu.memory_space<vmem>>
    %dma_start3A_15 = tpu.memref_squeeze %dma_start3A_14 : memref<1x80xi32, #tpu.memory_space<vmem>> -> memref<80xi32, #tpu.memory_space<vmem>>
    %dma_start3A_16 = arith.constant 0 : i32
    %dma_start3A_17 = arith.constant 0 : i32
    %dma_start3A_18 = tpu.memref_slice %arg2[%dma_start3A_16, %dma_start3A_17] : memref<20480x160xf32, #tpu.memory_space<hbm>> -> memref<20480x160xf32, #tpu.memory_space<hbm>>
    tpu.enqueue_indirect_dma source(%dma_start3A_18 : memref<20480x160xf32, #tpu.memory_space<hbm>>) target(%dma_start3A_12 : memref<80x160xf32, #tpu.memory_space<vmem>>) offsets(%dma_start3A_15 : memref<80xi32, #tpu.memory_space<vmem>>) semaphore(%arg10 : memref<!tpu.dma_semaphore, #tpu.memory_space<semaphore_mem>>)
    %scan3A = arith.constant 0 : i32
    %scan3A_19 = arith.constant 0 : i32
    %scan3A_20 = arith.constant 64 : i32
    %scan3A_21 = arith.addi %scan3A_19, %scan3A_20 : i32
    %scan3A_22 = arith.constant 1 : i32
    scf.for %scan3A_29 = %scan3A_19 to %scan3A_21 step %scan3A_22  : i32 {
      %mul3A_30 = arith.constant 2 : i32
      %mul3A_31 = arith.muli %mul3A_30, %scan3A_29 : i32
      %add3A_32 = arith.constant 1 : i32
      %add3A_33 = arith.addi %mul3A_31, %add3A_32 : i32
      %run_scoped3A_34 = arith.constant 1 : i32
      "tpu.region"() ({
        %run_scoped3A_79 = tpu.sem_alloc : memref<!tpu.dma_semaphore, #tpu.memory_space<semaphore_mem>>
        %dma_start3A_80 = arith.constant 0 : i32
        %dma_start3A_81 = tpu.memref_slice %arg7[%run_scoped3A_34, %dma_start3A_80] : memref<2x80xi32, #tpu.memory_space<vmem>> -> memref<1x80xi32, #tpu.memory_space<vmem>>
        %dma_start3A_82 = tpu.memref_squeeze %dma_start3A_81 : memref<1x80xi32, #tpu.memory_space<vmem>> -> memref<80xi32, #tpu.memory_space<vmem>>
        %dma_start3A_83 = arith.constant 0 : i32
        %dma_start3A_84 = tpu.memref_slice %arg3[%arg0, %arg1, %add3A_33, %dma_start3A_83] : memref<2x16x128x80xi32, #tpu.memory_space<hbm>> -> memref<1x1x1x80xi32, #tpu.memory_space<hbm>>
        %dma_start3A_85 = tpu.memref_squeeze %dma_start3A_84 : memref<1x1x1x80xi32, #tpu.memory_space<hbm>> -> memref<80xi32, #tpu.memory_space<hbm>>
        %dma_start3A_86 = arith.constant 0 : i32
        %dma_start3A_87 = tpu.memref_slice %arg7[%run_scoped3A_34, %dma_start3A_86] : memref<2x80xi32, #tpu.memory_space<vmem>> -> memref<1x80xi32, #tpu.memory_space<vmem>>
        %dma_start3A_88 = tpu.memref_squeeze %dma_start3A_87 : memref<1x80xi32, #tpu.memory_space<vmem>> -> memref<80xi32, #tpu.memory_space<vmem>>
        %dma_start3A_89 = arith.constant 0 : i32
        %dma_start3A_90 = tpu.memref_slice %arg3[%arg0, %arg1, %add3A_33, %dma_start3A_89] : memref<2x16x128x80xi32, #tpu.memory_space<hbm>> -> memref<1x1x1x80xi32, #tpu.memory_space<hbm>>
        %dma_start3A_91 = tpu.memref_squeeze %dma_start3A_90 : memref<1x1x1x80xi32, #tpu.memory_space<hbm>> -> memref<80xi32, #tpu.memory_space<hbm>>
        tpu.enqueue_dma source(%dma_start3A_91 : memref<80xi32, #tpu.memory_space<hbm>>) target(%dma_start3A_88 : memref<80xi32, #tpu.memory_space<vmem>>) target_semaphore(%run_scoped3A_79 : memref<!tpu.dma_semaphore, #tpu.memory_space<semaphore_mem>>)
        %dma_wait3A_92 = arith.constant 0 : i32
        %dma_wait3A_93 = tpu.memref_slice %arg7[%run_scoped3A_34, %dma_wait3A_92] : memref<2x80xi32, #tpu.memory_space<vmem>> -> memref<1x80xi32, #tpu.memory_space<vmem>>
        %dma_wait3A_94 = tpu.memref_squeeze %dma_wait3A_93 : memref<1x80xi32, #tpu.memory_space<vmem>> -> memref<80xi32, #tpu.memory_space<vmem>>
        %dma_wait3A_95 = arith.constant 0 : i32
        %dma_wait3A_96 = tpu.memref_slice %arg3[%arg0, %arg1, %add3A_33, %dma_wait3A_95] : memref<2x16x128x80xi32, #tpu.memory_space<hbm>> -> memref<1x1x1x80xi32, #tpu.memory_space<hbm>>
        %dma_wait3A_97 = tpu.memref_squeeze %dma_wait3A_96 : memref<1x1x1x80xi32, #tpu.memory_space<hbm>> -> memref<80xi32, #tpu.memory_space<hbm>>
        %dma_wait3A_98 = arith.constant 0 : i32
        %dma_wait3A_99 = tpu.memref_slice %arg7[%run_scoped3A_34, %dma_wait3A_98] : memref<2x80xi32, #tpu.memory_space<vmem>> -> memref<1x80xi32, #tpu.memory_space<vmem>>
        %dma_wait3A_100 = tpu.memref_squeeze %dma_wait3A_99 : memref<1x80xi32, #tpu.memory_space<vmem>> -> memref<80xi32, #tpu.memory_space<vmem>>
        %dma_wait3A_101 = arith.constant 0 : i32
        %dma_wait3A_102 = tpu.memref_slice %arg3[%arg0, %arg1, %add3A_33, %dma_wait3A_101] : memref<2x16x128x80xi32, #tpu.memory_space<hbm>> -> memref<1x1x1x80xi32, #tpu.memory_space<hbm>>
        %dma_wait3A_103 = tpu.memref_squeeze %dma_wait3A_102 : memref<1x1x1x80xi32, #tpu.memory_space<hbm>> -> memref<80xi32, #tpu.memory_space<hbm>>
        tpu.wait_dma2 semaphore(%run_scoped3A_79 : memref<!tpu.dma_semaphore, #tpu.memory_space<semaphore_mem>>) src(%dma_wait3A_103 : memref<80xi32, #tpu.memory_space<hbm>>) dst(%dma_wait3A_100 : memref<80xi32, #tpu.memory_space<vmem>>)
        tpu.yield
      }) : () -> ()
      %run_scoped3A_35 = arith.constant 1 : i32
      "tpu.region"() ({
        %run_scoped3A_79 = tpu.sem_alloc : memref<!tpu.dma_semaphore, #tpu.memory_space<semaphore_mem>>
        %dma_start3A_80 = arith.constant 0 : i32
        %dma_start3A_81 = tpu.memref_slice %arg8[%run_scoped3A_35, %dma_start3A_80] : memref<2x80xi32, #tpu.memory_space<vmem>> -> memref<1x80xi32, #tpu.memory_space<vmem>>
        %dma_start3A_82 = tpu.memref_squeeze %dma_start3A_81 : memref<1x80xi32, #tpu.memory_space<vmem>> -> memref<80xi32, #tpu.memory_space<vmem>>
        %dma_start3A_83 = arith.constant 0 : i32
        %dma_start3A_84 = tpu.memref_slice %arg4[%arg1, %add3A_33, %dma_start3A_83] : memref<16x128x80xi32, #tpu.memory_space<hbm>> -> memref<1x1x80xi32, #tpu.memory_space<hbm>>
        %dma_start3A_85 = tpu.memref_squeeze %dma_start3A_84 : memref<1x1x80xi32, #tpu.memory_space<hbm>> -> memref<80xi32, #tpu.memory_space<hbm>>
        %dma_start3A_86 = arith.constant 0 : i32
        %dma_start3A_87 = tpu.memref_slice %arg8[%run_scoped3A_35, %dma_start3A_86] : memref<2x80xi32, #tpu.memory_space<vmem>> -> memref<1x80xi32, #tpu.memory_space<vmem>>
        %dma_start3A_88 = tpu.memref_squeeze %dma_start3A_87 : memref<1x80xi32, #tpu.memory_space<vmem>> -> memref<80xi32, #tpu.memory_space<vmem>>
        %dma_start3A_89 = arith.constant 0 : i32
        %dma_start3A_90 = tpu.memref_slice %arg4[%arg1, %add3A_33, %dma_start3A_89] : memref<16x128x80xi32, #tpu.memory_space<hbm>> -> memref<1x1x80xi32, #tpu.memory_space<hbm>>
        %dma_start3A_91 = tpu.memref_squeeze %dma_start3A_90 : memref<1x1x80xi32, #tpu.memory_space<hbm>> -> memref<80xi32, #tpu.memory_space<hbm>>
        tpu.enqueue_dma source(%dma_start3A_91 : memref<80xi32, #tpu.memory_space<hbm>>) target(%dma_start3A_88 : memref<80xi32, #tpu.memory_space<vmem>>) target_semaphore(%run_scoped3A_79 : memref<!tpu.dma_semaphore, #tpu.memory_space<semaphore_mem>>)
        %dma_wait3A_92 = arith.constant 0 : i32
        %dma_wait3A_93 = tpu.memref_slice %arg8[%run_scoped3A_35, %dma_wait3A_92] : memref<2x80xi32, #tpu.memory_space<vmem>> -> memref<1x80xi32, #tpu.memory_space<vmem>>
        %dma_wait3A_94 = tpu.memref_squeeze %dma_wait3A_93 : memref<1x80xi32, #tpu.memory_space<vmem>> -> memref<80xi32, #tpu.memory_space<vmem>>
        %dma_wait3A_95 = arith.constant 0 : i32
        %dma_wait3A_96 = tpu.memref_slice %arg4[%arg1, %add3A_33, %dma_wait3A_95] : memref<16x128x80xi32, #tpu.memory_space<hbm>> -> memref<1x1x80xi32, #tpu.memory_space<hbm>>
        %dma_wait3A_97 = tpu.memref_squeeze %dma_wait3A_96 : memref<1x1x80xi32, #tpu.memory_space<hbm>> -> memref<80xi32, #tpu.memory_space<hbm>>
        %dma_wait3A_98 = arith.constant 0 : i32
        %dma_wait3A_99 = tpu.memref_slice %arg8[%run_scoped3A_35, %dma_wait3A_98] : memref<2x80xi32, #tpu.memory_space<vmem>> -> memref<1x80xi32, #tpu.memory_space<vmem>>
        %dma_wait3A_100 = tpu.memref_squeeze %dma_wait3A_99 : memref<1x80xi32, #tpu.memory_space<vmem>> -> memref<80xi32, #tpu.memory_space<vmem>>
        %dma_wait3A_101 = arith.constant 0 : i32
        %dma_wait3A_102 = tpu.memref_slice %arg4[%arg1, %add3A_33, %dma_wait3A_101] : memref<16x128x80xi32, #tpu.memory_space<hbm>> -> memref<1x1x80xi32, #tpu.memory_space<hbm>>
        %dma_wait3A_103 = tpu.memref_squeeze %dma_wait3A_102 : memref<1x1x80xi32, #tpu.memory_space<hbm>> -> memref<80xi32, #tpu.memory_space<hbm>>
        tpu.wait_dma2 semaphore(%run_scoped3A_79 : memref<!tpu.dma_semaphore, #tpu.memory_space<semaphore_mem>>) src(%dma_wait3A_103 : memref<80xi32, #tpu.memory_space<hbm>>) dst(%dma_wait3A_100 : memref<80xi32, #tpu.memory_space<vmem>>)
        tpu.yield
      }) : () -> ()
      %dma_start3A_36 = arith.constant 1 : i32
      %dma_start3A_37 = arith.constant 1 : i32
      %dma_start3A_38 = arith.constant 0 : i32
      %dma_start3A_39 = arith.constant 0 : i32
      %dma_start3A_40 = tpu.memref_slice %arg9[%dma_start3A_37, %dma_start3A_38, %dma_start3A_39] : memref<2x80x160xf32, #tpu.memory_space<vmem>> -> memref<1x80x160xf32, #tpu.memory_space<vmem>>
      %dma_start3A_41 = tpu.memref_squeeze %dma_start3A_40 : memref<1x80x160xf32, #tpu.memory_space<vmem>> -> memref<80x160xf32, #tpu.memory_space<vmem>>
      %dma_start3A_42 = arith.constant 0 : i32
      %dma_start3A_43 = tpu.memref_slice %arg7[%dma_start3A_36, %dma_start3A_42] : memref<2x80xi32, #tpu.memory_space<vmem>> -> memref<1x80xi32, #tpu.memory_space<vmem>>
      %dma_start3A_44 = tpu.memref_squeeze %dma_start3A_43 : memref<1x80xi32, #tpu.memory_space<vmem>> -> memref<80xi32, #tpu.memory_space<vmem>>
      %dma_start3A_45 = arith.constant 0 : i32
      %dma_start3A_46 = arith.constant 0 : i32
      %dma_start3A_47 = tpu.memref_slice %arg2[%dma_start3A_45, %dma_start3A_46] : memref<20480x160xf32, #tpu.memory_space<hbm>> -> memref<20480x160xf32, #tpu.memory_space<hbm>>
      tpu.enqueue_indirect_dma source(%dma_start3A_47 : memref<20480x160xf32, #tpu.memory_space<hbm>>) target(%dma_start3A_41 : memref<80x160xf32, #tpu.memory_space<vmem>>) offsets(%dma_start3A_44 : memref<80xi32, #tpu.memory_space<vmem>>) semaphore(%arg11 : memref<!tpu.dma_semaphore, #tpu.memory_space<semaphore_mem>>)
      %dma_wait3A = arith.constant 0 : i32
      %dma_wait3A_48 = arith.constant 0 : i32
      %dma_wait3A_49 = arith.constant 0 : i32
      %dma_wait3A_50 = arith.constant 0 : i32
      %dma_wait3A_51 = tpu.memref_slice %arg9[%dma_wait3A_48, %dma_wait3A_49, %dma_wait3A_50] : memref<2x80x160xf32, #tpu.memory_space<vmem>> -> memref<1x80x160xf32, #tpu.memory_space<vmem>>
      %dma_wait3A_52 = tpu.memref_squeeze %dma_wait3A_51 : memref<1x80x160xf32, #tpu.memory_space<vmem>> -> memref<80x160xf32, #tpu.memory_space<vmem>>
      %dma_wait3A_53 = arith.constant 0 : i32
      %dma_wait3A_54 = tpu.memref_slice %arg7[%dma_wait3A, %dma_wait3A_53] : memref<2x80xi32, #tpu.memory_space<vmem>> -> memref<1x80xi32, #tpu.memory_space<vmem>>
      %dma_wait3A_55 = tpu.memref_squeeze %dma_wait3A_54 : memref<1x80xi32, #tpu.memory_space<vmem>> -> memref<80xi32, #tpu.memory_space<vmem>>
      %dma_wait3A_56 = arith.constant 0 : i32
      %dma_wait3A_57 = arith.constant 0 : i32
      %dma_wait3A_58 = tpu.memref_slice %arg2[%dma_wait3A_56, %dma_wait3A_57] : memref<20480x160xf32, #tpu.memory_space<hbm>> -> memref<20480x160xf32, #tpu.memory_space<hbm>>
      tpu.wait_indirect_dma semaphore(%arg10 : memref<!tpu.dma_semaphore, #tpu.memory_space<semaphore_mem>>) src(%dma_wait3A_58 : memref<20480x160xf32, #tpu.memory_space<hbm>>) dst(%dma_wait3A_52 : memref<80x160xf32, #tpu.memory_space<vmem>>)
      %run_scoped3A_59 = arith.constant 0 : i32
      %run_scoped3A_60 = arith.constant 0 : i32
      "tpu.region"() ({
        %run_scoped3A_79 = tpu.sem_alloc : memref<!tpu.dma_semaphore, #tpu.memory_space<semaphore_mem>>
        %dma_start3A_80 = arith.constant 0 : i32
        %dma_start3A_81 = arith.constant 0 : i32
        %dma_start3A_82 = tpu.memref_slice %arg9[%run_scoped3A_59, %dma_start3A_80, %dma_start3A_81] : memref<2x80x160xf32, #tpu.memory_space<vmem>> -> memref<1x80x160xf32, #tpu.memory_space<vmem>>
        %dma_start3A_83 = tpu.memref_squeeze %dma_start3A_82 : memref<1x80x160xf32, #tpu.memory_space<vmem>> -> memref<80x160xf32, #tpu.memory_space<vmem>>
        %dma_start3A_84 = arith.constant 0 : i32
        %dma_start3A_85 = tpu.memref_slice %arg8[%run_scoped3A_60, %dma_start3A_84] : memref<2x80xi32, #tpu.memory_space<vmem>> -> memref<1x80xi32, #tpu.memory_space<vmem>>
        %dma_start3A_86 = tpu.memref_squeeze %dma_start3A_85 : memref<1x80xi32, #tpu.memory_space<vmem>> -> memref<80xi32, #tpu.memory_space<vmem>>
        %dma_start3A_87 = arith.constant 0 : i32
        %dma_start3A_88 = arith.constant 0 : i32
        %dma_start3A_89 = tpu.memref_slice %arg6[%dma_start3A_87, %dma_start3A_88] : memref<10240x160xf32, #tpu.memory_space<vmem_shared>> -> memref<10240x160xf32, #tpu.memory_space<vmem_shared>>
        tpu.enqueue_indirect_dma source(%dma_start3A_83 : memref<80x160xf32, #tpu.memory_space<vmem>>) target(%dma_start3A_89 : memref<10240x160xf32, #tpu.memory_space<vmem_shared>>) offsets(%dma_start3A_86 : memref<80xi32, #tpu.memory_space<vmem>>) semaphore(%run_scoped3A_79 : memref<!tpu.dma_semaphore, #tpu.memory_space<semaphore_mem>>) {add = true}
        %dma_wait3A_90 = arith.constant 0 : i32
        %dma_wait3A_91 = arith.constant 0 : i32
        %dma_wait3A_92 = tpu.memref_slice %arg9[%run_scoped3A_59, %dma_wait3A_90, %dma_wait3A_91] : memref<2x80x160xf32, #tpu.memory_space<vmem>> -> memref<1x80x160xf32, #tpu.memory_space<vmem>>
        %dma_wait3A_93 = tpu.memref_squeeze %dma_wait3A_92 : memref<1x80x160xf32, #tpu.memory_space<vmem>> -> memref<80x160xf32, #tpu.memory_space<vmem>>
        %dma_wait3A_94 = arith.constant 0 : i32
        %dma_wait3A_95 = tpu.memref_slice %arg8[%run_scoped3A_60, %dma_wait3A_94] : memref<2x80xi32, #tpu.memory_space<vmem>> -> memref<1x80xi32, #tpu.memory_space<vmem>>
        %dma_wait3A_96 = tpu.memref_squeeze %dma_wait3A_95 : memref<1x80xi32, #tpu.memory_space<vmem>> -> memref<80xi32, #tpu.memory_space<vmem>>
        %dma_wait3A_97 = arith.constant 0 : i32
        %dma_wait3A_98 = arith.constant 0 : i32
        %dma_wait3A_99 = tpu.memref_slice %arg6[%dma_wait3A_97, %dma_wait3A_98] : memref<10240x160xf32, #tpu.memory_space<vmem_shared>> -> memref<10240x160xf32, #tpu.memory_space<vmem_shared>>
        tpu.wait_indirect_dma semaphore(%run_scoped3A_79 : memref<!tpu.dma_semaphore, #tpu.memory_space<semaphore_mem>>) src(%dma_wait3A_93 : memref<80x160xf32, #tpu.memory_space<vmem>>) dst(%dma_wait3A_99 : memref<10240x160xf32, #tpu.memory_space<vmem_shared>>)
        tpu.yield
      }) : () -> ()
      %add3A_61 = arith.constant 2 : i32
      %add3A_62 = arith.addi %mul3A_31, %add3A_61 : i32
      %lt3A = arith.constant 128 : i32
      %lt3A_63 = arith.cmpi slt, %add3A_62, %lt3A : i32
      %convert_element_type3A = arith.extui %lt3A_63 : i1 to i32
      %cond3A = arith.constant 0 : i32
      %cond3A_64 = arith.cmpi ne, %convert_element_type3A, %cond3A : i32
      scf.if %cond3A_64 {
        %add3A_79 = arith.constant 2 : i32
        %add3A_80 = arith.addi %mul3A_31, %add3A_79 : i32
        %run_scoped3A_81 = arith.constant 0 : i32
        "tpu.region"() ({
          %run_scoped3A_95 = tpu.sem_alloc : memref<!tpu.dma_semaphore, #tpu.memory_space<semaphore_mem>>
          %dma_start3A_96 = arith.constant 0 : i32
          %dma_start3A_97 = tpu.memref_slice %arg7[%run_scoped3A_81, %dma_start3A_96] : memref<2x80xi32, #tpu.memory_space<vmem>> -> memref<1x80xi32, #tpu.memory_space<vmem>>
          %dma_start3A_98 = tpu.memref_squeeze %dma_start3A_97 : memref<1x80xi32, #tpu.memory_space<vmem>> -> memref<80xi32, #tpu.memory_space<vmem>>
          %dma_start3A_99 = arith.constant 0 : i32
          %dma_start3A_100 = tpu.memref_slice %arg3[%arg0, %arg1, %add3A_80, %dma_start3A_99] : memref<2x16x128x80xi32, #tpu.memory_space<hbm>> -> memref<1x1x1x80xi32, #tpu.memory_space<hbm>>
          %dma_start3A_101 = tpu.memref_squeeze %dma_start3A_100 : memref<1x1x1x80xi32, #tpu.memory_space<hbm>> -> memref<80xi32, #tpu.memory_space<hbm>>
          %dma_start3A_102 = arith.constant 0 : i32
          %dma_start3A_103 = tpu.memref_slice %arg7[%run_scoped3A_81, %dma_start3A_102] : memref<2x80xi32, #tpu.memory_space<vmem>> -> memref<1x80xi32, #tpu.memory_space<vmem>>
          %dma_start3A_104 = tpu.memref_squeeze %dma_start3A_103 : memref<1x80xi32, #tpu.memory_space<vmem>> -> memref<80xi32, #tpu.memory_space<vmem>>
          %dma_start3A_105 = arith.constant 0 : i32
          %dma_start3A_106 = tpu.memref_slice %arg3[%arg0, %arg1, %add3A_80, %dma_start3A_105] : memref<2x16x128x80xi32, #tpu.memory_space<hbm>> -> memref<1x1x1x80xi32, #tpu.memory_space<hbm>>
          %dma_start3A_107 = tpu.memref_squeeze %dma_start3A_106 : memref<1x1x1x80xi32, #tpu.memory_space<hbm>> -> memref<80xi32, #tpu.memory_space<hbm>>
          tpu.enqueue_dma source(%dma_start3A_107 : memref<80xi32, #tpu.memory_space<hbm>>) target(%dma_start3A_104 : memref<80xi32, #tpu.memory_space<vmem>>) target_semaphore(%run_scoped3A_95 : memref<!tpu.dma_semaphore, #tpu.memory_space<semaphore_mem>>)
          %dma_wait3A_108 = arith.constant 0 : i32
          %dma_wait3A_109 = tpu.memref_slice %arg7[%run_scoped3A_81, %dma_wait3A_108] : memref<2x80xi32, #tpu.memory_space<vmem>> -> memref<1x80xi32, #tpu.memory_space<vmem>>
          %dma_wait3A_110 = tpu.memref_squeeze %dma_wait3A_109 : memref<1x80xi32, #tpu.memory_space<vmem>> -> memref<80xi32, #tpu.memory_space<vmem>>
          %dma_wait3A_111 = arith.constant 0 : i32
          %dma_wait3A_112 = tpu.memref_slice %arg3[%arg0, %arg1, %add3A_80, %dma_wait3A_111] : memref<2x16x128x80xi32, #tpu.memory_space<hbm>> -> memref<1x1x1x80xi32, #tpu.memory_space<hbm>>
          %dma_wait3A_113 = tpu.memref_squeeze %dma_wait3A_112 : memref<1x1x1x80xi32, #tpu.memory_space<hbm>> -> memref<80xi32, #tpu.memory_space<hbm>>
          %dma_wait3A_114 = arith.constant 0 : i32
          %dma_wait3A_115 = tpu.memref_slice %arg7[%run_scoped3A_81, %dma_wait3A_114] : memref<2x80xi32, #tpu.memory_space<vmem>> -> memref<1x80xi32, #tpu.memory_space<vmem>>
          %dma_wait3A_116 = tpu.memref_squeeze %dma_wait3A_115 : memref<1x80xi32, #tpu.memory_space<vmem>> -> memref<80xi32, #tpu.memory_space<vmem>>
          %dma_wait3A_117 = arith.constant 0 : i32
          %dma_wait3A_118 = tpu.memref_slice %arg3[%arg0, %arg1, %add3A_80, %dma_wait3A_117] : memref<2x16x128x80xi32, #tpu.memory_space<hbm>> -> memref<1x1x1x80xi32, #tpu.memory_space<hbm>>
          %dma_wait3A_119 = tpu.memref_squeeze %dma_wait3A_118 : memref<1x1x1x80xi32, #tpu.memory_space<hbm>> -> memref<80xi32, #tpu.memory_space<hbm>>
          tpu.wait_dma2 semaphore(%run_scoped3A_95 : memref<!tpu.dma_semaphore, #tpu.memory_space<semaphore_mem>>) src(%dma_wait3A_119 : memref<80xi32, #tpu.memory_space<hbm>>) dst(%dma_wait3A_116 : memref<80xi32, #tpu.memory_space<vmem>>)
          tpu.yield
        }) : () -> ()
        %run_scoped3A_82 = arith.constant 0 : i32
        "tpu.region"() ({
          %run_scoped3A_95 = tpu.sem_alloc : memref<!tpu.dma_semaphore, #tpu.memory_space<semaphore_mem>>
          %dma_start3A_96 = arith.constant 0 : i32
          %dma_start3A_97 = tpu.memref_slice %arg8[%run_scoped3A_82, %dma_start3A_96] : memref<2x80xi32, #tpu.memory_space<vmem>> -> memref<1x80xi32, #tpu.memory_space<vmem>>
          %dma_start3A_98 = tpu.memref_squeeze %dma_start3A_97 : memref<1x80xi32, #tpu.memory_space<vmem>> -> memref<80xi32, #tpu.memory_space<vmem>>
          %dma_start3A_99 = arith.constant 0 : i32
          %dma_start3A_100 = tpu.memref_slice %arg4[%arg1, %add3A_80, %dma_start3A_99] : memref<16x128x80xi32, #tpu.memory_space<hbm>> -> memref<1x1x80xi32, #tpu.memory_space<hbm>>
          %dma_start3A_101 = tpu.memref_squeeze %dma_start3A_100 : memref<1x1x80xi32, #tpu.memory_space<hbm>> -> memref<80xi32, #tpu.memory_space<hbm>>
          %dma_start3A_102 = arith.constant 0 : i32
          %dma_start3A_103 = tpu.memref_slice %arg8[%run_scoped3A_82, %dma_start3A_102] : memref<2x80xi32, #tpu.memory_space<vmem>> -> memref<1x80xi32, #tpu.memory_space<vmem>>
          %dma_start3A_104 = tpu.memref_squeeze %dma_start3A_103 : memref<1x80xi32, #tpu.memory_space<vmem>> -> memref<80xi32, #tpu.memory_space<vmem>>
          %dma_start3A_105 = arith.constant 0 : i32
          %dma_start3A_106 = tpu.memref_slice %arg4[%arg1, %add3A_80, %dma_start3A_105] : memref<16x128x80xi32, #tpu.memory_space<hbm>> -> memref<1x1x80xi32, #tpu.memory_space<hbm>>
          %dma_start3A_107 = tpu.memref_squeeze %dma_start3A_106 : memref<1x1x80xi32, #tpu.memory_space<hbm>> -> memref<80xi32, #tpu.memory_space<hbm>>
          tpu.enqueue_dma source(%dma_start3A_107 : memref<80xi32, #tpu.memory_space<hbm>>) target(%dma_start3A_104 : memref<80xi32, #tpu.memory_space<vmem>>) target_semaphore(%run_scoped3A_95 : memref<!tpu.dma_semaphore, #tpu.memory_space<semaphore_mem>>)
          %dma_wait3A_108 = arith.constant 0 : i32
          %dma_wait3A_109 = tpu.memref_slice %arg8[%run_scoped3A_82, %dma_wait3A_108] : memref<2x80xi32, #tpu.memory_space<vmem>> -> memref<1x80xi32, #tpu.memory_space<vmem>>
          %dma_wait3A_110 = tpu.memref_squeeze %dma_wait3A_109 : memref<1x80xi32, #tpu.memory_space<vmem>> -> memref<80xi32, #tpu.memory_space<vmem>>
          %dma_wait3A_111 = arith.constant 0 : i32
          %dma_wait3A_112 = tpu.memref_slice %arg4[%arg1, %add3A_80, %dma_wait3A_111] : memref<16x128x80xi32, #tpu.memory_space<hbm>> -> memref<1x1x80xi32, #tpu.memory_space<hbm>>
          %dma_wait3A_113 = tpu.memref_squeeze %dma_wait3A_112 : memref<1x1x80xi32, #tpu.memory_space<hbm>> -> memref<80xi32, #tpu.memory_space<hbm>>
          %dma_wait3A_114 = arith.constant 0 : i32
          %dma_wait3A_115 = tpu.memref_slice %arg8[%run_scoped3A_82, %dma_wait3A_114] : memref<2x80xi32, #tpu.memory_space<vmem>> -> memref<1x80xi32, #tpu.memory_space<vmem>>
          %dma_wait3A_116 = tpu.memref_squeeze %dma_wait3A_115 : memref<1x80xi32, #tpu.memory_space<vmem>> -> memref<80xi32, #tpu.memory_space<vmem>>
          %dma_wait3A_117 = arith.constant 0 : i32
          %dma_wait3A_118 = tpu.memref_slice %arg4[%arg1, %add3A_80, %dma_wait3A_117] : memref<16x128x80xi32, #tpu.memory_space<hbm>> -> memref<1x1x80xi32, #tpu.memory_space<hbm>>
          %dma_wait3A_119 = tpu.memref_squeeze %dma_wait3A_118 : memref<1x1x80xi32, #tpu.memory_space<hbm>> -> memref<80xi32, #tpu.memory_space<hbm>>
          tpu.wait_dma2 semaphore(%run_scoped3A_95 : memref<!tpu.dma_semaphore, #tpu.memory_space<semaphore_mem>>) src(%dma_wait3A_119 : memref<80xi32, #tpu.memory_space<hbm>>) dst(%dma_wait3A_116 : memref<80xi32, #tpu.memory_space<vmem>>)
          tpu.yield
        }) : () -> ()
        %dma_start3A_83 = arith.constant 0 : i32
        %dma_start3A_84 = arith.constant 0 : i32
        %dma_start3A_85 = arith.constant 0 : i32
        %dma_start3A_86 = arith.constant 0 : i32
        %dma_start3A_87 = tpu.memref_slice %arg9[%dma_start3A_84, %dma_start3A_85, %dma_start3A_86] : memref<2x80x160xf32, #tpu.memory_space<vmem>> -> memref<1x80x160xf32, #tpu.memory_space<vmem>>
        %dma_start3A_88 = tpu.memref_squeeze %dma_start3A_87 : memref<1x80x160xf32, #tpu.memory_space<vmem>> -> memref<80x160xf32, #tpu.memory_space<vmem>>
        %dma_start3A_89 = arith.constant 0 : i32
        %dma_start3A_90 = tpu.memref_slice %arg7[%dma_start3A_83, %dma_start3A_89] : memref<2x80xi32, #tpu.memory_space<vmem>> -> memref<1x80xi32, #tpu.memory_space<vmem>>
        %dma_start3A_91 = tpu.memref_squeeze %dma_start3A_90 : memref<1x80xi32, #tpu.memory_space<vmem>> -> memref<80xi32, #tpu.memory_space<vmem>>
        %dma_start3A_92 = arith.constant 0 : i32
        %dma_start3A_93 = arith.constant 0 : i32
        %dma_start3A_94 = tpu.memref_slice %arg2[%dma_start3A_92, %dma_start3A_93] : memref<20480x160xf32, #tpu.memory_space<hbm>> -> memref<20480x160xf32, #tpu.memory_space<hbm>>
        tpu.enqueue_indirect_dma source(%dma_start3A_94 : memref<20480x160xf32, #tpu.memory_space<hbm>>) target(%dma_start3A_88 : memref<80x160xf32, #tpu.memory_space<vmem>>) offsets(%dma_start3A_91 : memref<80xi32, #tpu.memory_space<vmem>>) semaphore(%arg10 : memref<!tpu.dma_semaphore, #tpu.memory_space<semaphore_mem>>)
      } else {
      }
      %dma_wait3A_65 = arith.constant 1 : i32
      %dma_wait3A_66 = arith.constant 1 : i32
      %dma_wait3A_67 = arith.constant 0 : i32
      %dma_wait3A_68 = arith.constant 0 : i32
      %dma_wait3A_69 = tpu.memref_slice %arg9[%dma_wait3A_66, %dma_wait3A_67, %dma_wait3A_68] : memref<2x80x160xf32, #tpu.memory_space<vmem>> -> memref<1x80x160xf32, #tpu.memory_space<vmem>>
      %dma_wait3A_70 = tpu.memref_squeeze %dma_wait3A_69 : memref<1x80x160xf32, #tpu.memory_space<vmem>> -> memref<80x160xf32, #tpu.memory_space<vmem>>
      %dma_wait3A_71 = arith.constant 0 : i32
      %dma_wait3A_72 = tpu.memref_slice %arg7[%dma_wait3A_65, %dma_wait3A_71] : memref<2x80xi32, #tpu.memory_space<vmem>> -> memref<1x80xi32, #tpu.memory_space<vmem>>
      %dma_wait3A_73 = tpu.memref_squeeze %dma_wait3A_72 : memref<1x80xi32, #tpu.memory_space<vmem>> -> memref<80xi32, #tpu.memory_space<vmem>>
      %dma_wait3A_74 = arith.constant 0 : i32
      %dma_wait3A_75 = arith.constant 0 : i32
      %dma_wait3A_76 = tpu.memref_slice %arg2[%dma_wait3A_74, %dma_wait3A_75] : memref<20480x160xf32, #tpu.memory_space<hbm>> -> memref<20480x160xf32, #tpu.memory_space<hbm>>
      tpu.wait_indirect_dma semaphore(%arg11 : memref<!tpu.dma_semaphore, #tpu.memory_space<semaphore_mem>>) src(%dma_wait3A_76 : memref<20480x160xf32, #tpu.memory_space<hbm>>) dst(%dma_wait3A_70 : memref<80x160xf32, #tpu.memory_space<vmem>>)
      %run_scoped3A_77 = arith.constant 1 : i32
      %run_scoped3A_78 = arith.constant 1 : i32
      "tpu.region"() ({
        %run_scoped3A_79 = tpu.sem_alloc : memref<!tpu.dma_semaphore, #tpu.memory_space<semaphore_mem>>
        %dma_start3A_80 = arith.constant 0 : i32
        %dma_start3A_81 = arith.constant 0 : i32
        %dma_start3A_82 = tpu.memref_slice %arg9[%run_scoped3A_77, %dma_start3A_80, %dma_start3A_81] : memref<2x80x160xf32, #tpu.memory_space<vmem>> -> memref<1x80x160xf32, #tpu.memory_space<vmem>>
        %dma_start3A_83 = tpu.memref_squeeze %dma_start3A_82 : memref<1x80x160xf32, #tpu.memory_space<vmem>> -> memref<80x160xf32, #tpu.memory_space<vmem>>
        %dma_start3A_84 = arith.constant 0 : i32
        %dma_start3A_85 = tpu.memref_slice %arg8[%run_scoped3A_78, %dma_start3A_84] : memref<2x80xi32, #tpu.memory_space<vmem>> -> memref<1x80xi32, #tpu.memory_space<vmem>>
        %dma_start3A_86 = tpu.memref_squeeze %dma_start3A_85 : memref<1x80xi32, #tpu.memory_space<vmem>> -> memref<80xi32, #tpu.memory_space<vmem>>
        %dma_start3A_87 = arith.constant 0 : i32
        %dma_start3A_88 = arith.constant 0 : i32
        %dma_start3A_89 = tpu.memref_slice %arg6[%dma_start3A_87, %dma_start3A_88] : memref<10240x160xf32, #tpu.memory_space<vmem_shared>> -> memref<10240x160xf32, #tpu.memory_space<vmem_shared>>
        tpu.enqueue_indirect_dma source(%dma_start3A_83 : memref<80x160xf32, #tpu.memory_space<vmem>>) target(%dma_start3A_89 : memref<10240x160xf32, #tpu.memory_space<vmem_shared>>) offsets(%dma_start3A_86 : memref<80xi32, #tpu.memory_space<vmem>>) semaphore(%run_scoped3A_79 : memref<!tpu.dma_semaphore, #tpu.memory_space<semaphore_mem>>) {add = true}
        %dma_wait3A_90 = arith.constant 0 : i32
        %dma_wait3A_91 = arith.constant 0 : i32
        %dma_wait3A_92 = tpu.memref_slice %arg9[%run_scoped3A_77, %dma_wait3A_90, %dma_wait3A_91] : memref<2x80x160xf32, #tpu.memory_space<vmem>> -> memref<1x80x160xf32, #tpu.memory_space<vmem>>
        %dma_wait3A_93 = tpu.memref_squeeze %dma_wait3A_92 : memref<1x80x160xf32, #tpu.memory_space<vmem>> -> memref<80x160xf32, #tpu.memory_space<vmem>>
        %dma_wait3A_94 = arith.constant 0 : i32
        %dma_wait3A_95 = tpu.memref_slice %arg8[%run_scoped3A_78, %dma_wait3A_94] : memref<2x80xi32, #tpu.memory_space<vmem>> -> memref<1x80xi32, #tpu.memory_space<vmem>>
        %dma_wait3A_96 = tpu.memref_squeeze %dma_wait3A_95 : memref<1x80xi32, #tpu.memory_space<vmem>> -> memref<80xi32, #tpu.memory_space<vmem>>
        %dma_wait3A_97 = arith.constant 0 : i32
        %dma_wait3A_98 = arith.constant 0 : i32
        %dma_wait3A_99 = tpu.memref_slice %arg6[%dma_wait3A_97, %dma_wait3A_98] : memref<10240x160xf32, #tpu.memory_space<vmem_shared>> -> memref<10240x160xf32, #tpu.memory_space<vmem_shared>>
        tpu.wait_indirect_dma semaphore(%run_scoped3A_79 : memref<!tpu.dma_semaphore, #tpu.memory_space<semaphore_mem>>) src(%dma_wait3A_93 : memref<80x160xf32, #tpu.memory_space<vmem>>) dst(%dma_wait3A_99 : memref<10240x160xf32, #tpu.memory_space<vmem_shared>>)
        tpu.yield
      }) : () -> ()
    }
    %scan3A_23 = arith.constant 64 : i32
    %barrier3A_24 = arith.constant 0 : index
    tpu.barrier barrier_id(%barrier3A_24)
    %mul3A_25 = arith.constant 640 : i32
    %mul3A_26 = arith.muli %arg1, %mul3A_25 : i32
    %mul3A_27 = arith.constant 640 : i32
    %mul3A_28 = arith.muli %arg1, %mul3A_27 : i32
    "tpu.region"() ({
      %run_scoped3A_29 = tpu.sem_alloc : memref<!tpu.dma_semaphore, #tpu.memory_space<semaphore_mem>>
      %dma_start3A_30 = arith.constant 0 : i32
      %dma_start3A_31 = tpu.memref_slice %arg5[%arg0, %mul3A_28, %dma_start3A_30] : memref<2x10240x160xf32, #tpu.memory_space<hbm>> -> memref<1x640x160xf32, #tpu.memory_space<hbm>>
      %dma_start3A_32 = tpu.memref_squeeze %dma_start3A_31 : memref<1x640x160xf32, #tpu.memory_space<hbm>> -> memref<640x160xf32, #tpu.memory_space<hbm>>
      %dma_start3A_33 = arith.constant 0 : i32
      %dma_start3A_34 = tpu.memref_slice %arg6[%mul3A_26, %dma_start3A_33] : memref<10240x160xf32, #tpu.memory_space<vmem_shared>> -> memref<640x160xf32, #tpu.memory_space<vmem_shared>>
      tpu.enqueue_dma source(%dma_start3A_34 : memref<640x160xf32, #tpu.memory_space<vmem_shared>>) target(%dma_start3A_32 : memref<640x160xf32, #tpu.memory_space<hbm>>) target_semaphore(%run_scoped3A_29 : memref<!tpu.dma_semaphore, #tpu.memory_space<semaphore_mem>>)
      %dma_wait3A = arith.constant 0 : i32
      %dma_wait3A_35 = tpu.memref_slice %arg5[%arg0, %mul3A_28, %dma_wait3A] : memref<2x10240x160xf32, #tpu.memory_space<hbm>> -> memref<1x640x160xf32, #tpu.memory_space<hbm>>
      %dma_wait3A_36 = tpu.memref_squeeze %dma_wait3A_35 : memref<1x640x160xf32, #tpu.memory_space<hbm>> -> memref<640x160xf32, #tpu.memory_space<hbm>>
      %dma_wait3A_37 = arith.constant 0 : i32
      %dma_wait3A_38 = tpu.memref_slice %arg6[%mul3A_26, %dma_wait3A_37] : memref<10240x160xf32, #tpu.memory_space<vmem_shared>> -> memref<640x160xf32, #tpu.memory_space<vmem_shared>>
      tpu.wait_dma2 semaphore(%run_scoped3A_29 : memref<!tpu.dma_semaphore, #tpu.memory_space<semaphore_mem>>) src(%dma_wait3A_38 : memref<640x160xf32, #tpu.memory_space<vmem_shared>>) dst(%dma_wait3A_36 : memref<640x160xf32, #tpu.memory_space<hbm>>)
      tpu.yield
    }) : () -> ()
    return
  }
}

#map = affine_map<(d0, d1) -> (0, 0)>
#map1 = affine_map<(d0, d1) -> (0, 0, 0, 0)>
#map2 = affine_map<(d0, d1) -> (0, 0, 0)>
module attributes {stable_mosaic.version = 14 : i64} {
  func.func @_spmm_body(%arg0: i32, %arg1: i32, %arg2: memref<20480x160xf32, #tpu.memory_space<hbm>>, %arg3: memref<2x16x128x80xi32, #tpu.memory_space<hbm>>, %arg4: memref<16x128x80xi32, #tpu.memory_space<hbm>>, %arg5: memref<2x10240x160xf32, #tpu.memory_space<hbm>>, %arg6: memref<10240x160xf32, #tpu.memory_space<vmem_shared>>, %arg7: memref<2x80xi32, #tpu.memory_space<vmem>>, %arg8: memref<2x80xi32, #tpu.memory_space<vmem>>, %arg9: memref<2x80x160xf32, #tpu.memory_space<vmem>>, %arg10: memref<!tpu.dma_semaphore, #tpu.memory_space<semaphore_mem>>, %arg11: memref<!tpu.dma_semaphore, #tpu.memory_space<semaphore_mem>>) attributes {dimension_semantics = [#tpu.dimension_semantics<core_parallel>, #tpu.dimension_semantics<subcore_parallel>], iteration_bounds = array<i64: 2, 16>, scalar_prefetch = 0 : i64, scratch_operands = 6 : i64, tpu.core_type = #tpu.core_type<sc_vector_subcore>, window_params = [{transform_indices = #map}, {transform_indices = #map1}, {transform_indices = #map2}, {transform_indices = #map2}]} {
    %mul3A = arith.constant 10240 : i32
    %mul3A_0 = arith.muli %arg0, %mul3A : i32
    %mul3A_1 = arith.constant 640 : i32
    %mul3A_2 = arith.muli %arg1, %mul3A_1 : i32
    %add3A = arith.addi %mul3A_0, %mul3A_2 : i32
    %mul3A_3 = arith.constant 640 : i32
    %mul3A_4 = arith.muli %arg1, %mul3A_3 : i32
    "tpu.region"() ({
      %run_scoped3A_29 = tpu.sem_alloc : memref<!tpu.dma_semaphore, #tpu.memory_space<semaphore_mem>>
      %dma_start3A_30 = arith.constant 0 : i32
      %dma_start3A_31 = tpu.memref_slice %arg6[%mul3A_4, %dma_start3A_30] : memref<10240x160xf32, #tpu.memory_space<vmem_shared>> -> memref<640x160xf32, #tpu.memory_space<vmem_shared>>
      %dma_start3A_32 = arith.constant 0 : i32
      %dma_start3A_33 = tpu.memref_slice %arg2[%add3A, %dma_start3A_32] : memref<20480x160xf32, #tpu.memory_space<hbm>> -> memref<640x160xf32, #tpu.memory_space<hbm>>
      tpu.enqueue_dma source(%dma_start3A_33 : memref<640x160xf32, #tpu.memory_space<hbm>>) target(%dma_start3A_31 : memref<640x160xf32, #tpu.memory_space<vmem_shared>>) target_semaphore(%run_scoped3A_29 : memref<!tpu.dma_semaphore, #tpu.memory_space<semaphore_mem>>)
      %dma_wait3A = arith.constant 0 : i32
      %dma_wait3A_34 = tpu.memref_slice %arg6[%mul3A_4, %dma_wait3A] : memref<10240x160xf32, #tpu.memory_space<vmem_shared>> -> memref<640x160xf32, #tpu.memory_space<vmem_shared>>
      %dma_wait3A_35 = arith.constant 0 : i32
      %dma_wait3A_36 = tpu.memref_slice %arg2[%add3A, %dma_wait3A_35] : memref<20480x160xf32, #tpu.memory_space<hbm>> -> memref<640x160xf32, #tpu.memory_space<hbm>>
      tpu.wait_dma2 semaphore(%run_scoped3A_29 : memref<!tpu.dma_semaphore, #tpu.memory_space<semaphore_mem>>) src(%dma_wait3A_36 : memref<640x160xf32, #tpu.memory_space<hbm>>) dst(%dma_wait3A_34 : memref<640x160xf32, #tpu.memory_space<vmem_shared>>)
      tpu.yield
    }) : () -> ()
    %run_scoped3A = arith.constant 0 : i32
    %run_scoped3A_5 = arith.constant 0 : i32
    "tpu.region"() ({
      %run_scoped3A_29 = tpu.sem_alloc : memref<!tpu.dma_semaphore, #tpu.memory_space<semaphore_mem>>
      %dma_start3A_30 = arith.constant 0 : i32
      %dma_start3A_31 = tpu.memref_slice %arg7[%run_scoped3A_5, %dma_start3A_30] : memref<2x80xi32, #tpu.memory_space<vmem>> -> memref<1x80xi32, #tpu.memory_space<vmem>>
      %dma_start3A_32 = tpu.memref_squeeze %dma_start3A_31 : memref<1x80xi32, #tpu.memory_space<vmem>> -> memref<80xi32, #tpu.memory_space<vmem>>
      %dma_start3A_33 = arith.constant 0 : i32
      %dma_start3A_34 = tpu.memref_slice %arg3[%arg0, %arg1, %run_scoped3A, %dma_start3A_33] : memref<2x16x128x80xi32, #tpu.memory_space<hbm>> -> memref<1x1x1x80xi32, #tpu.memory_space<hbm>>
      %dma_start3A_35 = tpu.memref_squeeze %dma_start3A_34 : memref<1x1x1x80xi32, #tpu.memory_space<hbm>> -> memref<80xi32, #tpu.memory_space<hbm>>
      %dma_start3A_36 = arith.constant 0 : i32
      %dma_start3A_37 = tpu.memref_slice %arg7[%run_scoped3A_5, %dma_start3A_36] : memref<2x80xi32, #tpu.memory_space<vmem>> -> memref<1x80xi32, #tpu.memory_space<vmem>>
      %dma_start3A_38 = tpu.memref_squeeze %dma_start3A_37 : memref<1x80xi32, #tpu.memory_space<vmem>> -> memref<80xi32, #tpu.memory_space<vmem>>
      %dma_start3A_39 = arith.constant 0 : i32
      %dma_start3A_40 = tpu.memref_slice %arg3[%arg0, %arg1, %run_scoped3A, %dma_start3A_39] : memref<2x16x128x80xi32, #tpu.memory_space<hbm>> -> memref<1x1x1x80xi32, #tpu.memory_space<hbm>>
      %dma_start3A_41 = tpu.memref_squeeze %dma_start3A_40 : memref<1x1x1x80xi32, #tpu.memory_space<hbm>> -> memref<80xi32, #tpu.memory_space<hbm>>
      tpu.enqueue_dma source(%dma_start3A_41 : memref<80xi32, #tpu.memory_space<hbm>>) target(%dma_start3A_38 : memref<80xi32, #tpu.memory_space<vmem>>) target_semaphore(%run_scoped3A_29 : memref<!tpu.dma_semaphore, #tpu.memory_space<semaphore_mem>>)
      %dma_wait3A = arith.constant 0 : i32
      %dma_wait3A_42 = tpu.memref_slice %arg7[%run_scoped3A_5, %dma_wait3A] : memref<2x80xi32, #tpu.memory_space<vmem>> -> memref<1x80xi32, #tpu.memory_space<vmem>>
      %dma_wait3A_43 = tpu.memref_squeeze %dma_wait3A_42 : memref<1x80xi32, #tpu.memory_space<vmem>> -> memref<80xi32, #tpu.memory_space<vmem>>
      %dma_wait3A_44 = arith.constant 0 : i32
      %dma_wait3A_45 = tpu.memref_slice %arg3[%arg0, %arg1, %run_scoped3A, %dma_wait3A_44] : memref<2x16x128x80xi32, #tpu.memory_space<hbm>> -> memref<1x1x1x80xi32, #tpu.memory_space<hbm>>
      %dma_wait3A_46 = tpu.memref_squeeze %dma_wait3A_45 : memref<1x1x1x80xi32, #tpu.memory_space<hbm>> -> memref<80xi32, #tpu.memory_space<hbm>>
      %dma_wait3A_47 = arith.constant 0 : i32
      %dma_wait3A_48 = tpu.memref_slice %arg7[%run_scoped3A_5, %dma_wait3A_47] : memref<2x80xi32, #tpu.memory_space<vmem>> -> memref<1x80xi32, #tpu.memory_space<vmem>>
      %dma_wait3A_49 = tpu.memref_squeeze %dma_wait3A_48 : memref<1x80xi32, #tpu.memory_space<vmem>> -> memref<80xi32, #tpu.memory_space<vmem>>
      %dma_wait3A_50 = arith.constant 0 : i32
      %dma_wait3A_51 = tpu.memref_slice %arg3[%arg0, %arg1, %run_scoped3A, %dma_wait3A_50] : memref<2x16x128x80xi32, #tpu.memory_space<hbm>> -> memref<1x1x1x80xi32, #tpu.memory_space<hbm>>
      %dma_wait3A_52 = tpu.memref_squeeze %dma_wait3A_51 : memref<1x1x1x80xi32, #tpu.memory_space<hbm>> -> memref<80xi32, #tpu.memory_space<hbm>>
      tpu.wait_dma2 semaphore(%run_scoped3A_29 : memref<!tpu.dma_semaphore, #tpu.memory_space<semaphore_mem>>) src(%dma_wait3A_52 : memref<80xi32, #tpu.memory_space<hbm>>) dst(%dma_wait3A_49 : memref<80xi32, #tpu.memory_space<vmem>>)
      tpu.yield
    }) : () -> ()
    %run_scoped3A_6 = arith.constant 0 : i32
    %run_scoped3A_7 = arith.constant 0 : i32
    "tpu.region"() ({
      %run_scoped3A_29 = tpu.sem_alloc : memref<!tpu.dma_semaphore, #tpu.memory_space<semaphore_mem>>
      %dma_start3A_30 = arith.constant 0 : i32
      %dma_start3A_31 = tpu.memref_slice %arg8[%run_scoped3A_7, %dma_start3A_30] : memref<2x80xi32, #tpu.memory_space<vmem>> -> memref<1x80xi32, #tpu.memory_space<vmem>>
      %dma_start3A_32 = tpu.memref_squeeze %dma_start3A_31 : memref<1x80xi32, #tpu.memory_space<vmem>> -> memref<80xi32, #tpu.memory_space<vmem>>
      %dma_start3A_33 = arith.constant 0 : i32
      %dma_start3A_34 = tpu.memref_slice %arg4[%arg1, %run_scoped3A_6, %dma_start3A_33] : memref<16x128x80xi32, #tpu.memory_space<hbm>> -> memref<1x1x80xi32, #tpu.memory_space<hbm>>
      %dma_start3A_35 = tpu.memref_squeeze %dma_start3A_34 : memref<1x1x80xi32, #tpu.memory_space<hbm>> -> memref<80xi32, #tpu.memory_space<hbm>>
      %dma_start3A_36 = arith.constant 0 : i32
      %dma_start3A_37 = tpu.memref_slice %arg8[%run_scoped3A_7, %dma_start3A_36] : memref<2x80xi32, #tpu.memory_space<vmem>> -> memref<1x80xi32, #tpu.memory_space<vmem>>
      %dma_start3A_38 = tpu.memref_squeeze %dma_start3A_37 : memref<1x80xi32, #tpu.memory_space<vmem>> -> memref<80xi32, #tpu.memory_space<vmem>>
      %dma_start3A_39 = arith.constant 0 : i32
      %dma_start3A_40 = tpu.memref_slice %arg4[%arg1, %run_scoped3A_6, %dma_start3A_39] : memref<16x128x80xi32, #tpu.memory_space<hbm>> -> memref<1x1x80xi32, #tpu.memory_space<hbm>>
      %dma_start3A_41 = tpu.memref_squeeze %dma_start3A_40 : memref<1x1x80xi32, #tpu.memory_space<hbm>> -> memref<80xi32, #tpu.memory_space<hbm>>
      tpu.enqueue_dma source(%dma_start3A_41 : memref<80xi32, #tpu.memory_space<hbm>>) target(%dma_start3A_38 : memref<80xi32, #tpu.memory_space<vmem>>) target_semaphore(%run_scoped3A_29 : memref<!tpu.dma_semaphore, #tpu.memory_space<semaphore_mem>>)
      %dma_wait3A = arith.constant 0 : i32
      %dma_wait3A_42 = tpu.memref_slice %arg8[%run_scoped3A_7, %dma_wait3A] : memref<2x80xi32, #tpu.memory_space<vmem>> -> memref<1x80xi32, #tpu.memory_space<vmem>>
      %dma_wait3A_43 = tpu.memref_squeeze %dma_wait3A_42 : memref<1x80xi32, #tpu.memory_space<vmem>> -> memref<80xi32, #tpu.memory_space<vmem>>
      %dma_wait3A_44 = arith.constant 0 : i32
      %dma_wait3A_45 = tpu.memref_slice %arg4[%arg1, %run_scoped3A_6, %dma_wait3A_44] : memref<16x128x80xi32, #tpu.memory_space<hbm>> -> memref<1x1x80xi32, #tpu.memory_space<hbm>>
      %dma_wait3A_46 = tpu.memref_squeeze %dma_wait3A_45 : memref<1x1x80xi32, #tpu.memory_space<hbm>> -> memref<80xi32, #tpu.memory_space<hbm>>
      %dma_wait3A_47 = arith.constant 0 : i32
      %dma_wait3A_48 = tpu.memref_slice %arg8[%run_scoped3A_7, %dma_wait3A_47] : memref<2x80xi32, #tpu.memory_space<vmem>> -> memref<1x80xi32, #tpu.memory_space<vmem>>
      %dma_wait3A_49 = tpu.memref_squeeze %dma_wait3A_48 : memref<1x80xi32, #tpu.memory_space<vmem>> -> memref<80xi32, #tpu.memory_space<vmem>>
      %dma_wait3A_50 = arith.constant 0 : i32
      %dma_wait3A_51 = tpu.memref_slice %arg4[%arg1, %run_scoped3A_6, %dma_wait3A_50] : memref<16x128x80xi32, #tpu.memory_space<hbm>> -> memref<1x1x80xi32, #tpu.memory_space<hbm>>
      %dma_wait3A_52 = tpu.memref_squeeze %dma_wait3A_51 : memref<1x1x80xi32, #tpu.memory_space<hbm>> -> memref<80xi32, #tpu.memory_space<hbm>>
      tpu.wait_dma2 semaphore(%run_scoped3A_29 : memref<!tpu.dma_semaphore, #tpu.memory_space<semaphore_mem>>) src(%dma_wait3A_52 : memref<80xi32, #tpu.memory_space<hbm>>) dst(%dma_wait3A_49 : memref<80xi32, #tpu.memory_space<vmem>>)
      tpu.yield
    }) : () -> ()
    %barrier3A = arith.constant 0 : index
    tpu.barrier barrier_id(%barrier3A)
    %dma_start3A = arith.constant 0 : i32
    %dma_start3A_8 = arith.constant 0 : i32
    %dma_start3A_9 = arith.constant 0 : i32
    %dma_start3A_10 = arith.constant 0 : i32
    %dma_start3A_11 = tpu.memref_slice %arg9[%dma_start3A_8, %dma_start3A_9, %dma_start3A_10] : memref<2x80x160xf32, #tpu.memory_space<vmem>> -> memref<1x80x160xf32, #tpu.memory_space<vmem>>
    %dma_start3A_12 = tpu.memref_squeeze %dma_start3A_11 : memref<1x80x160xf32, #tpu.memory_space<vmem>> -> memref<80x160xf32, #tpu.memory_space<vmem>>
    %dma_start3A_13 = arith.constant 0 : i32
    %dma_start3A_14 = tpu.memref_slice %arg7[%dma_start3A, %dma_start3A_13] : memref<2x80xi32, #tpu.memory_space<vmem>> -> memref<1x80xi32, #tpu.memory_space<vmem>>
    %dma_start3A_15 = tpu.memref_squeeze %dma_start3A_14 : memref<1x80xi32, #tpu.memory_space<vmem>> -> memref<80xi32, #tpu.memory_space<vmem>>
    %dma_start3A_16 = arith.constant 0 : i32
    %dma_start3A_17 = arith.constant 0 : i32
    %dma_start3A_18 = tpu.memref_slice %arg2[%dma_start3A_16, %dma_start3A_17] : memref<20480x160xf32, #tpu.memory_space<hbm>> -> memref<20480x160xf32, #tpu.memory_space<hbm>>
    tpu.enqueue_indirect_dma source(%dma_start3A_18 : memref<20480x160xf32, #tpu.memory_space<hbm>>) target(%dma_start3A_12 : memref<80x160xf32, #tpu.memory_space<vmem>>) offsets(%dma_start3A_15 : memref<80xi32, #tpu.memory_space<vmem>>) semaphore(%arg10 : memref<!tpu.dma_semaphore, #tpu.memory_space<semaphore_mem>>)
    %scan3A = arith.constant 0 : i32
    %scan3A_19 = arith.constant 0 : i32
    %scan3A_20 = arith.constant 64 : i32
    %scan3A_21 = arith.addi %scan3A_19, %scan3A_20 : i32
    %scan3A_22 = arith.constant 1 : i32
    scf.for %scan3A_29 = %scan3A_19 to %scan3A_21 step %scan3A_22  : i32 {
      %mul3A_30 = arith.constant 2 : i32
      %mul3A_31 = arith.muli %mul3A_30, %scan3A_29 : i32
      %add3A_32 = arith.constant 1 : i32
      %add3A_33 = arith.addi %mul3A_31, %add3A_32 : i32
      %run_scoped3A_34 = arith.constant 1 : i32
      "tpu.region"() ({
        %run_scoped3A_79 = tpu.sem_alloc : memref<!tpu.dma_semaphore, #tpu.memory_space<semaphore_mem>>
        %dma_start3A_80 = arith.constant 0 : i32
        %dma_start3A_81 = tpu.memref_slice %arg7[%run_scoped3A_34, %dma_start3A_80] : memref<2x80xi32, #tpu.memory_space<vmem>> -> memref<1x80xi32, #tpu.memory_space<vmem>>
        %dma_start3A_82 = tpu.memref_squeeze %dma_start3A_81 : memref<1x80xi32, #tpu.memory_space<vmem>> -> memref<80xi32, #tpu.memory_space<vmem>>
        %dma_start3A_83 = arith.constant 0 : i32
        %dma_start3A_84 = tpu.memref_slice %arg3[%arg0, %arg1, %add3A_33, %dma_start3A_83] : memref<2x16x128x80xi32, #tpu.memory_space<hbm>> -> memref<1x1x1x80xi32, #tpu.memory_space<hbm>>
        %dma_start3A_85 = tpu.memref_squeeze %dma_start3A_84 : memref<1x1x1x80xi32, #tpu.memory_space<hbm>> -> memref<80xi32, #tpu.memory_space<hbm>>
        %dma_start3A_86 = arith.constant 0 : i32
        %dma_start3A_87 = tpu.memref_slice %arg7[%run_scoped3A_34, %dma_start3A_86] : memref<2x80xi32, #tpu.memory_space<vmem>> -> memref<1x80xi32, #tpu.memory_space<vmem>>
        %dma_start3A_88 = tpu.memref_squeeze %dma_start3A_87 : memref<1x80xi32, #tpu.memory_space<vmem>> -> memref<80xi32, #tpu.memory_space<vmem>>
        %dma_start3A_89 = arith.constant 0 : i32
        %dma_start3A_90 = tpu.memref_slice %arg3[%arg0, %arg1, %add3A_33, %dma_start3A_89] : memref<2x16x128x80xi32, #tpu.memory_space<hbm>> -> memref<1x1x1x80xi32, #tpu.memory_space<hbm>>
        %dma_start3A_91 = tpu.memref_squeeze %dma_start3A_90 : memref<1x1x1x80xi32, #tpu.memory_space<hbm>> -> memref<80xi32, #tpu.memory_space<hbm>>
        tpu.enqueue_dma source(%dma_start3A_91 : memref<80xi32, #tpu.memory_space<hbm>>) target(%dma_start3A_88 : memref<80xi32, #tpu.memory_space<vmem>>) target_semaphore(%run_scoped3A_79 : memref<!tpu.dma_semaphore, #tpu.memory_space<semaphore_mem>>)
        %dma_wait3A_92 = arith.constant 0 : i32
        %dma_wait3A_93 = tpu.memref_slice %arg7[%run_scoped3A_34, %dma_wait3A_92] : memref<2x80xi32, #tpu.memory_space<vmem>> -> memref<1x80xi32, #tpu.memory_space<vmem>>
        %dma_wait3A_94 = tpu.memref_squeeze %dma_wait3A_93 : memref<1x80xi32, #tpu.memory_space<vmem>> -> memref<80xi32, #tpu.memory_space<vmem>>
        %dma_wait3A_95 = arith.constant 0 : i32
        %dma_wait3A_96 = tpu.memref_slice %arg3[%arg0, %arg1, %add3A_33, %dma_wait3A_95] : memref<2x16x128x80xi32, #tpu.memory_space<hbm>> -> memref<1x1x1x80xi32, #tpu.memory_space<hbm>>
        %dma_wait3A_97 = tpu.memref_squeeze %dma_wait3A_96 : memref<1x1x1x80xi32, #tpu.memory_space<hbm>> -> memref<80xi32, #tpu.memory_space<hbm>>
        %dma_wait3A_98 = arith.constant 0 : i32
        %dma_wait3A_99 = tpu.memref_slice %arg7[%run_scoped3A_34, %dma_wait3A_98] : memref<2x80xi32, #tpu.memory_space<vmem>> -> memref<1x80xi32, #tpu.memory_space<vmem>>
        %dma_wait3A_100 = tpu.memref_squeeze %dma_wait3A_99 : memref<1x80xi32, #tpu.memory_space<vmem>> -> memref<80xi32, #tpu.memory_space<vmem>>
        %dma_wait3A_101 = arith.constant 0 : i32
        %dma_wait3A_102 = tpu.memref_slice %arg3[%arg0, %arg1, %add3A_33, %dma_wait3A_101] : memref<2x16x128x80xi32, #tpu.memory_space<hbm>> -> memref<1x1x1x80xi32, #tpu.memory_space<hbm>>
        %dma_wait3A_103 = tpu.memref_squeeze %dma_wait3A_102 : memref<1x1x1x80xi32, #tpu.memory_space<hbm>> -> memref<80xi32, #tpu.memory_space<hbm>>
        tpu.wait_dma2 semaphore(%run_scoped3A_79 : memref<!tpu.dma_semaphore, #tpu.memory_space<semaphore_mem>>) src(%dma_wait3A_103 : memref<80xi32, #tpu.memory_space<hbm>>) dst(%dma_wait3A_100 : memref<80xi32, #tpu.memory_space<vmem>>)
        tpu.yield
      }) : () -> ()
      %run_scoped3A_35 = arith.constant 1 : i32
      "tpu.region"() ({
        %run_scoped3A_79 = tpu.sem_alloc : memref<!tpu.dma_semaphore, #tpu.memory_space<semaphore_mem>>
        %dma_start3A_80 = arith.constant 0 : i32
        %dma_start3A_81 = tpu.memref_slice %arg8[%run_scoped3A_35, %dma_start3A_80] : memref<2x80xi32, #tpu.memory_space<vmem>> -> memref<1x80xi32, #tpu.memory_space<vmem>>
        %dma_start3A_82 = tpu.memref_squeeze %dma_start3A_81 : memref<1x80xi32, #tpu.memory_space<vmem>> -> memref<80xi32, #tpu.memory_space<vmem>>
        %dma_start3A_83 = arith.constant 0 : i32
        %dma_start3A_84 = tpu.memref_slice %arg4[%arg1, %add3A_33, %dma_start3A_83] : memref<16x128x80xi32, #tpu.memory_space<hbm>> -> memref<1x1x80xi32, #tpu.memory_space<hbm>>
        %dma_start3A_85 = tpu.memref_squeeze %dma_start3A_84 : memref<1x1x80xi32, #tpu.memory_space<hbm>> -> memref<80xi32, #tpu.memory_space<hbm>>
        %dma_start3A_86 = arith.constant 0 : i32
        %dma_start3A_87 = tpu.memref_slice %arg8[%run_scoped3A_35, %dma_start3A_86] : memref<2x80xi32, #tpu.memory_space<vmem>> -> memref<1x80xi32, #tpu.memory_space<vmem>>
        %dma_start3A_88 = tpu.memref_squeeze %dma_start3A_87 : memref<1x80xi32, #tpu.memory_space<vmem>> -> memref<80xi32, #tpu.memory_space<vmem>>
        %dma_start3A_89 = arith.constant 0 : i32
        %dma_start3A_90 = tpu.memref_slice %arg4[%arg1, %add3A_33, %dma_start3A_89] : memref<16x128x80xi32, #tpu.memory_space<hbm>> -> memref<1x1x80xi32, #tpu.memory_space<hbm>>
        %dma_start3A_91 = tpu.memref_squeeze %dma_start3A_90 : memref<1x1x80xi32, #tpu.memory_space<hbm>> -> memref<80xi32, #tpu.memory_space<hbm>>
        tpu.enqueue_dma source(%dma_start3A_91 : memref<80xi32, #tpu.memory_space<hbm>>) target(%dma_start3A_88 : memref<80xi32, #tpu.memory_space<vmem>>) target_semaphore(%run_scoped3A_79 : memref<!tpu.dma_semaphore, #tpu.memory_space<semaphore_mem>>)
        %dma_wait3A_92 = arith.constant 0 : i32
        %dma_wait3A_93 = tpu.memref_slice %arg8[%run_scoped3A_35, %dma_wait3A_92] : memref<2x80xi32, #tpu.memory_space<vmem>> -> memref<1x80xi32, #tpu.memory_space<vmem>>
        %dma_wait3A_94 = tpu.memref_squeeze %dma_wait3A_93 : memref<1x80xi32, #tpu.memory_space<vmem>> -> memref<80xi32, #tpu.memory_space<vmem>>
        %dma_wait3A_95 = arith.constant 0 : i32
        %dma_wait3A_96 = tpu.memref_slice %arg4[%arg1, %add3A_33, %dma_wait3A_95] : memref<16x128x80xi32, #tpu.memory_space<hbm>> -> memref<1x1x80xi32, #tpu.memory_space<hbm>>
        %dma_wait3A_97 = tpu.memref_squeeze %dma_wait3A_96 : memref<1x1x80xi32, #tpu.memory_space<hbm>> -> memref<80xi32, #tpu.memory_space<hbm>>
        %dma_wait3A_98 = arith.constant 0 : i32
        %dma_wait3A_99 = tpu.memref_slice %arg8[%run_scoped3A_35, %dma_wait3A_98] : memref<2x80xi32, #tpu.memory_space<vmem>> -> memref<1x80xi32, #tpu.memory_space<vmem>>
        %dma_wait3A_100 = tpu.memref_squeeze %dma_wait3A_99 : memref<1x80xi32, #tpu.memory_space<vmem>> -> memref<80xi32, #tpu.memory_space<vmem>>
        %dma_wait3A_101 = arith.constant 0 : i32
        %dma_wait3A_102 = tpu.memref_slice %arg4[%arg1, %add3A_33, %dma_wait3A_101] : memref<16x128x80xi32, #tpu.memory_space<hbm>> -> memref<1x1x80xi32, #tpu.memory_space<hbm>>
        %dma_wait3A_103 = tpu.memref_squeeze %dma_wait3A_102 : memref<1x1x80xi32, #tpu.memory_space<hbm>> -> memref<80xi32, #tpu.memory_space<hbm>>
        tpu.wait_dma2 semaphore(%run_scoped3A_79 : memref<!tpu.dma_semaphore, #tpu.memory_space<semaphore_mem>>) src(%dma_wait3A_103 : memref<80xi32, #tpu.memory_space<hbm>>) dst(%dma_wait3A_100 : memref<80xi32, #tpu.memory_space<vmem>>)
        tpu.yield
      }) : () -> ()
      %dma_start3A_36 = arith.constant 1 : i32
      %dma_start3A_37 = arith.constant 1 : i32
      %dma_start3A_38 = arith.constant 0 : i32
      %dma_start3A_39 = arith.constant 0 : i32
      %dma_start3A_40 = tpu.memref_slice %arg9[%dma_start3A_37, %dma_start3A_38, %dma_start3A_39] : memref<2x80x160xf32, #tpu.memory_space<vmem>> -> memref<1x80x160xf32, #tpu.memory_space<vmem>>
      %dma_start3A_41 = tpu.memref_squeeze %dma_start3A_40 : memref<1x80x160xf32, #tpu.memory_space<vmem>> -> memref<80x160xf32, #tpu.memory_space<vmem>>
      %dma_start3A_42 = arith.constant 0 : i32
      %dma_start3A_43 = tpu.memref_slice %arg7[%dma_start3A_36, %dma_start3A_42] : memref<2x80xi32, #tpu.memory_space<vmem>> -> memref<1x80xi32, #tpu.memory_space<vmem>>
      %dma_start3A_44 = tpu.memref_squeeze %dma_start3A_43 : memref<1x80xi32, #tpu.memory_space<vmem>> -> memref<80xi32, #tpu.memory_space<vmem>>
      %dma_start3A_45 = arith.constant 0 : i32
      %dma_start3A_46 = arith.constant 0 : i32
      %dma_start3A_47 = tpu.memref_slice %arg2[%dma_start3A_45, %dma_start3A_46] : memref<20480x160xf32, #tpu.memory_space<hbm>> -> memref<20480x160xf32, #tpu.memory_space<hbm>>
      tpu.enqueue_indirect_dma source(%dma_start3A_47 : memref<20480x160xf32, #tpu.memory_space<hbm>>) target(%dma_start3A_41 : memref<80x160xf32, #tpu.memory_space<vmem>>) offsets(%dma_start3A_44 : memref<80xi32, #tpu.memory_space<vmem>>) semaphore(%arg11 : memref<!tpu.dma_semaphore, #tpu.memory_space<semaphore_mem>>)
      %dma_wait3A = arith.constant 0 : i32
      %dma_wait3A_48 = arith.constant 0 : i32
      %dma_wait3A_49 = arith.constant 0 : i32
      %dma_wait3A_50 = arith.constant 0 : i32
      %dma_wait3A_51 = tpu.memref_slice %arg9[%dma_wait3A_48, %dma_wait3A_49, %dma_wait3A_50] : memref<2x80x160xf32, #tpu.memory_space<vmem>> -> memref<1x80x160xf32, #tpu.memory_space<vmem>>
      %dma_wait3A_52 = tpu.memref_squeeze %dma_wait3A_51 : memref<1x80x160xf32, #tpu.memory_space<vmem>> -> memref<80x160xf32, #tpu.memory_space<vmem>>
      %dma_wait3A_53 = arith.constant 0 : i32
      %dma_wait3A_54 = tpu.memref_slice %arg7[%dma_wait3A, %dma_wait3A_53] : memref<2x80xi32, #tpu.memory_space<vmem>> -> memref<1x80xi32, #tpu.memory_space<vmem>>
      %dma_wait3A_55 = tpu.memref_squeeze %dma_wait3A_54 : memref<1x80xi32, #tpu.memory_space<vmem>> -> memref<80xi32, #tpu.memory_space<vmem>>
      %dma_wait3A_56 = arith.constant 0 : i32
      %dma_wait3A_57 = arith.constant 0 : i32
      %dma_wait3A_58 = tpu.memref_slice %arg2[%dma_wait3A_56, %dma_wait3A_57] : memref<20480x160xf32, #tpu.memory_space<hbm>> -> memref<20480x160xf32, #tpu.memory_space<hbm>>
      tpu.wait_indirect_dma semaphore(%arg10 : memref<!tpu.dma_semaphore, #tpu.memory_space<semaphore_mem>>) src(%dma_wait3A_58 : memref<20480x160xf32, #tpu.memory_space<hbm>>) dst(%dma_wait3A_52 : memref<80x160xf32, #tpu.memory_space<vmem>>)
      %run_scoped3A_59 = arith.constant 0 : i32
      %run_scoped3A_60 = arith.constant 0 : i32
      "tpu.region"() ({
        %run_scoped3A_79 = tpu.sem_alloc : memref<!tpu.dma_semaphore, #tpu.memory_space<semaphore_mem>>
        %dma_start3A_80 = arith.constant 0 : i32
        %dma_start3A_81 = arith.constant 0 : i32
        %dma_start3A_82 = tpu.memref_slice %arg9[%run_scoped3A_59, %dma_start3A_80, %dma_start3A_81] : memref<2x80x160xf32, #tpu.memory_space<vmem>> -> memref<1x80x160xf32, #tpu.memory_space<vmem>>
        %dma_start3A_83 = tpu.memref_squeeze %dma_start3A_82 : memref<1x80x160xf32, #tpu.memory_space<vmem>> -> memref<80x160xf32, #tpu.memory_space<vmem>>
        %dma_start3A_84 = arith.constant 0 : i32
        %dma_start3A_85 = tpu.memref_slice %arg8[%run_scoped3A_60, %dma_start3A_84] : memref<2x80xi32, #tpu.memory_space<vmem>> -> memref<1x80xi32, #tpu.memory_space<vmem>>
        %dma_start3A_86 = tpu.memref_squeeze %dma_start3A_85 : memref<1x80xi32, #tpu.memory_space<vmem>> -> memref<80xi32, #tpu.memory_space<vmem>>
        %dma_start3A_87 = arith.constant 0 : i32
        %dma_start3A_88 = arith.constant 0 : i32
        %dma_start3A_89 = tpu.memref_slice %arg6[%dma_start3A_87, %dma_start3A_88] : memref<10240x160xf32, #tpu.memory_space<vmem_shared>> -> memref<10240x160xf32, #tpu.memory_space<vmem_shared>>
        tpu.enqueue_indirect_dma source(%dma_start3A_83 : memref<80x160xf32, #tpu.memory_space<vmem>>) target(%dma_start3A_89 : memref<10240x160xf32, #tpu.memory_space<vmem_shared>>) offsets(%dma_start3A_86 : memref<80xi32, #tpu.memory_space<vmem>>) semaphore(%run_scoped3A_79 : memref<!tpu.dma_semaphore, #tpu.memory_space<semaphore_mem>>) {add = true}
        %dma_wait3A_90 = arith.constant 0 : i32
        %dma_wait3A_91 = arith.constant 0 : i32
        %dma_wait3A_92 = tpu.memref_slice %arg9[%run_scoped3A_59, %dma_wait3A_90, %dma_wait3A_91] : memref<2x80x160xf32, #tpu.memory_space<vmem>> -> memref<1x80x160xf32, #tpu.memory_space<vmem>>
        %dma_wait3A_93 = tpu.memref_squeeze %dma_wait3A_92 : memref<1x80x160xf32, #tpu.memory_space<vmem>> -> memref<80x160xf32, #tpu.memory_space<vmem>>
        %dma_wait3A_94 = arith.constant 0 : i32
        %dma_wait3A_95 = tpu.memref_slice %arg8[%run_scoped3A_60, %dma_wait3A_94] : memref<2x80xi32, #tpu.memory_space<vmem>> -> memref<1x80xi32, #tpu.memory_space<vmem>>
        %dma_wait3A_96 = tpu.memref_squeeze %dma_wait3A_95 : memref<1x80xi32, #tpu.memory_space<vmem>> -> memref<80xi32, #tpu.memory_space<vmem>>
        %dma_wait3A_97 = arith.constant 0 : i32
        %dma_wait3A_98 = arith.constant 0 : i32
        %dma_wait3A_99 = tpu.memref_slice %arg6[%dma_wait3A_97, %dma_wait3A_98] : memref<10240x160xf32, #tpu.memory_space<vmem_shared>> -> memref<10240x160xf32, #tpu.memory_space<vmem_shared>>
        tpu.wait_indirect_dma semaphore(%run_scoped3A_79 : memref<!tpu.dma_semaphore, #tpu.memory_space<semaphore_mem>>) src(%dma_wait3A_93 : memref<80x160xf32, #tpu.memory_space<vmem>>) dst(%dma_wait3A_99 : memref<10240x160xf32, #tpu.memory_space<vmem_shared>>)
        tpu.yield
      }) : () -> ()
      %add3A_61 = arith.constant 2 : i32
      %add3A_62 = arith.addi %mul3A_31, %add3A_61 : i32
      %lt3A = arith.constant 128 : i32
      %lt3A_63 = arith.cmpi slt, %add3A_62, %lt3A : i32
      %convert_element_type3A = arith.extui %lt3A_63 : i1 to i32
      %cond3A = arith.constant 0 : i32
      %cond3A_64 = arith.cmpi ne, %convert_element_type3A, %cond3A : i32
      scf.if %cond3A_64 {
        %add3A_79 = arith.constant 2 : i32
        %add3A_80 = arith.addi %mul3A_31, %add3A_79 : i32
        %run_scoped3A_81 = arith.constant 0 : i32
        "tpu.region"() ({
          %run_scoped3A_95 = tpu.sem_alloc : memref<!tpu.dma_semaphore, #tpu.memory_space<semaphore_mem>>
          %dma_start3A_96 = arith.constant 0 : i32
          %dma_start3A_97 = tpu.memref_slice %arg7[%run_scoped3A_81, %dma_start3A_96] : memref<2x80xi32, #tpu.memory_space<vmem>> -> memref<1x80xi32, #tpu.memory_space<vmem>>
          %dma_start3A_98 = tpu.memref_squeeze %dma_start3A_97 : memref<1x80xi32, #tpu.memory_space<vmem>> -> memref<80xi32, #tpu.memory_space<vmem>>
          %dma_start3A_99 = arith.constant 0 : i32
          %dma_start3A_100 = tpu.memref_slice %arg3[%arg0, %arg1, %add3A_80, %dma_start3A_99] : memref<2x16x128x80xi32, #tpu.memory_space<hbm>> -> memref<1x1x1x80xi32, #tpu.memory_space<hbm>>
          %dma_start3A_101 = tpu.memref_squeeze %dma_start3A_100 : memref<1x1x1x80xi32, #tpu.memory_space<hbm>> -> memref<80xi32, #tpu.memory_space<hbm>>
          %dma_start3A_102 = arith.constant 0 : i32
          %dma_start3A_103 = tpu.memref_slice %arg7[%run_scoped3A_81, %dma_start3A_102] : memref<2x80xi32, #tpu.memory_space<vmem>> -> memref<1x80xi32, #tpu.memory_space<vmem>>
          %dma_start3A_104 = tpu.memref_squeeze %dma_start3A_103 : memref<1x80xi32, #tpu.memory_space<vmem>> -> memref<80xi32, #tpu.memory_space<vmem>>
          %dma_start3A_105 = arith.constant 0 : i32
          %dma_start3A_106 = tpu.memref_slice %arg3[%arg0, %arg1, %add3A_80, %dma_start3A_105] : memref<2x16x128x80xi32, #tpu.memory_space<hbm>> -> memref<1x1x1x80xi32, #tpu.memory_space<hbm>>
          %dma_start3A_107 = tpu.memref_squeeze %dma_start3A_106 : memref<1x1x1x80xi32, #tpu.memory_space<hbm>> -> memref<80xi32, #tpu.memory_space<hbm>>
          tpu.enqueue_dma source(%dma_start3A_107 : memref<80xi32, #tpu.memory_space<hbm>>) target(%dma_start3A_104 : memref<80xi32, #tpu.memory_space<vmem>>) target_semaphore(%run_scoped3A_95 : memref<!tpu.dma_semaphore, #tpu.memory_space<semaphore_mem>>)
          %dma_wait3A_108 = arith.constant 0 : i32
          %dma_wait3A_109 = tpu.memref_slice %arg7[%run_scoped3A_81, %dma_wait3A_108] : memref<2x80xi32, #tpu.memory_space<vmem>> -> memref<1x80xi32, #tpu.memory_space<vmem>>
          %dma_wait3A_110 = tpu.memref_squeeze %dma_wait3A_109 : memref<1x80xi32, #tpu.memory_space<vmem>> -> memref<80xi32, #tpu.memory_space<vmem>>
          %dma_wait3A_111 = arith.constant 0 : i32
          %dma_wait3A_112 = tpu.memref_slice %arg3[%arg0, %arg1, %add3A_80, %dma_wait3A_111] : memref<2x16x128x80xi32, #tpu.memory_space<hbm>> -> memref<1x1x1x80xi32, #tpu.memory_space<hbm>>
          %dma_wait3A_113 = tpu.memref_squeeze %dma_wait3A_112 : memref<1x1x1x80xi32, #tpu.memory_space<hbm>> -> memref<80xi32, #tpu.memory_space<hbm>>
          %dma_wait3A_114 = arith.constant 0 : i32
          %dma_wait3A_115 = tpu.memref_slice %arg7[%run_scoped3A_81, %dma_wait3A_114] : memref<2x80xi32, #tpu.memory_space<vmem>> -> memref<1x80xi32, #tpu.memory_space<vmem>>
          %dma_wait3A_116 = tpu.memref_squeeze %dma_wait3A_115 : memref<1x80xi32, #tpu.memory_space<vmem>> -> memref<80xi32, #tpu.memory_space<vmem>>
          %dma_wait3A_117 = arith.constant 0 : i32
          %dma_wait3A_118 = tpu.memref_slice %arg3[%arg0, %arg1, %add3A_80, %dma_wait3A_117] : memref<2x16x128x80xi32, #tpu.memory_space<hbm>> -> memref<1x1x1x80xi32, #tpu.memory_space<hbm>>
          %dma_wait3A_119 = tpu.memref_squeeze %dma_wait3A_118 : memref<1x1x1x80xi32, #tpu.memory_space<hbm>> -> memref<80xi32, #tpu.memory_space<hbm>>
          tpu.wait_dma2 semaphore(%run_scoped3A_95 : memref<!tpu.dma_semaphore, #tpu.memory_space<semaphore_mem>>) src(%dma_wait3A_119 : memref<80xi32, #tpu.memory_space<hbm>>) dst(%dma_wait3A_116 : memref<80xi32, #tpu.memory_space<vmem>>)
          tpu.yield
        }) : () -> ()
        %run_scoped3A_82 = arith.constant 0 : i32
        "tpu.region"() ({
          %run_scoped3A_95 = tpu.sem_alloc : memref<!tpu.dma_semaphore, #tpu.memory_space<semaphore_mem>>
          %dma_start3A_96 = arith.constant 0 : i32
          %dma_start3A_97 = tpu.memref_slice %arg8[%run_scoped3A_82, %dma_start3A_96] : memref<2x80xi32, #tpu.memory_space<vmem>> -> memref<1x80xi32, #tpu.memory_space<vmem>>
          %dma_start3A_98 = tpu.memref_squeeze %dma_start3A_97 : memref<1x80xi32, #tpu.memory_space<vmem>> -> memref<80xi32, #tpu.memory_space<vmem>>
          %dma_start3A_99 = arith.constant 0 : i32
          %dma_start3A_100 = tpu.memref_slice %arg4[%arg1, %add3A_80, %dma_start3A_99] : memref<16x128x80xi32, #tpu.memory_space<hbm>> -> memref<1x1x80xi32, #tpu.memory_space<hbm>>
          %dma_start3A_101 = tpu.memref_squeeze %dma_start3A_100 : memref<1x1x80xi32, #tpu.memory_space<hbm>> -> memref<80xi32, #tpu.memory_space<hbm>>
          %dma_start3A_102 = arith.constant 0 : i32
          %dma_start3A_103 = tpu.memref_slice %arg8[%run_scoped3A_82, %dma_start3A_102] : memref<2x80xi32, #tpu.memory_space<vmem>> -> memref<1x80xi32, #tpu.memory_space<vmem>>
          %dma_start3A_104 = tpu.memref_squeeze %dma_start3A_103 : memref<1x80xi32, #tpu.memory_space<vmem>> -> memref<80xi32, #tpu.memory_space<vmem>>
          %dma_start3A_105 = arith.constant 0 : i32
          %dma_start3A_106 = tpu.memref_slice %arg4[%arg1, %add3A_80, %dma_start3A_105] : memref<16x128x80xi32, #tpu.memory_space<hbm>> -> memref<1x1x80xi32, #tpu.memory_space<hbm>>
          %dma_start3A_107 = tpu.memref_squeeze %dma_start3A_106 : memref<1x1x80xi32, #tpu.memory_space<hbm>> -> memref<80xi32, #tpu.memory_space<hbm>>
          tpu.enqueue_dma source(%dma_start3A_107 : memref<80xi32, #tpu.memory_space<hbm>>) target(%dma_start3A_104 : memref<80xi32, #tpu.memory_space<vmem>>) target_semaphore(%run_scoped3A_95 : memref<!tpu.dma_semaphore, #tpu.memory_space<semaphore_mem>>)
          %dma_wait3A_108 = arith.constant 0 : i32
          %dma_wait3A_109 = tpu.memref_slice %arg8[%run_scoped3A_82, %dma_wait3A_108] : memref<2x80xi32, #tpu.memory_space<vmem>> -> memref<1x80xi32, #tpu.memory_space<vmem>>
          %dma_wait3A_110 = tpu.memref_squeeze %dma_wait3A_109 : memref<1x80xi32, #tpu.memory_space<vmem>> -> memref<80xi32, #tpu.memory_space<vmem>>
          %dma_wait3A_111 = arith.constant 0 : i32
          %dma_wait3A_112 = tpu.memref_slice %arg4[%arg1, %add3A_80, %dma_wait3A_111] : memref<16x128x80xi32, #tpu.memory_space<hbm>> -> memref<1x1x80xi32, #tpu.memory_space<hbm>>
          %dma_wait3A_113 = tpu.memref_squeeze %dma_wait3A_112 : memref<1x1x80xi32, #tpu.memory_space<hbm>> -> memref<80xi32, #tpu.memory_space<hbm>>
          %dma_wait3A_114 = arith.constant 0 : i32
          %dma_wait3A_115 = tpu.memref_slice %arg8[%run_scoped3A_82, %dma_wait3A_114] : memref<2x80xi32, #tpu.memory_space<vmem>> -> memref<1x80xi32, #tpu.memory_space<vmem>>
          %dma_wait3A_116 = tpu.memref_squeeze %dma_wait3A_115 : memref<1x80xi32, #tpu.memory_space<vmem>> -> memref<80xi32, #tpu.memory_space<vmem>>
          %dma_wait3A_117 = arith.constant 0 : i32
          %dma_wait3A_118 = tpu.memref_slice %arg4[%arg1, %add3A_80, %dma_wait3A_117] : memref<16x128x80xi32, #tpu.memory_space<hbm>> -> memref<1x1x80xi32, #tpu.memory_space<hbm>>
          %dma_wait3A_119 = tpu.memref_squeeze %dma_wait3A_118 : memref<1x1x80xi32, #tpu.memory_space<hbm>> -> memref<80xi32, #tpu.memory_space<hbm>>
          tpu.wait_dma2 semaphore(%run_scoped3A_95 : memref<!tpu.dma_semaphore, #tpu.memory_space<semaphore_mem>>) src(%dma_wait3A_119 : memref<80xi32, #tpu.memory_space<hbm>>) dst(%dma_wait3A_116 : memref<80xi32, #tpu.memory_space<vmem>>)
          tpu.yield
        }) : () -> ()
        %dma_start3A_83 = arith.constant 0 : i32
        %dma_start3A_84 = arith.constant 0 : i32
        %dma_start3A_85 = arith.constant 0 : i32
        %dma_start3A_86 = arith.constant 0 : i32
        %dma_start3A_87 = tpu.memref_slice %arg9[%dma_start3A_84, %dma_start3A_85, %dma_start3A_86] : memref<2x80x160xf32, #tpu.memory_space<vmem>> -> memref<1x80x160xf32, #tpu.memory_space<vmem>>
        %dma_start3A_88 = tpu.memref_squeeze %dma_start3A_87 : memref<1x80x160xf32, #tpu.memory_space<vmem>> -> memref<80x160xf32, #tpu.memory_space<vmem>>
        %dma_start3A_89 = arith.constant 0 : i32
        %dma_start3A_90 = tpu.memref_slice %arg7[%dma_start3A_83, %dma_start3A_89] : memref<2x80xi32, #tpu.memory_space<vmem>> -> memref<1x80xi32, #tpu.memory_space<vmem>>
        %dma_start3A_91 = tpu.memref_squeeze %dma_start3A_90 : memref<1x80xi32, #tpu.memory_space<vmem>> -> memref<80xi32, #tpu.memory_space<vmem>>
        %dma_start3A_92 = arith.constant 0 : i32
        %dma_start3A_93 = arith.constant 0 : i32
        %dma_start3A_94 = tpu.memref_slice %arg2[%dma_start3A_92, %dma_start3A_93] : memref<20480x160xf32, #tpu.memory_space<hbm>> -> memref<20480x160xf32, #tpu.memory_space<hbm>>
        tpu.enqueue_indirect_dma source(%dma_start3A_94 : memref<20480x160xf32, #tpu.memory_space<hbm>>) target(%dma_start3A_88 : memref<80x160xf32, #tpu.memory_space<vmem>>) offsets(%dma_start3A_91 : memref<80xi32, #tpu.memory_space<vmem>>) semaphore(%arg10 : memref<!tpu.dma_semaphore, #tpu.memory_space<semaphore_mem>>)
      } else {
      }
      %dma_wait3A_65 = arith.constant 1 : i32
      %dma_wait3A_66 = arith.constant 1 : i32
      %dma_wait3A_67 = arith.constant 0 : i32
      %dma_wait3A_68 = arith.constant 0 : i32
      %dma_wait3A_69 = tpu.memref_slice %arg9[%dma_wait3A_66, %dma_wait3A_67, %dma_wait3A_68] : memref<2x80x160xf32, #tpu.memory_space<vmem>> -> memref<1x80x160xf32, #tpu.memory_space<vmem>>
      %dma_wait3A_70 = tpu.memref_squeeze %dma_wait3A_69 : memref<1x80x160xf32, #tpu.memory_space<vmem>> -> memref<80x160xf32, #tpu.memory_space<vmem>>
      %dma_wait3A_71 = arith.constant 0 : i32
      %dma_wait3A_72 = tpu.memref_slice %arg7[%dma_wait3A_65, %dma_wait3A_71] : memref<2x80xi32, #tpu.memory_space<vmem>> -> memref<1x80xi32, #tpu.memory_space<vmem>>
      %dma_wait3A_73 = tpu.memref_squeeze %dma_wait3A_72 : memref<1x80xi32, #tpu.memory_space<vmem>> -> memref<80xi32, #tpu.memory_space<vmem>>
      %dma_wait3A_74 = arith.constant 0 : i32
      %dma_wait3A_75 = arith.constant 0 : i32
      %dma_wait3A_76 = tpu.memref_slice %arg2[%dma_wait3A_74, %dma_wait3A_75] : memref<20480x160xf32, #tpu.memory_space<hbm>> -> memref<20480x160xf32, #tpu.memory_space<hbm>>
      tpu.wait_indirect_dma semaphore(%arg11 : memref<!tpu.dma_semaphore, #tpu.memory_space<semaphore_mem>>) src(%dma_wait3A_76 : memref<20480x160xf32, #tpu.memory_space<hbm>>) dst(%dma_wait3A_70 : memref<80x160xf32, #tpu.memory_space<vmem>>)
      %run_scoped3A_77 = arith.constant 1 : i32
      %run_scoped3A_78 = arith.constant 1 : i32
      "tpu.region"() ({
        %run_scoped3A_79 = tpu.sem_alloc : memref<!tpu.dma_semaphore, #tpu.memory_space<semaphore_mem>>
        %dma_start3A_80 = arith.constant 0 : i32
        %dma_start3A_81 = arith.constant 0 : i32
        %dma_start3A_82 = tpu.memref_slice %arg9[%run_scoped3A_77, %dma_start3A_80, %dma_start3A_81] : memref<2x80x160xf32, #tpu.memory_space<vmem>> -> memref<1x80x160xf32, #tpu.memory_space<vmem>>
        %dma_start3A_83 = tpu.memref_squeeze %dma_start3A_82 : memref<1x80x160xf32, #tpu.memory_space<vmem>> -> memref<80x160xf32, #tpu.memory_space<vmem>>
        %dma_start3A_84 = arith.constant 0 : i32
        %dma_start3A_85 = tpu.memref_slice %arg8[%run_scoped3A_78, %dma_start3A_84] : memref<2x80xi32, #tpu.memory_space<vmem>> -> memref<1x80xi32, #tpu.memory_space<vmem>>
        %dma_start3A_86 = tpu.memref_squeeze %dma_start3A_85 : memref<1x80xi32, #tpu.memory_space<vmem>> -> memref<80xi32, #tpu.memory_space<vmem>>
        %dma_start3A_87 = arith.constant 0 : i32
        %dma_start3A_88 = arith.constant 0 : i32
        %dma_start3A_89 = tpu.memref_slice %arg6[%dma_start3A_87, %dma_start3A_88] : memref<10240x160xf32, #tpu.memory_space<vmem_shared>> -> memref<10240x160xf32, #tpu.memory_space<vmem_shared>>
        tpu.enqueue_indirect_dma source(%dma_start3A_83 : memref<80x160xf32, #tpu.memory_space<vmem>>) target(%dma_start3A_89 : memref<10240x160xf32, #tpu.memory_space<vmem_shared>>) offsets(%dma_start3A_86 : memref<80xi32, #tpu.memory_space<vmem>>) semaphore(%run_scoped3A_79 : memref<!tpu.dma_semaphore, #tpu.memory_space<semaphore_mem>>) {add = true}
        %dma_wait3A_90 = arith.constant 0 : i32
        %dma_wait3A_91 = arith.constant 0 : i32
        %dma_wait3A_92 = tpu.memref_slice %arg9[%run_scoped3A_77, %dma_wait3A_90, %dma_wait3A_91] : memref<2x80x160xf32, #tpu.memory_space<vmem>> -> memref<1x80x160xf32, #tpu.memory_space<vmem>>
        %dma_wait3A_93 = tpu.memref_squeeze %dma_wait3A_92 : memref<1x80x160xf32, #tpu.memory_space<vmem>> -> memref<80x160xf32, #tpu.memory_space<vmem>>
        %dma_wait3A_94 = arith.constant 0 : i32
        %dma_wait3A_95 = tpu.memref_slice %arg8[%run_scoped3A_78, %dma_wait3A_94] : memref<2x80xi32, #tpu.memory_space<vmem>> -> memref<1x80xi32, #tpu.memory_space<vmem>>
        %dma_wait3A_96 = tpu.memref_squeeze %dma_wait3A_95 : memref<1x80xi32, #tpu.memory_space<vmem>> -> memref<80xi32, #tpu.memory_space<vmem>>
        %dma_wait3A_97 = arith.constant 0 : i32
        %dma_wait3A_98 = arith.constant 0 : i32
        %dma_wait3A_99 = tpu.memref_slice %arg6[%dma_wait3A_97, %dma_wait3A_98] : memref<10240x160xf32, #tpu.memory_space<vmem_shared>> -> memref<10240x160xf32, #tpu.memory_space<vmem_shared>>
        tpu.wait_indirect_dma semaphore(%run_scoped3A_79 : memref<!tpu.dma_semaphore, #tpu.memory_space<semaphore_mem>>) src(%dma_wait3A_93 : memref<80x160xf32, #tpu.memory_space<vmem>>) dst(%dma_wait3A_99 : memref<10240x160xf32, #tpu.memory_space<vmem_shared>>)
        tpu.yield
      }) : () -> ()
    }
    %scan3A_23 = arith.constant 64 : i32
    %barrier3A_24 = arith.constant 0 : index
    tpu.barrier barrier_id(%barrier3A_24)
    %mul3A_25 = arith.constant 640 : i32
    %mul3A_26 = arith.muli %arg1, %mul3A_25 : i32
    %mul3A_27 = arith.constant 640 : i32
    %mul3A_28 = arith.muli %arg1, %mul3A_27 : i32
    "tpu.region"() ({
      %run_scoped3A_29 = tpu.sem_alloc : memref<!tpu.dma_semaphore, #tpu.memory_space<semaphore_mem>>
      %dma_start3A_30 = arith.constant 0 : i32
      %dma_start3A_31 = tpu.memref_slice %arg5[%arg0, %mul3A_28, %dma_start3A_30] : memref<2x10240x160xf32, #tpu.memory_space<hbm>> -> memref<1x640x160xf32, #tpu.memory_space<hbm>>
      %dma_start3A_32 = tpu.memref_squeeze %dma_start3A_31 : memref<1x640x160xf32, #tpu.memory_space<hbm>> -> memref<640x160xf32, #tpu.memory_space<hbm>>
      %dma_start3A_33 = arith.constant 0 : i32
      %dma_start3A_34 = tpu.memref_slice %arg6[%mul3A_26, %dma_start3A_33] : memref<10240x160xf32, #tpu.memory_space<vmem_shared>> -> memref<640x160xf32, #tpu.memory_space<vmem_shared>>
      tpu.enqueue_dma source(%dma_start3A_34 : memref<640x160xf32, #tpu.memory_space<vmem_shared>>) target(%dma_start3A_32 : memref<640x160xf32, #tpu.memory_space<hbm>>) target_semaphore(%run_scoped3A_29 : memref<!tpu.dma_semaphore, #tpu.memory_space<semaphore_mem>>)
      %dma_wait3A = arith.constant 0 : i32
      %dma_wait3A_35 = tpu.memref_slice %arg5[%arg0, %mul3A_28, %dma_wait3A] : memref<2x10240x160xf32, #tpu.memory_space<hbm>> -> memref<1x640x160xf32, #tpu.memory_space<hbm>>
      %dma_wait3A_36 = tpu.memref_squeeze %dma_wait3A_35 : memref<1x640x160xf32, #tpu.memory_space<hbm>> -> memref<640x160xf32, #tpu.memory_space<hbm>>
      %dma_wait3A_37 = arith.constant 0 : i32
      %dma_wait3A_38 = tpu.memref_slice %arg6[%mul3A_26, %dma_wait3A_37] : memref<10240x160xf32, #tpu.memory_space<vmem_shared>> -> memref<640x160xf32, #tpu.memory_space<vmem_shared>>
      tpu.wait_dma2 semaphore(%run_scoped3A_29 : memref<!tpu.dma_semaphore, #tpu.memory_space<semaphore_mem>>) src(%dma_wait3A_38 : memref<640x160xf32, #tpu.memory_space<vmem_shared>>) dst(%dma_wait3A_36 : memref<640x160xf32, #tpu.memory_space<hbm>>)
      tpu.yield
    }) : () -> ()
    return
  }
}

#map = affine_map<(d0, d1) -> (0, 0)>
#map1 = affine_map<(d0, d1) -> (0, 0, 0, 0)>
#map2 = affine_map<(d0, d1) -> (0, 0, 0)>
module attributes {stable_mosaic.version = 14 : i64} {
  func.func @_counts_body(%arg0: i32, %arg1: i32, %arg2: memref<276x32xf32, #tpu.memory_space<hbm>>, %arg3: memref<2x16x40x128xi32, #tpu.memory_space<hbm>>, %arg4: memref<2x16x40x128xi32, #tpu.memory_space<hbm>>, %arg5: memref<2x10240x32xf32, #tpu.memory_space<hbm>>, %arg6: memref<2x10240x32xf32, #tpu.memory_space<hbm>>, %arg7: memref<10240x32xf32, #tpu.memory_space<vmem_shared>>, %arg8: memref<40x128xi32, #tpu.memory_space<vmem>>, %arg9: memref<40x128xi32, #tpu.memory_space<vmem>>, %arg10: memref<128x32xf32, #tpu.memory_space<vmem>>, %arg11: memref<!tpu.dma_semaphore, #tpu.memory_space<semaphore_mem>>) attributes {dimension_semantics = [#tpu.dimension_semantics<core_parallel>, #tpu.dimension_semantics<subcore_parallel>], iteration_bounds = array<i64: 2, 16>, scalar_prefetch = 0 : i64, scratch_operands = 5 : i64, tpu.core_type = #tpu.core_type<sc_vector_subcore>, window_params = [{transform_indices = #map}, {transform_indices = #map1}, {transform_indices = #map1}, {transform_indices = #map2}, {transform_indices = #map2}]} {
    %mul3A = arith.constant 640 : i32
    %mul3A_0 = arith.muli %arg1, %mul3A : i32
    %mul3A_1 = arith.constant 640 : i32
    %mul3A_2 = arith.muli %arg1, %mul3A_1 : i32
    "tpu.region"() ({
      %run_scoped3A = tpu.sem_alloc : memref<!tpu.dma_semaphore, #tpu.memory_space<semaphore_mem>>
      %dma_start3A = arith.constant 0 : i32
      %dma_start3A_13 = tpu.memref_slice %arg7[%mul3A_2, %dma_start3A] : memref<10240x32xf32, #tpu.memory_space<vmem_shared>> -> memref<640x32xf32, #tpu.memory_space<vmem_shared>>
      %dma_start3A_14 = arith.constant 0 : i32
      %dma_start3A_15 = tpu.memref_slice %arg5[%arg0, %mul3A_0, %dma_start3A_14] : memref<2x10240x32xf32, #tpu.memory_space<hbm>> -> memref<1x640x32xf32, #tpu.memory_space<hbm>>
      %dma_start3A_16 = tpu.memref_squeeze %dma_start3A_15 : memref<1x640x32xf32, #tpu.memory_space<hbm>> -> memref<640x32xf32, #tpu.memory_space<hbm>>
      tpu.enqueue_dma source(%dma_start3A_16 : memref<640x32xf32, #tpu.memory_space<hbm>>) target(%dma_start3A_13 : memref<640x32xf32, #tpu.memory_space<vmem_shared>>) target_semaphore(%run_scoped3A : memref<!tpu.dma_semaphore, #tpu.memory_space<semaphore_mem>>)
      %dma_wait3A = arith.constant 0 : i32
      %dma_wait3A_17 = tpu.memref_slice %arg7[%mul3A_2, %dma_wait3A] : memref<10240x32xf32, #tpu.memory_space<vmem_shared>> -> memref<640x32xf32, #tpu.memory_space<vmem_shared>>
      %dma_wait3A_18 = arith.constant 0 : i32
      %dma_wait3A_19 = tpu.memref_slice %arg5[%arg0, %mul3A_0, %dma_wait3A_18] : memref<2x10240x32xf32, #tpu.memory_space<hbm>> -> memref<1x640x32xf32, #tpu.memory_space<hbm>>
      %dma_wait3A_20 = tpu.memref_squeeze %dma_wait3A_19 : memref<1x640x32xf32, #tpu.memory_space<hbm>> -> memref<640x32xf32, #tpu.memory_space<hbm>>
      tpu.wait_dma2 semaphore(%run_scoped3A : memref<!tpu.dma_semaphore, #tpu.memory_space<semaphore_mem>>) src(%dma_wait3A_20 : memref<640x32xf32, #tpu.memory_space<hbm>>) dst(%dma_wait3A_17 : memref<640x32xf32, #tpu.memory_space<vmem_shared>>)
      tpu.yield
    }) : () -> ()
    "tpu.region"() ({
      %run_scoped3A = tpu.sem_alloc : memref<!tpu.dma_semaphore, #tpu.memory_space<semaphore_mem>>
      %dma_start3A = arith.constant 0 : i32
      %dma_start3A_13 = arith.constant 0 : i32
      %dma_start3A_14 = tpu.memref_slice %arg3[%arg0, %arg1, %dma_start3A, %dma_start3A_13] : memref<2x16x40x128xi32, #tpu.memory_space<hbm>> -> memref<1x1x40x128xi32, #tpu.memory_space<hbm>>
      %dma_start3A_15 = tpu.memref_squeeze %dma_start3A_14 : memref<1x1x40x128xi32, #tpu.memory_space<hbm>> -> memref<40x128xi32, #tpu.memory_space<hbm>>
      %dma_start3A_16 = arith.constant 0 : i32
      %dma_start3A_17 = arith.constant 0 : i32
      %dma_start3A_18 = tpu.memref_slice %arg3[%arg0, %arg1, %dma_start3A_16, %dma_start3A_17] : memref<2x16x40x128xi32, #tpu.memory_space<hbm>> -> memref<1x1x40x128xi32, #tpu.memory_space<hbm>>
      %dma_start3A_19 = tpu.memref_squeeze %dma_start3A_18 : memref<1x1x40x128xi32, #tpu.memory_space<hbm>> -> memref<40x128xi32, #tpu.memory_space<hbm>>
      tpu.enqueue_dma source(%dma_start3A_19 : memref<40x128xi32, #tpu.memory_space<hbm>>) target(%arg8 : memref<40x128xi32, #tpu.memory_space<vmem>>) target_semaphore(%run_scoped3A : memref<!tpu.dma_semaphore, #tpu.memory_space<semaphore_mem>>)
      %dma_wait3A = arith.constant 0 : i32
      %dma_wait3A_20 = arith.constant 0 : i32
      %dma_wait3A_21 = tpu.memref_slice %arg3[%arg0, %arg1, %dma_wait3A, %dma_wait3A_20] : memref<2x16x40x128xi32, #tpu.memory_space<hbm>> -> memref<1x1x40x128xi32, #tpu.memory_space<hbm>>
      %dma_wait3A_22 = tpu.memref_squeeze %dma_wait3A_21 : memref<1x1x40x128xi32, #tpu.memory_space<hbm>> -> memref<40x128xi32, #tpu.memory_space<hbm>>
      %dma_wait3A_23 = arith.constant 0 : i32
      %dma_wait3A_24 = arith.constant 0 : i32
      %dma_wait3A_25 = tpu.memref_slice %arg3[%arg0, %arg1, %dma_wait3A_23, %dma_wait3A_24] : memref<2x16x40x128xi32, #tpu.memory_space<hbm>> -> memref<1x1x40x128xi32, #tpu.memory_space<hbm>>
      %dma_wait3A_26 = tpu.memref_squeeze %dma_wait3A_25 : memref<1x1x40x128xi32, #tpu.memory_space<hbm>> -> memref<40x128xi32, #tpu.memory_space<hbm>>
      tpu.wait_dma2 semaphore(%run_scoped3A : memref<!tpu.dma_semaphore, #tpu.memory_space<semaphore_mem>>) src(%dma_wait3A_26 : memref<40x128xi32, #tpu.memory_space<hbm>>) dst(%arg8 : memref<40x128xi32, #tpu.memory_space<vmem>>)
      tpu.yield
    }) : () -> ()
    "tpu.region"() ({
      %run_scoped3A = tpu.sem_alloc : memref<!tpu.dma_semaphore, #tpu.memory_space<semaphore_mem>>
      %dma_start3A = arith.constant 0 : i32
      %dma_start3A_13 = arith.constant 0 : i32
      %dma_start3A_14 = tpu.memref_slice %arg4[%arg0, %arg1, %dma_start3A, %dma_start3A_13] : memref<2x16x40x128xi32, #tpu.memory_space<hbm>> -> memref<1x1x40x128xi32, #tpu.memory_space<hbm>>
      %dma_start3A_15 = tpu.memref_squeeze %dma_start3A_14 : memref<1x1x40x128xi32, #tpu.memory_space<hbm>> -> memref<40x128xi32, #tpu.memory_space<hbm>>
      %dma_start3A_16 = arith.constant 0 : i32
      %dma_start3A_17 = arith.constant 0 : i32
      %dma_start3A_18 = tpu.memref_slice %arg4[%arg0, %arg1, %dma_start3A_16, %dma_start3A_17] : memref<2x16x40x128xi32, #tpu.memory_space<hbm>> -> memref<1x1x40x128xi32, #tpu.memory_space<hbm>>
      %dma_start3A_19 = tpu.memref_squeeze %dma_start3A_18 : memref<1x1x40x128xi32, #tpu.memory_space<hbm>> -> memref<40x128xi32, #tpu.memory_space<hbm>>
      tpu.enqueue_dma source(%dma_start3A_19 : memref<40x128xi32, #tpu.memory_space<hbm>>) target(%arg9 : memref<40x128xi32, #tpu.memory_space<vmem>>) target_semaphore(%run_scoped3A : memref<!tpu.dma_semaphore, #tpu.memory_space<semaphore_mem>>)
      %dma_wait3A = arith.constant 0 : i32
      %dma_wait3A_20 = arith.constant 0 : i32
      %dma_wait3A_21 = tpu.memref_slice %arg4[%arg0, %arg1, %dma_wait3A, %dma_wait3A_20] : memref<2x16x40x128xi32, #tpu.memory_space<hbm>> -> memref<1x1x40x128xi32, #tpu.memory_space<hbm>>
      %dma_wait3A_22 = tpu.memref_squeeze %dma_wait3A_21 : memref<1x1x40x128xi32, #tpu.memory_space<hbm>> -> memref<40x128xi32, #tpu.memory_space<hbm>>
      %dma_wait3A_23 = arith.constant 0 : i32
      %dma_wait3A_24 = arith.constant 0 : i32
      %dma_wait3A_25 = tpu.memref_slice %arg4[%arg0, %arg1, %dma_wait3A_23, %dma_wait3A_24] : memref<2x16x40x128xi32, #tpu.memory_space<hbm>> -> memref<1x1x40x128xi32, #tpu.memory_space<hbm>>
      %dma_wait3A_26 = tpu.memref_squeeze %dma_wait3A_25 : memref<1x1x40x128xi32, #tpu.memory_space<hbm>> -> memref<40x128xi32, #tpu.memory_space<hbm>>
      tpu.wait_dma2 semaphore(%run_scoped3A : memref<!tpu.dma_semaphore, #tpu.memory_space<semaphore_mem>>) src(%dma_wait3A_26 : memref<40x128xi32, #tpu.memory_space<hbm>>) dst(%arg9 : memref<40x128xi32, #tpu.memory_space<vmem>>)
      tpu.yield
    }) : () -> ()
    %barrier3A = arith.constant 0 : index
    tpu.barrier barrier_id(%barrier3A)
    %scan3A = arith.constant 0 : i32
    %scan3A_3 = arith.constant 0 : i32
    %scan3A_4 = arith.constant 40 : i32
    %scan3A_5 = arith.addi %scan3A_3, %scan3A_4 : i32
    %scan3A_6 = arith.constant 1 : i32
    scf.for %scan3A_13 = %scan3A_3 to %scan3A_5 step %scan3A_6  : i32 {
      %dma_start3A = arith.constant 0 : i32
      %dma_start3A_14 = tpu.memref_slice %arg8[%scan3A_13, %dma_start3A] : memref<40x128xi32, #tpu.memory_space<vmem>> -> memref<1x128xi32, #tpu.memory_space<vmem>>
      %dma_start3A_15 = tpu.memref_squeeze %dma_start3A_14 : memref<1x128xi32, #tpu.memory_space<vmem>> -> memref<128xi32, #tpu.memory_space<vmem>>
      %dma_start3A_16 = arith.constant 0 : i32
      %dma_start3A_17 = arith.constant 0 : i32
      %dma_start3A_18 = tpu.memref_slice %arg2[%dma_start3A_16, %dma_start3A_17] : memref<276x32xf32, #tpu.memory_space<hbm>> -> memref<276x32xf32, #tpu.memory_space<hbm>>
      tpu.enqueue_indirect_dma source(%dma_start3A_18 : memref<276x32xf32, #tpu.memory_space<hbm>>) target(%arg10 : memref<128x32xf32, #tpu.memory_space<vmem>>) offsets(%dma_start3A_15 : memref<128xi32, #tpu.memory_space<vmem>>) semaphore(%arg11 : memref<!tpu.dma_semaphore, #tpu.memory_space<semaphore_mem>>)
      %dma_wait3A = arith.constant 0 : i32
      %dma_wait3A_19 = tpu.memref_slice %arg8[%scan3A_13, %dma_wait3A] : memref<40x128xi32, #tpu.memory_space<vmem>> -> memref<1x128xi32, #tpu.memory_space<vmem>>
      %dma_wait3A_20 = tpu.memref_squeeze %dma_wait3A_19 : memref<1x128xi32, #tpu.memory_space<vmem>> -> memref<128xi32, #tpu.memory_space<vmem>>
      %dma_wait3A_21 = arith.constant 0 : i32
      %dma_wait3A_22 = arith.constant 0 : i32
      %dma_wait3A_23 = tpu.memref_slice %arg2[%dma_wait3A_21, %dma_wait3A_22] : memref<276x32xf32, #tpu.memory_space<hbm>> -> memref<276x32xf32, #tpu.memory_space<hbm>>
      tpu.wait_indirect_dma semaphore(%arg11 : memref<!tpu.dma_semaphore, #tpu.memory_space<semaphore_mem>>) src(%dma_wait3A_23 : memref<276x32xf32, #tpu.memory_space<hbm>>) dst(%arg10 : memref<128x32xf32, #tpu.memory_space<vmem>>)
      "tpu.region"() ({
        %run_scoped3A = tpu.sem_alloc : memref<!tpu.dma_semaphore, #tpu.memory_space<semaphore_mem>>
        %dma_start3A_24 = arith.constant 0 : i32
        %dma_start3A_25 = tpu.memref_slice %arg9[%scan3A_13, %dma_start3A_24] : memref<40x128xi32, #tpu.memory_space<vmem>> -> memref<1x128xi32, #tpu.memory_space<vmem>>
        %dma_start3A_26 = tpu.memref_squeeze %dma_start3A_25 : memref<1x128xi32, #tpu.memory_space<vmem>> -> memref<128xi32, #tpu.memory_space<vmem>>
        %dma_start3A_27 = arith.constant 0 : i32
        %dma_start3A_28 = arith.constant 0 : i32
        %dma_start3A_29 = tpu.memref_slice %arg7[%dma_start3A_27, %dma_start3A_28] : memref<10240x32xf32, #tpu.memory_space<vmem_shared>> -> memref<10240x32xf32, #tpu.memory_space<vmem_shared>>
        tpu.enqueue_indirect_dma source(%arg10 : memref<128x32xf32, #tpu.memory_space<vmem>>) target(%dma_start3A_29 : memref<10240x32xf32, #tpu.memory_space<vmem_shared>>) offsets(%dma_start3A_26 : memref<128xi32, #tpu.memory_space<vmem>>) semaphore(%run_scoped3A : memref<!tpu.dma_semaphore, #tpu.memory_space<semaphore_mem>>) {add = true}
        %dma_wait3A_30 = arith.constant 0 : i32
        %dma_wait3A_31 = tpu.memref_slice %arg9[%scan3A_13, %dma_wait3A_30] : memref<40x128xi32, #tpu.memory_space<vmem>> -> memref<1x128xi32, #tpu.memory_space<vmem>>
        %dma_wait3A_32 = tpu.memref_squeeze %dma_wait3A_31 : memref<1x128xi32, #tpu.memory_space<vmem>> -> memref<128xi32, #tpu.memory_space<vmem>>
        %dma_wait3A_33 = arith.constant 0 : i32
        %dma_wait3A_34 = arith.constant 0 : i32
        %dma_wait3A_35 = tpu.memref_slice %arg7[%dma_wait3A_33, %dma_wait3A_34] : memref<10240x32xf32, #tpu.memory_space<vmem_shared>> -> memref<10240x32xf32, #tpu.memory_space<vmem_shared>>
        tpu.wait_indirect_dma semaphore(%run_scoped3A : memref<!tpu.dma_semaphore, #tpu.memory_space<semaphore_mem>>) src(%arg10 : memref<128x32xf32, #tpu.memory_space<vmem>>) dst(%dma_wait3A_35 : memref<10240x32xf32, #tpu.memory_space<vmem_shared>>)
        tpu.yield
      }) : () -> ()
    }
    %scan3A_7 = arith.constant 40 : i32
    %barrier3A_8 = arith.constant 0 : index
    tpu.barrier barrier_id(%barrier3A_8)
    %mul3A_9 = arith.constant 640 : i32
    %mul3A_10 = arith.muli %arg1, %mul3A_9 : i32
    %mul3A_11 = arith.constant 640 : i32
    %mul3A_12 = arith.muli %arg1, %mul3A_11 : i32
    "tpu.region"() ({
      %run_scoped3A = tpu.sem_alloc : memref<!tpu.dma_semaphore, #tpu.memory_space<semaphore_mem>>
      %dma_start3A = arith.constant 0 : i32
      %dma_start3A_13 = tpu.memref_slice %arg6[%arg0, %mul3A_12, %dma_start3A] : memref<2x10240x32xf32, #tpu.memory_space<hbm>> -> memref<1x640x32xf32, #tpu.memory_space<hbm>>
      %dma_start3A_14 = tpu.memref_squeeze %dma_start3A_13 : memref<1x640x32xf32, #tpu.memory_space<hbm>> -> memref<640x32xf32, #tpu.memory_space<hbm>>
      %dma_start3A_15 = arith.constant 0 : i32
      %dma_start3A_16 = tpu.memref_slice %arg7[%mul3A_10, %dma_start3A_15] : memref<10240x32xf32, #tpu.memory_space<vmem_shared>> -> memref<640x32xf32, #tpu.memory_space<vmem_shared>>
      tpu.enqueue_dma source(%dma_start3A_16 : memref<640x32xf32, #tpu.memory_space<vmem_shared>>) target(%dma_start3A_14 : memref<640x32xf32, #tpu.memory_space<hbm>>) target_semaphore(%run_scoped3A : memref<!tpu.dma_semaphore, #tpu.memory_space<semaphore_mem>>)
      %dma_wait3A = arith.constant 0 : i32
      %dma_wait3A_17 = tpu.memref_slice %arg6[%arg0, %mul3A_12, %dma_wait3A] : memref<2x10240x32xf32, #tpu.memory_space<hbm>> -> memref<1x640x32xf32, #tpu.memory_space<hbm>>
      %dma_wait3A_18 = tpu.memref_squeeze %dma_wait3A_17 : memref<1x640x32xf32, #tpu.memory_space<hbm>> -> memref<640x32xf32, #tpu.memory_space<hbm>>
      %dma_wait3A_19 = arith.constant 0 : i32
      %dma_wait3A_20 = tpu.memref_slice %arg7[%mul3A_10, %dma_wait3A_19] : memref<10240x32xf32, #tpu.memory_space<vmem_shared>> -> memref<640x32xf32, #tpu.memory_space<vmem_shared>>
      tpu.wait_dma2 semaphore(%run_scoped3A : memref<!tpu.dma_semaphore, #tpu.memory_space<semaphore_mem>>) src(%dma_wait3A_20 : memref<640x32xf32, #tpu.memory_space<vmem_shared>>) dst(%dma_wait3A_18 : memref<640x32xf32, #tpu.memory_space<hbm>>)
      tpu.yield
    }) : () -> ()
    return
  }
}

#map = affine_map<(d0, d1) -> (0, 0)>
#map1 = affine_map<(d0, d1) -> (0, 0, 0, 0)>
#map2 = affine_map<(d0, d1) -> (0, 0, 0)>
module attributes {stable_mosaic.version = 14 : i64} {
  func.func @_spmm_body(%arg0: i32, %arg1: i32, %arg2: memref<20480x160xf32, #tpu.memory_space<hbm>>, %arg3: memref<2x16x128x80xi32, #tpu.memory_space<hbm>>, %arg4: memref<16x128x80xi32, #tpu.memory_space<hbm>>, %arg5: memref<2x10240x160xf32, #tpu.memory_space<hbm>>, %arg6: memref<10240x160xf32, #tpu.memory_space<vmem_shared>>, %arg7: memref<2x80xi32, #tpu.memory_space<vmem>>, %arg8: memref<2x80xi32, #tpu.memory_space<vmem>>, %arg9: memref<2x80x160xf32, #tpu.memory_space<vmem>>, %arg10: memref<!tpu.dma_semaphore, #tpu.memory_space<semaphore_mem>>, %arg11: memref<!tpu.dma_semaphore, #tpu.memory_space<semaphore_mem>>) attributes {dimension_semantics = [#tpu.dimension_semantics<core_parallel>, #tpu.dimension_semantics<subcore_parallel>], iteration_bounds = array<i64: 2, 16>, scalar_prefetch = 0 : i64, scratch_operands = 6 : i64, tpu.core_type = #tpu.core_type<sc_vector_subcore>, window_params = [{transform_indices = #map}, {transform_indices = #map1}, {transform_indices = #map2}, {transform_indices = #map2}]} {
    %mul3A = arith.constant 10240 : i32
    %mul3A_0 = arith.muli %arg0, %mul3A : i32
    %mul3A_1 = arith.constant 640 : i32
    %mul3A_2 = arith.muli %arg1, %mul3A_1 : i32
    %add3A = arith.addi %mul3A_0, %mul3A_2 : i32
    %mul3A_3 = arith.constant 640 : i32
    %mul3A_4 = arith.muli %arg1, %mul3A_3 : i32
    "tpu.region"() ({
      %run_scoped3A_29 = tpu.sem_alloc : memref<!tpu.dma_semaphore, #tpu.memory_space<semaphore_mem>>
      %dma_start3A_30 = arith.constant 0 : i32
      %dma_start3A_31 = tpu.memref_slice %arg6[%mul3A_4, %dma_start3A_30] : memref<10240x160xf32, #tpu.memory_space<vmem_shared>> -> memref<640x160xf32, #tpu.memory_space<vmem_shared>>
      %dma_start3A_32 = arith.constant 0 : i32
      %dma_start3A_33 = tpu.memref_slice %arg2[%add3A, %dma_start3A_32] : memref<20480x160xf32, #tpu.memory_space<hbm>> -> memref<640x160xf32, #tpu.memory_space<hbm>>
      tpu.enqueue_dma source(%dma_start3A_33 : memref<640x160xf32, #tpu.memory_space<hbm>>) target(%dma_start3A_31 : memref<640x160xf32, #tpu.memory_space<vmem_shared>>) target_semaphore(%run_scoped3A_29 : memref<!tpu.dma_semaphore, #tpu.memory_space<semaphore_mem>>)
      %dma_wait3A = arith.constant 0 : i32
      %dma_wait3A_34 = tpu.memref_slice %arg6[%mul3A_4, %dma_wait3A] : memref<10240x160xf32, #tpu.memory_space<vmem_shared>> -> memref<640x160xf32, #tpu.memory_space<vmem_shared>>
      %dma_wait3A_35 = arith.constant 0 : i32
      %dma_wait3A_36 = tpu.memref_slice %arg2[%add3A, %dma_wait3A_35] : memref<20480x160xf32, #tpu.memory_space<hbm>> -> memref<640x160xf32, #tpu.memory_space<hbm>>
      tpu.wait_dma2 semaphore(%run_scoped3A_29 : memref<!tpu.dma_semaphore, #tpu.memory_space<semaphore_mem>>) src(%dma_wait3A_36 : memref<640x160xf32, #tpu.memory_space<hbm>>) dst(%dma_wait3A_34 : memref<640x160xf32, #tpu.memory_space<vmem_shared>>)
      tpu.yield
    }) : () -> ()
    %run_scoped3A = arith.constant 0 : i32
    %run_scoped3A_5 = arith.constant 0 : i32
    "tpu.region"() ({
      %run_scoped3A_29 = tpu.sem_alloc : memref<!tpu.dma_semaphore, #tpu.memory_space<semaphore_mem>>
      %dma_start3A_30 = arith.constant 0 : i32
      %dma_start3A_31 = tpu.memref_slice %arg7[%run_scoped3A_5, %dma_start3A_30] : memref<2x80xi32, #tpu.memory_space<vmem>> -> memref<1x80xi32, #tpu.memory_space<vmem>>
      %dma_start3A_32 = tpu.memref_squeeze %dma_start3A_31 : memref<1x80xi32, #tpu.memory_space<vmem>> -> memref<80xi32, #tpu.memory_space<vmem>>
      %dma_start3A_33 = arith.constant 0 : i32
      %dma_start3A_34 = tpu.memref_slice %arg3[%arg0, %arg1, %run_scoped3A, %dma_start3A_33] : memref<2x16x128x80xi32, #tpu.memory_space<hbm>> -> memref<1x1x1x80xi32, #tpu.memory_space<hbm>>
      %dma_start3A_35 = tpu.memref_squeeze %dma_start3A_34 : memref<1x1x1x80xi32, #tpu.memory_space<hbm>> -> memref<80xi32, #tpu.memory_space<hbm>>
      %dma_start3A_36 = arith.constant 0 : i32
      %dma_start3A_37 = tpu.memref_slice %arg7[%run_scoped3A_5, %dma_start3A_36] : memref<2x80xi32, #tpu.memory_space<vmem>> -> memref<1x80xi32, #tpu.memory_space<vmem>>
      %dma_start3A_38 = tpu.memref_squeeze %dma_start3A_37 : memref<1x80xi32, #tpu.memory_space<vmem>> -> memref<80xi32, #tpu.memory_space<vmem>>
      %dma_start3A_39 = arith.constant 0 : i32
      %dma_start3A_40 = tpu.memref_slice %arg3[%arg0, %arg1, %run_scoped3A, %dma_start3A_39] : memref<2x16x128x80xi32, #tpu.memory_space<hbm>> -> memref<1x1x1x80xi32, #tpu.memory_space<hbm>>
      %dma_start3A_41 = tpu.memref_squeeze %dma_start3A_40 : memref<1x1x1x80xi32, #tpu.memory_space<hbm>> -> memref<80xi32, #tpu.memory_space<hbm>>
      tpu.enqueue_dma source(%dma_start3A_41 : memref<80xi32, #tpu.memory_space<hbm>>) target(%dma_start3A_38 : memref<80xi32, #tpu.memory_space<vmem>>) target_semaphore(%run_scoped3A_29 : memref<!tpu.dma_semaphore, #tpu.memory_space<semaphore_mem>>)
      %dma_wait3A = arith.constant 0 : i32
      %dma_wait3A_42 = tpu.memref_slice %arg7[%run_scoped3A_5, %dma_wait3A] : memref<2x80xi32, #tpu.memory_space<vmem>> -> memref<1x80xi32, #tpu.memory_space<vmem>>
      %dma_wait3A_43 = tpu.memref_squeeze %dma_wait3A_42 : memref<1x80xi32, #tpu.memory_space<vmem>> -> memref<80xi32, #tpu.memory_space<vmem>>
      %dma_wait3A_44 = arith.constant 0 : i32
      %dma_wait3A_45 = tpu.memref_slice %arg3[%arg0, %arg1, %run_scoped3A, %dma_wait3A_44] : memref<2x16x128x80xi32, #tpu.memory_space<hbm>> -> memref<1x1x1x80xi32, #tpu.memory_space<hbm>>
      %dma_wait3A_46 = tpu.memref_squeeze %dma_wait3A_45 : memref<1x1x1x80xi32, #tpu.memory_space<hbm>> -> memref<80xi32, #tpu.memory_space<hbm>>
      %dma_wait3A_47 = arith.constant 0 : i32
      %dma_wait3A_48 = tpu.memref_slice %arg7[%run_scoped3A_5, %dma_wait3A_47] : memref<2x80xi32, #tpu.memory_space<vmem>> -> memref<1x80xi32, #tpu.memory_space<vmem>>
      %dma_wait3A_49 = tpu.memref_squeeze %dma_wait3A_48 : memref<1x80xi32, #tpu.memory_space<vmem>> -> memref<80xi32, #tpu.memory_space<vmem>>
      %dma_wait3A_50 = arith.constant 0 : i32
      %dma_wait3A_51 = tpu.memref_slice %arg3[%arg0, %arg1, %run_scoped3A, %dma_wait3A_50] : memref<2x16x128x80xi32, #tpu.memory_space<hbm>> -> memref<1x1x1x80xi32, #tpu.memory_space<hbm>>
      %dma_wait3A_52 = tpu.memref_squeeze %dma_wait3A_51 : memref<1x1x1x80xi32, #tpu.memory_space<hbm>> -> memref<80xi32, #tpu.memory_space<hbm>>
      tpu.wait_dma2 semaphore(%run_scoped3A_29 : memref<!tpu.dma_semaphore, #tpu.memory_space<semaphore_mem>>) src(%dma_wait3A_52 : memref<80xi32, #tpu.memory_space<hbm>>) dst(%dma_wait3A_49 : memref<80xi32, #tpu.memory_space<vmem>>)
      tpu.yield
    }) : () -> ()
    %run_scoped3A_6 = arith.constant 0 : i32
    %run_scoped3A_7 = arith.constant 0 : i32
    "tpu.region"() ({
      %run_scoped3A_29 = tpu.sem_alloc : memref<!tpu.dma_semaphore, #tpu.memory_space<semaphore_mem>>
      %dma_start3A_30 = arith.constant 0 : i32
      %dma_start3A_31 = tpu.memref_slice %arg8[%run_scoped3A_7, %dma_start3A_30] : memref<2x80xi32, #tpu.memory_space<vmem>> -> memref<1x80xi32, #tpu.memory_space<vmem>>
      %dma_start3A_32 = tpu.memref_squeeze %dma_start3A_31 : memref<1x80xi32, #tpu.memory_space<vmem>> -> memref<80xi32, #tpu.memory_space<vmem>>
      %dma_start3A_33 = arith.constant 0 : i32
      %dma_start3A_34 = tpu.memref_slice %arg4[%arg1, %run_scoped3A_6, %dma_start3A_33] : memref<16x128x80xi32, #tpu.memory_space<hbm>> -> memref<1x1x80xi32, #tpu.memory_space<hbm>>
      %dma_start3A_35 = tpu.memref_squeeze %dma_start3A_34 : memref<1x1x80xi32, #tpu.memory_space<hbm>> -> memref<80xi32, #tpu.memory_space<hbm>>
      %dma_start3A_36 = arith.constant 0 : i32
      %dma_start3A_37 = tpu.memref_slice %arg8[%run_scoped3A_7, %dma_start3A_36] : memref<2x80xi32, #tpu.memory_space<vmem>> -> memref<1x80xi32, #tpu.memory_space<vmem>>
      %dma_start3A_38 = tpu.memref_squeeze %dma_start3A_37 : memref<1x80xi32, #tpu.memory_space<vmem>> -> memref<80xi32, #tpu.memory_space<vmem>>
      %dma_start3A_39 = arith.constant 0 : i32
      %dma_start3A_40 = tpu.memref_slice %arg4[%arg1, %run_scoped3A_6, %dma_start3A_39] : memref<16x128x80xi32, #tpu.memory_space<hbm>> -> memref<1x1x80xi32, #tpu.memory_space<hbm>>
      %dma_start3A_41 = tpu.memref_squeeze %dma_start3A_40 : memref<1x1x80xi32, #tpu.memory_space<hbm>> -> memref<80xi32, #tpu.memory_space<hbm>>
      tpu.enqueue_dma source(%dma_start3A_41 : memref<80xi32, #tpu.memory_space<hbm>>) target(%dma_start3A_38 : memref<80xi32, #tpu.memory_space<vmem>>) target_semaphore(%run_scoped3A_29 : memref<!tpu.dma_semaphore, #tpu.memory_space<semaphore_mem>>)
      %dma_wait3A = arith.constant 0 : i32
      %dma_wait3A_42 = tpu.memref_slice %arg8[%run_scoped3A_7, %dma_wait3A] : memref<2x80xi32, #tpu.memory_space<vmem>> -> memref<1x80xi32, #tpu.memory_space<vmem>>
      %dma_wait3A_43 = tpu.memref_squeeze %dma_wait3A_42 : memref<1x80xi32, #tpu.memory_space<vmem>> -> memref<80xi32, #tpu.memory_space<vmem>>
      %dma_wait3A_44 = arith.constant 0 : i32
      %dma_wait3A_45 = tpu.memref_slice %arg4[%arg1, %run_scoped3A_6, %dma_wait3A_44] : memref<16x128x80xi32, #tpu.memory_space<hbm>> -> memref<1x1x80xi32, #tpu.memory_space<hbm>>
      %dma_wait3A_46 = tpu.memref_squeeze %dma_wait3A_45 : memref<1x1x80xi32, #tpu.memory_space<hbm>> -> memref<80xi32, #tpu.memory_space<hbm>>
      %dma_wait3A_47 = arith.constant 0 : i32
      %dma_wait3A_48 = tpu.memref_slice %arg8[%run_scoped3A_7, %dma_wait3A_47] : memref<2x80xi32, #tpu.memory_space<vmem>> -> memref<1x80xi32, #tpu.memory_space<vmem>>
      %dma_wait3A_49 = tpu.memref_squeeze %dma_wait3A_48 : memref<1x80xi32, #tpu.memory_space<vmem>> -> memref<80xi32, #tpu.memory_space<vmem>>
      %dma_wait3A_50 = arith.constant 0 : i32
      %dma_wait3A_51 = tpu.memref_slice %arg4[%arg1, %run_scoped3A_6, %dma_wait3A_50] : memref<16x128x80xi32, #tpu.memory_space<hbm>> -> memref<1x1x80xi32, #tpu.memory_space<hbm>>
      %dma_wait3A_52 = tpu.memref_squeeze %dma_wait3A_51 : memref<1x1x80xi32, #tpu.memory_space<hbm>> -> memref<80xi32, #tpu.memory_space<hbm>>
      tpu.wait_dma2 semaphore(%run_scoped3A_29 : memref<!tpu.dma_semaphore, #tpu.memory_space<semaphore_mem>>) src(%dma_wait3A_52 : memref<80xi32, #tpu.memory_space<hbm>>) dst(%dma_wait3A_49 : memref<80xi32, #tpu.memory_space<vmem>>)
      tpu.yield
    }) : () -> ()
    %barrier3A = arith.constant 0 : index
    tpu.barrier barrier_id(%barrier3A)
    %dma_start3A = arith.constant 0 : i32
    %dma_start3A_8 = arith.constant 0 : i32
    %dma_start3A_9 = arith.constant 0 : i32
    %dma_start3A_10 = arith.constant 0 : i32
    %dma_start3A_11 = tpu.memref_slice %arg9[%dma_start3A_8, %dma_start3A_9, %dma_start3A_10] : memref<2x80x160xf32, #tpu.memory_space<vmem>> -> memref<1x80x160xf32, #tpu.memory_space<vmem>>
    %dma_start3A_12 = tpu.memref_squeeze %dma_start3A_11 : memref<1x80x160xf32, #tpu.memory_space<vmem>> -> memref<80x160xf32, #tpu.memory_space<vmem>>
    %dma_start3A_13 = arith.constant 0 : i32
    %dma_start3A_14 = tpu.memref_slice %arg7[%dma_start3A, %dma_start3A_13] : memref<2x80xi32, #tpu.memory_space<vmem>> -> memref<1x80xi32, #tpu.memory_space<vmem>>
    %dma_start3A_15 = tpu.memref_squeeze %dma_start3A_14 : memref<1x80xi32, #tpu.memory_space<vmem>> -> memref<80xi32, #tpu.memory_space<vmem>>
    %dma_start3A_16 = arith.constant 0 : i32
    %dma_start3A_17 = arith.constant 0 : i32
    %dma_start3A_18 = tpu.memref_slice %arg2[%dma_start3A_16, %dma_start3A_17] : memref<20480x160xf32, #tpu.memory_space<hbm>> -> memref<20480x160xf32, #tpu.memory_space<hbm>>
    tpu.enqueue_indirect_dma source(%dma_start3A_18 : memref<20480x160xf32, #tpu.memory_space<hbm>>) target(%dma_start3A_12 : memref<80x160xf32, #tpu.memory_space<vmem>>) offsets(%dma_start3A_15 : memref<80xi32, #tpu.memory_space<vmem>>) semaphore(%arg10 : memref<!tpu.dma_semaphore, #tpu.memory_space<semaphore_mem>>)
    %scan3A = arith.constant 0 : i32
    %scan3A_19 = arith.constant 0 : i32
    %scan3A_20 = arith.constant 64 : i32
    %scan3A_21 = arith.addi %scan3A_19, %scan3A_20 : i32
    %scan3A_22 = arith.constant 1 : i32
    scf.for %scan3A_29 = %scan3A_19 to %scan3A_21 step %scan3A_22  : i32 {
      %mul3A_30 = arith.constant 2 : i32
      %mul3A_31 = arith.muli %mul3A_30, %scan3A_29 : i32
      %add3A_32 = arith.constant 1 : i32
      %add3A_33 = arith.addi %mul3A_31, %add3A_32 : i32
      %run_scoped3A_34 = arith.constant 1 : i32
      "tpu.region"() ({
        %run_scoped3A_79 = tpu.sem_alloc : memref<!tpu.dma_semaphore, #tpu.memory_space<semaphore_mem>>
        %dma_start3A_80 = arith.constant 0 : i32
        %dma_start3A_81 = tpu.memref_slice %arg7[%run_scoped3A_34, %dma_start3A_80] : memref<2x80xi32, #tpu.memory_space<vmem>> -> memref<1x80xi32, #tpu.memory_space<vmem>>
        %dma_start3A_82 = tpu.memref_squeeze %dma_start3A_81 : memref<1x80xi32, #tpu.memory_space<vmem>> -> memref<80xi32, #tpu.memory_space<vmem>>
        %dma_start3A_83 = arith.constant 0 : i32
        %dma_start3A_84 = tpu.memref_slice %arg3[%arg0, %arg1, %add3A_33, %dma_start3A_83] : memref<2x16x128x80xi32, #tpu.memory_space<hbm>> -> memref<1x1x1x80xi32, #tpu.memory_space<hbm>>
        %dma_start3A_85 = tpu.memref_squeeze %dma_start3A_84 : memref<1x1x1x80xi32, #tpu.memory_space<hbm>> -> memref<80xi32, #tpu.memory_space<hbm>>
        %dma_start3A_86 = arith.constant 0 : i32
        %dma_start3A_87 = tpu.memref_slice %arg7[%run_scoped3A_34, %dma_start3A_86] : memref<2x80xi32, #tpu.memory_space<vmem>> -> memref<1x80xi32, #tpu.memory_space<vmem>>
        %dma_start3A_88 = tpu.memref_squeeze %dma_start3A_87 : memref<1x80xi32, #tpu.memory_space<vmem>> -> memref<80xi32, #tpu.memory_space<vmem>>
        %dma_start3A_89 = arith.constant 0 : i32
        %dma_start3A_90 = tpu.memref_slice %arg3[%arg0, %arg1, %add3A_33, %dma_start3A_89] : memref<2x16x128x80xi32, #tpu.memory_space<hbm>> -> memref<1x1x1x80xi32, #tpu.memory_space<hbm>>
        %dma_start3A_91 = tpu.memref_squeeze %dma_start3A_90 : memref<1x1x1x80xi32, #tpu.memory_space<hbm>> -> memref<80xi32, #tpu.memory_space<hbm>>
        tpu.enqueue_dma source(%dma_start3A_91 : memref<80xi32, #tpu.memory_space<hbm>>) target(%dma_start3A_88 : memref<80xi32, #tpu.memory_space<vmem>>) target_semaphore(%run_scoped3A_79 : memref<!tpu.dma_semaphore, #tpu.memory_space<semaphore_mem>>)
        %dma_wait3A_92 = arith.constant 0 : i32
        %dma_wait3A_93 = tpu.memref_slice %arg7[%run_scoped3A_34, %dma_wait3A_92] : memref<2x80xi32, #tpu.memory_space<vmem>> -> memref<1x80xi32, #tpu.memory_space<vmem>>
        %dma_wait3A_94 = tpu.memref_squeeze %dma_wait3A_93 : memref<1x80xi32, #tpu.memory_space<vmem>> -> memref<80xi32, #tpu.memory_space<vmem>>
        %dma_wait3A_95 = arith.constant 0 : i32
        %dma_wait3A_96 = tpu.memref_slice %arg3[%arg0, %arg1, %add3A_33, %dma_wait3A_95] : memref<2x16x128x80xi32, #tpu.memory_space<hbm>> -> memref<1x1x1x80xi32, #tpu.memory_space<hbm>>
        %dma_wait3A_97 = tpu.memref_squeeze %dma_wait3A_96 : memref<1x1x1x80xi32, #tpu.memory_space<hbm>> -> memref<80xi32, #tpu.memory_space<hbm>>
        %dma_wait3A_98 = arith.constant 0 : i32
        %dma_wait3A_99 = tpu.memref_slice %arg7[%run_scoped3A_34, %dma_wait3A_98] : memref<2x80xi32, #tpu.memory_space<vmem>> -> memref<1x80xi32, #tpu.memory_space<vmem>>
        %dma_wait3A_100 = tpu.memref_squeeze %dma_wait3A_99 : memref<1x80xi32, #tpu.memory_space<vmem>> -> memref<80xi32, #tpu.memory_space<vmem>>
        %dma_wait3A_101 = arith.constant 0 : i32
        %dma_wait3A_102 = tpu.memref_slice %arg3[%arg0, %arg1, %add3A_33, %dma_wait3A_101] : memref<2x16x128x80xi32, #tpu.memory_space<hbm>> -> memref<1x1x1x80xi32, #tpu.memory_space<hbm>>
        %dma_wait3A_103 = tpu.memref_squeeze %dma_wait3A_102 : memref<1x1x1x80xi32, #tpu.memory_space<hbm>> -> memref<80xi32, #tpu.memory_space<hbm>>
        tpu.wait_dma2 semaphore(%run_scoped3A_79 : memref<!tpu.dma_semaphore, #tpu.memory_space<semaphore_mem>>) src(%dma_wait3A_103 : memref<80xi32, #tpu.memory_space<hbm>>) dst(%dma_wait3A_100 : memref<80xi32, #tpu.memory_space<vmem>>)
        tpu.yield
      }) : () -> ()
      %run_scoped3A_35 = arith.constant 1 : i32
      "tpu.region"() ({
        %run_scoped3A_79 = tpu.sem_alloc : memref<!tpu.dma_semaphore, #tpu.memory_space<semaphore_mem>>
        %dma_start3A_80 = arith.constant 0 : i32
        %dma_start3A_81 = tpu.memref_slice %arg8[%run_scoped3A_35, %dma_start3A_80] : memref<2x80xi32, #tpu.memory_space<vmem>> -> memref<1x80xi32, #tpu.memory_space<vmem>>
        %dma_start3A_82 = tpu.memref_squeeze %dma_start3A_81 : memref<1x80xi32, #tpu.memory_space<vmem>> -> memref<80xi32, #tpu.memory_space<vmem>>
        %dma_start3A_83 = arith.constant 0 : i32
        %dma_start3A_84 = tpu.memref_slice %arg4[%arg1, %add3A_33, %dma_start3A_83] : memref<16x128x80xi32, #tpu.memory_space<hbm>> -> memref<1x1x80xi32, #tpu.memory_space<hbm>>
        %dma_start3A_85 = tpu.memref_squeeze %dma_start3A_84 : memref<1x1x80xi32, #tpu.memory_space<hbm>> -> memref<80xi32, #tpu.memory_space<hbm>>
        %dma_start3A_86 = arith.constant 0 : i32
        %dma_start3A_87 = tpu.memref_slice %arg8[%run_scoped3A_35, %dma_start3A_86] : memref<2x80xi32, #tpu.memory_space<vmem>> -> memref<1x80xi32, #tpu.memory_space<vmem>>
        %dma_start3A_88 = tpu.memref_squeeze %dma_start3A_87 : memref<1x80xi32, #tpu.memory_space<vmem>> -> memref<80xi32, #tpu.memory_space<vmem>>
        %dma_start3A_89 = arith.constant 0 : i32
        %dma_start3A_90 = tpu.memref_slice %arg4[%arg1, %add3A_33, %dma_start3A_89] : memref<16x128x80xi32, #tpu.memory_space<hbm>> -> memref<1x1x80xi32, #tpu.memory_space<hbm>>
        %dma_start3A_91 = tpu.memref_squeeze %dma_start3A_90 : memref<1x1x80xi32, #tpu.memory_space<hbm>> -> memref<80xi32, #tpu.memory_space<hbm>>
        tpu.enqueue_dma source(%dma_start3A_91 : memref<80xi32, #tpu.memory_space<hbm>>) target(%dma_start3A_88 : memref<80xi32, #tpu.memory_space<vmem>>) target_semaphore(%run_scoped3A_79 : memref<!tpu.dma_semaphore, #tpu.memory_space<semaphore_mem>>)
        %dma_wait3A_92 = arith.constant 0 : i32
        %dma_wait3A_93 = tpu.memref_slice %arg8[%run_scoped3A_35, %dma_wait3A_92] : memref<2x80xi32, #tpu.memory_space<vmem>> -> memref<1x80xi32, #tpu.memory_space<vmem>>
        %dma_wait3A_94 = tpu.memref_squeeze %dma_wait3A_93 : memref<1x80xi32, #tpu.memory_space<vmem>> -> memref<80xi32, #tpu.memory_space<vmem>>
        %dma_wait3A_95 = arith.constant 0 : i32
        %dma_wait3A_96 = tpu.memref_slice %arg4[%arg1, %add3A_33, %dma_wait3A_95] : memref<16x128x80xi32, #tpu.memory_space<hbm>> -> memref<1x1x80xi32, #tpu.memory_space<hbm>>
        %dma_wait3A_97 = tpu.memref_squeeze %dma_wait3A_96 : memref<1x1x80xi32, #tpu.memory_space<hbm>> -> memref<80xi32, #tpu.memory_space<hbm>>
        %dma_wait3A_98 = arith.constant 0 : i32
        %dma_wait3A_99 = tpu.memref_slice %arg8[%run_scoped3A_35, %dma_wait3A_98] : memref<2x80xi32, #tpu.memory_space<vmem>> -> memref<1x80xi32, #tpu.memory_space<vmem>>
        %dma_wait3A_100 = tpu.memref_squeeze %dma_wait3A_99 : memref<1x80xi32, #tpu.memory_space<vmem>> -> memref<80xi32, #tpu.memory_space<vmem>>
        %dma_wait3A_101 = arith.constant 0 : i32
        %dma_wait3A_102 = tpu.memref_slice %arg4[%arg1, %add3A_33, %dma_wait3A_101] : memref<16x128x80xi32, #tpu.memory_space<hbm>> -> memref<1x1x80xi32, #tpu.memory_space<hbm>>
        %dma_wait3A_103 = tpu.memref_squeeze %dma_wait3A_102 : memref<1x1x80xi32, #tpu.memory_space<hbm>> -> memref<80xi32, #tpu.memory_space<hbm>>
        tpu.wait_dma2 semaphore(%run_scoped3A_79 : memref<!tpu.dma_semaphore, #tpu.memory_space<semaphore_mem>>) src(%dma_wait3A_103 : memref<80xi32, #tpu.memory_space<hbm>>) dst(%dma_wait3A_100 : memref<80xi32, #tpu.memory_space<vmem>>)
        tpu.yield
      }) : () -> ()
      %dma_start3A_36 = arith.constant 1 : i32
      %dma_start3A_37 = arith.constant 1 : i32
      %dma_start3A_38 = arith.constant 0 : i32
      %dma_start3A_39 = arith.constant 0 : i32
      %dma_start3A_40 = tpu.memref_slice %arg9[%dma_start3A_37, %dma_start3A_38, %dma_start3A_39] : memref<2x80x160xf32, #tpu.memory_space<vmem>> -> memref<1x80x160xf32, #tpu.memory_space<vmem>>
      %dma_start3A_41 = tpu.memref_squeeze %dma_start3A_40 : memref<1x80x160xf32, #tpu.memory_space<vmem>> -> memref<80x160xf32, #tpu.memory_space<vmem>>
      %dma_start3A_42 = arith.constant 0 : i32
      %dma_start3A_43 = tpu.memref_slice %arg7[%dma_start3A_36, %dma_start3A_42] : memref<2x80xi32, #tpu.memory_space<vmem>> -> memref<1x80xi32, #tpu.memory_space<vmem>>
      %dma_start3A_44 = tpu.memref_squeeze %dma_start3A_43 : memref<1x80xi32, #tpu.memory_space<vmem>> -> memref<80xi32, #tpu.memory_space<vmem>>
      %dma_start3A_45 = arith.constant 0 : i32
      %dma_start3A_46 = arith.constant 0 : i32
      %dma_start3A_47 = tpu.memref_slice %arg2[%dma_start3A_45, %dma_start3A_46] : memref<20480x160xf32, #tpu.memory_space<hbm>> -> memref<20480x160xf32, #tpu.memory_space<hbm>>
      tpu.enqueue_indirect_dma source(%dma_start3A_47 : memref<20480x160xf32, #tpu.memory_space<hbm>>) target(%dma_start3A_41 : memref<80x160xf32, #tpu.memory_space<vmem>>) offsets(%dma_start3A_44 : memref<80xi32, #tpu.memory_space<vmem>>) semaphore(%arg11 : memref<!tpu.dma_semaphore, #tpu.memory_space<semaphore_mem>>)
      %dma_wait3A = arith.constant 0 : i32
      %dma_wait3A_48 = arith.constant 0 : i32
      %dma_wait3A_49 = arith.constant 0 : i32
      %dma_wait3A_50 = arith.constant 0 : i32
      %dma_wait3A_51 = tpu.memref_slice %arg9[%dma_wait3A_48, %dma_wait3A_49, %dma_wait3A_50] : memref<2x80x160xf32, #tpu.memory_space<vmem>> -> memref<1x80x160xf32, #tpu.memory_space<vmem>>
      %dma_wait3A_52 = tpu.memref_squeeze %dma_wait3A_51 : memref<1x80x160xf32, #tpu.memory_space<vmem>> -> memref<80x160xf32, #tpu.memory_space<vmem>>
      %dma_wait3A_53 = arith.constant 0 : i32
      %dma_wait3A_54 = tpu.memref_slice %arg7[%dma_wait3A, %dma_wait3A_53] : memref<2x80xi32, #tpu.memory_space<vmem>> -> memref<1x80xi32, #tpu.memory_space<vmem>>
      %dma_wait3A_55 = tpu.memref_squeeze %dma_wait3A_54 : memref<1x80xi32, #tpu.memory_space<vmem>> -> memref<80xi32, #tpu.memory_space<vmem>>
      %dma_wait3A_56 = arith.constant 0 : i32
      %dma_wait3A_57 = arith.constant 0 : i32
      %dma_wait3A_58 = tpu.memref_slice %arg2[%dma_wait3A_56, %dma_wait3A_57] : memref<20480x160xf32, #tpu.memory_space<hbm>> -> memref<20480x160xf32, #tpu.memory_space<hbm>>
      tpu.wait_indirect_dma semaphore(%arg10 : memref<!tpu.dma_semaphore, #tpu.memory_space<semaphore_mem>>) src(%dma_wait3A_58 : memref<20480x160xf32, #tpu.memory_space<hbm>>) dst(%dma_wait3A_52 : memref<80x160xf32, #tpu.memory_space<vmem>>)
      %run_scoped3A_59 = arith.constant 0 : i32
      %run_scoped3A_60 = arith.constant 0 : i32
      "tpu.region"() ({
        %run_scoped3A_79 = tpu.sem_alloc : memref<!tpu.dma_semaphore, #tpu.memory_space<semaphore_mem>>
        %dma_start3A_80 = arith.constant 0 : i32
        %dma_start3A_81 = arith.constant 0 : i32
        %dma_start3A_82 = tpu.memref_slice %arg9[%run_scoped3A_59, %dma_start3A_80, %dma_start3A_81] : memref<2x80x160xf32, #tpu.memory_space<vmem>> -> memref<1x80x160xf32, #tpu.memory_space<vmem>>
        %dma_start3A_83 = tpu.memref_squeeze %dma_start3A_82 : memref<1x80x160xf32, #tpu.memory_space<vmem>> -> memref<80x160xf32, #tpu.memory_space<vmem>>
        %dma_start3A_84 = arith.constant 0 : i32
        %dma_start3A_85 = tpu.memref_slice %arg8[%run_scoped3A_60, %dma_start3A_84] : memref<2x80xi32, #tpu.memory_space<vmem>> -> memref<1x80xi32, #tpu.memory_space<vmem>>
        %dma_start3A_86 = tpu.memref_squeeze %dma_start3A_85 : memref<1x80xi32, #tpu.memory_space<vmem>> -> memref<80xi32, #tpu.memory_space<vmem>>
        %dma_start3A_87 = arith.constant 0 : i32
        %dma_start3A_88 = arith.constant 0 : i32
        %dma_start3A_89 = tpu.memref_slice %arg6[%dma_start3A_87, %dma_start3A_88] : memref<10240x160xf32, #tpu.memory_space<vmem_shared>> -> memref<10240x160xf32, #tpu.memory_space<vmem_shared>>
        tpu.enqueue_indirect_dma source(%dma_start3A_83 : memref<80x160xf32, #tpu.memory_space<vmem>>) target(%dma_start3A_89 : memref<10240x160xf32, #tpu.memory_space<vmem_shared>>) offsets(%dma_start3A_86 : memref<80xi32, #tpu.memory_space<vmem>>) semaphore(%run_scoped3A_79 : memref<!tpu.dma_semaphore, #tpu.memory_space<semaphore_mem>>) {add = true}
        %dma_wait3A_90 = arith.constant 0 : i32
        %dma_wait3A_91 = arith.constant 0 : i32
        %dma_wait3A_92 = tpu.memref_slice %arg9[%run_scoped3A_59, %dma_wait3A_90, %dma_wait3A_91] : memref<2x80x160xf32, #tpu.memory_space<vmem>> -> memref<1x80x160xf32, #tpu.memory_space<vmem>>
        %dma_wait3A_93 = tpu.memref_squeeze %dma_wait3A_92 : memref<1x80x160xf32, #tpu.memory_space<vmem>> -> memref<80x160xf32, #tpu.memory_space<vmem>>
        %dma_wait3A_94 = arith.constant 0 : i32
        %dma_wait3A_95 = tpu.memref_slice %arg8[%run_scoped3A_60, %dma_wait3A_94] : memref<2x80xi32, #tpu.memory_space<vmem>> -> memref<1x80xi32, #tpu.memory_space<vmem>>
        %dma_wait3A_96 = tpu.memref_squeeze %dma_wait3A_95 : memref<1x80xi32, #tpu.memory_space<vmem>> -> memref<80xi32, #tpu.memory_space<vmem>>
        %dma_wait3A_97 = arith.constant 0 : i32
        %dma_wait3A_98 = arith.constant 0 : i32
        %dma_wait3A_99 = tpu.memref_slice %arg6[%dma_wait3A_97, %dma_wait3A_98] : memref<10240x160xf32, #tpu.memory_space<vmem_shared>> -> memref<10240x160xf32, #tpu.memory_space<vmem_shared>>
        tpu.wait_indirect_dma semaphore(%run_scoped3A_79 : memref<!tpu.dma_semaphore, #tpu.memory_space<semaphore_mem>>) src(%dma_wait3A_93 : memref<80x160xf32, #tpu.memory_space<vmem>>) dst(%dma_wait3A_99 : memref<10240x160xf32, #tpu.memory_space<vmem_shared>>)
        tpu.yield
      }) : () -> ()
      %add3A_61 = arith.constant 2 : i32
      %add3A_62 = arith.addi %mul3A_31, %add3A_61 : i32
      %lt3A = arith.constant 128 : i32
      %lt3A_63 = arith.cmpi slt, %add3A_62, %lt3A : i32
      %convert_element_type3A = arith.extui %lt3A_63 : i1 to i32
      %cond3A = arith.constant 0 : i32
      %cond3A_64 = arith.cmpi ne, %convert_element_type3A, %cond3A : i32
      scf.if %cond3A_64 {
        %add3A_79 = arith.constant 2 : i32
        %add3A_80 = arith.addi %mul3A_31, %add3A_79 : i32
        %run_scoped3A_81 = arith.constant 0 : i32
        "tpu.region"() ({
          %run_scoped3A_95 = tpu.sem_alloc : memref<!tpu.dma_semaphore, #tpu.memory_space<semaphore_mem>>
          %dma_start3A_96 = arith.constant 0 : i32
          %dma_start3A_97 = tpu.memref_slice %arg7[%run_scoped3A_81, %dma_start3A_96] : memref<2x80xi32, #tpu.memory_space<vmem>> -> memref<1x80xi32, #tpu.memory_space<vmem>>
          %dma_start3A_98 = tpu.memref_squeeze %dma_start3A_97 : memref<1x80xi32, #tpu.memory_space<vmem>> -> memref<80xi32, #tpu.memory_space<vmem>>
          %dma_start3A_99 = arith.constant 0 : i32
          %dma_start3A_100 = tpu.memref_slice %arg3[%arg0, %arg1, %add3A_80, %dma_start3A_99] : memref<2x16x128x80xi32, #tpu.memory_space<hbm>> -> memref<1x1x1x80xi32, #tpu.memory_space<hbm>>
          %dma_start3A_101 = tpu.memref_squeeze %dma_start3A_100 : memref<1x1x1x80xi32, #tpu.memory_space<hbm>> -> memref<80xi32, #tpu.memory_space<hbm>>
          %dma_start3A_102 = arith.constant 0 : i32
          %dma_start3A_103 = tpu.memref_slice %arg7[%run_scoped3A_81, %dma_start3A_102] : memref<2x80xi32, #tpu.memory_space<vmem>> -> memref<1x80xi32, #tpu.memory_space<vmem>>
          %dma_start3A_104 = tpu.memref_squeeze %dma_start3A_103 : memref<1x80xi32, #tpu.memory_space<vmem>> -> memref<80xi32, #tpu.memory_space<vmem>>
          %dma_start3A_105 = arith.constant 0 : i32
          %dma_start3A_106 = tpu.memref_slice %arg3[%arg0, %arg1, %add3A_80, %dma_start3A_105] : memref<2x16x128x80xi32, #tpu.memory_space<hbm>> -> memref<1x1x1x80xi32, #tpu.memory_space<hbm>>
          %dma_start3A_107 = tpu.memref_squeeze %dma_start3A_106 : memref<1x1x1x80xi32, #tpu.memory_space<hbm>> -> memref<80xi32, #tpu.memory_space<hbm>>
          tpu.enqueue_dma source(%dma_start3A_107 : memref<80xi32, #tpu.memory_space<hbm>>) target(%dma_start3A_104 : memref<80xi32, #tpu.memory_space<vmem>>) target_semaphore(%run_scoped3A_95 : memref<!tpu.dma_semaphore, #tpu.memory_space<semaphore_mem>>)
          %dma_wait3A_108 = arith.constant 0 : i32
          %dma_wait3A_109 = tpu.memref_slice %arg7[%run_scoped3A_81, %dma_wait3A_108] : memref<2x80xi32, #tpu.memory_space<vmem>> -> memref<1x80xi32, #tpu.memory_space<vmem>>
          %dma_wait3A_110 = tpu.memref_squeeze %dma_wait3A_109 : memref<1x80xi32, #tpu.memory_space<vmem>> -> memref<80xi32, #tpu.memory_space<vmem>>
          %dma_wait3A_111 = arith.constant 0 : i32
          %dma_wait3A_112 = tpu.memref_slice %arg3[%arg0, %arg1, %add3A_80, %dma_wait3A_111] : memref<2x16x128x80xi32, #tpu.memory_space<hbm>> -> memref<1x1x1x80xi32, #tpu.memory_space<hbm>>
          %dma_wait3A_113 = tpu.memref_squeeze %dma_wait3A_112 : memref<1x1x1x80xi32, #tpu.memory_space<hbm>> -> memref<80xi32, #tpu.memory_space<hbm>>
          %dma_wait3A_114 = arith.constant 0 : i32
          %dma_wait3A_115 = tpu.memref_slice %arg7[%run_scoped3A_81, %dma_wait3A_114] : memref<2x80xi32, #tpu.memory_space<vmem>> -> memref<1x80xi32, #tpu.memory_space<vmem>>
          %dma_wait3A_116 = tpu.memref_squeeze %dma_wait3A_115 : memref<1x80xi32, #tpu.memory_space<vmem>> -> memref<80xi32, #tpu.memory_space<vmem>>
          %dma_wait3A_117 = arith.constant 0 : i32
          %dma_wait3A_118 = tpu.memref_slice %arg3[%arg0, %arg1, %add3A_80, %dma_wait3A_117] : memref<2x16x128x80xi32, #tpu.memory_space<hbm>> -> memref<1x1x1x80xi32, #tpu.memory_space<hbm>>
          %dma_wait3A_119 = tpu.memref_squeeze %dma_wait3A_118 : memref<1x1x1x80xi32, #tpu.memory_space<hbm>> -> memref<80xi32, #tpu.memory_space<hbm>>
          tpu.wait_dma2 semaphore(%run_scoped3A_95 : memref<!tpu.dma_semaphore, #tpu.memory_space<semaphore_mem>>) src(%dma_wait3A_119 : memref<80xi32, #tpu.memory_space<hbm>>) dst(%dma_wait3A_116 : memref<80xi32, #tpu.memory_space<vmem>>)
          tpu.yield
        }) : () -> ()
        %run_scoped3A_82 = arith.constant 0 : i32
        "tpu.region"() ({
          %run_scoped3A_95 = tpu.sem_alloc : memref<!tpu.dma_semaphore, #tpu.memory_space<semaphore_mem>>
          %dma_start3A_96 = arith.constant 0 : i32
          %dma_start3A_97 = tpu.memref_slice %arg8[%run_scoped3A_82, %dma_start3A_96] : memref<2x80xi32, #tpu.memory_space<vmem>> -> memref<1x80xi32, #tpu.memory_space<vmem>>
          %dma_start3A_98 = tpu.memref_squeeze %dma_start3A_97 : memref<1x80xi32, #tpu.memory_space<vmem>> -> memref<80xi32, #tpu.memory_space<vmem>>
          %dma_start3A_99 = arith.constant 0 : i32
          %dma_start3A_100 = tpu.memref_slice %arg4[%arg1, %add3A_80, %dma_start3A_99] : memref<16x128x80xi32, #tpu.memory_space<hbm>> -> memref<1x1x80xi32, #tpu.memory_space<hbm>>
          %dma_start3A_101 = tpu.memref_squeeze %dma_start3A_100 : memref<1x1x80xi32, #tpu.memory_space<hbm>> -> memref<80xi32, #tpu.memory_space<hbm>>
          %dma_start3A_102 = arith.constant 0 : i32
          %dma_start3A_103 = tpu.memref_slice %arg8[%run_scoped3A_82, %dma_start3A_102] : memref<2x80xi32, #tpu.memory_space<vmem>> -> memref<1x80xi32, #tpu.memory_space<vmem>>
          %dma_start3A_104 = tpu.memref_squeeze %dma_start3A_103 : memref<1x80xi32, #tpu.memory_space<vmem>> -> memref<80xi32, #tpu.memory_space<vmem>>
          %dma_start3A_105 = arith.constant 0 : i32
          %dma_start3A_106 = tpu.memref_slice %arg4[%arg1, %add3A_80, %dma_start3A_105] : memref<16x128x80xi32, #tpu.memory_space<hbm>> -> memref<1x1x80xi32, #tpu.memory_space<hbm>>
          %dma_start3A_107 = tpu.memref_squeeze %dma_start3A_106 : memref<1x1x80xi32, #tpu.memory_space<hbm>> -> memref<80xi32, #tpu.memory_space<hbm>>
          tpu.enqueue_dma source(%dma_start3A_107 : memref<80xi32, #tpu.memory_space<hbm>>) target(%dma_start3A_104 : memref<80xi32, #tpu.memory_space<vmem>>) target_semaphore(%run_scoped3A_95 : memref<!tpu.dma_semaphore, #tpu.memory_space<semaphore_mem>>)
          %dma_wait3A_108 = arith.constant 0 : i32
          %dma_wait3A_109 = tpu.memref_slice %arg8[%run_scoped3A_82, %dma_wait3A_108] : memref<2x80xi32, #tpu.memory_space<vmem>> -> memref<1x80xi32, #tpu.memory_space<vmem>>
          %dma_wait3A_110 = tpu.memref_squeeze %dma_wait3A_109 : memref<1x80xi32, #tpu.memory_space<vmem>> -> memref<80xi32, #tpu.memory_space<vmem>>
          %dma_wait3A_111 = arith.constant 0 : i32
          %dma_wait3A_112 = tpu.memref_slice %arg4[%arg1, %add3A_80, %dma_wait3A_111] : memref<16x128x80xi32, #tpu.memory_space<hbm>> -> memref<1x1x80xi32, #tpu.memory_space<hbm>>
          %dma_wait3A_113 = tpu.memref_squeeze %dma_wait3A_112 : memref<1x1x80xi32, #tpu.memory_space<hbm>> -> memref<80xi32, #tpu.memory_space<hbm>>
          %dma_wait3A_114 = arith.constant 0 : i32
          %dma_wait3A_115 = tpu.memref_slice %arg8[%run_scoped3A_82, %dma_wait3A_114] : memref<2x80xi32, #tpu.memory_space<vmem>> -> memref<1x80xi32, #tpu.memory_space<vmem>>
          %dma_wait3A_116 = tpu.memref_squeeze %dma_wait3A_115 : memref<1x80xi32, #tpu.memory_space<vmem>> -> memref<80xi32, #tpu.memory_space<vmem>>
          %dma_wait3A_117 = arith.constant 0 : i32
          %dma_wait3A_118 = tpu.memref_slice %arg4[%arg1, %add3A_80, %dma_wait3A_117] : memref<16x128x80xi32, #tpu.memory_space<hbm>> -> memref<1x1x80xi32, #tpu.memory_space<hbm>>
          %dma_wait3A_119 = tpu.memref_squeeze %dma_wait3A_118 : memref<1x1x80xi32, #tpu.memory_space<hbm>> -> memref<80xi32, #tpu.memory_space<hbm>>
          tpu.wait_dma2 semaphore(%run_scoped3A_95 : memref<!tpu.dma_semaphore, #tpu.memory_space<semaphore_mem>>) src(%dma_wait3A_119 : memref<80xi32, #tpu.memory_space<hbm>>) dst(%dma_wait3A_116 : memref<80xi32, #tpu.memory_space<vmem>>)
          tpu.yield
        }) : () -> ()
        %dma_start3A_83 = arith.constant 0 : i32
        %dma_start3A_84 = arith.constant 0 : i32
        %dma_start3A_85 = arith.constant 0 : i32
        %dma_start3A_86 = arith.constant 0 : i32
        %dma_start3A_87 = tpu.memref_slice %arg9[%dma_start3A_84, %dma_start3A_85, %dma_start3A_86] : memref<2x80x160xf32, #tpu.memory_space<vmem>> -> memref<1x80x160xf32, #tpu.memory_space<vmem>>
        %dma_start3A_88 = tpu.memref_squeeze %dma_start3A_87 : memref<1x80x160xf32, #tpu.memory_space<vmem>> -> memref<80x160xf32, #tpu.memory_space<vmem>>
        %dma_start3A_89 = arith.constant 0 : i32
        %dma_start3A_90 = tpu.memref_slice %arg7[%dma_start3A_83, %dma_start3A_89] : memref<2x80xi32, #tpu.memory_space<vmem>> -> memref<1x80xi32, #tpu.memory_space<vmem>>
        %dma_start3A_91 = tpu.memref_squeeze %dma_start3A_90 : memref<1x80xi32, #tpu.memory_space<vmem>> -> memref<80xi32, #tpu.memory_space<vmem>>
        %dma_start3A_92 = arith.constant 0 : i32
        %dma_start3A_93 = arith.constant 0 : i32
        %dma_start3A_94 = tpu.memref_slice %arg2[%dma_start3A_92, %dma_start3A_93] : memref<20480x160xf32, #tpu.memory_space<hbm>> -> memref<20480x160xf32, #tpu.memory_space<hbm>>
        tpu.enqueue_indirect_dma source(%dma_start3A_94 : memref<20480x160xf32, #tpu.memory_space<hbm>>) target(%dma_start3A_88 : memref<80x160xf32, #tpu.memory_space<vmem>>) offsets(%dma_start3A_91 : memref<80xi32, #tpu.memory_space<vmem>>) semaphore(%arg10 : memref<!tpu.dma_semaphore, #tpu.memory_space<semaphore_mem>>)
      } else {
      }
      %dma_wait3A_65 = arith.constant 1 : i32
      %dma_wait3A_66 = arith.constant 1 : i32
      %dma_wait3A_67 = arith.constant 0 : i32
      %dma_wait3A_68 = arith.constant 0 : i32
      %dma_wait3A_69 = tpu.memref_slice %arg9[%dma_wait3A_66, %dma_wait3A_67, %dma_wait3A_68] : memref<2x80x160xf32, #tpu.memory_space<vmem>> -> memref<1x80x160xf32, #tpu.memory_space<vmem>>
      %dma_wait3A_70 = tpu.memref_squeeze %dma_wait3A_69 : memref<1x80x160xf32, #tpu.memory_space<vmem>> -> memref<80x160xf32, #tpu.memory_space<vmem>>
      %dma_wait3A_71 = arith.constant 0 : i32
      %dma_wait3A_72 = tpu.memref_slice %arg7[%dma_wait3A_65, %dma_wait3A_71] : memref<2x80xi32, #tpu.memory_space<vmem>> -> memref<1x80xi32, #tpu.memory_space<vmem>>
      %dma_wait3A_73 = tpu.memref_squeeze %dma_wait3A_72 : memref<1x80xi32, #tpu.memory_space<vmem>> -> memref<80xi32, #tpu.memory_space<vmem>>
      %dma_wait3A_74 = arith.constant 0 : i32
      %dma_wait3A_75 = arith.constant 0 : i32
      %dma_wait3A_76 = tpu.memref_slice %arg2[%dma_wait3A_74, %dma_wait3A_75] : memref<20480x160xf32, #tpu.memory_space<hbm>> -> memref<20480x160xf32, #tpu.memory_space<hbm>>
      tpu.wait_indirect_dma semaphore(%arg11 : memref<!tpu.dma_semaphore, #tpu.memory_space<semaphore_mem>>) src(%dma_wait3A_76 : memref<20480x160xf32, #tpu.memory_space<hbm>>) dst(%dma_wait3A_70 : memref<80x160xf32, #tpu.memory_space<vmem>>)
      %run_scoped3A_77 = arith.constant 1 : i32
      %run_scoped3A_78 = arith.constant 1 : i32
      "tpu.region"() ({
        %run_scoped3A_79 = tpu.sem_alloc : memref<!tpu.dma_semaphore, #tpu.memory_space<semaphore_mem>>
        %dma_start3A_80 = arith.constant 0 : i32
        %dma_start3A_81 = arith.constant 0 : i32
        %dma_start3A_82 = tpu.memref_slice %arg9[%run_scoped3A_77, %dma_start3A_80, %dma_start3A_81] : memref<2x80x160xf32, #tpu.memory_space<vmem>> -> memref<1x80x160xf32, #tpu.memory_space<vmem>>
        %dma_start3A_83 = tpu.memref_squeeze %dma_start3A_82 : memref<1x80x160xf32, #tpu.memory_space<vmem>> -> memref<80x160xf32, #tpu.memory_space<vmem>>
        %dma_start3A_84 = arith.constant 0 : i32
        %dma_start3A_85 = tpu.memref_slice %arg8[%run_scoped3A_78, %dma_start3A_84] : memref<2x80xi32, #tpu.memory_space<vmem>> -> memref<1x80xi32, #tpu.memory_space<vmem>>
        %dma_start3A_86 = tpu.memref_squeeze %dma_start3A_85 : memref<1x80xi32, #tpu.memory_space<vmem>> -> memref<80xi32, #tpu.memory_space<vmem>>
        %dma_start3A_87 = arith.constant 0 : i32
        %dma_start3A_88 = arith.constant 0 : i32
        %dma_start3A_89 = tpu.memref_slice %arg6[%dma_start3A_87, %dma_start3A_88] : memref<10240x160xf32, #tpu.memory_space<vmem_shared>> -> memref<10240x160xf32, #tpu.memory_space<vmem_shared>>
        tpu.enqueue_indirect_dma source(%dma_start3A_83 : memref<80x160xf32, #tpu.memory_space<vmem>>) target(%dma_start3A_89 : memref<10240x160xf32, #tpu.memory_space<vmem_shared>>) offsets(%dma_start3A_86 : memref<80xi32, #tpu.memory_space<vmem>>) semaphore(%run_scoped3A_79 : memref<!tpu.dma_semaphore, #tpu.memory_space<semaphore_mem>>) {add = true}
        %dma_wait3A_90 = arith.constant 0 : i32
        %dma_wait3A_91 = arith.constant 0 : i32
        %dma_wait3A_92 = tpu.memref_slice %arg9[%run_scoped3A_77, %dma_wait3A_90, %dma_wait3A_91] : memref<2x80x160xf32, #tpu.memory_space<vmem>> -> memref<1x80x160xf32, #tpu.memory_space<vmem>>
        %dma_wait3A_93 = tpu.memref_squeeze %dma_wait3A_92 : memref<1x80x160xf32, #tpu.memory_space<vmem>> -> memref<80x160xf32, #tpu.memory_space<vmem>>
        %dma_wait3A_94 = arith.constant 0 : i32
        %dma_wait3A_95 = tpu.memref_slice %arg8[%run_scoped3A_78, %dma_wait3A_94] : memref<2x80xi32, #tpu.memory_space<vmem>> -> memref<1x80xi32, #tpu.memory_space<vmem>>
        %dma_wait3A_96 = tpu.memref_squeeze %dma_wait3A_95 : memref<1x80xi32, #tpu.memory_space<vmem>> -> memref<80xi32, #tpu.memory_space<vmem>>
        %dma_wait3A_97 = arith.constant 0 : i32
        %dma_wait3A_98 = arith.constant 0 : i32
        %dma_wait3A_99 = tpu.memref_slice %arg6[%dma_wait3A_97, %dma_wait3A_98] : memref<10240x160xf32, #tpu.memory_space<vmem_shared>> -> memref<10240x160xf32, #tpu.memory_space<vmem_shared>>
        tpu.wait_indirect_dma semaphore(%run_scoped3A_79 : memref<!tpu.dma_semaphore, #tpu.memory_space<semaphore_mem>>) src(%dma_wait3A_93 : memref<80x160xf32, #tpu.memory_space<vmem>>) dst(%dma_wait3A_99 : memref<10240x160xf32, #tpu.memory_space<vmem_shared>>)
        tpu.yield
      }) : () -> ()
    }
    %scan3A_23 = arith.constant 64 : i32
    %barrier3A_24 = arith.constant 0 : index
    tpu.barrier barrier_id(%barrier3A_24)
    %mul3A_25 = arith.constant 640 : i32
    %mul3A_26 = arith.muli %arg1, %mul3A_25 : i32
    %mul3A_27 = arith.constant 640 : i32
    %mul3A_28 = arith.muli %arg1, %mul3A_27 : i32
    "tpu.region"() ({
      %run_scoped3A_29 = tpu.sem_alloc : memref<!tpu.dma_semaphore, #tpu.memory_space<semaphore_mem>>
      %dma_start3A_30 = arith.constant 0 : i32
      %dma_start3A_31 = tpu.memref_slice %arg5[%arg0, %mul3A_28, %dma_start3A_30] : memref<2x10240x160xf32, #tpu.memory_space<hbm>> -> memref<1x640x160xf32, #tpu.memory_space<hbm>>
      %dma_start3A_32 = tpu.memref_squeeze %dma_start3A_31 : memref<1x640x160xf32, #tpu.memory_space<hbm>> -> memref<640x160xf32, #tpu.memory_space<hbm>>
      %dma_start3A_33 = arith.constant 0 : i32
      %dma_start3A_34 = tpu.memref_slice %arg6[%mul3A_26, %dma_start3A_33] : memref<10240x160xf32, #tpu.memory_space<vmem_shared>> -> memref<640x160xf32, #tpu.memory_space<vmem_shared>>
      tpu.enqueue_dma source(%dma_start3A_34 : memref<640x160xf32, #tpu.memory_space<vmem_shared>>) target(%dma_start3A_32 : memref<640x160xf32, #tpu.memory_space<hbm>>) target_semaphore(%run_scoped3A_29 : memref<!tpu.dma_semaphore, #tpu.memory_space<semaphore_mem>>)
      %dma_wait3A = arith.constant 0 : i32
      %dma_wait3A_35 = tpu.memref_slice %arg5[%arg0, %mul3A_28, %dma_wait3A] : memref<2x10240x160xf32, #tpu.memory_space<hbm>> -> memref<1x640x160xf32, #tpu.memory_space<hbm>>
      %dma_wait3A_36 = tpu.memref_squeeze %dma_wait3A_35 : memref<1x640x160xf32, #tpu.memory_space<hbm>> -> memref<640x160xf32, #tpu.memory_space<hbm>>
      %dma_wait3A_37 = arith.constant 0 : i32
      %dma_wait3A_38 = tpu.memref_slice %arg6[%mul3A_26, %dma_wait3A_37] : memref<10240x160xf32, #tpu.memory_space<vmem_shared>> -> memref<640x160xf32, #tpu.memory_space<vmem_shared>>
      tpu.wait_dma2 semaphore(%run_scoped3A_29 : memref<!tpu.dma_semaphore, #tpu.memory_space<semaphore_mem>>) src(%dma_wait3A_38 : memref<640x160xf32, #tpu.memory_space<vmem_shared>>) dst(%dma_wait3A_36 : memref<640x160xf32, #tpu.memory_space<hbm>>)
      tpu.yield
    }) : () -> ()
    return
  }
}

#map = affine_map<(d0, d1) -> (0, 0)>
#map1 = affine_map<(d0, d1) -> (0, 0, 0, 0)>
#map2 = affine_map<(d0, d1) -> (0, 0, 0)>
module attributes {stable_mosaic.version = 14 : i64} {
  func.func @_spmm_body(%arg0: i32, %arg1: i32, %arg2: memref<20480x160xf32, #tpu.memory_space<hbm>>, %arg3: memref<2x16x128x80xi32, #tpu.memory_space<hbm>>, %arg4: memref<16x128x80xi32, #tpu.memory_space<hbm>>, %arg5: memref<2x10240x160xf32, #tpu.memory_space<hbm>>, %arg6: memref<10240x160xf32, #tpu.memory_space<vmem_shared>>, %arg7: memref<2x80xi32, #tpu.memory_space<vmem>>, %arg8: memref<2x80xi32, #tpu.memory_space<vmem>>, %arg9: memref<2x80x160xf32, #tpu.memory_space<vmem>>, %arg10: memref<!tpu.dma_semaphore, #tpu.memory_space<semaphore_mem>>, %arg11: memref<!tpu.dma_semaphore, #tpu.memory_space<semaphore_mem>>) attributes {dimension_semantics = [#tpu.dimension_semantics<core_parallel>, #tpu.dimension_semantics<subcore_parallel>], iteration_bounds = array<i64: 2, 16>, scalar_prefetch = 0 : i64, scratch_operands = 6 : i64, tpu.core_type = #tpu.core_type<sc_vector_subcore>, window_params = [{transform_indices = #map}, {transform_indices = #map1}, {transform_indices = #map2}, {transform_indices = #map2}]} {
    %mul3A = arith.constant 10240 : i32
    %mul3A_0 = arith.muli %arg0, %mul3A : i32
    %mul3A_1 = arith.constant 640 : i32
    %mul3A_2 = arith.muli %arg1, %mul3A_1 : i32
    %add3A = arith.addi %mul3A_0, %mul3A_2 : i32
    %mul3A_3 = arith.constant 640 : i32
    %mul3A_4 = arith.muli %arg1, %mul3A_3 : i32
    "tpu.region"() ({
      %run_scoped3A_29 = tpu.sem_alloc : memref<!tpu.dma_semaphore, #tpu.memory_space<semaphore_mem>>
      %dma_start3A_30 = arith.constant 0 : i32
      %dma_start3A_31 = tpu.memref_slice %arg6[%mul3A_4, %dma_start3A_30] : memref<10240x160xf32, #tpu.memory_space<vmem_shared>> -> memref<640x160xf32, #tpu.memory_space<vmem_shared>>
      %dma_start3A_32 = arith.constant 0 : i32
      %dma_start3A_33 = tpu.memref_slice %arg2[%add3A, %dma_start3A_32] : memref<20480x160xf32, #tpu.memory_space<hbm>> -> memref<640x160xf32, #tpu.memory_space<hbm>>
      tpu.enqueue_dma source(%dma_start3A_33 : memref<640x160xf32, #tpu.memory_space<hbm>>) target(%dma_start3A_31 : memref<640x160xf32, #tpu.memory_space<vmem_shared>>) target_semaphore(%run_scoped3A_29 : memref<!tpu.dma_semaphore, #tpu.memory_space<semaphore_mem>>)
      %dma_wait3A = arith.constant 0 : i32
      %dma_wait3A_34 = tpu.memref_slice %arg6[%mul3A_4, %dma_wait3A] : memref<10240x160xf32, #tpu.memory_space<vmem_shared>> -> memref<640x160xf32, #tpu.memory_space<vmem_shared>>
      %dma_wait3A_35 = arith.constant 0 : i32
      %dma_wait3A_36 = tpu.memref_slice %arg2[%add3A, %dma_wait3A_35] : memref<20480x160xf32, #tpu.memory_space<hbm>> -> memref<640x160xf32, #tpu.memory_space<hbm>>
      tpu.wait_dma2 semaphore(%run_scoped3A_29 : memref<!tpu.dma_semaphore, #tpu.memory_space<semaphore_mem>>) src(%dma_wait3A_36 : memref<640x160xf32, #tpu.memory_space<hbm>>) dst(%dma_wait3A_34 : memref<640x160xf32, #tpu.memory_space<vmem_shared>>)
      tpu.yield
    }) : () -> ()
    %run_scoped3A = arith.constant 0 : i32
    %run_scoped3A_5 = arith.constant 0 : i32
    "tpu.region"() ({
      %run_scoped3A_29 = tpu.sem_alloc : memref<!tpu.dma_semaphore, #tpu.memory_space<semaphore_mem>>
      %dma_start3A_30 = arith.constant 0 : i32
      %dma_start3A_31 = tpu.memref_slice %arg7[%run_scoped3A_5, %dma_start3A_30] : memref<2x80xi32, #tpu.memory_space<vmem>> -> memref<1x80xi32, #tpu.memory_space<vmem>>
      %dma_start3A_32 = tpu.memref_squeeze %dma_start3A_31 : memref<1x80xi32, #tpu.memory_space<vmem>> -> memref<80xi32, #tpu.memory_space<vmem>>
      %dma_start3A_33 = arith.constant 0 : i32
      %dma_start3A_34 = tpu.memref_slice %arg3[%arg0, %arg1, %run_scoped3A, %dma_start3A_33] : memref<2x16x128x80xi32, #tpu.memory_space<hbm>> -> memref<1x1x1x80xi32, #tpu.memory_space<hbm>>
      %dma_start3A_35 = tpu.memref_squeeze %dma_start3A_34 : memref<1x1x1x80xi32, #tpu.memory_space<hbm>> -> memref<80xi32, #tpu.memory_space<hbm>>
      %dma_start3A_36 = arith.constant 0 : i32
      %dma_start3A_37 = tpu.memref_slice %arg7[%run_scoped3A_5, %dma_start3A_36] : memref<2x80xi32, #tpu.memory_space<vmem>> -> memref<1x80xi32, #tpu.memory_space<vmem>>
      %dma_start3A_38 = tpu.memref_squeeze %dma_start3A_37 : memref<1x80xi32, #tpu.memory_space<vmem>> -> memref<80xi32, #tpu.memory_space<vmem>>
      %dma_start3A_39 = arith.constant 0 : i32
      %dma_start3A_40 = tpu.memref_slice %arg3[%arg0, %arg1, %run_scoped3A, %dma_start3A_39] : memref<2x16x128x80xi32, #tpu.memory_space<hbm>> -> memref<1x1x1x80xi32, #tpu.memory_space<hbm>>
      %dma_start3A_41 = tpu.memref_squeeze %dma_start3A_40 : memref<1x1x1x80xi32, #tpu.memory_space<hbm>> -> memref<80xi32, #tpu.memory_space<hbm>>
      tpu.enqueue_dma source(%dma_start3A_41 : memref<80xi32, #tpu.memory_space<hbm>>) target(%dma_start3A_38 : memref<80xi32, #tpu.memory_space<vmem>>) target_semaphore(%run_scoped3A_29 : memref<!tpu.dma_semaphore, #tpu.memory_space<semaphore_mem>>)
      %dma_wait3A = arith.constant 0 : i32
      %dma_wait3A_42 = tpu.memref_slice %arg7[%run_scoped3A_5, %dma_wait3A] : memref<2x80xi32, #tpu.memory_space<vmem>> -> memref<1x80xi32, #tpu.memory_space<vmem>>
      %dma_wait3A_43 = tpu.memref_squeeze %dma_wait3A_42 : memref<1x80xi32, #tpu.memory_space<vmem>> -> memref<80xi32, #tpu.memory_space<vmem>>
      %dma_wait3A_44 = arith.constant 0 : i32
      %dma_wait3A_45 = tpu.memref_slice %arg3[%arg0, %arg1, %run_scoped3A, %dma_wait3A_44] : memref<2x16x128x80xi32, #tpu.memory_space<hbm>> -> memref<1x1x1x80xi32, #tpu.memory_space<hbm>>
      %dma_wait3A_46 = tpu.memref_squeeze %dma_wait3A_45 : memref<1x1x1x80xi32, #tpu.memory_space<hbm>> -> memref<80xi32, #tpu.memory_space<hbm>>
      %dma_wait3A_47 = arith.constant 0 : i32
      %dma_wait3A_48 = tpu.memref_slice %arg7[%run_scoped3A_5, %dma_wait3A_47] : memref<2x80xi32, #tpu.memory_space<vmem>> -> memref<1x80xi32, #tpu.memory_space<vmem>>
      %dma_wait3A_49 = tpu.memref_squeeze %dma_wait3A_48 : memref<1x80xi32, #tpu.memory_space<vmem>> -> memref<80xi32, #tpu.memory_space<vmem>>
      %dma_wait3A_50 = arith.constant 0 : i32
      %dma_wait3A_51 = tpu.memref_slice %arg3[%arg0, %arg1, %run_scoped3A, %dma_wait3A_50] : memref<2x16x128x80xi32, #tpu.memory_space<hbm>> -> memref<1x1x1x80xi32, #tpu.memory_space<hbm>>
      %dma_wait3A_52 = tpu.memref_squeeze %dma_wait3A_51 : memref<1x1x1x80xi32, #tpu.memory_space<hbm>> -> memref<80xi32, #tpu.memory_space<hbm>>
      tpu.wait_dma2 semaphore(%run_scoped3A_29 : memref<!tpu.dma_semaphore, #tpu.memory_space<semaphore_mem>>) src(%dma_wait3A_52 : memref<80xi32, #tpu.memory_space<hbm>>) dst(%dma_wait3A_49 : memref<80xi32, #tpu.memory_space<vmem>>)
      tpu.yield
    }) : () -> ()
    %run_scoped3A_6 = arith.constant 0 : i32
    %run_scoped3A_7 = arith.constant 0 : i32
    "tpu.region"() ({
      %run_scoped3A_29 = tpu.sem_alloc : memref<!tpu.dma_semaphore, #tpu.memory_space<semaphore_mem>>
      %dma_start3A_30 = arith.constant 0 : i32
      %dma_start3A_31 = tpu.memref_slice %arg8[%run_scoped3A_7, %dma_start3A_30] : memref<2x80xi32, #tpu.memory_space<vmem>> -> memref<1x80xi32, #tpu.memory_space<vmem>>
      %dma_start3A_32 = tpu.memref_squeeze %dma_start3A_31 : memref<1x80xi32, #tpu.memory_space<vmem>> -> memref<80xi32, #tpu.memory_space<vmem>>
      %dma_start3A_33 = arith.constant 0 : i32
      %dma_start3A_34 = tpu.memref_slice %arg4[%arg1, %run_scoped3A_6, %dma_start3A_33] : memref<16x128x80xi32, #tpu.memory_space<hbm>> -> memref<1x1x80xi32, #tpu.memory_space<hbm>>
      %dma_start3A_35 = tpu.memref_squeeze %dma_start3A_34 : memref<1x1x80xi32, #tpu.memory_space<hbm>> -> memref<80xi32, #tpu.memory_space<hbm>>
      %dma_start3A_36 = arith.constant 0 : i32
      %dma_start3A_37 = tpu.memref_slice %arg8[%run_scoped3A_7, %dma_start3A_36] : memref<2x80xi32, #tpu.memory_space<vmem>> -> memref<1x80xi32, #tpu.memory_space<vmem>>
      %dma_start3A_38 = tpu.memref_squeeze %dma_start3A_37 : memref<1x80xi32, #tpu.memory_space<vmem>> -> memref<80xi32, #tpu.memory_space<vmem>>
      %dma_start3A_39 = arith.constant 0 : i32
      %dma_start3A_40 = tpu.memref_slice %arg4[%arg1, %run_scoped3A_6, %dma_start3A_39] : memref<16x128x80xi32, #tpu.memory_space<hbm>> -> memref<1x1x80xi32, #tpu.memory_space<hbm>>
      %dma_start3A_41 = tpu.memref_squeeze %dma_start3A_40 : memref<1x1x80xi32, #tpu.memory_space<hbm>> -> memref<80xi32, #tpu.memory_space<hbm>>
      tpu.enqueue_dma source(%dma_start3A_41 : memref<80xi32, #tpu.memory_space<hbm>>) target(%dma_start3A_38 : memref<80xi32, #tpu.memory_space<vmem>>) target_semaphore(%run_scoped3A_29 : memref<!tpu.dma_semaphore, #tpu.memory_space<semaphore_mem>>)
      %dma_wait3A = arith.constant 0 : i32
      %dma_wait3A_42 = tpu.memref_slice %arg8[%run_scoped3A_7, %dma_wait3A] : memref<2x80xi32, #tpu.memory_space<vmem>> -> memref<1x80xi32, #tpu.memory_space<vmem>>
      %dma_wait3A_43 = tpu.memref_squeeze %dma_wait3A_42 : memref<1x80xi32, #tpu.memory_space<vmem>> -> memref<80xi32, #tpu.memory_space<vmem>>
      %dma_wait3A_44 = arith.constant 0 : i32
      %dma_wait3A_45 = tpu.memref_slice %arg4[%arg1, %run_scoped3A_6, %dma_wait3A_44] : memref<16x128x80xi32, #tpu.memory_space<hbm>> -> memref<1x1x80xi32, #tpu.memory_space<hbm>>
      %dma_wait3A_46 = tpu.memref_squeeze %dma_wait3A_45 : memref<1x1x80xi32, #tpu.memory_space<hbm>> -> memref<80xi32, #tpu.memory_space<hbm>>
      %dma_wait3A_47 = arith.constant 0 : i32
      %dma_wait3A_48 = tpu.memref_slice %arg8[%run_scoped3A_7, %dma_wait3A_47] : memref<2x80xi32, #tpu.memory_space<vmem>> -> memref<1x80xi32, #tpu.memory_space<vmem>>
      %dma_wait3A_49 = tpu.memref_squeeze %dma_wait3A_48 : memref<1x80xi32, #tpu.memory_space<vmem>> -> memref<80xi32, #tpu.memory_space<vmem>>
      %dma_wait3A_50 = arith.constant 0 : i32
      %dma_wait3A_51 = tpu.memref_slice %arg4[%arg1, %run_scoped3A_6, %dma_wait3A_50] : memref<16x128x80xi32, #tpu.memory_space<hbm>> -> memref<1x1x80xi32, #tpu.memory_space<hbm>>
      %dma_wait3A_52 = tpu.memref_squeeze %dma_wait3A_51 : memref<1x1x80xi32, #tpu.memory_space<hbm>> -> memref<80xi32, #tpu.memory_space<hbm>>
      tpu.wait_dma2 semaphore(%run_scoped3A_29 : memref<!tpu.dma_semaphore, #tpu.memory_space<semaphore_mem>>) src(%dma_wait3A_52 : memref<80xi32, #tpu.memory_space<hbm>>) dst(%dma_wait3A_49 : memref<80xi32, #tpu.memory_space<vmem>>)
      tpu.yield
    }) : () -> ()
    %barrier3A = arith.constant 0 : index
    tpu.barrier barrier_id(%barrier3A)
    %dma_start3A = arith.constant 0 : i32
    %dma_start3A_8 = arith.constant 0 : i32
    %dma_start3A_9 = arith.constant 0 : i32
    %dma_start3A_10 = arith.constant 0 : i32
    %dma_start3A_11 = tpu.memref_slice %arg9[%dma_start3A_8, %dma_start3A_9, %dma_start3A_10] : memref<2x80x160xf32, #tpu.memory_space<vmem>> -> memref<1x80x160xf32, #tpu.memory_space<vmem>>
    %dma_start3A_12 = tpu.memref_squeeze %dma_start3A_11 : memref<1x80x160xf32, #tpu.memory_space<vmem>> -> memref<80x160xf32, #tpu.memory_space<vmem>>
    %dma_start3A_13 = arith.constant 0 : i32
    %dma_start3A_14 = tpu.memref_slice %arg7[%dma_start3A, %dma_start3A_13] : memref<2x80xi32, #tpu.memory_space<vmem>> -> memref<1x80xi32, #tpu.memory_space<vmem>>
    %dma_start3A_15 = tpu.memref_squeeze %dma_start3A_14 : memref<1x80xi32, #tpu.memory_space<vmem>> -> memref<80xi32, #tpu.memory_space<vmem>>
    %dma_start3A_16 = arith.constant 0 : i32
    %dma_start3A_17 = arith.constant 0 : i32
    %dma_start3A_18 = tpu.memref_slice %arg2[%dma_start3A_16, %dma_start3A_17] : memref<20480x160xf32, #tpu.memory_space<hbm>> -> memref<20480x160xf32, #tpu.memory_space<hbm>>
    tpu.enqueue_indirect_dma source(%dma_start3A_18 : memref<20480x160xf32, #tpu.memory_space<hbm>>) target(%dma_start3A_12 : memref<80x160xf32, #tpu.memory_space<vmem>>) offsets(%dma_start3A_15 : memref<80xi32, #tpu.memory_space<vmem>>) semaphore(%arg10 : memref<!tpu.dma_semaphore, #tpu.memory_space<semaphore_mem>>)
    %scan3A = arith.constant 0 : i32
    %scan3A_19 = arith.constant 0 : i32
    %scan3A_20 = arith.constant 64 : i32
    %scan3A_21 = arith.addi %scan3A_19, %scan3A_20 : i32
    %scan3A_22 = arith.constant 1 : i32
    scf.for %scan3A_29 = %scan3A_19 to %scan3A_21 step %scan3A_22  : i32 {
      %mul3A_30 = arith.constant 2 : i32
      %mul3A_31 = arith.muli %mul3A_30, %scan3A_29 : i32
      %add3A_32 = arith.constant 1 : i32
      %add3A_33 = arith.addi %mul3A_31, %add3A_32 : i32
      %run_scoped3A_34 = arith.constant 1 : i32
      "tpu.region"() ({
        %run_scoped3A_79 = tpu.sem_alloc : memref<!tpu.dma_semaphore, #tpu.memory_space<semaphore_mem>>
        %dma_start3A_80 = arith.constant 0 : i32
        %dma_start3A_81 = tpu.memref_slice %arg7[%run_scoped3A_34, %dma_start3A_80] : memref<2x80xi32, #tpu.memory_space<vmem>> -> memref<1x80xi32, #tpu.memory_space<vmem>>
        %dma_start3A_82 = tpu.memref_squeeze %dma_start3A_81 : memref<1x80xi32, #tpu.memory_space<vmem>> -> memref<80xi32, #tpu.memory_space<vmem>>
        %dma_start3A_83 = arith.constant 0 : i32
        %dma_start3A_84 = tpu.memref_slice %arg3[%arg0, %arg1, %add3A_33, %dma_start3A_83] : memref<2x16x128x80xi32, #tpu.memory_space<hbm>> -> memref<1x1x1x80xi32, #tpu.memory_space<hbm>>
        %dma_start3A_85 = tpu.memref_squeeze %dma_start3A_84 : memref<1x1x1x80xi32, #tpu.memory_space<hbm>> -> memref<80xi32, #tpu.memory_space<hbm>>
        %dma_start3A_86 = arith.constant 0 : i32
        %dma_start3A_87 = tpu.memref_slice %arg7[%run_scoped3A_34, %dma_start3A_86] : memref<2x80xi32, #tpu.memory_space<vmem>> -> memref<1x80xi32, #tpu.memory_space<vmem>>
        %dma_start3A_88 = tpu.memref_squeeze %dma_start3A_87 : memref<1x80xi32, #tpu.memory_space<vmem>> -> memref<80xi32, #tpu.memory_space<vmem>>
        %dma_start3A_89 = arith.constant 0 : i32
        %dma_start3A_90 = tpu.memref_slice %arg3[%arg0, %arg1, %add3A_33, %dma_start3A_89] : memref<2x16x128x80xi32, #tpu.memory_space<hbm>> -> memref<1x1x1x80xi32, #tpu.memory_space<hbm>>
        %dma_start3A_91 = tpu.memref_squeeze %dma_start3A_90 : memref<1x1x1x80xi32, #tpu.memory_space<hbm>> -> memref<80xi32, #tpu.memory_space<hbm>>
        tpu.enqueue_dma source(%dma_start3A_91 : memref<80xi32, #tpu.memory_space<hbm>>) target(%dma_start3A_88 : memref<80xi32, #tpu.memory_space<vmem>>) target_semaphore(%run_scoped3A_79 : memref<!tpu.dma_semaphore, #tpu.memory_space<semaphore_mem>>)
        %dma_wait3A_92 = arith.constant 0 : i32
        %dma_wait3A_93 = tpu.memref_slice %arg7[%run_scoped3A_34, %dma_wait3A_92] : memref<2x80xi32, #tpu.memory_space<vmem>> -> memref<1x80xi32, #tpu.memory_space<vmem>>
        %dma_wait3A_94 = tpu.memref_squeeze %dma_wait3A_93 : memref<1x80xi32, #tpu.memory_space<vmem>> -> memref<80xi32, #tpu.memory_space<vmem>>
        %dma_wait3A_95 = arith.constant 0 : i32
        %dma_wait3A_96 = tpu.memref_slice %arg3[%arg0, %arg1, %add3A_33, %dma_wait3A_95] : memref<2x16x128x80xi32, #tpu.memory_space<hbm>> -> memref<1x1x1x80xi32, #tpu.memory_space<hbm>>
        %dma_wait3A_97 = tpu.memref_squeeze %dma_wait3A_96 : memref<1x1x1x80xi32, #tpu.memory_space<hbm>> -> memref<80xi32, #tpu.memory_space<hbm>>
        %dma_wait3A_98 = arith.constant 0 : i32
        %dma_wait3A_99 = tpu.memref_slice %arg7[%run_scoped3A_34, %dma_wait3A_98] : memref<2x80xi32, #tpu.memory_space<vmem>> -> memref<1x80xi32, #tpu.memory_space<vmem>>
        %dma_wait3A_100 = tpu.memref_squeeze %dma_wait3A_99 : memref<1x80xi32, #tpu.memory_space<vmem>> -> memref<80xi32, #tpu.memory_space<vmem>>
        %dma_wait3A_101 = arith.constant 0 : i32
        %dma_wait3A_102 = tpu.memref_slice %arg3[%arg0, %arg1, %add3A_33, %dma_wait3A_101] : memref<2x16x128x80xi32, #tpu.memory_space<hbm>> -> memref<1x1x1x80xi32, #tpu.memory_space<hbm>>
        %dma_wait3A_103 = tpu.memref_squeeze %dma_wait3A_102 : memref<1x1x1x80xi32, #tpu.memory_space<hbm>> -> memref<80xi32, #tpu.memory_space<hbm>>
        tpu.wait_dma2 semaphore(%run_scoped3A_79 : memref<!tpu.dma_semaphore, #tpu.memory_space<semaphore_mem>>) src(%dma_wait3A_103 : memref<80xi32, #tpu.memory_space<hbm>>) dst(%dma_wait3A_100 : memref<80xi32, #tpu.memory_space<vmem>>)
        tpu.yield
      }) : () -> ()
      %run_scoped3A_35 = arith.constant 1 : i32
      "tpu.region"() ({
        %run_scoped3A_79 = tpu.sem_alloc : memref<!tpu.dma_semaphore, #tpu.memory_space<semaphore_mem>>
        %dma_start3A_80 = arith.constant 0 : i32
        %dma_start3A_81 = tpu.memref_slice %arg8[%run_scoped3A_35, %dma_start3A_80] : memref<2x80xi32, #tpu.memory_space<vmem>> -> memref<1x80xi32, #tpu.memory_space<vmem>>
        %dma_start3A_82 = tpu.memref_squeeze %dma_start3A_81 : memref<1x80xi32, #tpu.memory_space<vmem>> -> memref<80xi32, #tpu.memory_space<vmem>>
        %dma_start3A_83 = arith.constant 0 : i32
        %dma_start3A_84 = tpu.memref_slice %arg4[%arg1, %add3A_33, %dma_start3A_83] : memref<16x128x80xi32, #tpu.memory_space<hbm>> -> memref<1x1x80xi32, #tpu.memory_space<hbm>>
        %dma_start3A_85 = tpu.memref_squeeze %dma_start3A_84 : memref<1x1x80xi32, #tpu.memory_space<hbm>> -> memref<80xi32, #tpu.memory_space<hbm>>
        %dma_start3A_86 = arith.constant 0 : i32
        %dma_start3A_87 = tpu.memref_slice %arg8[%run_scoped3A_35, %dma_start3A_86] : memref<2x80xi32, #tpu.memory_space<vmem>> -> memref<1x80xi32, #tpu.memory_space<vmem>>
        %dma_start3A_88 = tpu.memref_squeeze %dma_start3A_87 : memref<1x80xi32, #tpu.memory_space<vmem>> -> memref<80xi32, #tpu.memory_space<vmem>>
        %dma_start3A_89 = arith.constant 0 : i32
        %dma_start3A_90 = tpu.memref_slice %arg4[%arg1, %add3A_33, %dma_start3A_89] : memref<16x128x80xi32, #tpu.memory_space<hbm>> -> memref<1x1x80xi32, #tpu.memory_space<hbm>>
        %dma_start3A_91 = tpu.memref_squeeze %dma_start3A_90 : memref<1x1x80xi32, #tpu.memory_space<hbm>> -> memref<80xi32, #tpu.memory_space<hbm>>
        tpu.enqueue_dma source(%dma_start3A_91 : memref<80xi32, #tpu.memory_space<hbm>>) target(%dma_start3A_88 : memref<80xi32, #tpu.memory_space<vmem>>) target_semaphore(%run_scoped3A_79 : memref<!tpu.dma_semaphore, #tpu.memory_space<semaphore_mem>>)
        %dma_wait3A_92 = arith.constant 0 : i32
        %dma_wait3A_93 = tpu.memref_slice %arg8[%run_scoped3A_35, %dma_wait3A_92] : memref<2x80xi32, #tpu.memory_space<vmem>> -> memref<1x80xi32, #tpu.memory_space<vmem>>
        %dma_wait3A_94 = tpu.memref_squeeze %dma_wait3A_93 : memref<1x80xi32, #tpu.memory_space<vmem>> -> memref<80xi32, #tpu.memory_space<vmem>>
        %dma_wait3A_95 = arith.constant 0 : i32
        %dma_wait3A_96 = tpu.memref_slice %arg4[%arg1, %add3A_33, %dma_wait3A_95] : memref<16x128x80xi32, #tpu.memory_space<hbm>> -> memref<1x1x80xi32, #tpu.memory_space<hbm>>
        %dma_wait3A_97 = tpu.memref_squeeze %dma_wait3A_96 : memref<1x1x80xi32, #tpu.memory_space<hbm>> -> memref<80xi32, #tpu.memory_space<hbm>>
        %dma_wait3A_98 = arith.constant 0 : i32
        %dma_wait3A_99 = tpu.memref_slice %arg8[%run_scoped3A_35, %dma_wait3A_98] : memref<2x80xi32, #tpu.memory_space<vmem>> -> memref<1x80xi32, #tpu.memory_space<vmem>>
        %dma_wait3A_100 = tpu.memref_squeeze %dma_wait3A_99 : memref<1x80xi32, #tpu.memory_space<vmem>> -> memref<80xi32, #tpu.memory_space<vmem>>
        %dma_wait3A_101 = arith.constant 0 : i32
        %dma_wait3A_102 = tpu.memref_slice %arg4[%arg1, %add3A_33, %dma_wait3A_101] : memref<16x128x80xi32, #tpu.memory_space<hbm>> -> memref<1x1x80xi32, #tpu.memory_space<hbm>>
        %dma_wait3A_103 = tpu.memref_squeeze %dma_wait3A_102 : memref<1x1x80xi32, #tpu.memory_space<hbm>> -> memref<80xi32, #tpu.memory_space<hbm>>
        tpu.wait_dma2 semaphore(%run_scoped3A_79 : memref<!tpu.dma_semaphore, #tpu.memory_space<semaphore_mem>>) src(%dma_wait3A_103 : memref<80xi32, #tpu.memory_space<hbm>>) dst(%dma_wait3A_100 : memref<80xi32, #tpu.memory_space<vmem>>)
        tpu.yield
      }) : () -> ()
      %dma_start3A_36 = arith.constant 1 : i32
      %dma_start3A_37 = arith.constant 1 : i32
      %dma_start3A_38 = arith.constant 0 : i32
      %dma_start3A_39 = arith.constant 0 : i32
      %dma_start3A_40 = tpu.memref_slice %arg9[%dma_start3A_37, %dma_start3A_38, %dma_start3A_39] : memref<2x80x160xf32, #tpu.memory_space<vmem>> -> memref<1x80x160xf32, #tpu.memory_space<vmem>>
      %dma_start3A_41 = tpu.memref_squeeze %dma_start3A_40 : memref<1x80x160xf32, #tpu.memory_space<vmem>> -> memref<80x160xf32, #tpu.memory_space<vmem>>
      %dma_start3A_42 = arith.constant 0 : i32
      %dma_start3A_43 = tpu.memref_slice %arg7[%dma_start3A_36, %dma_start3A_42] : memref<2x80xi32, #tpu.memory_space<vmem>> -> memref<1x80xi32, #tpu.memory_space<vmem>>
      %dma_start3A_44 = tpu.memref_squeeze %dma_start3A_43 : memref<1x80xi32, #tpu.memory_space<vmem>> -> memref<80xi32, #tpu.memory_space<vmem>>
      %dma_start3A_45 = arith.constant 0 : i32
      %dma_start3A_46 = arith.constant 0 : i32
      %dma_start3A_47 = tpu.memref_slice %arg2[%dma_start3A_45, %dma_start3A_46] : memref<20480x160xf32, #tpu.memory_space<hbm>> -> memref<20480x160xf32, #tpu.memory_space<hbm>>
      tpu.enqueue_indirect_dma source(%dma_start3A_47 : memref<20480x160xf32, #tpu.memory_space<hbm>>) target(%dma_start3A_41 : memref<80x160xf32, #tpu.memory_space<vmem>>) offsets(%dma_start3A_44 : memref<80xi32, #tpu.memory_space<vmem>>) semaphore(%arg11 : memref<!tpu.dma_semaphore, #tpu.memory_space<semaphore_mem>>)
      %dma_wait3A = arith.constant 0 : i32
      %dma_wait3A_48 = arith.constant 0 : i32
      %dma_wait3A_49 = arith.constant 0 : i32
      %dma_wait3A_50 = arith.constant 0 : i32
      %dma_wait3A_51 = tpu.memref_slice %arg9[%dma_wait3A_48, %dma_wait3A_49, %dma_wait3A_50] : memref<2x80x160xf32, #tpu.memory_space<vmem>> -> memref<1x80x160xf32, #tpu.memory_space<vmem>>
      %dma_wait3A_52 = tpu.memref_squeeze %dma_wait3A_51 : memref<1x80x160xf32, #tpu.memory_space<vmem>> -> memref<80x160xf32, #tpu.memory_space<vmem>>
      %dma_wait3A_53 = arith.constant 0 : i32
      %dma_wait3A_54 = tpu.memref_slice %arg7[%dma_wait3A, %dma_wait3A_53] : memref<2x80xi32, #tpu.memory_space<vmem>> -> memref<1x80xi32, #tpu.memory_space<vmem>>
      %dma_wait3A_55 = tpu.memref_squeeze %dma_wait3A_54 : memref<1x80xi32, #tpu.memory_space<vmem>> -> memref<80xi32, #tpu.memory_space<vmem>>
      %dma_wait3A_56 = arith.constant 0 : i32
      %dma_wait3A_57 = arith.constant 0 : i32
      %dma_wait3A_58 = tpu.memref_slice %arg2[%dma_wait3A_56, %dma_wait3A_57] : memref<20480x160xf32, #tpu.memory_space<hbm>> -> memref<20480x160xf32, #tpu.memory_space<hbm>>
      tpu.wait_indirect_dma semaphore(%arg10 : memref<!tpu.dma_semaphore, #tpu.memory_space<semaphore_mem>>) src(%dma_wait3A_58 : memref<20480x160xf32, #tpu.memory_space<hbm>>) dst(%dma_wait3A_52 : memref<80x160xf32, #tpu.memory_space<vmem>>)
      %run_scoped3A_59 = arith.constant 0 : i32
      %run_scoped3A_60 = arith.constant 0 : i32
      "tpu.region"() ({
        %run_scoped3A_79 = tpu.sem_alloc : memref<!tpu.dma_semaphore, #tpu.memory_space<semaphore_mem>>
        %dma_start3A_80 = arith.constant 0 : i32
        %dma_start3A_81 = arith.constant 0 : i32
        %dma_start3A_82 = tpu.memref_slice %arg9[%run_scoped3A_59, %dma_start3A_80, %dma_start3A_81] : memref<2x80x160xf32, #tpu.memory_space<vmem>> -> memref<1x80x160xf32, #tpu.memory_space<vmem>>
        %dma_start3A_83 = tpu.memref_squeeze %dma_start3A_82 : memref<1x80x160xf32, #tpu.memory_space<vmem>> -> memref<80x160xf32, #tpu.memory_space<vmem>>
        %dma_start3A_84 = arith.constant 0 : i32
        %dma_start3A_85 = tpu.memref_slice %arg8[%run_scoped3A_60, %dma_start3A_84] : memref<2x80xi32, #tpu.memory_space<vmem>> -> memref<1x80xi32, #tpu.memory_space<vmem>>
        %dma_start3A_86 = tpu.memref_squeeze %dma_start3A_85 : memref<1x80xi32, #tpu.memory_space<vmem>> -> memref<80xi32, #tpu.memory_space<vmem>>
        %dma_start3A_87 = arith.constant 0 : i32
        %dma_start3A_88 = arith.constant 0 : i32
        %dma_start3A_89 = tpu.memref_slice %arg6[%dma_start3A_87, %dma_start3A_88] : memref<10240x160xf32, #tpu.memory_space<vmem_shared>> -> memref<10240x160xf32, #tpu.memory_space<vmem_shared>>
        tpu.enqueue_indirect_dma source(%dma_start3A_83 : memref<80x160xf32, #tpu.memory_space<vmem>>) target(%dma_start3A_89 : memref<10240x160xf32, #tpu.memory_space<vmem_shared>>) offsets(%dma_start3A_86 : memref<80xi32, #tpu.memory_space<vmem>>) semaphore(%run_scoped3A_79 : memref<!tpu.dma_semaphore, #tpu.memory_space<semaphore_mem>>) {add = true}
        %dma_wait3A_90 = arith.constant 0 : i32
        %dma_wait3A_91 = arith.constant 0 : i32
        %dma_wait3A_92 = tpu.memref_slice %arg9[%run_scoped3A_59, %dma_wait3A_90, %dma_wait3A_91] : memref<2x80x160xf32, #tpu.memory_space<vmem>> -> memref<1x80x160xf32, #tpu.memory_space<vmem>>
        %dma_wait3A_93 = tpu.memref_squeeze %dma_wait3A_92 : memref<1x80x160xf32, #tpu.memory_space<vmem>> -> memref<80x160xf32, #tpu.memory_space<vmem>>
        %dma_wait3A_94 = arith.constant 0 : i32
        %dma_wait3A_95 = tpu.memref_slice %arg8[%run_scoped3A_60, %dma_wait3A_94] : memref<2x80xi32, #tpu.memory_space<vmem>> -> memref<1x80xi32, #tpu.memory_space<vmem>>
        %dma_wait3A_96 = tpu.memref_squeeze %dma_wait3A_95 : memref<1x80xi32, #tpu.memory_space<vmem>> -> memref<80xi32, #tpu.memory_space<vmem>>
        %dma_wait3A_97 = arith.constant 0 : i32
        %dma_wait3A_98 = arith.constant 0 : i32
        %dma_wait3A_99 = tpu.memref_slice %arg6[%dma_wait3A_97, %dma_wait3A_98] : memref<10240x160xf32, #tpu.memory_space<vmem_shared>> -> memref<10240x160xf32, #tpu.memory_space<vmem_shared>>
        tpu.wait_indirect_dma semaphore(%run_scoped3A_79 : memref<!tpu.dma_semaphore, #tpu.memory_space<semaphore_mem>>) src(%dma_wait3A_93 : memref<80x160xf32, #tpu.memory_space<vmem>>) dst(%dma_wait3A_99 : memref<10240x160xf32, #tpu.memory_space<vmem_shared>>)
        tpu.yield
      }) : () -> ()
      %add3A_61 = arith.constant 2 : i32
      %add3A_62 = arith.addi %mul3A_31, %add3A_61 : i32
      %lt3A = arith.constant 128 : i32
      %lt3A_63 = arith.cmpi slt, %add3A_62, %lt3A : i32
      %convert_element_type3A = arith.extui %lt3A_63 : i1 to i32
      %cond3A = arith.constant 0 : i32
      %cond3A_64 = arith.cmpi ne, %convert_element_type3A, %cond3A : i32
      scf.if %cond3A_64 {
        %add3A_79 = arith.constant 2 : i32
        %add3A_80 = arith.addi %mul3A_31, %add3A_79 : i32
        %run_scoped3A_81 = arith.constant 0 : i32
        "tpu.region"() ({
          %run_scoped3A_95 = tpu.sem_alloc : memref<!tpu.dma_semaphore, #tpu.memory_space<semaphore_mem>>
          %dma_start3A_96 = arith.constant 0 : i32
          %dma_start3A_97 = tpu.memref_slice %arg7[%run_scoped3A_81, %dma_start3A_96] : memref<2x80xi32, #tpu.memory_space<vmem>> -> memref<1x80xi32, #tpu.memory_space<vmem>>
          %dma_start3A_98 = tpu.memref_squeeze %dma_start3A_97 : memref<1x80xi32, #tpu.memory_space<vmem>> -> memref<80xi32, #tpu.memory_space<vmem>>
          %dma_start3A_99 = arith.constant 0 : i32
          %dma_start3A_100 = tpu.memref_slice %arg3[%arg0, %arg1, %add3A_80, %dma_start3A_99] : memref<2x16x128x80xi32, #tpu.memory_space<hbm>> -> memref<1x1x1x80xi32, #tpu.memory_space<hbm>>
          %dma_start3A_101 = tpu.memref_squeeze %dma_start3A_100 : memref<1x1x1x80xi32, #tpu.memory_space<hbm>> -> memref<80xi32, #tpu.memory_space<hbm>>
          %dma_start3A_102 = arith.constant 0 : i32
          %dma_start3A_103 = tpu.memref_slice %arg7[%run_scoped3A_81, %dma_start3A_102] : memref<2x80xi32, #tpu.memory_space<vmem>> -> memref<1x80xi32, #tpu.memory_space<vmem>>
          %dma_start3A_104 = tpu.memref_squeeze %dma_start3A_103 : memref<1x80xi32, #tpu.memory_space<vmem>> -> memref<80xi32, #tpu.memory_space<vmem>>
          %dma_start3A_105 = arith.constant 0 : i32
          %dma_start3A_106 = tpu.memref_slice %arg3[%arg0, %arg1, %add3A_80, %dma_start3A_105] : memref<2x16x128x80xi32, #tpu.memory_space<hbm>> -> memref<1x1x1x80xi32, #tpu.memory_space<hbm>>
          %dma_start3A_107 = tpu.memref_squeeze %dma_start3A_106 : memref<1x1x1x80xi32, #tpu.memory_space<hbm>> -> memref<80xi32, #tpu.memory_space<hbm>>
          tpu.enqueue_dma source(%dma_start3A_107 : memref<80xi32, #tpu.memory_space<hbm>>) target(%dma_start3A_104 : memref<80xi32, #tpu.memory_space<vmem>>) target_semaphore(%run_scoped3A_95 : memref<!tpu.dma_semaphore, #tpu.memory_space<semaphore_mem>>)
          %dma_wait3A_108 = arith.constant 0 : i32
          %dma_wait3A_109 = tpu.memref_slice %arg7[%run_scoped3A_81, %dma_wait3A_108] : memref<2x80xi32, #tpu.memory_space<vmem>> -> memref<1x80xi32, #tpu.memory_space<vmem>>
          %dma_wait3A_110 = tpu.memref_squeeze %dma_wait3A_109 : memref<1x80xi32, #tpu.memory_space<vmem>> -> memref<80xi32, #tpu.memory_space<vmem>>
          %dma_wait3A_111 = arith.constant 0 : i32
          %dma_wait3A_112 = tpu.memref_slice %arg3[%arg0, %arg1, %add3A_80, %dma_wait3A_111] : memref<2x16x128x80xi32, #tpu.memory_space<hbm>> -> memref<1x1x1x80xi32, #tpu.memory_space<hbm>>
          %dma_wait3A_113 = tpu.memref_squeeze %dma_wait3A_112 : memref<1x1x1x80xi32, #tpu.memory_space<hbm>> -> memref<80xi32, #tpu.memory_space<hbm>>
          %dma_wait3A_114 = arith.constant 0 : i32
          %dma_wait3A_115 = tpu.memref_slice %arg7[%run_scoped3A_81, %dma_wait3A_114] : memref<2x80xi32, #tpu.memory_space<vmem>> -> memref<1x80xi32, #tpu.memory_space<vmem>>
          %dma_wait3A_116 = tpu.memref_squeeze %dma_wait3A_115 : memref<1x80xi32, #tpu.memory_space<vmem>> -> memref<80xi32, #tpu.memory_space<vmem>>
          %dma_wait3A_117 = arith.constant 0 : i32
          %dma_wait3A_118 = tpu.memref_slice %arg3[%arg0, %arg1, %add3A_80, %dma_wait3A_117] : memref<2x16x128x80xi32, #tpu.memory_space<hbm>> -> memref<1x1x1x80xi32, #tpu.memory_space<hbm>>
          %dma_wait3A_119 = tpu.memref_squeeze %dma_wait3A_118 : memref<1x1x1x80xi32, #tpu.memory_space<hbm>> -> memref<80xi32, #tpu.memory_space<hbm>>
          tpu.wait_dma2 semaphore(%run_scoped3A_95 : memref<!tpu.dma_semaphore, #tpu.memory_space<semaphore_mem>>) src(%dma_wait3A_119 : memref<80xi32, #tpu.memory_space<hbm>>) dst(%dma_wait3A_116 : memref<80xi32, #tpu.memory_space<vmem>>)
          tpu.yield
        }) : () -> ()
        %run_scoped3A_82 = arith.constant 0 : i32
        "tpu.region"() ({
          %run_scoped3A_95 = tpu.sem_alloc : memref<!tpu.dma_semaphore, #tpu.memory_space<semaphore_mem>>
          %dma_start3A_96 = arith.constant 0 : i32
          %dma_start3A_97 = tpu.memref_slice %arg8[%run_scoped3A_82, %dma_start3A_96] : memref<2x80xi32, #tpu.memory_space<vmem>> -> memref<1x80xi32, #tpu.memory_space<vmem>>
          %dma_start3A_98 = tpu.memref_squeeze %dma_start3A_97 : memref<1x80xi32, #tpu.memory_space<vmem>> -> memref<80xi32, #tpu.memory_space<vmem>>
          %dma_start3A_99 = arith.constant 0 : i32
          %dma_start3A_100 = tpu.memref_slice %arg4[%arg1, %add3A_80, %dma_start3A_99] : memref<16x128x80xi32, #tpu.memory_space<hbm>> -> memref<1x1x80xi32, #tpu.memory_space<hbm>>
          %dma_start3A_101 = tpu.memref_squeeze %dma_start3A_100 : memref<1x1x80xi32, #tpu.memory_space<hbm>> -> memref<80xi32, #tpu.memory_space<hbm>>
          %dma_start3A_102 = arith.constant 0 : i32
          %dma_start3A_103 = tpu.memref_slice %arg8[%run_scoped3A_82, %dma_start3A_102] : memref<2x80xi32, #tpu.memory_space<vmem>> -> memref<1x80xi32, #tpu.memory_space<vmem>>
          %dma_start3A_104 = tpu.memref_squeeze %dma_start3A_103 : memref<1x80xi32, #tpu.memory_space<vmem>> -> memref<80xi32, #tpu.memory_space<vmem>>
          %dma_start3A_105 = arith.constant 0 : i32
          %dma_start3A_106 = tpu.memref_slice %arg4[%arg1, %add3A_80, %dma_start3A_105] : memref<16x128x80xi32, #tpu.memory_space<hbm>> -> memref<1x1x80xi32, #tpu.memory_space<hbm>>
          %dma_start3A_107 = tpu.memref_squeeze %dma_start3A_106 : memref<1x1x80xi32, #tpu.memory_space<hbm>> -> memref<80xi32, #tpu.memory_space<hbm>>
          tpu.enqueue_dma source(%dma_start3A_107 : memref<80xi32, #tpu.memory_space<hbm>>) target(%dma_start3A_104 : memref<80xi32, #tpu.memory_space<vmem>>) target_semaphore(%run_scoped3A_95 : memref<!tpu.dma_semaphore, #tpu.memory_space<semaphore_mem>>)
          %dma_wait3A_108 = arith.constant 0 : i32
          %dma_wait3A_109 = tpu.memref_slice %arg8[%run_scoped3A_82, %dma_wait3A_108] : memref<2x80xi32, #tpu.memory_space<vmem>> -> memref<1x80xi32, #tpu.memory_space<vmem>>
          %dma_wait3A_110 = tpu.memref_squeeze %dma_wait3A_109 : memref<1x80xi32, #tpu.memory_space<vmem>> -> memref<80xi32, #tpu.memory_space<vmem>>
          %dma_wait3A_111 = arith.constant 0 : i32
          %dma_wait3A_112 = tpu.memref_slice %arg4[%arg1, %add3A_80, %dma_wait3A_111] : memref<16x128x80xi32, #tpu.memory_space<hbm>> -> memref<1x1x80xi32, #tpu.memory_space<hbm>>
          %dma_wait3A_113 = tpu.memref_squeeze %dma_wait3A_112 : memref<1x1x80xi32, #tpu.memory_space<hbm>> -> memref<80xi32, #tpu.memory_space<hbm>>
          %dma_wait3A_114 = arith.constant 0 : i32
          %dma_wait3A_115 = tpu.memref_slice %arg8[%run_scoped3A_82, %dma_wait3A_114] : memref<2x80xi32, #tpu.memory_space<vmem>> -> memref<1x80xi32, #tpu.memory_space<vmem>>
          %dma_wait3A_116 = tpu.memref_squeeze %dma_wait3A_115 : memref<1x80xi32, #tpu.memory_space<vmem>> -> memref<80xi32, #tpu.memory_space<vmem>>
          %dma_wait3A_117 = arith.constant 0 : i32
          %dma_wait3A_118 = tpu.memref_slice %arg4[%arg1, %add3A_80, %dma_wait3A_117] : memref<16x128x80xi32, #tpu.memory_space<hbm>> -> memref<1x1x80xi32, #tpu.memory_space<hbm>>
          %dma_wait3A_119 = tpu.memref_squeeze %dma_wait3A_118 : memref<1x1x80xi32, #tpu.memory_space<hbm>> -> memref<80xi32, #tpu.memory_space<hbm>>
          tpu.wait_dma2 semaphore(%run_scoped3A_95 : memref<!tpu.dma_semaphore, #tpu.memory_space<semaphore_mem>>) src(%dma_wait3A_119 : memref<80xi32, #tpu.memory_space<hbm>>) dst(%dma_wait3A_116 : memref<80xi32, #tpu.memory_space<vmem>>)
          tpu.yield
        }) : () -> ()
        %dma_start3A_83 = arith.constant 0 : i32
        %dma_start3A_84 = arith.constant 0 : i32
        %dma_start3A_85 = arith.constant 0 : i32
        %dma_start3A_86 = arith.constant 0 : i32
        %dma_start3A_87 = tpu.memref_slice %arg9[%dma_start3A_84, %dma_start3A_85, %dma_start3A_86] : memref<2x80x160xf32, #tpu.memory_space<vmem>> -> memref<1x80x160xf32, #tpu.memory_space<vmem>>
        %dma_start3A_88 = tpu.memref_squeeze %dma_start3A_87 : memref<1x80x160xf32, #tpu.memory_space<vmem>> -> memref<80x160xf32, #tpu.memory_space<vmem>>
        %dma_start3A_89 = arith.constant 0 : i32
        %dma_start3A_90 = tpu.memref_slice %arg7[%dma_start3A_83, %dma_start3A_89] : memref<2x80xi32, #tpu.memory_space<vmem>> -> memref<1x80xi32, #tpu.memory_space<vmem>>
        %dma_start3A_91 = tpu.memref_squeeze %dma_start3A_90 : memref<1x80xi32, #tpu.memory_space<vmem>> -> memref<80xi32, #tpu.memory_space<vmem>>
        %dma_start3A_92 = arith.constant 0 : i32
        %dma_start3A_93 = arith.constant 0 : i32
        %dma_start3A_94 = tpu.memref_slice %arg2[%dma_start3A_92, %dma_start3A_93] : memref<20480x160xf32, #tpu.memory_space<hbm>> -> memref<20480x160xf32, #tpu.memory_space<hbm>>
        tpu.enqueue_indirect_dma source(%dma_start3A_94 : memref<20480x160xf32, #tpu.memory_space<hbm>>) target(%dma_start3A_88 : memref<80x160xf32, #tpu.memory_space<vmem>>) offsets(%dma_start3A_91 : memref<80xi32, #tpu.memory_space<vmem>>) semaphore(%arg10 : memref<!tpu.dma_semaphore, #tpu.memory_space<semaphore_mem>>)
      } else {
      }
      %dma_wait3A_65 = arith.constant 1 : i32
      %dma_wait3A_66 = arith.constant 1 : i32
      %dma_wait3A_67 = arith.constant 0 : i32
      %dma_wait3A_68 = arith.constant 0 : i32
      %dma_wait3A_69 = tpu.memref_slice %arg9[%dma_wait3A_66, %dma_wait3A_67, %dma_wait3A_68] : memref<2x80x160xf32, #tpu.memory_space<vmem>> -> memref<1x80x160xf32, #tpu.memory_space<vmem>>
      %dma_wait3A_70 = tpu.memref_squeeze %dma_wait3A_69 : memref<1x80x160xf32, #tpu.memory_space<vmem>> -> memref<80x160xf32, #tpu.memory_space<vmem>>
      %dma_wait3A_71 = arith.constant 0 : i32
      %dma_wait3A_72 = tpu.memref_slice %arg7[%dma_wait3A_65, %dma_wait3A_71] : memref<2x80xi32, #tpu.memory_space<vmem>> -> memref<1x80xi32, #tpu.memory_space<vmem>>
      %dma_wait3A_73 = tpu.memref_squeeze %dma_wait3A_72 : memref<1x80xi32, #tpu.memory_space<vmem>> -> memref<80xi32, #tpu.memory_space<vmem>>
      %dma_wait3A_74 = arith.constant 0 : i32
      %dma_wait3A_75 = arith.constant 0 : i32
      %dma_wait3A_76 = tpu.memref_slice %arg2[%dma_wait3A_74, %dma_wait3A_75] : memref<20480x160xf32, #tpu.memory_space<hbm>> -> memref<20480x160xf32, #tpu.memory_space<hbm>>
      tpu.wait_indirect_dma semaphore(%arg11 : memref<!tpu.dma_semaphore, #tpu.memory_space<semaphore_mem>>) src(%dma_wait3A_76 : memref<20480x160xf32, #tpu.memory_space<hbm>>) dst(%dma_wait3A_70 : memref<80x160xf32, #tpu.memory_space<vmem>>)
      %run_scoped3A_77 = arith.constant 1 : i32
      %run_scoped3A_78 = arith.constant 1 : i32
      "tpu.region"() ({
        %run_scoped3A_79 = tpu.sem_alloc : memref<!tpu.dma_semaphore, #tpu.memory_space<semaphore_mem>>
        %dma_start3A_80 = arith.constant 0 : i32
        %dma_start3A_81 = arith.constant 0 : i32
        %dma_start3A_82 = tpu.memref_slice %arg9[%run_scoped3A_77, %dma_start3A_80, %dma_start3A_81] : memref<2x80x160xf32, #tpu.memory_space<vmem>> -> memref<1x80x160xf32, #tpu.memory_space<vmem>>
        %dma_start3A_83 = tpu.memref_squeeze %dma_start3A_82 : memref<1x80x160xf32, #tpu.memory_space<vmem>> -> memref<80x160xf32, #tpu.memory_space<vmem>>
        %dma_start3A_84 = arith.constant 0 : i32
        %dma_start3A_85 = tpu.memref_slice %arg8[%run_scoped3A_78, %dma_start3A_84] : memref<2x80xi32, #tpu.memory_space<vmem>> -> memref<1x80xi32, #tpu.memory_space<vmem>>
        %dma_start3A_86 = tpu.memref_squeeze %dma_start3A_85 : memref<1x80xi32, #tpu.memory_space<vmem>> -> memref<80xi32, #tpu.memory_space<vmem>>
        %dma_start3A_87 = arith.constant 0 : i32
        %dma_start3A_88 = arith.constant 0 : i32
        %dma_start3A_89 = tpu.memref_slice %arg6[%dma_start3A_87, %dma_start3A_88] : memref<10240x160xf32, #tpu.memory_space<vmem_shared>> -> memref<10240x160xf32, #tpu.memory_space<vmem_shared>>
        tpu.enqueue_indirect_dma source(%dma_start3A_83 : memref<80x160xf32, #tpu.memory_space<vmem>>) target(%dma_start3A_89 : memref<10240x160xf32, #tpu.memory_space<vmem_shared>>) offsets(%dma_start3A_86 : memref<80xi32, #tpu.memory_space<vmem>>) semaphore(%run_scoped3A_79 : memref<!tpu.dma_semaphore, #tpu.memory_space<semaphore_mem>>) {add = true}
        %dma_wait3A_90 = arith.constant 0 : i32
        %dma_wait3A_91 = arith.constant 0 : i32
        %dma_wait3A_92 = tpu.memref_slice %arg9[%run_scoped3A_77, %dma_wait3A_90, %dma_wait3A_91] : memref<2x80x160xf32, #tpu.memory_space<vmem>> -> memref<1x80x160xf32, #tpu.memory_space<vmem>>
        %dma_wait3A_93 = tpu.memref_squeeze %dma_wait3A_92 : memref<1x80x160xf32, #tpu.memory_space<vmem>> -> memref<80x160xf32, #tpu.memory_space<vmem>>
        %dma_wait3A_94 = arith.constant 0 : i32
        %dma_wait3A_95 = tpu.memref_slice %arg8[%run_scoped3A_78, %dma_wait3A_94] : memref<2x80xi32, #tpu.memory_space<vmem>> -> memref<1x80xi32, #tpu.memory_space<vmem>>
        %dma_wait3A_96 = tpu.memref_squeeze %dma_wait3A_95 : memref<1x80xi32, #tpu.memory_space<vmem>> -> memref<80xi32, #tpu.memory_space<vmem>>
        %dma_wait3A_97 = arith.constant 0 : i32
        %dma_wait3A_98 = arith.constant 0 : i32
        %dma_wait3A_99 = tpu.memref_slice %arg6[%dma_wait3A_97, %dma_wait3A_98] : memref<10240x160xf32, #tpu.memory_space<vmem_shared>> -> memref<10240x160xf32, #tpu.memory_space<vmem_shared>>
        tpu.wait_indirect_dma semaphore(%run_scoped3A_79 : memref<!tpu.dma_semaphore, #tpu.memory_space<semaphore_mem>>) src(%dma_wait3A_93 : memref<80x160xf32, #tpu.memory_space<vmem>>) dst(%dma_wait3A_99 : memref<10240x160xf32, #tpu.memory_space<vmem_shared>>)
        tpu.yield
      }) : () -> ()
    }
    %scan3A_23 = arith.constant 64 : i32
    %barrier3A_24 = arith.constant 0 : index
    tpu.barrier barrier_id(%barrier3A_24)
    %mul3A_25 = arith.constant 640 : i32
    %mul3A_26 = arith.muli %arg1, %mul3A_25 : i32
    %mul3A_27 = arith.constant 640 : i32
    %mul3A_28 = arith.muli %arg1, %mul3A_27 : i32
    "tpu.region"() ({
      %run_scoped3A_29 = tpu.sem_alloc : memref<!tpu.dma_semaphore, #tpu.memory_space<semaphore_mem>>
      %dma_start3A_30 = arith.constant 0 : i32
      %dma_start3A_31 = tpu.memref_slice %arg5[%arg0, %mul3A_28, %dma_start3A_30] : memref<2x10240x160xf32, #tpu.memory_space<hbm>> -> memref<1x640x160xf32, #tpu.memory_space<hbm>>
      %dma_start3A_32 = tpu.memref_squeeze %dma_start3A_31 : memref<1x640x160xf32, #tpu.memory_space<hbm>> -> memref<640x160xf32, #tpu.memory_space<hbm>>
      %dma_start3A_33 = arith.constant 0 : i32
      %dma_start3A_34 = tpu.memref_slice %arg6[%mul3A_26, %dma_start3A_33] : memref<10240x160xf32, #tpu.memory_space<vmem_shared>> -> memref<640x160xf32, #tpu.memory_space<vmem_shared>>
      tpu.enqueue_dma source(%dma_start3A_34 : memref<640x160xf32, #tpu.memory_space<vmem_shared>>) target(%dma_start3A_32 : memref<640x160xf32, #tpu.memory_space<hbm>>) target_semaphore(%run_scoped3A_29 : memref<!tpu.dma_semaphore, #tpu.memory_space<semaphore_mem>>)
      %dma_wait3A = arith.constant 0 : i32
      %dma_wait3A_35 = tpu.memref_slice %arg5[%arg0, %mul3A_28, %dma_wait3A] : memref<2x10240x160xf32, #tpu.memory_space<hbm>> -> memref<1x640x160xf32, #tpu.memory_space<hbm>>
      %dma_wait3A_36 = tpu.memref_squeeze %dma_wait3A_35 : memref<1x640x160xf32, #tpu.memory_space<hbm>> -> memref<640x160xf32, #tpu.memory_space<hbm>>
      %dma_wait3A_37 = arith.constant 0 : i32
      %dma_wait3A_38 = tpu.memref_slice %arg6[%mul3A_26, %dma_wait3A_37] : memref<10240x160xf32, #tpu.memory_space<vmem_shared>> -> memref<640x160xf32, #tpu.memory_space<vmem_shared>>
      tpu.wait_dma2 semaphore(%run_scoped3A_29 : memref<!tpu.dma_semaphore, #tpu.memory_space<semaphore_mem>>) src(%dma_wait3A_38 : memref<640x160xf32, #tpu.memory_space<vmem_shared>>) dst(%dma_wait3A_36 : memref<640x160xf32, #tpu.memory_space<hbm>>)
      tpu.yield
    }) : () -> ()
    return
  }
}

module attributes {stable_mosaic.version = 14 : i64} {
  func.func @_init_body(%arg0: i32, %arg1: memref<1x16x1000xi32, #tpu.memory_space<vmem>>, %arg2: memref<192x300xf32, #tpu.memory_space<vmem>>, %arg3: memref<2x1000x160xf32, #tpu.memory_space<vmem>>) attributes {dimension_semantics = [#tpu.dimension_semantics<arbitrary>], iteration_bounds = array<i64: 10>, scalar_prefetch = 0 : i64, scratch_operands = 0 : i64, tpu.core_type = #tpu.core_type<tc>, window_params = [{transform_indices = @transform_0, window_bounds = array<i64: 1, 16, 1000>}, {pipeline_mode = #tpu.pipeline_mode<synchronous>, transform_indices = @transform_1, window_bounds = array<i64: 192, 300>}, {transform_indices = @transform_2, window_bounds = array<i64: 2, 1000, 160>}]} {
    %iota3A = tpu.iota {dimensions = array<i32: 1>} : vector<1000x192xi32>
    %broadcast_in_dim3A = arith.constant 0.000000e+00 : f32
    %broadcast_in_dim3A_0 = vector.broadcast %broadcast_in_dim3A : f32 to vector<1000x192xf32>
    %get3A = arith.constant 0 : index
    %get3A_1 = arith.constant 0 : index
    %get3A_2 = arith.constant 0 : index
    %get3A_3 = vector.load %arg1[%get3A, %get3A_1, %get3A_2] : memref<1x16x1000xi32, #tpu.memory_space<vmem>>, vector<1x1x1000xi32>
    %get3A_4 = vector.shape_cast %get3A_3 : vector<1x1x1000xi32> to vector<1000xi32>
    %add3A = arith.constant 0 : i32
    %add3A_5 = vector.broadcast %add3A : i32 to vector<1000xi32>
    %add3A_6 = arith.addi %get3A_4, %add3A_5 : vector<1000xi32>
    %broadcast_in_dim3A_7 = vector.shape_cast %add3A_6 : vector<1000xi32> to vector<1000x1xi32>
    %eq3A = vector.broadcast %broadcast_in_dim3A_7 : vector<1000x1xi32> to vector<1000x192xi32>
    %eq3A_8 = arith.cmpi eq, %iota3A, %eq3A : vector<1000x192xi32>
    %convert_element_type3A = arith.extui %eq3A_8 : vector<1000x192xi1> to vector<1000x192xi32>
    %convert_element_type3A_9 = arith.sitofp %convert_element_type3A : vector<1000x192xi32> to vector<1000x192xf32>
    %add3A_10 = arith.addf %broadcast_in_dim3A_0, %convert_element_type3A_9 : vector<1000x192xf32>
    %get3A_11 = arith.constant 0 : index
    %get3A_12 = arith.constant 1 : index
    %get3A_13 = arith.constant 0 : index
    %get3A_14 = vector.load %arg1[%get3A_11, %get3A_12, %get3A_13] : memref<1x16x1000xi32, #tpu.memory_space<vmem>>, vector<1x1x1000xi32>
    %get3A_15 = vector.shape_cast %get3A_14 : vector<1x1x1000xi32> to vector<1000xi32>
    %add3A_16 = arith.constant 119 : i32
    %add3A_17 = vector.broadcast %add3A_16 : i32 to vector<1000xi32>
    %add3A_18 = arith.addi %get3A_15, %add3A_17 : vector<1000xi32>
    %broadcast_in_dim3A_19 = vector.shape_cast %add3A_18 : vector<1000xi32> to vector<1000x1xi32>
    %eq3A_20 = vector.broadcast %broadcast_in_dim3A_19 : vector<1000x1xi32> to vector<1000x192xi32>
    %eq3A_21 = arith.cmpi eq, %iota3A, %eq3A_20 : vector<1000x192xi32>
    %convert_element_type3A_22 = arith.extui %eq3A_21 : vector<1000x192xi1> to vector<1000x192xi32>
    %convert_element_type3A_23 = arith.sitofp %convert_element_type3A_22 : vector<1000x192xi32> to vector<1000x192xf32>
    %add3A_24 = arith.addf %add3A_10, %convert_element_type3A_23 : vector<1000x192xf32>
    %get3A_25 = arith.constant 0 : index
    %get3A_26 = arith.constant 2 : index
    %get3A_27 = arith.constant 0 : index
    %get3A_28 = vector.load %arg1[%get3A_25, %get3A_26, %get3A_27] : memref<1x16x1000xi32, #tpu.memory_space<vmem>>, vector<1x1x1000xi32>
    %get3A_29 = vector.shape_cast %get3A_28 : vector<1x1x1000xi32> to vector<1000xi32>
    %add3A_30 = arith.constant 127 : i32
    %add3A_31 = vector.broadcast %add3A_30 : i32 to vector<1000xi32>
    %add3A_32 = arith.addi %get3A_29, %add3A_31 : vector<1000xi32>
    %broadcast_in_dim3A_33 = vector.shape_cast %add3A_32 : vector<1000xi32> to vector<1000x1xi32>
    %eq3A_34 = vector.broadcast %broadcast_in_dim3A_33 : vector<1000x1xi32> to vector<1000x192xi32>
    %eq3A_35 = arith.cmpi eq, %iota3A, %eq3A_34 : vector<1000x192xi32>
    %convert_element_type3A_36 = arith.extui %eq3A_35 : vector<1000x192xi1> to vector<1000x192xi32>
    %convert_element_type3A_37 = arith.sitofp %convert_element_type3A_36 : vector<1000x192xi32> to vector<1000x192xf32>
    %add3A_38 = arith.addf %add3A_24, %convert_element_type3A_37 : vector<1000x192xf32>
    %get3A_39 = arith.constant 0 : index
    %get3A_40 = arith.constant 3 : index
    %get3A_41 = arith.constant 0 : index
    %get3A_42 = vector.load %arg1[%get3A_39, %get3A_40, %get3A_41] : memref<1x16x1000xi32, #tpu.memory_space<vmem>>, vector<1x1x1000xi32>
    %get3A_43 = vector.shape_cast %get3A_42 : vector<1x1x1000xi32> to vector<1000xi32>
    %add3A_44 = arith.constant 139 : i32
    %add3A_45 = vector.broadcast %add3A_44 : i32 to vector<1000xi32>
    %add3A_46 = arith.addi %get3A_43, %add3A_45 : vector<1000xi32>
    %broadcast_in_dim3A_47 = vector.shape_cast %add3A_46 : vector<1000xi32> to vector<1000x1xi32>
    %eq3A_48 = vector.broadcast %broadcast_in_dim3A_47 : vector<1000x1xi32> to vector<1000x192xi32>
    %eq3A_49 = arith.cmpi eq, %iota3A, %eq3A_48 : vector<1000x192xi32>
    %convert_element_type3A_50 = arith.extui %eq3A_49 : vector<1000x192xi1> to vector<1000x192xi32>
    %convert_element_type3A_51 = arith.sitofp %convert_element_type3A_50 : vector<1000x192xi32> to vector<1000x192xf32>
    %add3A_52 = arith.addf %add3A_38, %convert_element_type3A_51 : vector<1000x192xf32>
    %get3A_53 = arith.constant 0 : index
    %get3A_54 = arith.constant 4 : index
    %get3A_55 = arith.constant 0 : index
    %get3A_56 = vector.load %arg1[%get3A_53, %get3A_54, %get3A_55] : memref<1x16x1000xi32, #tpu.memory_space<vmem>>, vector<1x1x1000xi32>
    %get3A_57 = vector.shape_cast %get3A_56 : vector<1x1x1000xi32> to vector<1000xi32>
    %add3A_58 = arith.constant 154 : i32
    %add3A_59 = vector.broadcast %add3A_58 : i32 to vector<1000xi32>
    %add3A_60 = arith.addi %get3A_57, %add3A_59 : vector<1000xi32>
    %broadcast_in_dim3A_61 = vector.shape_cast %add3A_60 : vector<1000xi32> to vector<1000x1xi32>
    %eq3A_62 = vector.broadcast %broadcast_in_dim3A_61 : vector<1000x1xi32> to vector<1000x192xi32>
    %eq3A_63 = arith.cmpi eq, %iota3A, %eq3A_62 : vector<1000x192xi32>
    %convert_element_type3A_64 = arith.extui %eq3A_63 : vector<1000x192xi1> to vector<1000x192xi32>
    %convert_element_type3A_65 = arith.sitofp %convert_element_type3A_64 : vector<1000x192xi32> to vector<1000x192xf32>
    %add3A_66 = arith.addf %add3A_52, %convert_element_type3A_65 : vector<1000x192xf32>
    %get3A_67 = arith.constant 0 : index
    %get3A_68 = arith.constant 5 : index
    %get3A_69 = arith.constant 0 : index
    %get3A_70 = vector.load %arg1[%get3A_67, %get3A_68, %get3A_69] : memref<1x16x1000xi32, #tpu.memory_space<vmem>>, vector<1x1x1000xi32>
    %get3A_71 = vector.shape_cast %get3A_70 : vector<1x1x1000xi32> to vector<1000xi32>
    %add3A_72 = arith.constant 164 : i32
    %add3A_73 = vector.broadcast %add3A_72 : i32 to vector<1000xi32>
    %add3A_74 = arith.addi %get3A_71, %add3A_73 : vector<1000xi32>
    %broadcast_in_dim3A_75 = vector.shape_cast %add3A_74 : vector<1000xi32> to vector<1000x1xi32>
    %eq3A_76 = vector.broadcast %broadcast_in_dim3A_75 : vector<1000x1xi32> to vector<1000x192xi32>
    %eq3A_77 = arith.cmpi eq, %iota3A, %eq3A_76 : vector<1000x192xi32>
    %convert_element_type3A_78 = arith.extui %eq3A_77 : vector<1000x192xi1> to vector<1000x192xi32>
    %convert_element_type3A_79 = arith.sitofp %convert_element_type3A_78 : vector<1000x192xi32> to vector<1000x192xf32>
    %add3A_80 = arith.addf %add3A_66, %convert_element_type3A_79 : vector<1000x192xf32>
    %get3A_81 = arith.constant 0 : index
    %get3A_82 = arith.constant 6 : index
    %get3A_83 = arith.constant 0 : index
    %get3A_84 = vector.load %arg1[%get3A_81, %get3A_82, %get3A_83] : memref<1x16x1000xi32, #tpu.memory_space<vmem>>, vector<1x1x1000xi32>
    %get3A_85 = vector.shape_cast %get3A_84 : vector<1x1x1000xi32> to vector<1000xi32>
    %add3A_86 = arith.constant 170 : i32
    %add3A_87 = vector.broadcast %add3A_86 : i32 to vector<1000xi32>
    %add3A_88 = arith.addi %get3A_85, %add3A_87 : vector<1000xi32>
    %broadcast_in_dim3A_89 = vector.shape_cast %add3A_88 : vector<1000xi32> to vector<1000x1xi32>
    %eq3A_90 = vector.broadcast %broadcast_in_dim3A_89 : vector<1000x1xi32> to vector<1000x192xi32>
    %eq3A_91 = arith.cmpi eq, %iota3A, %eq3A_90 : vector<1000x192xi32>
    %convert_element_type3A_92 = arith.extui %eq3A_91 : vector<1000x192xi1> to vector<1000x192xi32>
    %convert_element_type3A_93 = arith.sitofp %convert_element_type3A_92 : vector<1000x192xi32> to vector<1000x192xf32>
    %add3A_94 = arith.addf %add3A_80, %convert_element_type3A_93 : vector<1000x192xf32>
    %get3A_95 = arith.constant 0 : index
    %get3A_96 = arith.constant 7 : index
    %get3A_97 = arith.constant 0 : index
    %get3A_98 = vector.load %arg1[%get3A_95, %get3A_96, %get3A_97] : memref<1x16x1000xi32, #tpu.memory_space<vmem>>, vector<1x1x1000xi32>
    %get3A_99 = vector.shape_cast %get3A_98 : vector<1x1x1000xi32> to vector<1000xi32>
    %add3A_100 = arith.constant 177 : i32
    %add3A_101 = vector.broadcast %add3A_100 : i32 to vector<1000xi32>
    %add3A_102 = arith.addi %get3A_99, %add3A_101 : vector<1000xi32>
    %broadcast_in_dim3A_103 = vector.shape_cast %add3A_102 : vector<1000xi32> to vector<1000x1xi32>
    %eq3A_104 = vector.broadcast %broadcast_in_dim3A_103 : vector<1000x1xi32> to vector<1000x192xi32>
    %eq3A_105 = arith.cmpi eq, %iota3A, %eq3A_104 : vector<1000x192xi32>
    %convert_element_type3A_106 = arith.extui %eq3A_105 : vector<1000x192xi1> to vector<1000x192xi32>
    %convert_element_type3A_107 = arith.sitofp %convert_element_type3A_106 : vector<1000x192xi32> to vector<1000x192xf32>
    %add3A_108 = arith.addf %add3A_94, %convert_element_type3A_107 : vector<1000x192xf32>
    %get3A_109 = arith.constant 0 : index
    %get3A_110 = arith.constant 8 : index
    %get3A_111 = arith.constant 0 : index
    %get3A_112 = vector.load %arg1[%get3A_109, %get3A_110, %get3A_111] : memref<1x16x1000xi32, #tpu.memory_space<vmem>>, vector<1x1x1000xi32>
    %get3A_113 = vector.shape_cast %get3A_112 : vector<1x1x1000xi32> to vector<1000xi32>
    %add3A_114 = arith.constant 180 : i32
    %add3A_115 = vector.broadcast %add3A_114 : i32 to vector<1000xi32>
    %add3A_116 = arith.addi %get3A_113, %add3A_115 : vector<1000xi32>
    %broadcast_in_dim3A_117 = vector.shape_cast %add3A_116 : vector<1000xi32> to vector<1000x1xi32>
    %eq3A_118 = vector.broadcast %broadcast_in_dim3A_117 : vector<1000x1xi32> to vector<1000x192xi32>
    %eq3A_119 = arith.cmpi eq, %iota3A, %eq3A_118 : vector<1000x192xi32>
    %convert_element_type3A_120 = arith.extui %eq3A_119 : vector<1000x192xi1> to vector<1000x192xi32>
    %convert_element_type3A_121 = arith.sitofp %convert_element_type3A_120 : vector<1000x192xi32> to vector<1000x192xf32>
    %add3A_122 = arith.addf %add3A_108, %convert_element_type3A_121 : vector<1000x192xf32>
    %get3A_123 = arith.constant 0 : index
    %get3A_124 = arith.constant 0 : index
    %get3A_125 = vector.load %arg2[%get3A_123, %get3A_124] : memref<192x300xf32, #tpu.memory_space<vmem>>, vector<192x300xf32>
    %dot_general3A = arith.constant dense<0.000000e+00> : vector<1000x300xf32>
    %dot_general3A_126 = tpu.matmul %add3A_122, %get3A_125, %dot_general3A {dimension_numbers = #tpu.dot_dimension_numbers<[1], [0], [0], [1], [0, 0, 1, 1], [], []>, precision = #tpu.contract_precision<fp32>, transpose_lhs_hint = false} : vector<1000x192xf32>, vector<192x300xf32>, vector<1000x300xf32> -> vector<1000x300xf32>
    %slice3A = vector.extract_strided_slice %dot_general3A_126 {offsets = [0, 0], sizes = [1000, 150], strides = [1, 1]} : vector<1000x300xf32> to vector<1000x150xf32>
    %swap3A = arith.constant 0 : index
    %swap3A_127 = arith.constant 0 : index
    %swap3A_128 = arith.constant 0 : index
    %swap3A_129 = vector.load %arg3[%swap3A, %swap3A_127, %swap3A_128] : memref<2x1000x160xf32, #tpu.memory_space<vmem>>, vector<1x1000x150xf32>
    %swap3A_130 = vector.shape_cast %swap3A_129 : vector<1x1000x150xf32> to vector<1000x150xf32>
    %swap3A_131 = vector.shape_cast %slice3A : vector<1000x150xf32> to vector<1x1000x150xf32>
    tpu.vector_store %arg3[%swap3A, %swap3A_127, %swap3A_128], %swap3A_131 {strides = array<i32>} : memref<2x1000x160xf32, #tpu.memory_space<vmem>>, vector<1x1000x150xf32>,
    %slice3A_132 = vector.extract_strided_slice %dot_general3A_126 {offsets = [0, 150], sizes = [1000, 150], strides = [1, 1]} : vector<1000x300xf32> to vector<1000x150xf32>
    %swap3A_133 = arith.constant 1 : index
    %swap3A_134 = arith.constant 0 : index
    %swap3A_135 = arith.constant 0 : index
    %swap3A_136 = vector.load %arg3[%swap3A_133, %swap3A_134, %swap3A_135] : memref<2x1000x160xf32, #tpu.memory_space<vmem>>, vector<1x1000x150xf32>
    %swap3A_137 = vector.shape_cast %swap3A_136 : vector<1x1000x150xf32> to vector<1000x150xf32>
    %swap3A_138 = vector.shape_cast %slice3A_132 : vector<1000x150xf32> to vector<1x1000x150xf32>
    tpu.vector_store %arg3[%swap3A_133, %swap3A_134, %swap3A_135], %swap3A_138 {strides = array<i32>} : memref<2x1000x160xf32, #tpu.memory_space<vmem>>, vector<1x1000x150xf32>,
    %broadcast_in_dim3A_139 = arith.constant 0.000000e+00 : f32
    %broadcast_in_dim3A_140 = vector.broadcast %broadcast_in_dim3A_139 : f32 to vector<1000x10xf32>
    %swap3A_141 = arith.constant 0 : index
    %swap3A_142 = arith.constant 0 : index
    %swap3A_143 = arith.constant 150 : index
    %swap3A_144 = vector.load %arg3[%swap3A_141, %swap3A_142, %swap3A_143] : memref<2x1000x160xf32, #tpu.memory_space<vmem>>, vector<1x1000x10xf32>
    %swap3A_145 = vector.shape_cast %swap3A_144 : vector<1x1000x10xf32> to vector<1000x10xf32>
    %swap3A_146 = vector.shape_cast %broadcast_in_dim3A_140 : vector<1000x10xf32> to vector<1x1000x10xf32>
    tpu.vector_store %arg3[%swap3A_141, %swap3A_142, %swap3A_143], %swap3A_146 {strides = array<i32>} : memref<2x1000x160xf32, #tpu.memory_space<vmem>>, vector<1x1000x10xf32>,
    %broadcast_in_dim3A_147 = arith.constant 0.000000e+00 : f32
    %broadcast_in_dim3A_148 = vector.broadcast %broadcast_in_dim3A_147 : f32 to vector<1000x10xf32>
    %swap3A_149 = arith.constant 1 : index
    %swap3A_150 = arith.constant 0 : index
    %swap3A_151 = arith.constant 150 : index
    %swap3A_152 = vector.load %arg3[%swap3A_149, %swap3A_150, %swap3A_151] : memref<2x1000x160xf32, #tpu.memory_space<vmem>>, vector<1x1000x10xf32>
    %swap3A_153 = vector.shape_cast %swap3A_152 : vector<1x1000x10xf32> to vector<1000x10xf32>
    %swap3A_154 = vector.shape_cast %broadcast_in_dim3A_148 : vector<1000x10xf32> to vector<1x1000x10xf32>
    tpu.vector_store %arg3[%swap3A_149, %swap3A_150, %swap3A_151], %swap3A_154 {strides = array<i32>} : memref<2x1000x160xf32, #tpu.memory_space<vmem>>, vector<1x1000x10xf32>,
    return
  }
  func.func @transform_0(%arg0: i32) -> (i32, i32, i32) {
    %c0_i32 = arith.constant 0 : i32
    %c0_i32_0 = arith.constant 0 : i32
    %c0_i32_1 = arith.constant 0 : i32
    return %arg0, %c0_i32, %c0_i32_0 : i32, i32, i32
  }
  func.func @transform_1(%arg0: i32) -> (i32, i32) {
    %c0_i32 = arith.constant 0 : i32
    %c0_i32_0 = arith.constant 0 : i32
    %c0_i32_1 = arith.constant 0 : i32
    return %c0_i32, %c0_i32_0 : i32, i32
  }
  func.func @transform_2(%arg0: i32) -> (i32, i32, i32) {
    %c0_i32 = arith.constant 0 : i32
    %c0_i32_0 = arith.constant 0 : i32
    %c0_i32_1 = arith.constant 0 : i32
    return %c0_i32, %arg0, %c0_i32_0 : i32, i32, i32
  }
}

module attributes {stable_mosaic.version = 14 : i64} {
  func.func @_mlp1_body(%arg0: i32, %arg1: memref<2x1000x160xf32, #tpu.memory_space<vmem>>, %arg2: memref<2x1000x32xf32, #tpu.memory_space<vmem>>, %arg3: memref<32x300xf32, #tpu.memory_space<vmem>>, %arg4: memref<300x600xf32, #tpu.memory_space<vmem>>, %arg5: memref<1x600xf32, #tpu.memory_space<vmem>>, %arg6: memref<600x300xf32, #tpu.memory_space<vmem>>, %arg7: memref<1x300xf32, #tpu.memory_space<vmem>>, %arg8: memref<1000x300xf32, #tpu.memory_space<vmem>>, %arg9: memref<8x300xf32, #tpu.memory_space<vmem>>) attributes {dimension_semantics = [#tpu.dimension_semantics<arbitrary>], iteration_bounds = array<i64: 10>, scalar_prefetch = 0 : i64, scratch_operands = 0 : i64, tpu.core_type = #tpu.core_type<tc>, window_params = [{transform_indices = @transform_0, window_bounds = array<i64: 2, 1000, 160>}, {transform_indices = @transform_1, window_bounds = array<i64: 2, 1000, 32>}, {pipeline_mode = #tpu.pipeline_mode<synchronous>, transform_indices = @transform_2, window_bounds = array<i64: 32, 300>}, {pipeline_mode = #tpu.pipeline_mode<synchronous>, transform_indices = @transform_3, window_bounds = array<i64: 300, 600>}, {pipeline_mode = #tpu.pipeline_mode<synchronous>, transform_indices = @transform_4, window_bounds = array<i64: 1, 600>}, {pipeline_mode = #tpu.pipeline_mode<synchronous>, transform_indices = @transform_5, window_bounds = array<i64: 600, 300>}, {pipeline_mode = #tpu.pipeline_mode<synchronous>, transform_indices = @transform_6, window_bounds = array<i64: 1, 300>}, {transform_indices = @transform_7, window_bounds = array<i64: 1000, 300>}, {pipeline_mode = #tpu.pipeline_mode<synchronous>, transform_indices = @transform_8, window_bounds = array<i64: 8, 300>}]} {
    %get3A = arith.constant 0 : index
    %get3A_0 = arith.constant 0 : index
    %get3A_1 = arith.constant 0 : index
    %get3A_2 = vector.load %arg1[%get3A, %get3A_0, %get3A_1] : memref<2x1000x160xf32, #tpu.memory_space<vmem>>, vector<1x1000x150xf32>
    %get3A_3 = vector.shape_cast %get3A_2 : vector<1x1000x150xf32> to vector<1000x150xf32>
    %get3A_4 = arith.constant 1 : index
    %get3A_5 = arith.constant 0 : index
    %get3A_6 = arith.constant 0 : index
    %get3A_7 = vector.load %arg1[%get3A_4, %get3A_5, %get3A_6] : memref<2x1000x160xf32, #tpu.memory_space<vmem>>, vector<1x1000x150xf32>
    %get3A_8 = vector.shape_cast %get3A_7 : vector<1x1000x150xf32> to vector<1000x150xf32>
    %concatenate3A = tpu.concatenate %get3A_3, %get3A_8 in 1 : vector<1000x150xf32>, vector<1000x150xf32> -> vector<1000x300xf32>
    %get3A_9 = arith.constant 0 : index
    %get3A_10 = arith.constant 0 : index
    %get3A_11 = arith.constant 0 : index
    %get3A_12 = vector.load %arg2[%get3A_9, %get3A_10, %get3A_11] : memref<2x1000x32xf32, #tpu.memory_space<vmem>>, vector<1x1000x32xf32>
    %get3A_13 = vector.shape_cast %get3A_12 : vector<1x1000x32xf32> to vector<1000x32xf32>
    %get3A_14 = arith.constant 1 : index
    %get3A_15 = arith.constant 0 : index
    %get3A_16 = arith.constant 0 : index
    %get3A_17 = vector.load %arg2[%get3A_14, %get3A_15, %get3A_16] : memref<2x1000x32xf32, #tpu.memory_space<vmem>>, vector<1x1000x32xf32>
    %get3A_18 = vector.shape_cast %get3A_17 : vector<1x1000x32xf32> to vector<1000x32xf32>
    %add3A = arith.addf %get3A_13, %get3A_18 : vector<1000x32xf32>
    %get3A_19 = arith.constant 0 : index
    %get3A_20 = arith.constant 0 : index
    %get3A_21 = vector.load %arg3[%get3A_19, %get3A_20] : memref<32x300xf32, #tpu.memory_space<vmem>>, vector<32x300xf32>
    %dot_general3A = arith.constant dense<0.000000e+00> : vector<1000x300xf32>
    %dot_general3A_22 = tpu.matmul %add3A, %get3A_21, %dot_general3A {dimension_numbers = #tpu.dot_dimension_numbers<[1], [0], [0], [1], [0, 0, 1, 1], [], []>, precision = #tpu.contract_precision<fp32>, transpose_lhs_hint = false} : vector<1000x32xf32>, vector<32x300xf32>, vector<1000x300xf32> -> vector<1000x300xf32>
    %add3A_23 = arith.addf %concatenate3A, %dot_general3A_22 : vector<1000x300xf32>
    %convert_element_type3A = arith.truncf %add3A_23 : vector<1000x300xf32> to vector<1000x300xbf16>
    %get3A_24 = arith.constant 0 : index
    %get3A_25 = arith.constant 0 : index
    %get3A_26 = vector.load %arg4[%get3A_24, %get3A_25] : memref<300x600xf32, #tpu.memory_space<vmem>>, vector<300x600xf32>
    %convert_element_type3A_27 = arith.truncf %get3A_26 : vector<300x600xf32> to vector<300x600xbf16>
    %dot_general3A_28 = arith.constant dense<0.000000e+00> : vector<1000x600xf32>
    %dot_general3A_29 = tpu.matmul %convert_element_type3A, %convert_element_type3A_27, %dot_general3A_28 {dimension_numbers = #tpu.dot_dimension_numbers<[1], [0], [0], [1], [0, 0, 1, 1], [], []>, transpose_lhs_hint = false} : vector<1000x300xbf16>, vector<300x600xbf16>, vector<1000x600xf32> -> vector<1000x600xf32>
    %get3A_30 = arith.constant 0 : index
    %get3A_31 = arith.constant 0 : index
    %get3A_32 = vector.load %arg5[%get3A_30, %get3A_31] : memref<1x600xf32, #tpu.memory_space<vmem>>, vector<1x600xf32>
    %add3A_33 = vector.broadcast %get3A_32 : vector<1x600xf32> to vector<1000x600xf32>
    %add3A_34 = arith.addf %dot_general3A_29, %add3A_33 : vector<1000x600xf32>
    %max3A = arith.constant 0.000000e+00 : f32
    %max3A_35 = vector.broadcast %max3A : f32 to vector<1000x600xf32>
    %max3A_36 = arith.maximumf %add3A_34, %max3A_35 : vector<1000x600xf32>
    %convert_element_type3A_37 = arith.truncf %max3A_36 : vector<1000x600xf32> to vector<1000x600xbf16>
    %get3A_38 = arith.constant 0 : index
    %get3A_39 = arith.constant 0 : index
    %get3A_40 = vector.load %arg6[%get3A_38, %get3A_39] : memref<600x300xf32, #tpu.memory_space<vmem>>, vector<600x300xf32>
    %convert_element_type3A_41 = arith.truncf %get3A_40 : vector<600x300xf32> to vector<600x300xbf16>
    %dot_general3A_42 = arith.constant dense<0.000000e+00> : vector<1000x300xf32>
    %dot_general3A_43 = tpu.matmul %convert_element_type3A_37, %convert_element_type3A_41, %dot_general3A_42 {dimension_numbers = #tpu.dot_dimension_numbers<[1], [0], [0], [1], [0, 0, 1, 1], [], []>, transpose_lhs_hint = false} : vector<1000x600xbf16>, vector<600x300xbf16>, vector<1000x300xf32> -> vector<1000x300xf32>
    %get3A_44 = arith.constant 0 : index
    %get3A_45 = arith.constant 0 : index
    %get3A_46 = vector.load %arg7[%get3A_44, %get3A_45] : memref<1x300xf32, #tpu.memory_space<vmem>>, vector<1x300xf32>
    %add3A_47 = vector.broadcast %get3A_46 : vector<1x300xf32> to vector<1000x300xf32>
    %add3A_48 = arith.addf %dot_general3A_43, %add3A_47 : vector<1000x300xf32>
    %swap3A = arith.constant 0 : index
    %swap3A_49 = arith.constant 0 : index
    %swap3A_50 = vector.load %arg8[%swap3A, %swap3A_49] : memref<1000x300xf32, #tpu.memory_space<vmem>>, vector<1000x300xf32>
    tpu.vector_store %arg8[%swap3A, %swap3A_49], %add3A_48 {strides = array<i32>} : memref<1000x300xf32, #tpu.memory_space<vmem>>, vector<1000x300xf32>,
    %reduce_sum3A = arith.constant dense<0.000000e+00> : vector<300xf32>
    %reduce_sum3A_51 = vector.multi_reduction <add>, %add3A_48, %reduce_sum3A [0] : vector<1000x300xf32> to vector<300xf32>
    %eq3A = arith.constant 0 : i32
    %eq3A_52 = arith.cmpi eq, %arg0, %eq3A : i32
    %convert_element_type3A_53 = arith.extui %eq3A_52 : i1 to i32
    %cond3A = arith.constant 0 : i32
    %cond3A_54 = arith.cmpi ne, %convert_element_type3A_53, %cond3A : i32
    scf.if %cond3A_54 {
      %mul3A = arith.constant 1.000000e-03 : f32
      %mul3A_59 = vector.broadcast %mul3A : f32 to vector<300xf32>
      %mul3A_60 = arith.mulf %reduce_sum3A_51, %mul3A_59 : vector<300xf32>
      %broadcast_in_dim3A = vector.shape_cast %mul3A_60 : vector<300xf32> to vector<1x300xf32>
      %sub3A = vector.broadcast %broadcast_in_dim3A : vector<1x300xf32> to vector<1000x300xf32>
      %sub3A_61 = arith.subf %add3A_48, %sub3A : vector<1000x300xf32>
      %swap3A_62 = arith.constant 0 : index
      %swap3A_63 = arith.constant 0 : index
      %swap3A_64 = vector.load %arg9[%swap3A_62, %swap3A_63] : memref<8x300xf32, #tpu.memory_space<vmem>>, vector<1x300xf32>
      %swap3A_65 = vector.shape_cast %swap3A_64 : vector<1x300xf32> to vector<300xf32>
      %swap3A_66 = vector.shape_cast %reduce_sum3A_51 : vector<300xf32> to vector<1x300xf32>
      tpu.vector_store %arg9[%swap3A_62, %swap3A_63], %swap3A_66 {strides = array<i32>} : memref<8x300xf32, #tpu.memory_space<vmem>>, vector<1x300xf32>,
      %mul3A_67 = arith.mulf %sub3A_61, %sub3A_61 : vector<1000x300xf32>
      %reduce_sum3A_68 = arith.constant dense<0.000000e+00> : vector<300xf32>
      %reduce_sum3A_69 = vector.multi_reduction <add>, %mul3A_67, %reduce_sum3A_68 [0] : vector<1000x300xf32> to vector<300xf32>
      %swap3A_70 = arith.constant 1 : index
      %swap3A_71 = arith.constant 0 : index
      %swap3A_72 = vector.load %arg9[%swap3A_70, %swap3A_71] : memref<8x300xf32, #tpu.memory_space<vmem>>, vector<1x300xf32>
      %swap3A_73 = vector.shape_cast %swap3A_72 : vector<1x300xf32> to vector<300xf32>
      %swap3A_74 = vector.shape_cast %reduce_sum3A_69 : vector<300xf32> to vector<1x300xf32>
      tpu.vector_store %arg9[%swap3A_70, %swap3A_71], %swap3A_74 {strides = array<i32>} : memref<8x300xf32, #tpu.memory_space<vmem>>, vector<1x300xf32>,
      %swap3A_75 = arith.constant 2 : index
      %swap3A_76 = arith.constant 0 : index
      %swap3A_77 = vector.load %arg9[%swap3A_75, %swap3A_76] : memref<8x300xf32, #tpu.memory_space<vmem>>, vector<1x300xf32>
      %swap3A_78 = vector.shape_cast %swap3A_77 : vector<1x300xf32> to vector<300xf32>
      %swap3A_79 = vector.shape_cast %mul3A_60 : vector<300xf32> to vector<1x300xf32>
      tpu.vector_store %arg9[%swap3A_75, %swap3A_76], %swap3A_79 {strides = array<i32>} : memref<8x300xf32, #tpu.memory_space<vmem>>, vector<1x300xf32>,
    } else {
    }
    %gt3A = arith.constant 0 : i32
    %gt3A_55 = arith.cmpi sgt, %arg0, %gt3A : i32
    %convert_element_type3A_56 = arith.extui %gt3A_55 : i1 to i32
    %cond3A_57 = arith.constant 0 : i32
    %cond3A_58 = arith.cmpi ne, %convert_element_type3A_56, %cond3A_57 : i32
    scf.if %cond3A_58 {
      %get3A_59 = arith.constant 2 : index
      %get3A_60 = arith.constant 0 : index
      %get3A_61 = vector.load %arg9[%get3A_59, %get3A_60] : memref<8x300xf32, #tpu.memory_space<vmem>>, vector<1x300xf32>
      %get3A_62 = vector.shape_cast %get3A_61 : vector<1x300xf32> to vector<300xf32>
      %broadcast_in_dim3A = vector.shape_cast %get3A_62 : vector<300xf32> to vector<1x300xf32>
      %sub3A = vector.broadcast %broadcast_in_dim3A : vector<1x300xf32> to vector<1000x300xf32>
      %sub3A_63 = arith.subf %add3A_48, %sub3A : vector<1000x300xf32>
      %get3A_64 = arith.constant 0 : index
      %get3A_65 = arith.constant 0 : index
      %get3A_66 = vector.load %arg9[%get3A_64, %get3A_65] : memref<8x300xf32, #tpu.memory_space<vmem>>, vector<1x300xf32>
      %get3A_67 = vector.shape_cast %get3A_66 : vector<1x300xf32> to vector<300xf32>
      %add3A_68 = arith.addf %get3A_67, %reduce_sum3A_51 : vector<300xf32>
      %swap3A_69 = arith.constant 0 : index
      %swap3A_70 = arith.constant 0 : index
      %swap3A_71 = vector.load %arg9[%swap3A_69, %swap3A_70] : memref<8x300xf32, #tpu.memory_space<vmem>>, vector<1x300xf32>
      %swap3A_72 = vector.shape_cast %swap3A_71 : vector<1x300xf32> to vector<300xf32>
      %swap3A_73 = vector.shape_cast %add3A_68 : vector<300xf32> to vector<1x300xf32>
      tpu.vector_store %arg9[%swap3A_69, %swap3A_70], %swap3A_73 {strides = array<i32>} : memref<8x300xf32, #tpu.memory_space<vmem>>, vector<1x300xf32>,
      %get3A_74 = arith.constant 1 : index
      %get3A_75 = arith.constant 0 : index
      %get3A_76 = vector.load %arg9[%get3A_74, %get3A_75] : memref<8x300xf32, #tpu.memory_space<vmem>>, vector<1x300xf32>
      %get3A_77 = vector.shape_cast %get3A_76 : vector<1x300xf32> to vector<300xf32>
      %mul3A = arith.mulf %sub3A_63, %sub3A_63 : vector<1000x300xf32>
      %reduce_sum3A_78 = arith.constant dense<0.000000e+00> : vector<300xf32>
      %reduce_sum3A_79 = vector.multi_reduction <add>, %mul3A, %reduce_sum3A_78 [0] : vector<1000x300xf32> to vector<300xf32>
      %add3A_80 = arith.addf %get3A_77, %reduce_sum3A_79 : vector<300xf32>
      %swap3A_81 = arith.constant 1 : index
      %swap3A_82 = arith.constant 0 : index
      %swap3A_83 = vector.load %arg9[%swap3A_81, %swap3A_82] : memref<8x300xf32, #tpu.memory_space<vmem>>, vector<1x300xf32>
      %swap3A_84 = vector.shape_cast %swap3A_83 : vector<1x300xf32> to vector<300xf32>
      %swap3A_85 = vector.shape_cast %add3A_80 : vector<300xf32> to vector<1x300xf32>
      tpu.vector_store %arg9[%swap3A_81, %swap3A_82], %swap3A_85 {strides = array<i32>} : memref<8x300xf32, #tpu.memory_space<vmem>>, vector<1x300xf32>,
    } else {
    }
    return
  }
  func.func @transform_0(%arg0: i32) -> (i32, i32, i32) {
    %c0_i32 = arith.constant 0 : i32
    %c0_i32_0 = arith.constant 0 : i32
    %c0_i32_1 = arith.constant 0 : i32
    return %c0_i32, %arg0, %c0_i32_0 : i32, i32, i32
  }
  func.func @transform_1(%arg0: i32) -> (i32, i32, i32) {
    %c0_i32 = arith.constant 0 : i32
    %c0_i32_0 = arith.constant 0 : i32
    %c0_i32_1 = arith.constant 0 : i32
    return %c0_i32, %arg0, %c0_i32_0 : i32, i32, i32
  }
  func.func @transform_2(%arg0: i32) -> (i32, i32) {
    %c0_i32 = arith.constant 0 : i32
    %c0_i32_0 = arith.constant 0 : i32
    %c0_i32_1 = arith.constant 0 : i32
    return %c0_i32, %c0_i32_0 : i32, i32
  }
  func.func @transform_3(%arg0: i32) -> (i32, i32) {
    %c0_i32 = arith.constant 0 : i32
    %c0_i32_0 = arith.constant 0 : i32
    %c0_i32_1 = arith.constant 0 : i32
    return %c0_i32, %c0_i32_0 : i32, i32
  }
  func.func @transform_4(%arg0: i32) -> (i32, i32) {
    %c0_i32 = arith.constant 0 : i32
    %c0_i32_0 = arith.constant 0 : i32
    %c0_i32_1 = arith.constant 0 : i32
    return %c0_i32, %c0_i32_0 : i32, i32
  }
  func.func @transform_5(%arg0: i32) -> (i32, i32) {
    %c0_i32 = arith.constant 0 : i32
    %c0_i32_0 = arith.constant 0 : i32
    %c0_i32_1 = arith.constant 0 : i32
    return %c0_i32, %c0_i32_0 : i32, i32
  }
  func.func @transform_6(%arg0: i32) -> (i32, i32) {
    %c0_i32 = arith.constant 0 : i32
    %c0_i32_0 = arith.constant 0 : i32
    %c0_i32_1 = arith.constant 0 : i32
    return %c0_i32, %c0_i32_0 : i32, i32
  }
  func.func @transform_7(%arg0: i32) -> (i32, i32) {
    %c0_i32 = arith.constant 0 : i32
    %c0_i32_0 = arith.constant 0 : i32
    return %arg0, %c0_i32 : i32, i32
  }
  func.func @transform_8(%arg0: i32) -> (i32, i32) {
    %c0_i32 = arith.constant 0 : i32
    %c0_i32_0 = arith.constant 0 : i32
    %c0_i32_1 = arith.constant 0 : i32
    return %c0_i32, %c0_i32_0 : i32, i32
  }
}

module attributes {stable_mosaic.version = 14 : i64} {
  func.func @_bn_body(%arg0: i32, %arg1: memref<1000x300xf32, #tpu.memory_space<vmem>>, %arg2: memref<8x300xf32, #tpu.memory_space<vmem>>, %arg3: memref<1x300xf32, #tpu.memory_space<vmem>>, %arg4: memref<1x300xf32, #tpu.memory_space<vmem>>, %arg5: memref<2x1000x160xf32, #tpu.memory_space<vmem>>) attributes {dimension_semantics = [#tpu.dimension_semantics<arbitrary>], iteration_bounds = array<i64: 10>, scalar_prefetch = 0 : i64, scratch_operands = 0 : i64, tpu.core_type = #tpu.core_type<tc>, window_params = [{transform_indices = @transform_0, window_bounds = array<i64: 1000, 300>}, {pipeline_mode = #tpu.pipeline_mode<synchronous>, transform_indices = @transform_1, window_bounds = array<i64: 8, 300>}, {pipeline_mode = #tpu.pipeline_mode<synchronous>, transform_indices = @transform_2, window_bounds = array<i64: 1, 300>}, {pipeline_mode = #tpu.pipeline_mode<synchronous>, transform_indices = @transform_3, window_bounds = array<i64: 1, 300>}, {transform_indices = @transform_4, window_bounds = array<i64: 2, 1000, 160>}]} {
    %get3A = arith.constant 0 : index
    %get3A_0 = arith.constant 0 : index
    %get3A_1 = vector.load %arg2[%get3A, %get3A_0] : memref<8x300xf32, #tpu.memory_space<vmem>>, vector<1x300xf32>
    %get3A_2 = vector.shape_cast %get3A_1 : vector<1x300xf32> to vector<300xf32>
    %mul3A = arith.constant 9.99999974E-5 : f32
    %mul3A_3 = vector.broadcast %mul3A : f32 to vector<300xf32>
    %mul3A_4 = arith.mulf %get3A_2, %mul3A_3 : vector<300xf32>
    %get3A_5 = arith.constant 2 : index
    %get3A_6 = arith.constant 0 : index
    %get3A_7 = vector.load %arg2[%get3A_5, %get3A_6] : memref<8x300xf32, #tpu.memory_space<vmem>>, vector<1x300xf32>
    %get3A_8 = vector.shape_cast %get3A_7 : vector<1x300xf32> to vector<300xf32>
    %sub3A = arith.subf %mul3A_4, %get3A_8 : vector<300xf32>
    %get3A_9 = arith.constant 1 : index
    %get3A_10 = arith.constant 0 : index
    %get3A_11 = vector.load %arg2[%get3A_9, %get3A_10] : memref<8x300xf32, #tpu.memory_space<vmem>>, vector<1x300xf32>
    %get3A_12 = vector.shape_cast %get3A_11 : vector<1x300xf32> to vector<300xf32>
    %mul3A_13 = arith.constant 9.99999974E-5 : f32
    %mul3A_14 = vector.broadcast %mul3A_13 : f32 to vector<300xf32>
    %mul3A_15 = arith.mulf %get3A_12, %mul3A_14 : vector<300xf32>
    %mul3A_16 = arith.mulf %sub3A, %sub3A : vector<300xf32>
    %sub3A_17 = arith.subf %mul3A_15, %mul3A_16 : vector<300xf32>
    %get3A_18 = arith.constant 0 : index
    %get3A_19 = arith.constant 0 : index
    %get3A_20 = vector.load %arg3[%get3A_18, %get3A_19] : memref<1x300xf32, #tpu.memory_space<vmem>>, vector<1x300xf32>
    %get3A_21 = vector.shape_cast %get3A_20 : vector<1x300xf32> to vector<300xf32>
    %add3A = arith.constant 9.99999974E-6 : f32
    %add3A_22 = vector.broadcast %add3A : f32 to vector<300xf32>
    %add3A_23 = arith.addf %sub3A_17, %add3A_22 : vector<300xf32>
    %sqrt3A = math.sqrt %add3A_23 : vector<300xf32>
    %div3A = arith.divf %get3A_21, %sqrt3A : vector<300xf32>
    %get3A_24 = arith.constant 0 : index
    %get3A_25 = arith.constant 0 : index
    %get3A_26 = vector.load %arg1[%get3A_24, %get3A_25] : memref<1000x300xf32, #tpu.memory_space<vmem>>, vector<1000x300xf32>
    %broadcast_in_dim3A = vector.shape_cast %mul3A_4 : vector<300xf32> to vector<1x300xf32>
    %sub3A_27 = vector.broadcast %broadcast_in_dim3A : vector<1x300xf32> to vector<1000x300xf32>
    %sub3A_28 = arith.subf %get3A_26, %sub3A_27 : vector<1000x300xf32>
    %broadcast_in_dim3A_29 = vector.shape_cast %div3A : vector<300xf32> to vector<1x300xf32>
    %mul3A_30 = vector.broadcast %broadcast_in_dim3A_29 : vector<1x300xf32> to vector<1000x300xf32>
    %mul3A_31 = arith.mulf %sub3A_28, %mul3A_30 : vector<1000x300xf32>
    %get3A_32 = arith.constant 0 : index
    %get3A_33 = arith.constant 0 : index
    %get3A_34 = vector.load %arg4[%get3A_32, %get3A_33] : memref<1x300xf32, #tpu.memory_space<vmem>>, vector<1x300xf32>
    %get3A_35 = vector.shape_cast %get3A_34 : vector<1x300xf32> to vector<300xf32>
    %broadcast_in_dim3A_36 = vector.shape_cast %get3A_35 : vector<300xf32> to vector<1x300xf32>
    %add3A_37 = vector.broadcast %broadcast_in_dim3A_36 : vector<1x300xf32> to vector<1000x300xf32>
    %add3A_38 = arith.addf %mul3A_31, %add3A_37 : vector<1000x300xf32>
    %max3A = arith.constant 0.000000e+00 : f32
    %max3A_39 = vector.broadcast %max3A : f32 to vector<1000x300xf32>
    %max3A_40 = arith.maximumf %add3A_38, %max3A_39 : vector<1000x300xf32>
    %slice3A = vector.extract_strided_slice %max3A_40 {offsets = [0, 0], sizes = [1000, 150], strides = [1, 1]} : vector<1000x300xf32> to vector<1000x150xf32>
    %swap3A = arith.constant 0 : index
    %swap3A_41 = arith.constant 0 : index
    %swap3A_42 = arith.constant 0 : index
    %swap3A_43 = vector.load %arg5[%swap3A, %swap3A_41, %swap3A_42] : memref<2x1000x160xf32, #tpu.memory_space<vmem>>, vector<1x1000x150xf32>
    %swap3A_44 = vector.shape_cast %swap3A_43 : vector<1x1000x150xf32> to vector<1000x150xf32>
    %swap3A_45 = vector.shape_cast %slice3A : vector<1000x150xf32> to vector<1x1000x150xf32>
    tpu.vector_store %arg5[%swap3A, %swap3A_41, %swap3A_42], %swap3A_45 {strides = array<i32>} : memref<2x1000x160xf32, #tpu.memory_space<vmem>>, vector<1x1000x150xf32>,
    %slice3A_46 = vector.extract_strided_slice %max3A_40 {offsets = [0, 150], sizes = [1000, 150], strides = [1, 1]} : vector<1000x300xf32> to vector<1000x150xf32>
    %swap3A_47 = arith.constant 1 : index
    %swap3A_48 = arith.constant 0 : index
    %swap3A_49 = arith.constant 0 : index
    %swap3A_50 = vector.load %arg5[%swap3A_47, %swap3A_48, %swap3A_49] : memref<2x1000x160xf32, #tpu.memory_space<vmem>>, vector<1x1000x150xf32>
    %swap3A_51 = vector.shape_cast %swap3A_50 : vector<1x1000x150xf32> to vector<1000x150xf32>
    %swap3A_52 = vector.shape_cast %slice3A_46 : vector<1000x150xf32> to vector<1x1000x150xf32>
    tpu.vector_store %arg5[%swap3A_47, %swap3A_48, %swap3A_49], %swap3A_52 {strides = array<i32>} : memref<2x1000x160xf32, #tpu.memory_space<vmem>>, vector<1x1000x150xf32>,
    %broadcast_in_dim3A_53 = arith.constant 0.000000e+00 : f32
    %broadcast_in_dim3A_54 = vector.broadcast %broadcast_in_dim3A_53 : f32 to vector<1000x10xf32>
    %swap3A_55 = arith.constant 0 : index
    %swap3A_56 = arith.constant 0 : index
    %swap3A_57 = arith.constant 150 : index
    %swap3A_58 = vector.load %arg5[%swap3A_55, %swap3A_56, %swap3A_57] : memref<2x1000x160xf32, #tpu.memory_space<vmem>>, vector<1x1000x10xf32>
    %swap3A_59 = vector.shape_cast %swap3A_58 : vector<1x1000x10xf32> to vector<1000x10xf32>
    %swap3A_60 = vector.shape_cast %broadcast_in_dim3A_54 : vector<1000x10xf32> to vector<1x1000x10xf32>
    tpu.vector_store %arg5[%swap3A_55, %swap3A_56, %swap3A_57], %swap3A_60 {strides = array<i32>} : memref<2x1000x160xf32, #tpu.memory_space<vmem>>, vector<1x1000x10xf32>,
    %broadcast_in_dim3A_61 = arith.constant 0.000000e+00 : f32
    %broadcast_in_dim3A_62 = vector.broadcast %broadcast_in_dim3A_61 : f32 to vector<1000x10xf32>
    %swap3A_63 = arith.constant 1 : index
    %swap3A_64 = arith.constant 0 : index
    %swap3A_65 = arith.constant 150 : index
    %swap3A_66 = vector.load %arg5[%swap3A_63, %swap3A_64, %swap3A_65] : memref<2x1000x160xf32, #tpu.memory_space<vmem>>, vector<1x1000x10xf32>
    %swap3A_67 = vector.shape_cast %swap3A_66 : vector<1x1000x10xf32> to vector<1000x10xf32>
    %swap3A_68 = vector.shape_cast %broadcast_in_dim3A_62 : vector<1000x10xf32> to vector<1x1000x10xf32>
    tpu.vector_store %arg5[%swap3A_63, %swap3A_64, %swap3A_65], %swap3A_68 {strides = array<i32>} : memref<2x1000x160xf32, #tpu.memory_space<vmem>>, vector<1x1000x10xf32>,
    return
  }
  func.func @transform_0(%arg0: i32) -> (i32, i32) {
    %c0_i32 = arith.constant 0 : i32
    %c0_i32_0 = arith.constant 0 : i32
    return %arg0, %c0_i32 : i32, i32
  }
  func.func @transform_1(%arg0: i32) -> (i32, i32) {
    %c0_i32 = arith.constant 0 : i32
    %c0_i32_0 = arith.constant 0 : i32
    %c0_i32_1 = arith.constant 0 : i32
    return %c0_i32, %c0_i32_0 : i32, i32
  }
  func.func @transform_2(%arg0: i32) -> (i32, i32) {
    %c0_i32 = arith.constant 0 : i32
    %c0_i32_0 = arith.constant 0 : i32
    %c0_i32_1 = arith.constant 0 : i32
    return %c0_i32, %c0_i32_0 : i32, i32
  }
  func.func @transform_3(%arg0: i32) -> (i32, i32) {
    %c0_i32 = arith.constant 0 : i32
    %c0_i32_0 = arith.constant 0 : i32
    %c0_i32_1 = arith.constant 0 : i32
    return %c0_i32, %c0_i32_0 : i32, i32
  }
  func.func @transform_4(%arg0: i32) -> (i32, i32, i32) {
    %c0_i32 = arith.constant 0 : i32
    %c0_i32_0 = arith.constant 0 : i32
    %c0_i32_1 = arith.constant 0 : i32
    return %c0_i32, %arg0, %c0_i32_0 : i32, i32, i32
  }
}

module attributes {stable_mosaic.version = 14 : i64} {
  func.func @_bn_body(%arg0: i32, %arg1: memref<1000x300xf32, #tpu.memory_space<vmem>>, %arg2: memref<8x300xf32, #tpu.memory_space<vmem>>, %arg3: memref<1x300xf32, #tpu.memory_space<vmem>>, %arg4: memref<1x300xf32, #tpu.memory_space<vmem>>, %arg5: memref<1000x300xf32, #tpu.memory_space<vmem>>) attributes {dimension_semantics = [#tpu.dimension_semantics<arbitrary>], iteration_bounds = array<i64: 10>, scalar_prefetch = 0 : i64, scratch_operands = 0 : i64, tpu.core_type = #tpu.core_type<tc>, window_params = [{transform_indices = @transform_0, window_bounds = array<i64: 1000, 300>}, {pipeline_mode = #tpu.pipeline_mode<synchronous>, transform_indices = @transform_1, window_bounds = array<i64: 8, 300>}, {pipeline_mode = #tpu.pipeline_mode<synchronous>, transform_indices = @transform_2, window_bounds = array<i64: 1, 300>}, {pipeline_mode = #tpu.pipeline_mode<synchronous>, transform_indices = @transform_3, window_bounds = array<i64: 1, 300>}, {transform_indices = @transform_4, window_bounds = array<i64: 1000, 300>}]} {
    %get3A = arith.constant 0 : index
    %get3A_0 = arith.constant 0 : index
    %get3A_1 = vector.load %arg2[%get3A, %get3A_0] : memref<8x300xf32, #tpu.memory_space<vmem>>, vector<1x300xf32>
    %get3A_2 = vector.shape_cast %get3A_1 : vector<1x300xf32> to vector<300xf32>
    %mul3A = arith.constant 9.99999974E-5 : f32
    %mul3A_3 = vector.broadcast %mul3A : f32 to vector<300xf32>
    %mul3A_4 = arith.mulf %get3A_2, %mul3A_3 : vector<300xf32>
    %get3A_5 = arith.constant 2 : index
    %get3A_6 = arith.constant 0 : index
    %get3A_7 = vector.load %arg2[%get3A_5, %get3A_6] : memref<8x300xf32, #tpu.memory_space<vmem>>, vector<1x300xf32>
    %get3A_8 = vector.shape_cast %get3A_7 : vector<1x300xf32> to vector<300xf32>
    %sub3A = arith.subf %mul3A_4, %get3A_8 : vector<300xf32>
    %get3A_9 = arith.constant 1 : index
    %get3A_10 = arith.constant 0 : index
    %get3A_11 = vector.load %arg2[%get3A_9, %get3A_10] : memref<8x300xf32, #tpu.memory_space<vmem>>, vector<1x300xf32>
    %get3A_12 = vector.shape_cast %get3A_11 : vector<1x300xf32> to vector<300xf32>
    %mul3A_13 = arith.constant 9.99999974E-5 : f32
    %mul3A_14 = vector.broadcast %mul3A_13 : f32 to vector<300xf32>
    %mul3A_15 = arith.mulf %get3A_12, %mul3A_14 : vector<300xf32>
    %mul3A_16 = arith.mulf %sub3A, %sub3A : vector<300xf32>
    %sub3A_17 = arith.subf %mul3A_15, %mul3A_16 : vector<300xf32>
    %get3A_18 = arith.constant 0 : index
    %get3A_19 = arith.constant 0 : index
    %get3A_20 = vector.load %arg3[%get3A_18, %get3A_19] : memref<1x300xf32, #tpu.memory_space<vmem>>, vector<1x300xf32>
    %get3A_21 = vector.shape_cast %get3A_20 : vector<1x300xf32> to vector<300xf32>
    %add3A = arith.constant 9.99999974E-6 : f32
    %add3A_22 = vector.broadcast %add3A : f32 to vector<300xf32>
    %add3A_23 = arith.addf %sub3A_17, %add3A_22 : vector<300xf32>
    %sqrt3A = math.sqrt %add3A_23 : vector<300xf32>
    %div3A = arith.divf %get3A_21, %sqrt3A : vector<300xf32>
    %get3A_24 = arith.constant 0 : index
    %get3A_25 = arith.constant 0 : index
    %get3A_26 = vector.load %arg1[%get3A_24, %get3A_25] : memref<1000x300xf32, #tpu.memory_space<vmem>>, vector<1000x300xf32>
    %broadcast_in_dim3A = vector.shape_cast %mul3A_4 : vector<300xf32> to vector<1x300xf32>
    %sub3A_27 = vector.broadcast %broadcast_in_dim3A : vector<1x300xf32> to vector<1000x300xf32>
    %sub3A_28 = arith.subf %get3A_26, %sub3A_27 : vector<1000x300xf32>
    %broadcast_in_dim3A_29 = vector.shape_cast %div3A : vector<300xf32> to vector<1x300xf32>
    %mul3A_30 = vector.broadcast %broadcast_in_dim3A_29 : vector<1x300xf32> to vector<1000x300xf32>
    %mul3A_31 = arith.mulf %sub3A_28, %mul3A_30 : vector<1000x300xf32>
    %get3A_32 = arith.constant 0 : index
    %get3A_33 = arith.constant 0 : index
    %get3A_34 = vector.load %arg4[%get3A_32, %get3A_33] : memref<1x300xf32, #tpu.memory_space<vmem>>, vector<1x300xf32>
    %get3A_35 = vector.shape_cast %get3A_34 : vector<1x300xf32> to vector<300xf32>
    %broadcast_in_dim3A_36 = vector.shape_cast %get3A_35 : vector<300xf32> to vector<1x300xf32>
    %add3A_37 = vector.broadcast %broadcast_in_dim3A_36 : vector<1x300xf32> to vector<1000x300xf32>
    %add3A_38 = arith.addf %mul3A_31, %add3A_37 : vector<1000x300xf32>
    %swap3A = arith.constant 0 : index
    %swap3A_39 = arith.constant 0 : index
    %swap3A_40 = vector.load %arg5[%swap3A, %swap3A_39] : memref<1000x300xf32, #tpu.memory_space<vmem>>, vector<1000x300xf32>
    tpu.vector_store %arg5[%swap3A, %swap3A_39], %add3A_38 {strides = array<i32>} : memref<1000x300xf32, #tpu.memory_space<vmem>>, vector<1000x300xf32>,
    return
  }
  func.func @transform_0(%arg0: i32) -> (i32, i32) {
    %c0_i32 = arith.constant 0 : i32
    %c0_i32_0 = arith.constant 0 : i32
    return %arg0, %c0_i32 : i32, i32
  }
  func.func @transform_1(%arg0: i32) -> (i32, i32) {
    %c0_i32 = arith.constant 0 : i32
    %c0_i32_0 = arith.constant 0 : i32
    %c0_i32_1 = arith.constant 0 : i32
    return %c0_i32, %c0_i32_0 : i32, i32
  }
  func.func @transform_2(%arg0: i32) -> (i32, i32) {
    %c0_i32 = arith.constant 0 : i32
    %c0_i32_0 = arith.constant 0 : i32
    %c0_i32_1 = arith.constant 0 : i32
    return %c0_i32, %c0_i32_0 : i32, i32
  }
  func.func @transform_3(%arg0: i32) -> (i32, i32) {
    %c0_i32 = arith.constant 0 : i32
    %c0_i32_0 = arith.constant 0 : i32
    %c0_i32_1 = arith.constant 0 : i32
    return %c0_i32, %c0_i32_0 : i32, i32
  }
  func.func @transform_4(%arg0: i32) -> (i32, i32) {
    %c0_i32 = arith.constant 0 : i32
    %c0_i32_0 = arith.constant 0 : i32
    return %arg0, %c0_i32 : i32, i32
  }
}

</mosaic_0001>

<sc_bundles>
// kernel: kernel.19.cloned.1.call-start
scs
__scs_entry_jumppad:
0x0: {  	(pc) =	sbr.rel $0x88, $3  }
0x1: {  	(tag) =	ssettag $0x0;
	lr =	simm.s32 $0x1  }
0x2: {  	[smem:$0x3F8C] =	sst lr;
	_ =	strace $0xD0000000  }
0x3: {  	_ = 	snop  }
0x4: {  	_ = 	snop  }
0x5: {  	_ = 	snop  }
0x6: {  	_ = 	snop  }
0x7: {  	_ = 	snop  }
__scs_overlays_trampoline_lowered:
0x8: {  	[smem:$0x3F9B] =	sst s0  }
0x9: {  	[smem:$0x3F9C] =	sst s1  }
0xa: {  	[smem:$0x3F9D] =	sst s2  }
0xb: {  	[smem:$0x3F9E] =	sst s3  }
0xc: {  	[smem:$0x3F9F] =	sst s4  }
0xd: {  	[smem:$0x3FA0] =	sst s5  }
0xe: {  	[smem:$0x3FA1] =	sst s6  }
0xf: {  	[smem:$0x3FA2] =	sst s7  }
0x10: {  	[smem:$0x3FA3] =	sst s8  }
0x11: {  	[smem:$0x3FA4] =	sst s9;
	s0 =	simm.s32 @!p0 $0x0  }
0x12: {  	s1 =	sld [smem:$0x3F8A];
	s0 =	simm.s32 @p0 $0x1  }
0x13: {  	[smem:$0x3FA5] =	sst s0;
	s0 =	simm.s32 @!p1 $0x0  }
0x14: {  	s2 =	sld [smem:$0x3F89];
	s0 =	simm.s32 @p1 $0x1  }
0x15: {  	[smem:$0x3FA6] =	sst s0;
	s0 =	simm.s32 @!p2 $0x0  }
0x16: {  	s3 =	sld [smem:$0x3FDB];
	s0 =	simm.s32 @p2 $0x1  }
0x17: {  	s4 =	simm.s32 $0x1BF5;
	[smem:$0x3FA8] =	sst s0  }
0x18: {  	s0 =	sld [smem:$0x3F8B];
	_ =	swait.ge [sflag:s4], $0x0  }
0x19: {  	s7 =	sld [smem:$0x3F8C]  }
0x1a: {  	s8 =	sadd.s32 $0xFFFFE003, lr  }
0x1b: {  	s9 =	sadd.s32 $0xFFFFFEF7, lr;
	s5 =	simm.s32 $0xFFFFFFFF;
	p2 =	slt.u32 s8, $0xFFFFF086  }
0x1c: {  	p1 =	slt.u32 s9, $0xF7A;
	s5 =	simm.s32 @!p2 $0x0  }
0x1d: {  	s5 =	simm.s32 @p1 $0x1;
	p0 =	seq.s32 s7, s2  }
0x1e: {  	s7 =	smul.u32 @!p0 $0xF7A, s2;
	p2 =	seq.s32 @!p0 s5, $0x0  }
0x1f: {  	s9 =	smul.u32 $0xF7A, s1;
	s8 =	simm.s32 @!p0 $0x1BF5;
	p2 =	por !p2, p0  }
0x20: {  	[sflag:s8] =	ssyncset.s32 @!p0 $0xFFFFF086;
	s6 =	sadd.s32 @!p0 s3, s7;
	s7 =	simm.s32 @!p0 $0x108  }
0x21: {  	s3 =	sadd.s32 s3, s9;
	s6 =	sadd.s32 @!p0 $0x88, s6;
	s7 =	simm.s32 @p2 $0x1082  }
0x22: {  	[simem:s7], [sflag:s8] =	dma.local @!p0 [hbm:s6], $0xF7A  }
0x23: {  	s9 =	sor.u32 $0xD0000000, s2;
	s6 =	simm.s32 $0x108;
	_ =	swait.ge @!p0 [sflag:s8], $0x0  }
0x24: {  	s3 =	sadd.s32 $0x88, s3;
	s6 =	simm.s32 @!p1 $0x1082;
	[sflag:s4] =	ssyncset.s32 $0xFFFFF086  }
0x25: {  	[simem:s6], [sflag:s4] =	dma.local [hbm:s3], $0xF7A  }
0x26: {  	[smem:$0x3F8C] =	sst s1;
	(tag) =	ssettag s2;
	_ =	strace s9  }
0x27: {  	s1 =	sld [smem:$0x3F9C]  }
0x28: {  	s2 =	sld [smem:$0x3F9D]  }
0x29: {  	s4 =	sld [smem:$0x3F9F]  }
0x2a: {  	p0 =	seq.s32 s5, $0x0;
	s5 =	sld [smem:$0x3FA0]  }
0x2b: {  	s6 =	sld [smem:$0x3FA1]  }
0x2c: {  	s7 =	sld [smem:$0x3FA2]  }
0x2d: {  	s3 =	simm.s32 $0x108;
	s8 =	sld [smem:$0x3FA3]  }
0x2e: {  	s3 =	simm.s32 @!p0 $0x1082;
	s9 =	sld [smem:$0x3FA4]  }
0x2f: {  	lr =	sadd.s32 s0, s3;
	s0 =	sld [smem:$0x3F9B]  }
0x30: {  	s3 =	sld [smem:$0x3F9E]  }
0x31: {  	[smem:$0x3FA7] =	sst s10  }
0x32: {  	s10 =	sld [smem:$0x3FA5];
	_ =	sdelay $0x3  }
0x33: {  	p0 =	seq.s32 s10, $0x1;
	s10 =	sld [smem:$0x3FA7];
	_ =	sdelay $0x3  }
0x34: {  	[smem:$0x3FA7] =	sst s10  }
0x35: {  	s10 =	sld [smem:$0x3FA6];
	_ =	sdelay $0x3  }
0x36: {  	p1 =	seq.s32 s10, $0x1;
	s10 =	sld [smem:$0x3FA7];
	_ =	sdelay $0x3  }
0x37: {  	[smem:$0x3FA7] =	sst s10  }
0x38: {  	s10 =	sld [smem:$0x3FA8]  }
0x39: {  	_ = 	snop;
	(pc) =	sbr.ind lr, $3  }
0x3a: {  	_ = 	snop  }
0x3b: {  	_ = 	snop  }
0x3c: {  	p2 =	seq.s32 s10, $0x1;
	s10 =	sld [smem:$0x3FA7]  }
0x3d: {  	_ =	shalt  }
0x3e: {  	_ =	shalt  }
0x3f: {  	_ =	shalt  }
0x40: {  	_ =	shalt  }
0x41: {  	_ =	shalt  }
0x42: {  	_ =	shalt  }
0x43: {  	_ =	shalt  }
0x44: {  	_ =	shalt  }
0x45: {  	_ =	shalt  }
0x46: {  	_ =	shalt  }
0x47: {  	_ =	shalt  }
0x48: {  	_ =	shalt  }
0x49: {  	_ =	shalt  }
0x4a: {  	_ =	shalt  }
0x4b: {  	_ =	shalt  }
0x4c: {  	_ =	shalt  }
0x4d: {  	_ =	shalt  }
0x4e: {  	_ =	shalt  }
0x4f: {  	_ =	shalt  }
0x50: {  	_ =	shalt  }
0x51: {  	_ =	shalt  }
0x52: {  	_ =	shalt  }
0x53: {  	_ =	shalt  }
0x54: {  	_ =	shalt  }
0x55: {  	_ =	shalt  }
0x56: {  	_ =	shalt  }
0x57: {  	_ =	shalt  }
0x58: {  	_ =	shalt  }
0x59: {  	_ =	shalt  }
0x5a: {  	_ =	shalt  }
0x5b: {  	_ =	shalt  }
0x5c: {  	_ =	shalt  }
0x5d: {  	_ =	shalt  }
0x5e: {  	_ =	shalt  }
0x5f: {  	_ =	shalt  }
0x60: {  	_ =	shalt  }
0x61: {  	_ =	shalt  }
0x62: {  	_ =	shalt  }
0x63: {  	_ =	shalt  }
0x64: {  	_ =	shalt  }
0x65: {  	_ =	shalt  }
0x66: {  	_ =	shalt  }
0x67: {  	_ =	shalt  }
0x68: {  	_ =	shalt  }
0x69: {  	_ =	shalt  }
0x6a: {  	_ =	shalt  }
0x6b: {  	_ =	shalt  }
0x6c: {  	_ =	shalt  }
0x6d: {  	_ =	shalt  }
0x6e: {  	_ =	shalt  }
0x6f: {  	_ =	shalt  }
0x70: {  	_ =	shalt  }
0x71: {  	_ =	shalt  }
0x72: {  	_ =	shalt  }
0x73: {  	_ =	shalt  }
0x74: {  	_ =	shalt  }
0x75: {  	_ =	shalt  }
0x76: {  	_ =	shalt  }
0x77: {  	_ =	shalt  }
0x78: {  	_ =	shalt  }
0x79: {  	_ =	shalt  }
0x7a: {  	_ =	shalt  }
0x7b: {  	_ =	shalt  }
0x7c: {  	_ =	shalt  }
0x7d: {  	_ =	shalt  }
0x7e: {  	_ =	shalt  }
0x7f: {  	_ =	shalt  }
0x80: {  	_ =	shalt  }
0x81: {  	_ =	shalt  }
0x82: {  	_ =	shalt  }
0x83: {  	_ =	shalt  }
0x84: {  	_ =	shalt  }
0x85: {  	_ =	shalt  }
0x86: {  	_ =	shalt  }
0x87: {  	_ =	shalt  }
.Lfunc_end0:
.L_simem_size_0:
called_computation_lowered:
.L_overlay_start_0:
0x88: {  	s2 =	sld [smem:$0x3FD9]  }
0x89: {  	s3 =	sld [smem:$0x3FFE];
	_ =	sdelay $0x1  }
0x8a: {  	s1 =	srdreg.scid  }
0x8b: {  	s0 =	sand.u32 $0x1, s1  }
0x8c: {  	s17 =	sshll.u32 s0, $0xA;
	s2 =	sadd.s32 s3, s2  }
0x8d: {  	s2 =	sadd.s32 s2, s17  }
0x8e: {  	[smem:$0x3FB3] =	sst s2  }
0x8f: {  	_ = 	snop  }
0x90: {  	s18 =	sld [smem:$0x3FD0];
	(tm) =	ssettm $0x1  }
0x91: {  	s19 =	sld [smem:$0x3FFB];
	_ =	sdelay $0x3  }
0x92: {  	_ =	strace s19  }
0x93: {  	s2 =	sld [smem:$0x3FFC];
	_ =	sdelay $0x3  }
0x94: {  	_ =	strace s2  }
0x95: {  	s2 =	sld [smem:$0x3FFD];
	_ =	sdelay $0x3  }
0x96: {  	_ =	strace s2  }
0x97: {  	_ =	strace $0x8FFFFFFF  }
0x98: {  	s20 =	sld [smem:$0x3FDB];
	_ =	sdelay $0x1  }
0x99: {  	s4 =	simm.s32 $_scs_section_size  }
0x9a: {  	s5 =	simm.s32 $_size__tile_overlayer_lowered;
	s6 =	simm.s32 $_tile_overlayer_lowered  }
0x9b: {  	s7 =	simm.s32 $0x1BFF;
	s21 =	sshll.u32 s6, $0x1;
	s4 =	sadd.s32 s4, s20  }
0x9c: {  	s22 =	simm.s32 $0x0;
	s5 =	sshll.u32 s5, $0x1;
	s6 =	sadd.s32 s21, s4  }
0x9d: {  	[timem:s22], [sflag:s7] =	dma.local [hbm:s6], s5  }
0x9e: {  	_ =	swait.ge [sflag:s7], s5  }
0x9f: {  	s5 =	ssub.s32 $0x0, s5;
	[sflag:s7] =	ssyncset.done $0x0  }
0xa0: {  	[sflag:s7] =	ssyncadd.s32 s5;
	_ =	sdelay $0x1  }
0xa1: {  	s23 =	simm.s32 $0x1B8B  }
0xa2: {  	_ =	swait.ge [sflag:s23], $0x1  }
0xa3: {  	[sflag:s23] =	ssyncset.done $0x0  }
0xa4: {  	[sflag:s23] =	ssyncadd.s32 $0xFFFFFFFF  }
0xa5: {  	s5 =	sld [smem:$0x0]  }
0xa6: {  	s6 =	sand.u32 $0xFFFFFFFE, s1  }
0xa7: {  	p0 =	sne.s32 s1, s6  }
0xa8: {  	s6 =	sshll.u32 @p0 s6, $0xE  }
0xa9: {  	s6 =	sadd.s32 @p0 $0x11B8D, s6;
	s7 =	sshll.u32 @p0 s5, $0x11  }
0xaa: {  	s6 =	sor.u32 @p0 s7, s6  }
0xab: {  	[sflag:s6] =	ssyncadd.remote.s32 @p0 $0x1;
	_ =	sdelay $0x1  }
0xac: {  	s6 =	simm.s32 @p0 $0x1B8D  }
0xad: {  	_ =	swait.eq @p0 [sflag:s6], $0x1  }
0xae: {  	[sflag:s6] =	ssyncadd.s32 @p0 $0xFFFFFFFF  }
0xaf: {  	s7 =	sshll.u32 @!p0 s1, $0xE  }
0xb0: {  	s7 =	sor.u32 @!p0 $0x4000, s7;
	s6 =	simm.s32 @!p0 $0x1B8D  }
0xb1: {  	s5 =	sshll.u32 @!p0 s5, $0x11;
	s7 =	sadd.s32 @!p0 $0x11B8D, s7;
	_ =	swait.eq @!p0 [sflag:s6], $0x1  }
0xb2: {  	s5 =	sor.u32 @!p0 s5, s7;
	[sflag:s6] =	ssyncadd.s32 @!p0 $0xFFFFFFFF  }
0xb3: {  	s25 =	simm.s32 $0x1B8E;
	s24 =	sld [smem:$0x3FFE];
	[sflag:s5] =	ssyncadd.remote.s32 @!p0 $0x1  }
0xb4: {  	s26 =	simm.s32 $execute0_lowered;
	[smem:$0x3FD2] =	sst s25  }
0xb5: {  	s6 =	sshll.u32 s26, $0x1;
	_ =	strace $0x80000049;
	[dreg:$0x1] =	wrdreg $0xFFFFFFFF  }
0xb6: {  	s28 =	simm.s32 $_size_execute0_lowered;
	s4 =	sadd.s32 s4, s6;
	[dreg:$0x0] =	wrdreg $0x0  }
0xb7: {  	s6 =	sshll.u32 s28, $0x1;
	[dreg:$0x2] =	wrdreg s4  }
0xb8: {  	[dreg:$0x3] =	wrdreg s6  }
0xb9: {  	[dreg:$0x4] =	wrdreg $0xC0  }
0xba: {  	_ =	task [dreg:s22], $0x5FFFF  }
0xbb: {  	[dreg:$0x1] =	wrdreg $0xFFFFFFFF  }
0xbc: {  	[dreg:$0x0] =	wrdreg $0x60  }
0xbd: {  	[dreg:$0x2] =	wrdreg s24  }
0xbe: {  	[dreg:$0x3] =	wrdreg s18  }
0xbf: {  	[dreg:$0x4] =	wrdreg $0x0  }
0xc0: {  	[dreg:$0x5] =	wrdreg $0x9  }
0xc1: {  	_ =	task.clear_ibuf [dreg:s22], $0x6FFFF;
	_ =	strace $0x90000049  }
0xc2: {  	s29 =	simm.s32 $0x9;
	_ =	strace $0x8000004B  }
0xc3: {  	_ =	swait.ge [sflag:s29], $0x1  }
0xc4: {  	[sflag:s29] =	ssyncadd.s32 $0xFFFFFFFF  }
0xc5: {  	_ =	strace $0x9000004B  }
0xc6: {  	_ =	sfence  }
0xc7: {  	s30 =	sld [smem:$0x0];
	_ =	sdelay $0x2  }
0xc8: {  	s31 =	sshll.u32 s1, $0xD;
	s1 =	sshrl.u32 s1, $0x2  }
0xc9: {  	s4 =	sand.u32 $0x4000, s31;
	s1 =	sadd.s32 s1, s30  }
0xca: {  	s0 =	sor.u32 s4, s0;
	s1 =	sshll.u32 s1, $0x11  }
0xcb: {  	s0 =	sor.u32 s1, s0  }
0xcc: {  	s0 =	sadd.s32 $0x8F2B, s0  }
0xcd: {  	[sflag:s0] =	ssyncadd.remote.s32 $0x1  }
0xce: {  	_ =	sfence.sel $0xFFFF  }
0xcf: {  	[dreg:$0x0] =	wrdreg $0xFFFFFFFF;
	(pc) =	sbr.abs _section_cstart, $3  }
0xd0: {  	[dreg:$0x1] =	wrdreg $0xFFFFFFFF  }
0xd1: {  	_ =	task.clear_ibuf [dreg:s22], $0x2FFFF;
	_ =	strace $0x9FFFFFFF  }
0xd2: {  	(tm) =	ssettm $0x7FFFFFFF  }
0xd3: {  	_ =	shalt  }
tec
execute0_lowered:
.L_overlay_start_1:
0x0: {  	(tag) =	ssettag $0x1  }
0x1: {  	s5 =	rddreg [dreg:$0x0]  }
0x2: {  	s6 =	rddreg [dreg:$0x1]  }
0x3: {  	s0 =	srdreg.scid;
	s2 =	rddreg [dreg:$0x2]  }
0x4: {  	s1 =	rddreg [dreg:$0x3];
	s3 =	simm.s32 $0x0;
	s7 =	sand.u32 $0x1, s0  }
0x5: {  	s14 =	simm.s32 $0x6400;
	s0 =	stileid.u32;
	s8 =	smul.u32 $0x14000, s7  }
0x6: {  	s15 =	simm.s32 $0x80;
	s16 =	simm.s32 $0x7800;
	s9 =	smul.u32 $0x1400, s0  }
0x7: {  	s17 =	simm.s32 $0x1;
	s18 =	simm.s32 $0x0;
	s10 =	smul.u32 $0x5000, s0  }
0x8: {  	[smem:$0x7FF] =	sst s3;
	s4 =	sadd.s32 $0xDEE00, s5;
	s11 =	smul.u32 $0x50000, s7  }
0x9: {  	_ =	strace $0x8000004A;
	s7 =	ssub.s32 $0x2, s7;
	s31 =	sshll.u32 s0, $0x6  }
0xa: {  	s30 =	sshrl.u32 s7, $0x1;
	s8 =	sadd.s32 s9, s8;
	s29 =	sadd.s32 s10, s11  }
0xb: {  	s11 =	ssub.s32 s7, s30;
	s13 =	sadd.s32 s10, s2;
	s8 =	sshrl.u32 s8, $0x3  }
0xc: {  	s9 =	sshrl.u32 s29, $0x3;
	s10 =	smax.u32 s11, $0x1;
	s11 =	sshrl.u32 s13, $0x3  }
0xd: {  	s13 =	simm.s32 $0x5000;
	s8 =	sadd.s32 s8, s5;
	s12 =	sadd.s32 s9, s5  }
0xe: {  	s5 =	sadd.s32 s6, s9;
	s6 =	sor.u32 $0x1C02, s31;
	s7 =	sadd.s32 $0xDF400, s8  }
0xf: {  	s8 =	sadd.s32 $0x7E00, s8;
	s9 =	sadd.s32 $0xE4400, s12;
	s12 =	simm.s32 $0x2  }
.LBB2_1:
0x10: {  	[spmem:s11], [sflag:s6] =	dma.local [hbm:s5], $0xA00  }
0x11: {  	_ =	swait.ge [sflag:s12], $0xA00  }
0x12: {  	[sflag:s12] =	ssyncset.done $0x0  }
0x13: {  	[sflag:s12] =	ssyncadd.s32 $0xFFFFF600  }
0x14: {  	[tilespmem:s13], [sflag:$0x2] =	stream.linear.gather [hbm4b:s7+s3], $0x1400, $0x38;
	[tilespmem:$0x8800] =	vst v63  }
0x15: {  	_ =	swait.ge [sflag:s12], $0x1400  }
0x16: {  	[sflag:s12] =	ssyncset.done $0x0  }
0x17: {  	[sflag:s12] =	ssyncadd.s32 $0xFFFFEC00  }
0x18: {  	[tilespmem:s14], [sflag:$0x2] =	stream.linear.gather [hbm4b:s8+s3], $0x1400, $0x38;
	[tilespmem:$0x8800] =	vst v63  }
0x19: {  	_ =	swait.ge [sflag:s12], $0x1400  }
0x1a: {  	[sflag:s12] =	ssyncset.done $0x0  }
0x1b: {  	[sflag:s12] =	ssyncadd.s32 $0xFFFFEC00  }
0x1c: {  	s19 =	simm.s32 $0x5000;
	[bflag:$0x0] =	sbarrier.arrive $0xFFFF  }
0x1d: {  	[tilespmem:s16], [sflag:$0x1] =	stream.indirect.gather [hbm4b:s4+s15], $0x20, s19, s15, $0xb8;
	[tilespmem:$0x8800] =	vst v63  }
0x1e: {  	_ =	swait.ge [sflag:s17], $0x1000  }
0x1f: {  	[sflag:s17] =	ssyncset.done $0x0  }
0x20: {  	s31 =	simm.s32 $0x6400;
	[sflag:s17] =	ssyncadd.s32 $0xFFFFF000  }
0x21: {  	[spmem:s2] =	stream.indirect.scatter.add.f32 [tilespmem:s16], [sflag:$0x2], $0x20, s31, s15, $0xb8;
	[tilespmem:$0x8800] =	vst v63  }
0x22: {  	_ =	swait.ge [sflag:s12], $0x1000  }
0x23: {  	s20 =	simm.s32 $0x400;
	s19 =	simm.s32 $0x80;
	[sflag:s12] =	ssyncset.done $0x0  }
.LBB2_2:
0x24: {  	s21 =	sadd.s32 $0x5000, s19  }
0x25: {  	[sflag:s12] =	ssyncadd.s32 $0xFFFFF000;
	s22 =	smov.u32 s20;
	s23 =	sadd.s32 $0x200, s20  }
0x26: {  	[tilespmem:s16], [sflag:$0x1] =	stream.indirect.gather [hbm4b:s4+s15], $0x20, s21, s15, $0xb8;
	[tilespmem:$0x8800] =	vst v63  }
0x27: {  	p0 =	sne.s32 s20, $0x4E00;
	_ =	swait.ge [sflag:s17], $0x1000  }
.Ltmp0:
0x28: {  	[sflag:s17] =	ssyncset.done $0x0;
	(pc) =	sbr.rel @p0 .LBB2_2-.Ltmp0, $4  }
0x29: {  	s19 =	sadd.s32 $0x6400, s19;
	[sflag:s17] =	ssyncadd.s32 $0xFFFFF000  }
0x2a: {  	[spmem:s2] =	stream.indirect.scatter.add.f32 [tilespmem:s16], [sflag:$0x2], $0x20, s19, s15, $0xb8;
	[tilespmem:$0x8800] =	vst v63  }
0x2b: {  	_ =	swait.ge [sflag:s12], $0x1000  }
0x2c: {  	s20 =	smov.u32 s23;
	s19 =	sshra.s32 s22, $0x2;
	[sflag:s12] =	ssyncset.done $0x0  }
0x2d: {  	s20 =	sadd.s32 $0x5000, s19;
	[sflag:s12] =	ssyncadd.s32 $0xFFFFF000  }
0x2e: {  	[tilespmem:s16], [sflag:$0x1] =	stream.indirect.gather [hbm4b:s4+s15], $0x20, s20, s15, $0xb8;
	[tilespmem:$0x8800] =	vst v63  }
0x2f: {  	_ =	swait.ge [sflag:s17], $0x1000  }
0x30: {  	[sflag:s17] =	ssyncset.done $0x0  }
0x31: {  	s31 =	sadd.s32 $0x6400, s19;
	[sflag:s17] =	ssyncadd.s32 $0xFFFFF000  }
0x32: {  	[spmem:s2] =	stream.indirect.scatter.add.f32 [tilespmem:s16], [sflag:$0x2], $0x20, s31, s15, $0xb8;
	[tilespmem:$0x8800] =	vst v63  }
0x33: {  	_ =	swait.ge [sflag:s12], $0x1000  }
0x34: {  	s18 =	sadd.s32 $0x1, s18;
	[sflag:s12] =	ssyncset.done $0x0  }
0x35: {  	p0 =	sne.s32 s18, s10;
	[sflag:s12] =	ssyncadd.s32 $0xFFFFF000  }
.Ltmp1:
0x36: {  	[bflag:$0x0] =	sbarrier.arrive $0xFFFF;
	(pc) =	sbr.rel @p0 .LBB2_1-.Ltmp1, $4  }
0x37: {  	[hbm:s9], [sflag:s6] =	dma.local [spmem:s11], $0xA00  }
0x38: {  	_ =	swait.ge [sflag:s12], $0xA00  }
0x39: {  	[sflag:s12] =	ssyncset.done $0x0  }
0x3a: {  	[sflag:s12] =	ssyncadd.s32 $0xFFFFF600  }
0x3b: {  	_ =	sfence.sel $0x180000  }
0x3c: {  	[bflag:$0x0] =	sbarrier.arrive $0xFFFF  }
0x3d: {  	p0 =	sne.s32 s0, $0x0;
	_ =	strace $0x9000004A  }
0x3e: {  	s0 =	sadd.s32 @!p0 $0x100000, s1;
	[bflag:$0x2] =	sbarrier.arrive $0xFFFF  }
0x3f: {  	[sflag:s0] =	ssyncadd.tile.s32 @!p0 $0x1;
	_ =	shalt  }
.Lfunc_end2:
_tile_overlayer_lowered:
.L_overlay_start_2:
0x40: {  	(tag) =	ssettag $0x2  }
0x41: {  	s0 =	rddreg [dreg:$0x0];
	s2 =	stileid.u32  }
0x42: {  	s1 =	rddreg [dreg:$0x1];
	p0 =	sne.s32 s2, $0x0  }
0x43: {  	s3 =	rddreg [dreg:$0x2];
	[bflag:$0x3] =	sbarrier.arrive $0xFFFF;
	s2 =	simm.s32 @!p0 $0x1C02  }
0x44: {  	[timem:s3], [sflag:s2] =	dma.local @!p0 [hbm:s0], s1  }
0x45: {  	s0 =	simm.s32 @!p0 $0x2  }
0x46: {  	_ =	swait.ge @!p0 [sflag:s0], s1  }
0x47: {  	s1 =	ssub.s32 @!p0 $0x0, s1;
	[sflag:s0] =	ssyncset.done @!p0 $0x0  }
0x48: {  	[sflag:s0] =	ssyncadd.s32 @!p0 s1  }
0x49: {  	[bflag:$0x3] =	sbarrier.arrive $0xFFFF  }
0x4a: {  	_ =	shalt  }

// kernel: kernel.22.cloned.1.call-start
scs
__scs_entry_jumppad:
0x0: {  	(pc) =	sbr.rel $0x88, $3  }
0x1: {  	(tag) =	ssettag $0x0;
	lr =	simm.s32 $0x1  }
0x2: {  	[smem:$0x3F8C] =	sst lr;
	_ =	strace $0xD0000000  }
0x3: {  	_ = 	snop  }
0x4: {  	_ = 	snop  }
0x5: {  	_ = 	snop  }
0x6: {  	_ = 	snop  }
0x7: {  	_ = 	snop  }
__scs_overlays_trampoline_lowered:
0x8: {  	[smem:$0x3F9B] =	sst s0  }
0x9: {  	[smem:$0x3F9C] =	sst s1  }
0xa: {  	[smem:$0x3F9D] =	sst s2  }
0xb: {  	[smem:$0x3F9E] =	sst s3  }
0xc: {  	[smem:$0x3F9F] =	sst s4  }
0xd: {  	[smem:$0x3FA0] =	sst s5  }
0xe: {  	[smem:$0x3FA1] =	sst s6  }
0xf: {  	[smem:$0x3FA2] =	sst s7  }
0x10: {  	[smem:$0x3FA3] =	sst s8  }
0x11: {  	[smem:$0x3FA4] =	sst s9;
	s0 =	simm.s32 @!p0 $0x0  }
0x12: {  	s1 =	sld [smem:$0x3F8A];
	s0 =	simm.s32 @p0 $0x1  }
0x13: {  	[smem:$0x3FA5] =	sst s0;
	s0 =	simm.s32 @!p1 $0x0  }
0x14: {  	s2 =	sld [smem:$0x3F89];
	s0 =	simm.s32 @p1 $0x1  }
0x15: {  	[smem:$0x3FA6] =	sst s0;
	s0 =	simm.s32 @!p2 $0x0  }
0x16: {  	s3 =	sld [smem:$0x3FDB];
	s0 =	simm.s32 @p2 $0x1  }
0x17: {  	s4 =	simm.s32 $0x1BF5;
	[smem:$0x3FA8] =	sst s0  }
0x18: {  	s0 =	sld [smem:$0x3F8B];
	_ =	swait.ge [sflag:s4], $0x0  }
0x19: {  	s7 =	sld [smem:$0x3F8C]  }
0x1a: {  	s8 =	sadd.s32 $0xFFFFE003, lr  }
0x1b: {  	s9 =	sadd.s32 $0xFFFFFEF7, lr;
	s5 =	simm.s32 $0xFFFFFFFF;
	p2 =	slt.u32 s8, $0xFFFFF086  }
0x1c: {  	p1 =	slt.u32 s9, $0xF7A;
	s5 =	simm.s32 @!p2 $0x0  }
0x1d: {  	s5 =	simm.s32 @p1 $0x1;
	p0 =	seq.s32 s7, s2  }
0x1e: {  	s7 =	smul.u32 @!p0 $0xF7A, s2;
	p2 =	seq.s32 @!p0 s5, $0x0  }
0x1f: {  	s9 =	smul.u32 $0xF7A, s1;
	s8 =	simm.s32 @!p0 $0x1BF5;
	p2 =	por !p2, p0  }
0x20: {  	[sflag:s8] =	ssyncset.s32 @!p0 $0xFFFFF086;
	s6 =	sadd.s32 @!p0 s3, s7;
	s7 =	simm.s32 @!p0 $0x108  }
0x21: {  	s3 =	sadd.s32 s3, s9;
	s6 =	sadd.s32 @!p0 $0x88, s6;
	s7 =	simm.s32 @p2 $0x1082  }
0x22: {  	[simem:s7], [sflag:s8] =	dma.local @!p0 [hbm:s6], $0xF7A  }
0x23: {  	s9 =	sor.u32 $0xD0000000, s2;
	s6 =	simm.s32 $0x108;
	_ =	swait.ge @!p0 [sflag:s8], $0x0  }
0x24: {  	s3 =	sadd.s32 $0x88, s3;
	s6 =	simm.s32 @!p1 $0x1082;
	[sflag:s4] =	ssyncset.s32 $0xFFFFF086  }
0x25: {  	[simem:s6], [sflag:s4] =	dma.local [hbm:s3], $0xF7A  }
0x26: {  	[smem:$0x3F8C] =	sst s1;
	(tag) =	ssettag s2;
	_ =	strace s9  }
0x27: {  	s1 =	sld [smem:$0x3F9C]  }
0x28: {  	s2 =	sld [smem:$0x3F9D]  }
0x29: {  	s4 =	sld [smem:$0x3F9F]  }
0x2a: {  	p0 =	seq.s32 s5, $0x0;
	s5 =	sld [smem:$0x3FA0]  }
0x2b: {  	s6 =	sld [smem:$0x3FA1]  }
0x2c: {  	s7 =	sld [smem:$0x3FA2]  }
0x2d: {  	s3 =	simm.s32 $0x108;
	s8 =	sld [smem:$0x3FA3]  }
0x2e: {  	s3 =	simm.s32 @!p0 $0x1082;
	s9 =	sld [smem:$0x3FA4]  }
0x2f: {  	lr =	sadd.s32 s0, s3;
	s0 =	sld [smem:$0x3F9B]  }
0x30: {  	s3 =	sld [smem:$0x3F9E]  }
0x31: {  	[smem:$0x3FA7] =	sst s10  }
0x32: {  	s10 =	sld [smem:$0x3FA5];
	_ =	sdelay $0x3  }
0x33: {  	p0 =	seq.s32 s10, $0x1;
	s10 =	sld [smem:$0x3FA7];
	_ =	sdelay $0x3  }
0x34: {  	[smem:$0x3FA7] =	sst s10  }
0x35: {  	s10 =	sld [smem:$0x3FA6];
	_ =	sdelay $0x3  }
0x36: {  	p1 =	seq.s32 s10, $0x1;
	s10 =	sld [smem:$0x3FA7];
	_ =	sdelay $0x3  }
0x37: {  	[smem:$0x3FA7] =	sst s10  }
0x38: {  	s10 =	sld [smem:$0x3FA8]  }
0x39: {  	_ = 	snop;
	(pc) =	sbr.ind lr, $3  }
0x3a: {  	_ = 	snop  }
0x3b: {  	_ = 	snop  }
0x3c: {  	p2 =	seq.s32 s10, $0x1;
	s10 =	sld [smem:$0x3FA7]  }
0x3d: {  	_ =	shalt  }
0x3e: {  	_ =	shalt  }
0x3f: {  	_ =	shalt  }
0x40: {  	_ =	shalt  }
0x41: {  	_ =	shalt  }
0x42: {  	_ =	shalt  }
0x43: {  	_ =	shalt  }
0x44: {  	_ =	shalt  }
0x45: {  	_ =	shalt  }
0x46: {  	_ =	shalt  }
0x47: {  	_ =	shalt  }
0x48: {  	_ =	shalt  }
0x49: {  	_ =	shalt  }
0x4a: {  	_ =	shalt  }
0x4b: {  	_ =	shalt  }
0x4c: {  	_ =	shalt  }
0x4d: {  	_ =	shalt  }
0x4e: {  	_ =	shalt  }
0x4f: {  	_ =	shalt  }
0x50: {  	_ =	shalt  }
0x51: {  	_ =	shalt  }
0x52: {  	_ =	shalt  }
0x53: {  	_ =	shalt  }
0x54: {  	_ =	shalt  }
0x55: {  	_ =	shalt  }
0x56: {  	_ =	shalt  }
0x57: {  	_ =	shalt  }
0x58: {  	_ =	shalt  }
0x59: {  	_ =	shalt  }
0x5a: {  	_ =	shalt  }
0x5b: {  	_ =	shalt  }
0x5c: {  	_ =	shalt  }
0x5d: {  	_ =	shalt  }
0x5e: {  	_ =	shalt  }
0x5f: {  	_ =	shalt  }
0x60: {  	_ =	shalt  }
0x61: {  	_ =	shalt  }
0x62: {  	_ =	shalt  }
0x63: {  	_ =	shalt  }
0x64: {  	_ =	shalt  }
0x65: {  	_ =	shalt  }
0x66: {  	_ =	shalt  }
0x67: {  	_ =	shalt  }
0x68: {  	_ =	shalt  }
0x69: {  	_ =	shalt  }
0x6a: {  	_ =	shalt  }
0x6b: {  	_ =	shalt  }
0x6c: {  	_ =	shalt  }
0x6d: {  	_ =	shalt  }
0x6e: {  	_ =	shalt  }
0x6f: {  	_ =	shalt  }
0x70: {  	_ =	shalt  }
0x71: {  	_ =	shalt  }
0x72: {  	_ =	shalt  }
0x73: {  	_ =	shalt  }
0x74: {  	_ =	shalt  }
0x75: {  	_ =	shalt  }
0x76: {  	_ =	shalt  }
0x77: {  	_ =	shalt  }
0x78: {  	_ =	shalt  }
0x79: {  	_ =	shalt  }
0x7a: {  	_ =	shalt  }
0x7b: {  	_ =	shalt  }
0x7c: {  	_ =	shalt  }
0x7d: {  	_ =	shalt  }
0x7e: {  	_ =	shalt  }
0x7f: {  	_ =	shalt  }
0x80: {  	_ =	shalt  }
0x81: {  	_ =	shalt  }
0x82: {  	_ =	shalt  }
0x83: {  	_ =	shalt  }
0x84: {  	_ =	shalt  }
0x85: {  	_ =	shalt  }
0x86: {  	_ =	shalt  }
0x87: {  	_ =	shalt  }
.Lfunc_end0:
.L_simem_size_0:
called_computation.1_lowered:
.L_overlay_start_0:
0x88: {  	s2 =	sld [smem:$0x3FD9]  }
0x89: {  	s3 =	sld [smem:$0x3FFE];
	_ =	sdelay $0x1  }
0x8a: {  	s1 =	srdreg.scid  }
0x8b: {  	s0 =	sand.u32 $0x1, s1  }
0x8c: {  	s16 =	sshll.u32 s0, $0xA;
	s2 =	sadd.s32 s3, s2  }
0x8d: {  	s2 =	sadd.s32 s2, s16  }
0x8e: {  	[smem:$0x3FB3] =	sst s2  }
0x8f: {  	_ = 	snop  }
0x90: {  	(tm) =	ssettm $0x1  }
0x91: {  	s17 =	sld [smem:$0x3FFB];
	_ =	sdelay $0x3  }
0x92: {  	_ =	strace s17  }
0x93: {  	s2 =	sld [smem:$0x3FFC];
	_ =	sdelay $0x3  }
0x94: {  	_ =	strace s2  }
0x95: {  	s2 =	sld [smem:$0x3FFD];
	_ =	sdelay $0x3  }
0x96: {  	_ =	strace s2  }
0x97: {  	_ =	strace $0x8FFFFFFF  }
0x98: {  	s18 =	sld [smem:$0x3FDB];
	_ =	sdelay $0x1  }
0x99: {  	s19 =	simm.s32 $_scs_section_size  }
0x9a: {  	s4 =	simm.s32 $_size__tile_overlayer_lowered;
	s5 =	simm.s32 $_tile_overlayer_lowered  }
0x9b: {  	s22 =	simm.s32 $0x1BFF;
	s21 =	sshll.u32 s5, $0x1;
	s2 =	sadd.s32 s19, s18  }
0x9c: {  	s6 =	simm.s32 $0x0;
	s20 =	sshll.u32 s4, $0x1;
	s4 =	sadd.s32 s21, s2  }
0x9d: {  	[timem:s6], [sflag:s22] =	dma.local [hbm:s4], s20  }
0x9e: {  	_ =	swait.ge [sflag:s22], s20  }
0x9f: {  	s3 =	ssub.s32 $0x0, s20;
	[sflag:s22] =	ssyncset.done $0x0  }
0xa0: {  	[sflag:s22] =	ssyncadd.s32 s3;
	_ =	sdelay $0x1  }
0xa1: {  	s23 =	simm.s32 $0x1B8B  }
0xa2: {  	_ =	swait.ge [sflag:s23], $0x1  }
0xa3: {  	[sflag:s23] =	ssyncset.done $0x0  }
0xa4: {  	s25 =	simm.s32 $0x1B8E;
	s24 =	sld [smem:$0x3FFE];
	[sflag:s23] =	ssyncadd.s32 $0xFFFFFFFF  }
0xa5: {  	s26 =	simm.s32 $execute0_lowered;
	[smem:$0x3FD2] =	sst s25  }
0xa6: {  	s4 =	sshll.u32 s26, $0x1;
	_ =	strace $0x80000046;
	[dreg:$0x1] =	wrdreg $0xFFFFFFFF  }
0xa7: {  	s28 =	simm.s32 $_size_execute0_lowered;
	s2 =	sadd.s32 s2, s4;
	[dreg:$0x0] =	wrdreg $0x0  }
0xa8: {  	s4 =	sshll.u32 s28, $0x1;
	[dreg:$0x2] =	wrdreg s2  }
0xa9: {  	[dreg:$0x3] =	wrdreg s4  }
0xaa: {  	[dreg:$0x4] =	wrdreg $0xC0  }
0xab: {  	_ =	task [dreg:s6], $0x5FFFF  }
0xac: {  	[dreg:$0x1] =	wrdreg $0xFFFFFFFF  }
0xad: {  	[dreg:$0x0] =	wrdreg $0x60  }
0xae: {  	[dreg:$0x2] =	wrdreg s24  }
0xaf: {  	[dreg:$0x3] =	wrdreg $0x0  }
0xb0: {  	[dreg:$0x4] =	wrdreg $0xA  }
0xb1: {  	_ =	task.clear_ibuf [dreg:s6], $0x5FFFF;
	_ =	strace $0x90000046  }
0xb2: {  	s29 =	simm.s32 $0xA;
	_ =	strace $0x80000048  }
0xb3: {  	_ =	swait.ge [sflag:s29], $0x1  }
0xb4: {  	[sflag:s29] =	ssyncadd.s32 $0xFFFFFFFF  }
0xb5: {  	_ =	strace $0x90000048  }
0xb6: {  	_ =	sfence  }
0xb7: {  	s30 =	sld [smem:$0x0];
	_ =	sdelay $0x2  }
0xb8: {  	s31 =	sshll.u32 s1, $0xD;
	s1 =	sshrl.u32 s1, $0x2  }
0xb9: {  	s3 =	sand.u32 $0x4000, s31;
	s1 =	sadd.s32 s1, s30  }
0xba: {  	s0 =	sor.u32 s3, s0;
	s1 =	sshll.u32 s1, $0x11  }
0xbb: {  	s0 =	sor.u32 s1, s0  }
0xbc: {  	s0 =	sadd.s32 $0x8F2B, s0  }
0xbd: {  	[sflag:s0] =	ssyncadd.remote.s32 $0x1  }
0xbe: {  	_ =	sfence.sel $0xFFFF  }
0xbf: {  	[dreg:$0x0] =	wrdreg $0xFFFFFFFF;
	(pc) =	sbr.abs _section_cstart, $3  }
0xc0: {  	[dreg:$0x1] =	wrdreg $0xFFFFFFFF  }
0xc1: {  	_ =	task.clear_ibuf [dreg:s6], $0x2FFFF;
	_ =	strace $0x9FFFFFFF  }
0xc2: {  	(tm) =	ssettm $0x7FFFFFFF  }
0xc3: {  	_ =	shalt  }
tec
execute0_lowered:
.L_overlay_start_1:
0x0: {  	(tag) =	ssettag $0x1  }
0x1: {  	s5 =	rddreg [dreg:$0x0]  }
0x2: {  	s2 =	rddreg [dreg:$0x1];
	s4 =	srdreg.scid  }
0x3: {  	s0 =	stileid.u32;
	s3 =	simm.s32 $0x0;
	s19 =	simm.s32 $0x190A0  }
0x4: {  	s20 =	simm.s32 $0x50;
	s21 =	simm.s32 $0x19140;
	s7 =	smul.u32 $0x19000, s0  }
0x5: {  	s22 =	simm.s32 $0x19050;
	s28 =	simm.s32 $0x0;
	s10 =	smul.u32 $0x3200, s0  }
0x6: {  	s6 =	sand.u32 $0x1, s4;
	[smem:$0x7FF] =	sst s3;
	s13 =	smul.u32 $0x2800, s0  }
0x7: {  	s4 =	sadd.s32 $0x16E00, s5;
	s15 =	sadd.s32 $0xCE00, s5;
	s31 =	smul.u32 $0x500, s0  }
0x8: {  	s14 =	sadd.s32 $0x7E00, s5;
	s25 =	sshll.u32 s0, $0x6;
	s8 =	smul.u32 $0x190000, s6  }
0x9: {  	_ =	strace $0x80000047;
	s9 =	smul.u32 $0x32000, s6;
	s11 =	ssub.s32 $0x2, s6  }
0xa: {  	s6 =	smul.u32 $0x28000, s6;
	s12 =	sshrl.u32 s11, $0x1;
	s17 =	sadd.s32 s7, s2  }
0xb: {  	s29 =	sshrl.u32 s13, $0x3;
	s8 =	sadd.s32 s7, s8;
	s11 =	ssub.s32 s11, s12  }
0xc: {  	s23 =	sadd.s32 s10, s9;
	s24 =	sadd.s32 s13, s6;
	s6 =	sor.u32 $0x1C03, s25  }
0xd: {  	s25 =	simm.s32 $0x1;
	s8 =	sshrl.u32 s8, $0x3;
	s26 =	sshrl.u32 s24, $0x3  }
0xe: {  	s10 =	smax.u32 s11, $0x1;
	s30 =	sor.u32 $0xA0, s24;
	s18 =	sor.u32 $0x50, s24  }
0xf: {  	s24 =	simm.s32 $0x1C340;
	s16 =	sadd.s32 s8, s5;
	s5 =	sadd.s32 s4, s23  }
0x10: {  	s7 =	sadd.s32 s15, s26;
	s8 =	sadd.s32 s14, s29;
	s13 =	sshrl.u32 s30, $0x3  }
0x11: {  	s18 =	sshrl.u32 s18, $0x3;
	s14 =	sadd.s32 s31, s14;
	s23 =	simm.s32 $0x190F0  }
0x12: {  	s26 =	simm.s32 $0x2;
	s9 =	sadd.s32 $0x7AE00, s16;
	s11 =	sadd.s32 $0x4F6, s7  }
0x13: {  	s12 =	sadd.s32 $0x4F6, s8;
	s13 =	sadd.s32 s13, s15;
	s15 =	sadd.s32 s18, s15  }
0x14: {  	s16 =	sshrl.u32 s17, $0x3;
	s17 =	simm.s32 $0x3;
	s18 =	simm.s32 $0x19000  }
.LBB2_1:
0x15: {  	[spmem:s16], [sflag:s6] =	dma.local [hbm:s5], $0x3200  }
0x16: {  	_ =	swait.ge [sflag:s17], $0x3200  }
0x17: {  	[sflag:s17] =	ssyncset.done $0x0  }
0x18: {  	[sflag:s17] =	ssyncadd.s32 $0xFFFFCE00  }
0x19: {  	[tilespmem:s18], [sflag:$0x3] =	stream.linear.gather [hbm4b:s7+s3], $0x50, $0x38;
	[tilespmem:$0x1F540] =	vst v63  }
0x1a: {  	_ =	swait.ge [sflag:s17], $0x50  }
0x1b: {  	[sflag:s17] =	ssyncset.done $0x0  }
0x1c: {  	[sflag:s17] =	ssyncadd.s32 $0xFFFFFFB0  }
0x1d: {  	[tilespmem:s19], [sflag:$0x3] =	stream.linear.gather [hbm4b:s8+s3], $0x50, $0x38;
	[tilespmem:$0x1F540] =	vst v63  }
0x1e: {  	_ =	swait.ge [sflag:s17], $0x50  }
0x1f: {  	[sflag:s17] =	ssyncset.done $0x0  }
0x20: {  	[sflag:s17] =	ssyncadd.s32 $0xFFFFFFB0  }
0x21: {  	[bflag:$0x0] =	sbarrier.arrive $0xFFFF  }
0x22: {  	[tilespmem:s21], [sflag:$0x1] =	stream.indirect.gather [hbm4b:s4+s20], $0xA0, s18, s20, $0xb8;
	[tilespmem:$0x1F540] =	vst v63  }
0x23: {  	s29 =	sadd.s32 $0x0, s15  }
0x24: {  	[tilespmem:s22], [sflag:$0x3] =	stream.linear.gather [hbm4b:s29+s3], $0x50, $0x38;
	[tilespmem:$0x1F540] =	vst v63  }
0x25: {  	_ =	swait.ge [sflag:s17], $0x50  }
0x26: {  	s29 =	sadd.s32 $0x0, s14;
	[sflag:s17] =	ssyncset.done $0x0  }
0x27: {  	s30 =	sadd.s32 $0xA, s29;
	[sflag:s17] =	ssyncadd.s32 $0xFFFFFFB0  }
0x28: {  	[tilespmem:s23], [sflag:$0x3] =	stream.linear.gather [hbm4b:s30+s3], $0x50, $0x38;
	[tilespmem:$0x1F540] =	vst v63  }
0x29: {  	_ =	swait.ge [sflag:s17], $0x50  }
0x2a: {  	[sflag:s17] =	ssyncset.done $0x0  }
0x2b: {  	[sflag:s17] =	ssyncadd.s32 $0xFFFFFFB0  }
0x2c: {  	[tilespmem:s24], [sflag:$0x2] =	stream.indirect.gather [hbm4b:s4+s20], $0xA0, s22, s20, $0xb8;
	[tilespmem:$0x1F540] =	vst v63  }
0x2d: {  	_ =	swait.ge [sflag:s25], $0x3200  }
0x2e: {  	[sflag:s25] =	ssyncset.done $0x0  }
0x2f: {  	[sflag:s25] =	ssyncadd.s32 $0xFFFFCE00  }
0x30: {  	[spmem:s2] =	stream.indirect.scatter.add.f32 [tilespmem:s21], [sflag:$0x3], $0xA0, s19, s20, $0xb8;
	[tilespmem:$0x1F540] =	vst v63  }
0x31: {  	_ =	swait.ge [sflag:s17], $0x3200  }
0x32: {  	[sflag:s17] =	ssyncset.done $0x0  }
0x33: {  	s1 =	sadd.s32 $0x0, s13;
	[sflag:s17] =	ssyncadd.s32 $0xFFFFCE00  }
0x34: {  	[tilespmem:s18], [sflag:$0x3] =	stream.linear.gather [hbm4b:s1+s3], $0x50, $0x38;
	[tilespmem:$0x1F540] =	vst v63  }
0x35: {  	_ =	swait.ge [sflag:s17], $0x50  }
0x36: {  	[sflag:s17] =	ssyncset.done $0x0  }
0x37: {  	s29 =	sadd.s32 $0x14, s29;
	[sflag:s17] =	ssyncadd.s32 $0xFFFFFFB0  }
0x38: {  	[tilespmem:s19], [sflag:$0x3] =	stream.linear.gather [hbm4b:s29+s3], $0x50, $0x38;
	[tilespmem:$0x1F540] =	vst v63  }
0x39: {  	_ =	swait.ge [sflag:s17], $0x50  }
0x3a: {  	[sflag:s17] =	ssyncset.done $0x0  }
0x3b: {  	[sflag:s17] =	ssyncadd.s32 $0xFFFFFFB0  }
0x3c: {  	[tilespmem:s21], [sflag:$0x1] =	stream.indirect.gather [hbm4b:s4+s20], $0xA0, s18, s20, $0xb8;
	[tilespmem:$0x1F540] =	vst v63  }
0x3d: {  	_ =	swait.ge [sflag:s26], $0x3200  }
0x3e: {  	[sflag:s26] =	ssyncset.done $0x0  }
0x3f: {  	[sflag:s26] =	ssyncadd.s32 $0xFFFFCE00  }
0x40: {  	[spmem:s2] =	stream.indirect.scatter.add.f32 [tilespmem:s24], [sflag:$0x3], $0xA0, s23, s20, $0xb8;
	[tilespmem:$0x1F540] =	vst v63  }
0x41: {  	_ =	swait.ge [sflag:s17], $0x3200  }
0x42: {  	s31 =	simm.s32 $0x28;
	s29 =	simm.s32 $0x14;
	[sflag:s17] =	ssyncset.done $0x0  }
.LBB2_2:
0x43: {  	s0 =	sadd.s32 s29, s15  }
0x44: {  	[sflag:s17] =	ssyncadd.s32 $0xFFFFCE00;
	s1 =	smov.u32 s31;
	s30 =	sadd.s32 $0x14, s31  }
0x45: {  	[tilespmem:s22], [sflag:$0x3] =	stream.linear.gather [hbm4b:s0+s3], $0x50, $0x38;
	[tilespmem:$0x1F540] =	vst v63  }
0x46: {  	p0 =	sne.s32 s31, $0x4D8;
	_ =	swait.ge [sflag:s17], $0x50  }
0x47: {  	s0 =	sadd.s32 s29, s14;
	[sflag:s17] =	ssyncset.done $0x0  }
0x48: {  	s31 =	sadd.s32 $0xA, s0;
	[sflag:s17] =	ssyncadd.s32 $0xFFFFFFB0  }
0x49: {  	[tilespmem:s23], [sflag:$0x3] =	stream.linear.gather [hbm4b:s31+s3], $0x50, $0x38;
	[tilespmem:$0x1F540] =	vst v63  }
0x4a: {  	_ =	swait.ge [sflag:s17], $0x50  }
0x4b: {  	[sflag:s17] =	ssyncset.done $0x0  }
0x4c: {  	[sflag:s17] =	ssyncadd.s32 $0xFFFFFFB0  }
0x4d: {  	[tilespmem:s24], [sflag:$0x2] =	stream.indirect.gather [hbm4b:s4+s20], $0xA0, s22, s20, $0xb8;
	[tilespmem:$0x1F540] =	vst v63  }
0x4e: {  	_ =	swait.ge [sflag:s25], $0x3200  }
0x4f: {  	[sflag:s25] =	ssyncset.done $0x0  }
0x50: {  	[sflag:s25] =	ssyncadd.s32 $0xFFFFCE00  }
0x51: {  	[spmem:s2] =	stream.indirect.scatter.add.f32 [tilespmem:s21], [sflag:$0x3], $0xA0, s19, s20, $0xb8;
	[tilespmem:$0x1F540] =	vst v63  }
0x52: {  	_ =	swait.ge [sflag:s17], $0x3200  }
0x53: {  	[sflag:s17] =	ssyncset.done $0x0  }
0x54: {  	s31 =	sadd.s32 s29, s13;
	s29 =	smov.u32 s1;
	[sflag:s17] =	ssyncadd.s32 $0xFFFFCE00  }
0x55: {  	[tilespmem:s18], [sflag:$0x3] =	stream.linear.gather [hbm4b:s31+s3], $0x50, $0x38;
	[tilespmem:$0x1F540] =	vst v63  }
0x56: {  	_ =	swait.ge [sflag:s17], $0x50  }
0x57: {  	[sflag:s17] =	ssyncset.done $0x0  }
0x58: {  	s0 =	sadd.s32 $0x14, s0;
	[sflag:s17] =	ssyncadd.s32 $0xFFFFFFB0  }
0x59: {  	[tilespmem:s19], [sflag:$0x3] =	stream.linear.gather [hbm4b:s0+s3], $0x50, $0x38;
	[tilespmem:$0x1F540] =	vst v63  }
0x5a: {  	_ =	swait.ge [sflag:s17], $0x50  }
0x5b: {  	[sflag:s17] =	ssyncset.done $0x0  }
0x5c: {  	[sflag:s17] =	ssyncadd.s32 $0xFFFFFFB0  }
0x5d: {  	[tilespmem:s21], [sflag:$0x1] =	stream.indirect.gather [hbm4b:s4+s20], $0xA0, s18, s20, $0xb8;
	[tilespmem:$0x1F540] =	vst v63  }
0x5e: {  	_ =	swait.ge [sflag:s26], $0x3200  }
.Ltmp0:
0x5f: {  	[sflag:s26] =	ssyncset.done $0x0;
	(pc) =	sbr.rel @p0 .LBB2_2-.Ltmp0, $4  }
0x60: {  	[sflag:s26] =	ssyncadd.s32 $0xFFFFCE00  }
0x61: {  	[spmem:s2] =	stream.indirect.scatter.add.f32 [tilespmem:s24], [sflag:$0x3], $0xA0, s23, s20, $0xb8;
	[tilespmem:$0x1F540] =	vst v63  }
0x62: {  	_ =	swait.ge [sflag:s17], $0x3200  }
0x63: {  	s31 =	smov.u32 s30;
	[sflag:s17] =	ssyncset.done $0x0  }
0x64: {  	s0 =	sadd.s32 s29, s15;
	[sflag:s17] =	ssyncadd.s32 $0xFFFFCE00  }
0x65: {  	[tilespmem:s22], [sflag:$0x3] =	stream.linear.gather [hbm4b:s0+s3], $0x50, $0x38;
	[tilespmem:$0x1F540] =	vst v63  }
0x66: {  	_ =	swait.ge [sflag:s17], $0x50  }
0x67: {  	s30 =	sadd.s32 s29, s14;
	[sflag:s17] =	ssyncset.done $0x0  }
0x68: {  	s1 =	sadd.s32 $0xA, s30;
	[sflag:s17] =	ssyncadd.s32 $0xFFFFFFB0  }
0x69: {  	[tilespmem:s23], [sflag:$0x3] =	stream.linear.gather [hbm4b:s1+s3], $0x50, $0x38;
	[tilespmem:$0x1F540] =	vst v63  }
0x6a: {  	_ =	swait.ge [sflag:s17], $0x50  }
0x6b: {  	[sflag:s17] =	ssyncset.done $0x0  }
0x6c: {  	[sflag:s17] =	ssyncadd.s32 $0xFFFFFFB0  }
0x6d: {  	[tilespmem:s24], [sflag:$0x2] =	stream.indirect.gather [hbm4b:s4+s20], $0xA0, s22, s20, $0xb8;
	[tilespmem:$0x1F540] =	vst v63  }
0x6e: {  	_ =	swait.ge [sflag:s25], $0x3200  }
0x6f: {  	[sflag:s25] =	ssyncset.done $0x0  }
0x70: {  	[sflag:s25] =	ssyncadd.s32 $0xFFFFCE00  }
0x71: {  	[spmem:s2] =	stream.indirect.scatter.add.f32 [tilespmem:s21], [sflag:$0x3], $0xA0, s19, s20, $0xb8;
	[tilespmem:$0x1F540] =	vst v63  }
0x72: {  	_ =	swait.ge [sflag:s17], $0x3200  }
0x73: {  	[sflag:s17] =	ssyncset.done $0x0  }
0x74: {  	s31 =	sadd.s32 s29, s13;
	[sflag:s17] =	ssyncadd.s32 $0xFFFFCE00  }
0x75: {  	[tilespmem:s18], [sflag:$0x3] =	stream.linear.gather [hbm4b:s31+s3], $0x50, $0x38;
	[tilespmem:$0x1F540] =	vst v63  }
0x76: {  	_ =	swait.ge [sflag:s17], $0x50  }
0x77: {  	[sflag:s17] =	ssyncset.done $0x0  }
0x78: {  	s0 =	sadd.s32 $0x14, s30;
	[sflag:s17] =	ssyncadd.s32 $0xFFFFFFB0  }
0x79: {  	[tilespmem:s19], [sflag:$0x3] =	stream.linear.gather [hbm4b:s0+s3], $0x50, $0x38;
	[tilespmem:$0x1F540] =	vst v63  }
0x7a: {  	_ =	swait.ge [sflag:s17], $0x50  }
0x7b: {  	[sflag:s17] =	ssyncset.done $0x0  }
0x7c: {  	[sflag:s17] =	ssyncadd.s32 $0xFFFFFFB0  }
0x7d: {  	[tilespmem:s21], [sflag:$0x1] =	stream.indirect.gather [hbm4b:s4+s20], $0xA0, s18, s20, $0xb8;
	[tilespmem:$0x1F540] =	vst v63  }
0x7e: {  	_ =	swait.ge [sflag:s26], $0x3200  }
0x7f: {  	[sflag:s26] =	ssyncset.done $0x0  }
0x80: {  	[sflag:s26] =	ssyncadd.s32 $0xFFFFCE00  }
0x81: {  	[spmem:s2] =	stream.indirect.scatter.add.f32 [tilespmem:s24], [sflag:$0x3], $0xA0, s23, s20, $0xb8;
	[tilespmem:$0x1F540] =	vst v63  }
0x82: {  	_ =	swait.ge [sflag:s17], $0x3200  }
0x83: {  	[sflag:s17] =	ssyncset.done $0x0  }
0x84: {  	[sflag:s17] =	ssyncadd.s32 $0xFFFFCE00  }
0x85: {  	[tilespmem:s22], [sflag:$0x3] =	stream.linear.gather [hbm4b:s11+s3], $0x50, $0x38;
	[tilespmem:$0x1F540] =	vst v63  }
0x86: {  	_ =	swait.ge [sflag:s17], $0x50  }
0x87: {  	[sflag:s17] =	ssyncset.done $0x0  }
0x88: {  	[sflag:s17] =	ssyncadd.s32 $0xFFFFFFB0  }
0x89: {  	[tilespmem:s23], [sflag:$0x3] =	stream.linear.gather [hbm4b:s12+s3], $0x50, $0x38;
	[tilespmem:$0x1F540] =	vst v63  }
0x8a: {  	_ =	swait.ge [sflag:s17], $0x50  }
0x8b: {  	[sflag:s17] =	ssyncset.done $0x0  }
0x8c: {  	[sflag:s17] =	ssyncadd.s32 $0xFFFFFFB0  }
0x8d: {  	[tilespmem:s24], [sflag:$0x2] =	stream.indirect.gather [hbm4b:s4+s20], $0xA0, s22, s20, $0xb8;
	[tilespmem:$0x1F540] =	vst v63  }
0x8e: {  	_ =	swait.ge [sflag:s25], $0x3200  }
0x8f: {  	[sflag:s25] =	ssyncset.done $0x0  }
0x90: {  	[sflag:s25] =	ssyncadd.s32 $0xFFFFCE00  }
0x91: {  	[spmem:s2] =	stream.indirect.scatter.add.f32 [tilespmem:s21], [sflag:$0x3], $0xA0, s19, s20, $0xb8;
	[tilespmem:$0x1F540] =	vst v63  }
0x92: {  	_ =	swait.ge [sflag:s17], $0x3200  }
0x93: {  	[sflag:s17] =	ssyncset.done $0x0  }
0x94: {  	[sflag:s17] =	ssyncadd.s32 $0xFFFFCE00  }
0x95: {  	_ =	swait.ge [sflag:s26], $0x3200  }
0x96: {  	[sflag:s26] =	ssyncset.done $0x0  }
0x97: {  	[sflag:s26] =	ssyncadd.s32 $0xFFFFCE00  }
0x98: {  	[spmem:s2] =	stream.indirect.scatter.add.f32 [tilespmem:s24], [sflag:$0x3], $0xA0, s23, s20, $0xb8;
	[tilespmem:$0x1F540] =	vst v63  }
0x99: {  	_ =	swait.ge [sflag:s17], $0x3200  }
0x9a: {  	s28 =	sadd.s32 $0x1, s28;
	[sflag:s17] =	ssyncset.done $0x0  }
0x9b: {  	p0 =	sne.s32 s28, s10;
	[sflag:s17] =	ssyncadd.s32 $0xFFFFCE00  }
.Ltmp1:
0x9c: {  	[bflag:$0x0] =	sbarrier.arrive $0xFFFF;
	(pc) =	sbr.rel @p0 .LBB2_1-.Ltmp1, $4  }
0x9d: {  	[hbm:s9], [sflag:s6] =	dma.local [spmem:s16], $0x3200  }
0x9e: {  	_ =	swait.ge [sflag:s17], $0x3200  }
0x9f: {  	[sflag:s17] =	ssyncset.done $0x0  }
0xa0: {  	[sflag:s17] =	ssyncadd.s32 $0xFFFFCE00  }
0xa1: {  	_ =	sfence.sel $0x180000  }
0xa2: {  	[bflag:$0x0] =	sbarrier.arrive $0xFFFF  }
0xa3: {  	_ =	strace $0x90000047  }
0xa4: {  	s0 =	stileid.u32;
	[bflag:$0x2] =	sbarrier.arrive $0xFFFF  }
0xa5: {  	p0 =	sne.s32 s0, $0x0;
	s0 =	rddreg [dreg:$0x2]  }
0xa6: {  	s0 =	sadd.s32 @!p0 $0x100000, s0  }
0xa7: {  	[sflag:s0] =	ssyncadd.tile.s32 @!p0 $0x1;
	_ =	shalt  }
.Lfunc_end2:
_tile_overlayer_lowered:
.L_overlay_start_2:
0xa8: {  	(tag) =	ssettag $0x2  }
0xa9: {  	s0 =	rddreg [dreg:$0x0];
	s2 =	stileid.u32  }
0xaa: {  	s1 =	rddreg [dreg:$0x1];
	p0 =	sne.s32 s2, $0x0  }
0xab: {  	s3 =	rddreg [dreg:$0x2];
	[bflag:$0x3] =	sbarrier.arrive $0xFFFF;
	s2 =	simm.s32 @!p0 $0x1C03  }
0xac: {  	[timem:s3], [sflag:s2] =	dma.local @!p0 [hbm:s0], s1  }
0xad: {  	s0 =	simm.s32 @!p0 $0x3  }
0xae: {  	_ =	swait.ge @!p0 [sflag:s0], s1  }
0xaf: {  	s1 =	ssub.s32 @!p0 $0x0, s1;
	[sflag:s0] =	ssyncset.done @!p0 $0x0  }
0xb0: {  	[sflag:s0] =	ssyncadd.s32 @!p0 s1  }
0xb1: {  	[bflag:$0x3] =	sbarrier.arrive $0xFFFF  }
0xb2: {  	_ =	shalt  }

// kernel: kernel.25.cloned.1.call-start
scs
__scs_entry_jumppad:
0x0: {  	(pc) =	sbr.rel $0x88, $3  }
0x1: {  	(tag) =	ssettag $0x0;
	lr =	simm.s32 $0x1  }
0x2: {  	[smem:$0x3F8C] =	sst lr;
	_ =	strace $0xD0000000  }
0x3: {  	_ = 	snop  }
0x4: {  	_ = 	snop  }
0x5: {  	_ = 	snop  }
0x6: {  	_ = 	snop  }
0x7: {  	_ = 	snop  }
__scs_overlays_trampoline_lowered:
0x8: {  	[smem:$0x3F9B] =	sst s0  }
0x9: {  	[smem:$0x3F9C] =	sst s1  }
0xa: {  	[smem:$0x3F9D] =	sst s2  }
0xb: {  	[smem:$0x3F9E] =	sst s3  }
0xc: {  	[smem:$0x3F9F] =	sst s4  }
0xd: {  	[smem:$0x3FA0] =	sst s5  }
0xe: {  	[smem:$0x3FA1] =	sst s6  }
0xf: {  	[smem:$0x3FA2] =	sst s7  }
0x10: {  	[smem:$0x3FA3] =	sst s8  }
0x11: {  	[smem:$0x3FA4] =	sst s9;
	s0 =	simm.s32 @!p0 $0x0  }
0x12: {  	s1 =	sld [smem:$0x3F8A];
	s0 =	simm.s32 @p0 $0x1  }
0x13: {  	[smem:$0x3FA5] =	sst s0;
	s0 =	simm.s32 @!p1 $0x0  }
0x14: {  	s2 =	sld [smem:$0x3F89];
	s0 =	simm.s32 @p1 $0x1  }
0x15: {  	[smem:$0x3FA6] =	sst s0;
	s0 =	simm.s32 @!p2 $0x0  }
0x16: {  	s3 =	sld [smem:$0x3FDB];
	s0 =	simm.s32 @p2 $0x1  }
0x17: {  	s4 =	simm.s32 $0x1BF5;
	[smem:$0x3FA8] =	sst s0  }
0x18: {  	s0 =	sld [smem:$0x3F8B];
	_ =	swait.ge [sflag:s4], $0x0  }
0x19: {  	s7 =	sld [smem:$0x3F8C]  }
0x1a: {  	s8 =	sadd.s32 $0xFFFFE003, lr  }
0x1b: {  	s9 =	sadd.s32 $0xFFFFFEF7, lr;
	s5 =	simm.s32 $0xFFFFFFFF;
	p2 =	slt.u32 s8, $0xFFFFF086  }
0x1c: {  	p1 =	slt.u32 s9, $0xF7A;
	s5 =	simm.s32 @!p2 $0x0  }
0x1d: {  	s5 =	simm.s32 @p1 $0x1;
	p0 =	seq.s32 s7, s2  }
0x1e: {  	s7 =	smul.u32 @!p0 $0xF7A, s2;
	p2 =	seq.s32 @!p0 s5, $0x0  }
0x1f: {  	s9 =	smul.u32 $0xF7A, s1;
	s8 =	simm.s32 @!p0 $0x1BF5;
	p2 =	por !p2, p0  }
0x20: {  	[sflag:s8] =	ssyncset.s32 @!p0 $0xFFFFF086;
	s6 =	sadd.s32 @!p0 s3, s7;
	s7 =	simm.s32 @!p0 $0x108  }
0x21: {  	s3 =	sadd.s32 s3, s9;
	s6 =	sadd.s32 @!p0 $0x88, s6;
	s7 =	simm.s32 @p2 $0x1082  }
0x22: {  	[simem:s7], [sflag:s8] =	dma.local @!p0 [hbm:s6], $0xF7A  }
0x23: {  	s9 =	sor.u32 $0xD0000000, s2;
	s6 =	simm.s32 $0x108;
	_ =	swait.ge @!p0 [sflag:s8], $0x0  }
0x24: {  	s3 =	sadd.s32 $0x88, s3;
	s6 =	simm.s32 @!p1 $0x1082;
	[sflag:s4] =	ssyncset.s32 $0xFFFFF086  }
0x25: {  	[simem:s6], [sflag:s4] =	dma.local [hbm:s3], $0xF7A  }
0x26: {  	[smem:$0x3F8C] =	sst s1;
	(tag) =	ssettag s2;
	_ =	strace s9  }
0x27: {  	s1 =	sld [smem:$0x3F9C]  }
0x28: {  	s2 =	sld [smem:$0x3F9D]  }
0x29: {  	s4 =	sld [smem:$0x3F9F]  }
0x2a: {  	p0 =	seq.s32 s5, $0x0;
	s5 =	sld [smem:$0x3FA0]  }
0x2b: {  	s6 =	sld [smem:$0x3FA1]  }
0x2c: {  	s7 =	sld [smem:$0x3FA2]  }
0x2d: {  	s3 =	simm.s32 $0x108;
	s8 =	sld [smem:$0x3FA3]  }
0x2e: {  	s3 =	simm.s32 @!p0 $0x1082;
	s9 =	sld [smem:$0x3FA4]  }
0x2f: {  	lr =	sadd.s32 s0, s3;
	s0 =	sld [smem:$0x3F9B]  }
0x30: {  	s3 =	sld [smem:$0x3F9E]  }
0x31: {  	[smem:$0x3FA7] =	sst s10  }
0x32: {  	s10 =	sld [smem:$0x3FA5];
	_ =	sdelay $0x3  }
0x33: {  	p0 =	seq.s32 s10, $0x1;
	s10 =	sld [smem:$0x3FA7];
	_ =	sdelay $0x3  }
0x34: {  	[smem:$0x3FA7] =	sst s10  }
0x35: {  	s10 =	sld [smem:$0x3FA6];
	_ =	sdelay $0x3  }
0x36: {  	p1 =	seq.s32 s10, $0x1;
	s10 =	sld [smem:$0x3FA7];
	_ =	sdelay $0x3  }
0x37: {  	[smem:$0x3FA7] =	sst s10  }
0x38: {  	s10 =	sld [smem:$0x3FA8]  }
0x39: {  	_ = 	snop;
	(pc) =	sbr.ind lr, $3  }
0x3a: {  	_ = 	snop  }
0x3b: {  	_ = 	snop  }
0x3c: {  	p2 =	seq.s32 s10, $0x1;
	s10 =	sld [smem:$0x3FA7]  }
0x3d: {  	_ =	shalt  }
0x3e: {  	_ =	shalt  }
0x3f: {  	_ =	shalt  }
0x40: {  	_ =	shalt  }
0x41: {  	_ =	shalt  }
0x42: {  	_ =	shalt  }
0x43: {  	_ =	shalt  }
0x44: {  	_ =	shalt  }
0x45: {  	_ =	shalt  }
0x46: {  	_ =	shalt  }
0x47: {  	_ =	shalt  }
0x48: {  	_ =	shalt  }
0x49: {  	_ =	shalt  }
0x4a: {  	_ =	shalt  }
0x4b: {  	_ =	shalt  }
0x4c: {  	_ =	shalt  }
0x4d: {  	_ =	shalt  }
0x4e: {  	_ =	shalt  }
0x4f: {  	_ =	shalt  }
0x50: {  	_ =	shalt  }
0x51: {  	_ =	shalt  }
0x52: {  	_ =	shalt  }
0x53: {  	_ =	shalt  }
0x54: {  	_ =	shalt  }
0x55: {  	_ =	shalt  }
0x56: {  	_ =	shalt  }
0x57: {  	_ =	shalt  }
0x58: {  	_ =	shalt  }
0x59: {  	_ =	shalt  }
0x5a: {  	_ =	shalt  }
0x5b: {  	_ =	shalt  }
0x5c: {  	_ =	shalt  }
0x5d: {  	_ =	shalt  }
0x5e: {  	_ =	shalt  }
0x5f: {  	_ =	shalt  }
0x60: {  	_ =	shalt  }
0x61: {  	_ =	shalt  }
0x62: {  	_ =	shalt  }
0x63: {  	_ =	shalt  }
0x64: {  	_ =	shalt  }
0x65: {  	_ =	shalt  }
0x66: {  	_ =	shalt  }
0x67: {  	_ =	shalt  }
0x68: {  	_ =	shalt  }
0x69: {  	_ =	shalt  }
0x6a: {  	_ =	shalt  }
0x6b: {  	_ =	shalt  }
0x6c: {  	_ =	shalt  }
0x6d: {  	_ =	shalt  }
0x6e: {  	_ =	shalt  }
0x6f: {  	_ =	shalt  }
0x70: {  	_ =	shalt  }
0x71: {  	_ =	shalt  }
0x72: {  	_ =	shalt  }
0x73: {  	_ =	shalt  }
0x74: {  	_ =	shalt  }
0x75: {  	_ =	shalt  }
0x76: {  	_ =	shalt  }
0x77: {  	_ =	shalt  }
0x78: {  	_ =	shalt  }
0x79: {  	_ =	shalt  }
0x7a: {  	_ =	shalt  }
0x7b: {  	_ =	shalt  }
0x7c: {  	_ =	shalt  }
0x7d: {  	_ =	shalt  }
0x7e: {  	_ =	shalt  }
0x7f: {  	_ =	shalt  }
0x80: {  	_ =	shalt  }
0x81: {  	_ =	shalt  }
0x82: {  	_ =	shalt  }
0x83: {  	_ =	shalt  }
0x84: {  	_ =	shalt  }
0x85: {  	_ =	shalt  }
0x86: {  	_ =	shalt  }
0x87: {  	_ =	shalt  }
.Lfunc_end0:
.L_simem_size_0:
called_computation.2_lowered:
.L_overlay_start_0:
0x88: {  	s2 =	sld [smem:$0x3FD9]  }
0x89: {  	s3 =	sld [smem:$0x3FFE];
	_ =	sdelay $0x1  }
0x8a: {  	s1 =	srdreg.scid  }
0x8b: {  	s0 =	sand.u32 $0x1, s1  }
0x8c: {  	s16 =	sshll.u32 s0, $0xA;
	s2 =	sadd.s32 s3, s2  }
0x8d: {  	s2 =	sadd.s32 s2, s16  }
0x8e: {  	[smem:$0x3FB3] =	sst s2  }
0x8f: {  	_ = 	snop  }
0x90: {  	(tm) =	ssettm $0x1  }
0x91: {  	s17 =	sld [smem:$0x3FFB];
	_ =	sdelay $0x3  }
0x92: {  	_ =	strace s17  }
0x93: {  	s2 =	sld [smem:$0x3FFC];
	_ =	sdelay $0x3  }
0x94: {  	_ =	strace s2  }
0x95: {  	s2 =	sld [smem:$0x3FFD];
	_ =	sdelay $0x3  }
0x96: {  	_ =	strace s2  }
0x97: {  	_ =	strace $0x8FFFFFFF  }
0x98: {  	s18 =	sld [smem:$0x3FDB];
	_ =	sdelay $0x1  }
0x99: {  	s19 =	simm.s32 $_scs_section_size  }
0x9a: {  	s4 =	simm.s32 $_size__tile_overlayer_lowered;
	s5 =	simm.s32 $_tile_overlayer_lowered  }
0x9b: {  	s22 =	simm.s32 $0x1BFF;
	s21 =	sshll.u32 s5, $0x1;
	s2 =	sadd.s32 s19, s18  }
0x9c: {  	s6 =	simm.s32 $0x0;
	s20 =	sshll.u32 s4, $0x1;
	s4 =	sadd.s32 s21, s2  }
0x9d: {  	[timem:s6], [sflag:s22] =	dma.local [hbm:s4], s20  }
0x9e: {  	_ =	swait.ge [sflag:s22], s20  }
0x9f: {  	s3 =	ssub.s32 $0x0, s20;
	[sflag:s22] =	ssyncset.done $0x0  }
0xa0: {  	[sflag:s22] =	ssyncadd.s32 s3;
	_ =	sdelay $0x1  }
0xa1: {  	s23 =	simm.s32 $0x1B8B  }
0xa2: {  	_ =	swait.ge [sflag:s23], $0x1  }
0xa3: {  	[sflag:s23] =	ssyncset.done $0x0  }
0xa4: {  	s25 =	simm.s32 $0x1B8E;
	s24 =	sld [smem:$0x3FFE];
	[sflag:s23] =	ssyncadd.s32 $0xFFFFFFFF  }
0xa5: {  	s26 =	simm.s32 $execute0_lowered;
	[smem:$0x3FD2] =	sst s25  }
0xa6: {  	s4 =	sshll.u32 s26, $0x1;
	_ =	strace $0x8000004C;
	[dreg:$0x1] =	wrdreg $0xFFFFFFFF  }
0xa7: {  	s28 =	simm.s32 $_size_execute0_lowered;
	s2 =	sadd.s32 s2, s4;
	[dreg:$0x0] =	wrdreg $0x0  }
0xa8: {  	s4 =	sshll.u32 s28, $0x1;
	[dreg:$0x2] =	wrdreg s2  }
0xa9: {  	[dreg:$0x3] =	wrdreg s4  }
0xaa: {  	[dreg:$0x4] =	wrdreg $0xC0  }
0xab: {  	_ =	task [dreg:s6], $0x5FFFF  }
0xac: {  	[dreg:$0x1] =	wrdreg $0xFFFFFFFF  }
0xad: {  	[dreg:$0x0] =	wrdreg $0x60  }
0xae: {  	[dreg:$0x2] =	wrdreg s24  }
0xaf: {  	[dreg:$0x3] =	wrdreg $0x0  }
0xb0: {  	[dreg:$0x4] =	wrdreg $0x9  }
0xb1: {  	_ =	task.clear_ibuf [dreg:s6], $0x5FFFF;
	_ =	strace $0x9000004C  }
0xb2: {  	s29 =	simm.s32 $0x9;
	_ =	strace $0x8000004E  }
0xb3: {  	_ =	swait.ge [sflag:s29], $0x1  }
0xb4: {  	[sflag:s29] =	ssyncadd.s32 $0xFFFFFFFF  }
0xb5: {  	_ =	strace $0x9000004E  }
0xb6: {  	_ =	sfence  }
0xb7: {  	s30 =	sld [smem:$0x0];
	_ =	sdelay $0x2  }
0xb8: {  	s31 =	sshll.u32 s1, $0xD;
	s1 =	sshrl.u32 s1, $0x2  }
0xb9: {  	s3 =	sand.u32 $0x4000, s31;
	s1 =	sadd.s32 s1, s30  }
0xba: {  	s0 =	sor.u32 s3, s0;
	s1 =	sshll.u32 s1, $0x11  }
0xbb: {  	s0 =	sor.u32 s1, s0  }
0xbc: {  	s0 =	sadd.s32 $0x8F2B, s0  }
0xbd: {  	[sflag:s0] =	ssyncadd.remote.s32 $0x1  }
0xbe: {  	_ =	sfence.sel $0xFFFF  }
0xbf: {  	[dreg:$0x0] =	wrdreg $0xFFFFFFFF;
	(pc) =	sbr.abs _section_cstart, $3  }
0xc0: {  	[dreg:$0x1] =	wrdreg $0xFFFFFFFF  }
0xc1: {  	_ =	task.clear_ibuf [dreg:s6], $0x2FFFF;
	_ =	strace $0x9FFFFFFF  }
0xc2: {  	(tm) =	ssettm $0x7FFFFFFF  }
0xc3: {  	_ =	shalt  }
tec
execute0_lowered:
.L_overlay_start_1:
0x0: {  	(tag) =	ssettag $0x1  }
0x1: {  	s5 =	rddreg [dreg:$0x0]  }
0x2: {  	s2 =	rddreg [dreg:$0x1];
	s3 =	simm.s32 $0x0  }
0x3: {  	s4 =	srdreg.scid;
	s0 =	stileid.u32;
	s19 =	simm.s32 $0x190A0  }
0x4: {  	s20 =	simm.s32 $0x50;
	s21 =	simm.s32 $0x19140;
	s7 =	smul.u32 $0x19000, s0  }
0x5: {  	s22 =	simm.s32 $0x19050;
	s28 =	simm.s32 $0x0;
	s10 =	smul.u32 $0x3200, s0  }
0x6: {  	[smem:$0x7FF] =	sst s3;
	s6 =	sand.u32 $0x1, s4;
	s13 =	smul.u32 $0x2800, s0  }
0x7: {  	s4 =	sadd.s32 $0x112C00, s5;
	s15 =	sadd.s32 $0xCE00, s5;
	s31 =	smul.u32 $0x500, s0  }
0x8: {  	s14 =	sadd.s32 $0x7E00, s5;
	s25 =	sshll.u32 s0, $0x6;
	s8 =	smul.u32 $0x190000, s6  }
0x9: {  	_ =	strace $0x8000004D;
	s9 =	smul.u32 $0x32000, s6;
	s11 =	ssub.s32 $0x2, s6  }
0xa: {  	s6 =	smul.u32 $0x28000, s6;
	s12 =	sshrl.u32 s11, $0x1;
	s17 =	sadd.s32 s7, s2  }
0xb: {  	s29 =	sshrl.u32 s13, $0x3;
	s8 =	sadd.s32 s7, s8;
	s11 =	ssub.s32 s11, s12  }
0xc: {  	s23 =	sadd.s32 s10, s9;
	s24 =	sadd.s32 s13, s6;
	s6 =	sor.u32 $0x1C03, s25  }
0xd: {  	s25 =	simm.s32 $0x1;
	s8 =	sshrl.u32 s8, $0x3;
	s26 =	sshrl.u32 s24, $0x3  }
0xe: {  	s10 =	smax.u32 s11, $0x1;
	s30 =	sor.u32 $0xA0, s24;
	s18 =	sor.u32 $0x50, s24  }
0xf: {  	s24 =	simm.s32 $0x1C340;
	s16 =	sadd.s32 s8, s5;
	s5 =	sadd.s32 s4, s23  }
0x10: {  	s7 =	sadd.s32 s15, s26;
	s8 =	sadd.s32 s14, s29;
	s13 =	sshrl.u32 s30, $0x3  }
0x11: {  	s18 =	sshrl.u32 s18, $0x3;
	s14 =	sadd.s32 s31, s14;
	s23 =	simm.s32 $0x190F0  }
0x12: {  	s26 =	simm.s32 $0x2;
	s9 =	sadd.s32 $0x16E00, s16;
	s11 =	sadd.s32 $0x4F6, s7  }
0x13: {  	s12 =	sadd.s32 $0x4F6, s8;
	s13 =	sadd.s32 s13, s15;
	s15 =	sadd.s32 s18, s15  }
0x14: {  	s16 =	sshrl.u32 s17, $0x3;
	s17 =	simm.s32 $0x3;
	s18 =	simm.s32 $0x19000  }
.LBB2_1:
0x15: {  	[spmem:s16], [sflag:s6] =	dma.local [hbm:s5], $0x3200  }
0x16: {  	_ =	swait.ge [sflag:s17], $0x3200  }
0x17: {  	[sflag:s17] =	ssyncset.done $0x0  }
0x18: {  	[sflag:s17] =	ssyncadd.s32 $0xFFFFCE00  }
0x19: {  	[tilespmem:s18], [sflag:$0x3] =	stream.linear.gather [hbm4b:s7+s3], $0x50, $0x38;
	[tilespmem:$0x1F540] =	vst v63  }
0x1a: {  	_ =	swait.ge [sflag:s17], $0x50  }
0x1b: {  	[sflag:s17] =	ssyncset.done $0x0  }
0x1c: {  	[sflag:s17] =	ssyncadd.s32 $0xFFFFFFB0  }
0x1d: {  	[tilespmem:s19], [sflag:$0x3] =	stream.linear.gather [hbm4b:s8+s3], $0x50, $0x38;
	[tilespmem:$0x1F540] =	vst v63  }
0x1e: {  	_ =	swait.ge [sflag:s17], $0x50  }
0x1f: {  	[sflag:s17] =	ssyncset.done $0x0  }
0x20: {  	[sflag:s17] =	ssyncadd.s32 $0xFFFFFFB0  }
0x21: {  	[bflag:$0x0] =	sbarrier.arrive $0xFFFF  }
0x22: {  	[tilespmem:s21], [sflag:$0x1] =	stream.indirect.gather [hbm4b:s4+s20], $0xA0, s18, s20, $0xb8;
	[tilespmem:$0x1F540] =	vst v63  }
0x23: {  	s29 =	sadd.s32 $0x0, s15  }
0x24: {  	[tilespmem:s22], [sflag:$0x3] =	stream.linear.gather [hbm4b:s29+s3], $0x50, $0x38;
	[tilespmem:$0x1F540] =	vst v63  }
0x25: {  	_ =	swait.ge [sflag:s17], $0x50  }
0x26: {  	s29 =	sadd.s32 $0x0, s14;
	[sflag:s17] =	ssyncset.done $0x0  }
0x27: {  	s30 =	sadd.s32 $0xA, s29;
	[sflag:s17] =	ssyncadd.s32 $0xFFFFFFB0  }
0x28: {  	[tilespmem:s23], [sflag:$0x3] =	stream.linear.gather [hbm4b:s30+s3], $0x50, $0x38;
	[tilespmem:$0x1F540] =	vst v63  }
0x29: {  	_ =	swait.ge [sflag:s17], $0x50  }
0x2a: {  	[sflag:s17] =	ssyncset.done $0x0  }
0x2b: {  	[sflag:s17] =	ssyncadd.s32 $0xFFFFFFB0  }
0x2c: {  	[tilespmem:s24], [sflag:$0x2] =	stream.indirect.gather [hbm4b:s4+s20], $0xA0, s22, s20, $0xb8;
	[tilespmem:$0x1F540] =	vst v63  }
0x2d: {  	_ =	swait.ge [sflag:s25], $0x3200  }
0x2e: {  	[sflag:s25] =	ssyncset.done $0x0  }
0x2f: {  	[sflag:s25] =	ssyncadd.s32 $0xFFFFCE00  }
0x30: {  	[spmem:s2] =	stream.indirect.scatter.add.f32 [tilespmem:s21], [sflag:$0x3], $0xA0, s19, s20, $0xb8;
	[tilespmem:$0x1F540] =	vst v63  }
0x31: {  	_ =	swait.ge [sflag:s17], $0x3200  }
0x32: {  	[sflag:s17] =	ssyncset.done $0x0  }
0x33: {  	s1 =	sadd.s32 $0x0, s13;
	[sflag:s17] =	ssyncadd.s32 $0xFFFFCE00  }
0x34: {  	[tilespmem:s18], [sflag:$0x3] =	stream.linear.gather [hbm4b:s1+s3], $0x50, $0x38;
	[tilespmem:$0x1F540] =	vst v63  }
0x35: {  	_ =	swait.ge [sflag:s17], $0x50  }
0x36: {  	[sflag:s17] =	ssyncset.done $0x0  }
0x37: {  	s29 =	sadd.s32 $0x14, s29;
	[sflag:s17] =	ssyncadd.s32 $0xFFFFFFB0  }
0x38: {  	[tilespmem:s19], [sflag:$0x3] =	stream.linear.gather [hbm4b:s29+s3], $0x50, $0x38;
	[tilespmem:$0x1F540] =	vst v63  }
0x39: {  	_ =	swait.ge [sflag:s17], $0x50  }
0x3a: {  	[sflag:s17] =	ssyncset.done $0x0  }
0x3b: {  	[sflag:s17] =	ssyncadd.s32 $0xFFFFFFB0  }
0x3c: {  	[tilespmem:s21], [sflag:$0x1] =	stream.indirect.gather [hbm4b:s4+s20], $0xA0, s18, s20, $0xb8;
	[tilespmem:$0x1F540] =	vst v63  }
0x3d: {  	_ =	swait.ge [sflag:s26], $0x3200  }
0x3e: {  	[sflag:s26] =	ssyncset.done $0x0  }
0x3f: {  	[sflag:s26] =	ssyncadd.s32 $0xFFFFCE00  }
0x40: {  	[spmem:s2] =	stream.indirect.scatter.add.f32 [tilespmem:s24], [sflag:$0x3], $0xA0, s23, s20, $0xb8;
	[tilespmem:$0x1F540] =	vst v63  }
0x41: {  	_ =	swait.ge [sflag:s17], $0x3200  }
0x42: {  	s31 =	simm.s32 $0x28;
	s29 =	simm.s32 $0x14;
	[sflag:s17] =	ssyncset.done $0x0  }
.LBB2_2:
0x43: {  	s0 =	sadd.s32 s29, s15  }
0x44: {  	[sflag:s17] =	ssyncadd.s32 $0xFFFFCE00;
	s1 =	smov.u32 s31;
	s30 =	sadd.s32 $0x14, s31  }
0x45: {  	[tilespmem:s22], [sflag:$0x3] =	stream.linear.gather [hbm4b:s0+s3], $0x50, $0x38;
	[tilespmem:$0x1F540] =	vst v63  }
0x46: {  	p0 =	sne.s32 s31, $0x4D8;
	_ =	swait.ge [sflag:s17], $0x50  }
0x47: {  	s0 =	sadd.s32 s29, s14;
	[sflag:s17] =	ssyncset.done $0x0  }
0x48: {  	s31 =	sadd.s32 $0xA, s0;
	[sflag:s17] =	ssyncadd.s32 $0xFFFFFFB0  }
0x49: {  	[tilespmem:s23], [sflag:$0x3] =	stream.linear.gather [hbm4b:s31+s3], $0x50, $0x38;
	[tilespmem:$0x1F540] =	vst v63  }
0x4a: {  	_ =	swait.ge [sflag:s17], $0x50  }
0x4b: {  	[sflag:s17] =	ssyncset.done $0x0  }
0x4c: {  	[sflag:s17] =	ssyncadd.s32 $0xFFFFFFB0  }
0x4d: {  	[tilespmem:s24], [sflag:$0x2] =	stream.indirect.gather [hbm4b:s4+s20], $0xA0, s22, s20, $0xb8;
	[tilespmem:$0x1F540] =	vst v63  }
0x4e: {  	_ =	swait.ge [sflag:s25], $0x3200  }
0x4f: {  	[sflag:s25] =	ssyncset.done $0x0  }
0x50: {  	[sflag:s25] =	ssyncadd.s32 $0xFFFFCE00  }
0x51: {  	[spmem:s2] =	stream.indirect.scatter.add.f32 [tilespmem:s21], [sflag:$0x3], $0xA0, s19, s20, $0xb8;
	[tilespmem:$0x1F540] =	vst v63  }
0x52: {  	_ =	swait.ge [sflag:s17], $0x3200  }
0x53: {  	[sflag:s17] =	ssyncset.done $0x0  }
0x54: {  	s31 =	sadd.s32 s29, s13;
	s29 =	smov.u32 s1;
	[sflag:s17] =	ssyncadd.s32 $0xFFFFCE00  }
0x55: {  	[tilespmem:s18], [sflag:$0x3] =	stream.linear.gather [hbm4b:s31+s3], $0x50, $0x38;
	[tilespmem:$0x1F540] =	vst v63  }
0x56: {  	_ =	swait.ge [sflag:s17], $0x50  }
0x57: {  	[sflag:s17] =	ssyncset.done $0x0  }
0x58: {  	s0 =	sadd.s32 $0x14, s0;
	[sflag:s17] =	ssyncadd.s32 $0xFFFFFFB0  }
0x59: {  	[tilespmem:s19], [sflag:$0x3] =	stream.linear.gather [hbm4b:s0+s3], $0x50, $0x38;
	[tilespmem:$0x1F540] =	vst v63  }
0x5a: {  	_ =	swait.ge [sflag:s17], $0x50  }
0x5b: {  	[sflag:s17] =	ssyncset.done $0x0  }
0x5c: {  	[sflag:s17] =	ssyncadd.s32 $0xFFFFFFB0  }
0x5d: {  	[tilespmem:s21], [sflag:$0x1] =	stream.indirect.gather [hbm4b:s4+s20], $0xA0, s18, s20, $0xb8;
	[tilespmem:$0x1F540] =	vst v63  }
0x5e: {  	_ =	swait.ge [sflag:s26], $0x3200  }
.Ltmp0:
0x5f: {  	[sflag:s26] =	ssyncset.done $0x0;
	(pc) =	sbr.rel @p0 .LBB2_2-.Ltmp0, $4  }
0x60: {  	[sflag:s26] =	ssyncadd.s32 $0xFFFFCE00  }
0x61: {  	[spmem:s2] =	stream.indirect.scatter.add.f32 [tilespmem:s24], [sflag:$0x3], $0xA0, s23, s20, $0xb8;
	[tilespmem:$0x1F540] =	vst v63  }
0x62: {  	_ =	swait.ge [sflag:s17], $0x3200  }
0x63: {  	s31 =	smov.u32 s30;
	[sflag:s17] =	ssyncset.done $0x0  }
0x64: {  	s0 =	sadd.s32 s29, s15;
	[sflag:s17] =	ssyncadd.s32 $0xFFFFCE00  }
0x65: {  	[tilespmem:s22], [sflag:$0x3] =	stream.linear.gather [hbm4b:s0+s3], $0x50, $0x38;
	[tilespmem:$0x1F540] =	vst v63  }
0x66: {  	_ =	swait.ge [sflag:s17], $0x50  }
0x67: {  	s30 =	sadd.s32 s29, s14;
	[sflag:s17] =	ssyncset.done $0x0  }
0x68: {  	s1 =	sadd.s32 $0xA, s30;
	[sflag:s17] =	ssyncadd.s32 $0xFFFFFFB0  }
0x69: {  	[tilespmem:s23], [sflag:$0x3] =	stream.linear.gather [hbm4b:s1+s3], $0x50, $0x38;
	[tilespmem:$0x1F540] =	vst v63  }
0x6a: {  	_ =	swait.ge [sflag:s17], $0x50  }
0x6b: {  	[sflag:s17] =	ssyncset.done $0x0  }
0x6c: {  	[sflag:s17] =	ssyncadd.s32 $0xFFFFFFB0  }
0x6d: {  	[tilespmem:s24], [sflag:$0x2] =	stream.indirect.gather [hbm4b:s4+s20], $0xA0, s22, s20, $0xb8;
	[tilespmem:$0x1F540] =	vst v63  }
0x6e: {  	_ =	swait.ge [sflag:s25], $0x3200  }
0x6f: {  	[sflag:s25] =	ssyncset.done $0x0  }
0x70: {  	[sflag:s25] =	ssyncadd.s32 $0xFFFFCE00  }
0x71: {  	[spmem:s2] =	stream.indirect.scatter.add.f32 [tilespmem:s21], [sflag:$0x3], $0xA0, s19, s20, $0xb8;
	[tilespmem:$0x1F540] =	vst v63  }
0x72: {  	_ =	swait.ge [sflag:s17], $0x3200  }
0x73: {  	[sflag:s17] =	ssyncset.done $0x0  }
0x74: {  	s31 =	sadd.s32 s29, s13;
	[sflag:s17] =	ssyncadd.s32 $0xFFFFCE00  }
0x75: {  	[tilespmem:s18], [sflag:$0x3] =	stream.linear.gather [hbm4b:s31+s3], $0x50, $0x38;
	[tilespmem:$0x1F540] =	vst v63  }
0x76: {  	_ =	swait.ge [sflag:s17], $0x50  }
0x77: {  	[sflag:s17] =	ssyncset.done $0x0  }
0x78: {  	s0 =	sadd.s32 $0x14, s30;
	[sflag:s17] =	ssyncadd.s32 $0xFFFFFFB0  }
0x79: {  	[tilespmem:s19], [sflag:$0x3] =	stream.linear.gather [hbm4b:s0+s3], $0x50, $0x38;
	[tilespmem:$0x1F540] =	vst v63  }
0x7a: {  	_ =	swait.ge [sflag:s17], $0x50  }
0x7b: {  	[sflag:s17] =	ssyncset.done $0x0  }
0x7c: {  	[sflag:s17] =	ssyncadd.s32 $0xFFFFFFB0  }
0x7d: {  	[tilespmem:s21], [sflag:$0x1] =	stream.indirect.gather [hbm4b:s4+s20], $0xA0, s18, s20, $0xb8;
	[tilespmem:$0x1F540] =	vst v63  }
0x7e: {  	_ =	swait.ge [sflag:s26], $0x3200  }
0x7f: {  	[sflag:s26] =	ssyncset.done $0x0  }
0x80: {  	[sflag:s26] =	ssyncadd.s32 $0xFFFFCE00  }
0x81: {  	[spmem:s2] =	stream.indirect.scatter.add.f32 [tilespmem:s24], [sflag:$0x3], $0xA0, s23, s20, $0xb8;
	[tilespmem:$0x1F540] =	vst v63  }
0x82: {  	_ =	swait.ge [sflag:s17], $0x3200  }
0x83: {  	[sflag:s17] =	ssyncset.done $0x0  }
0x84: {  	[sflag:s17] =	ssyncadd.s32 $0xFFFFCE00  }
0x85: {  	[tilespmem:s22], [sflag:$0x3] =	stream.linear.gather [hbm4b:s11+s3], $0x50, $0x38;
	[tilespmem:$0x1F540] =	vst v63  }
0x86: {  	_ =	swait.ge [sflag:s17], $0x50  }
0x87: {  	[sflag:s17] =	ssyncset.done $0x0  }
0x88: {  	[sflag:s17] =	ssyncadd.s32 $0xFFFFFFB0  }
0x89: {  	[tilespmem:s23], [sflag:$0x3] =	stream.linear.gather [hbm4b:s12+s3], $0x50, $0x38;
	[tilespmem:$0x1F540] =	vst v63  }
0x8a: {  	_ =	swait.ge [sflag:s17], $0x50  }
0x8b: {  	[sflag:s17] =	ssyncset.done $0x0  }
0x8c: {  	[sflag:s17] =	ssyncadd.s32 $0xFFFFFFB0  }
0x8d: {  	[tilespmem:s24], [sflag:$0x2] =	stream.indirect.gather [hbm4b:s4+s20], $0xA0, s22, s20, $0xb8;
	[tilespmem:$0x1F540] =	vst v63  }
0x8e: {  	_ =	swait.ge [sflag:s25], $0x3200  }
0x8f: {  	[sflag:s25] =	ssyncset.done $0x0  }
0x90: {  	[sflag:s25] =	ssyncadd.s32 $0xFFFFCE00  }
0x91: {  	[spmem:s2] =	stream.indirect.scatter.add.f32 [tilespmem:s21], [sflag:$0x3], $0xA0, s19, s20, $0xb8;
	[tilespmem:$0x1F540] =	vst v63  }
0x92: {  	_ =	swait.ge [sflag:s17], $0x3200  }
0x93: {  	[sflag:s17] =	ssyncset.done $0x0  }
0x94: {  	[sflag:s17] =	ssyncadd.s32 $0xFFFFCE00  }
0x95: {  	_ =	swait.ge [sflag:s26], $0x3200  }
0x96: {  	[sflag:s26] =	ssyncset.done $0x0  }
0x97: {  	[sflag:s26] =	ssyncadd.s32 $0xFFFFCE00  }
0x98: {  	[spmem:s2] =	stream.indirect.scatter.add.f32 [tilespmem:s24], [sflag:$0x3], $0xA0, s23, s20, $0xb8;
	[tilespmem:$0x1F540] =	vst v63  }
0x99: {  	_ =	swait.ge [sflag:s17], $0x3200  }
0x9a: {  	s28 =	sadd.s32 $0x1, s28;
	[sflag:s17] =	ssyncset.done $0x0  }
0x9b: {  	p0 =	sne.s32 s28, s10;
	[sflag:s17] =	ssyncadd.s32 $0xFFFFCE00  }
.Ltmp1:
0x9c: {  	[bflag:$0x0] =	sbarrier.arrive $0xFFFF;
	(pc) =	sbr.rel @p0 .LBB2_1-.Ltmp1, $4  }
0x9d: {  	[hbm:s9], [sflag:s6] =	dma.local [spmem:s16], $0x3200  }
0x9e: {  	_ =	swait.ge [sflag:s17], $0x3200  }
0x9f: {  	[sflag:s17] =	ssyncset.done $0x0  }
0xa0: {  	[sflag:s17] =	ssyncadd.s32 $0xFFFFCE00  }
0xa1: {  	_ =	sfence.sel $0x180000  }
0xa2: {  	[bflag:$0x0] =	sbarrier.arrive $0xFFFF  }
0xa3: {  	_ =	strace $0x9000004D  }
0xa4: {  	s0 =	stileid.u32;
	[bflag:$0x2] =	sbarrier.arrive $0xFFFF  }
0xa5: {  	p0 =	sne.s32 s0, $0x0;
	s0 =	rddreg [dreg:$0x2]  }
0xa6: {  	s0 =	sadd.s32 @!p0 $0x100000, s0  }
0xa7: {  	[sflag:s0] =	ssyncadd.tile.s32 @!p0 $0x1;
	_ =	shalt  }
.Lfunc_end2:
_tile_overlayer_lowered:
.L_overlay_start_2:
0xa8: {  	(tag) =	ssettag $0x2  }
0xa9: {  	s0 =	rddreg [dreg:$0x0];
	s2 =	stileid.u32  }
0xaa: {  	s1 =	rddreg [dreg:$0x1];
	p0 =	sne.s32 s2, $0x0  }
0xab: {  	s3 =	rddreg [dreg:$0x2];
	[bflag:$0x3] =	sbarrier.arrive $0xFFFF;
	s2 =	simm.s32 @!p0 $0x1C03  }
0xac: {  	[timem:s3], [sflag:s2] =	dma.local @!p0 [hbm:s0], s1  }
0xad: {  	s0 =	simm.s32 @!p0 $0x3  }
0xae: {  	_ =	swait.ge @!p0 [sflag:s0], s1  }
0xaf: {  	s1 =	ssub.s32 @!p0 $0x0, s1;
	[sflag:s0] =	ssyncset.done @!p0 $0x0  }
0xb0: {  	[sflag:s0] =	ssyncadd.s32 @!p0 s1  }
0xb1: {  	[bflag:$0x3] =	sbarrier.arrive $0xFFFF  }
0xb2: {  	_ =	shalt  }

// kernel: kernel.28.cloned.1.call-start
scs
__scs_entry_jumppad:
0x0: {  	(pc) =	sbr.rel $0x88, $3  }
0x1: {  	(tag) =	ssettag $0x0;
	lr =	simm.s32 $0x1  }
0x2: {  	[smem:$0x3F8C] =	sst lr;
	_ =	strace $0xD0000000  }
0x3: {  	_ = 	snop  }
0x4: {  	_ = 	snop  }
0x5: {  	_ = 	snop  }
0x6: {  	_ = 	snop  }
0x7: {  	_ = 	snop  }
__scs_overlays_trampoline_lowered:
0x8: {  	[smem:$0x3F9B] =	sst s0  }
0x9: {  	[smem:$0x3F9C] =	sst s1  }
0xa: {  	[smem:$0x3F9D] =	sst s2  }
0xb: {  	[smem:$0x3F9E] =	sst s3  }
0xc: {  	[smem:$0x3F9F] =	sst s4  }
0xd: {  	[smem:$0x3FA0] =	sst s5  }
0xe: {  	[smem:$0x3FA1] =	sst s6  }
0xf: {  	[smem:$0x3FA2] =	sst s7  }
0x10: {  	[smem:$0x3FA3] =	sst s8  }
0x11: {  	[smem:$0x3FA4] =	sst s9;
	s0 =	simm.s32 @!p0 $0x0  }
0x12: {  	s1 =	sld [smem:$0x3F8A];
	s0 =	simm.s32 @p0 $0x1  }
0x13: {  	[smem:$0x3FA5] =	sst s0;
	s0 =	simm.s32 @!p1 $0x0  }
0x14: {  	s2 =	sld [smem:$0x3F89];
	s0 =	simm.s32 @p1 $0x1  }
0x15: {  	[smem:$0x3FA6] =	sst s0;
	s0 =	simm.s32 @!p2 $0x0  }
0x16: {  	s3 =	sld [smem:$0x3FDB];
	s0 =	simm.s32 @p2 $0x1  }
0x17: {  	s4 =	simm.s32 $0x1BF5;
	[smem:$0x3FA8] =	sst s0  }
0x18: {  	s0 =	sld [smem:$0x3F8B];
	_ =	swait.ge [sflag:s4], $0x0  }
0x19: {  	s7 =	sld [smem:$0x3F8C]  }
0x1a: {  	s8 =	sadd.s32 $0xFFFFE003, lr  }
0x1b: {  	s9 =	sadd.s32 $0xFFFFFEF7, lr;
	s5 =	simm.s32 $0xFFFFFFFF;
	p2 =	slt.u32 s8, $0xFFFFF086  }
0x1c: {  	p1 =	slt.u32 s9, $0xF7A;
	s5 =	simm.s32 @!p2 $0x0  }
0x1d: {  	s5 =	simm.s32 @p1 $0x1;
	p0 =	seq.s32 s7, s2  }
0x1e: {  	s7 =	smul.u32 @!p0 $0xF7A, s2;
	p2 =	seq.s32 @!p0 s5, $0x0  }
0x1f: {  	s9 =	smul.u32 $0xF7A, s1;
	s8 =	simm.s32 @!p0 $0x1BF5;
	p2 =	por !p2, p0  }
0x20: {  	[sflag:s8] =	ssyncset.s32 @!p0 $0xFFFFF086;
	s6 =	sadd.s32 @!p0 s3, s7;
	s7 =	simm.s32 @!p0 $0x108  }
0x21: {  	s3 =	sadd.s32 s3, s9;
	s6 =	sadd.s32 @!p0 $0x88, s6;
	s7 =	simm.s32 @p2 $0x1082  }
0x22: {  	[simem:s7], [sflag:s8] =	dma.local @!p0 [hbm:s6], $0xF7A  }
0x23: {  	s9 =	sor.u32 $0xD0000000, s2;
	s6 =	simm.s32 $0x108;
	_ =	swait.ge @!p0 [sflag:s8], $0x0  }
0x24: {  	s3 =	sadd.s32 $0x88, s3;
	s6 =	simm.s32 @!p1 $0x1082;
	[sflag:s4] =	ssyncset.s32 $0xFFFFF086  }
0x25: {  	[simem:s6], [sflag:s4] =	dma.local [hbm:s3], $0xF7A  }
0x26: {  	[smem:$0x3F8C] =	sst s1;
	(tag) =	ssettag s2;
	_ =	strace s9  }
0x27: {  	s1 =	sld [smem:$0x3F9C]  }
0x28: {  	s2 =	sld [smem:$0x3F9D]  }
0x29: {  	s4 =	sld [smem:$0x3F9F]  }
0x2a: {  	p0 =	seq.s32 s5, $0x0;
	s5 =	sld [smem:$0x3FA0]  }
0x2b: {  	s6 =	sld [smem:$0x3FA1]  }
0x2c: {  	s7 =	sld [smem:$0x3FA2]  }
0x2d: {  	s3 =	simm.s32 $0x108;
	s8 =	sld [smem:$0x3FA3]  }
0x2e: {  	s3 =	simm.s32 @!p0 $0x1082;
	s9 =	sld [smem:$0x3FA4]  }
0x2f: {  	lr =	sadd.s32 s0, s3;
	s0 =	sld [smem:$0x3F9B]  }
0x30: {  	s3 =	sld [smem:$0x3F9E]  }
0x31: {  	[smem:$0x3FA7] =	sst s10  }
0x32: {  	s10 =	sld [smem:$0x3FA5];
	_ =	sdelay $0x3  }
0x33: {  	p0 =	seq.s32 s10, $0x1;
	s10 =	sld [smem:$0x3FA7];
	_ =	sdelay $0x3  }
0x34: {  	[smem:$0x3FA7] =	sst s10  }
0x35: {  	s10 =	sld [smem:$0x3FA6];
	_ =	sdelay $0x3  }
0x36: {  	p1 =	seq.s32 s10, $0x1;
	s10 =	sld [smem:$0x3FA7];
	_ =	sdelay $0x3  }
0x37: {  	[smem:$0x3FA7] =	sst s10  }
0x38: {  	s10 =	sld [smem:$0x3FA8]  }
0x39: {  	_ = 	snop;
	(pc) =	sbr.ind lr, $3  }
0x3a: {  	_ = 	snop  }
0x3b: {  	_ = 	snop  }
0x3c: {  	p2 =	seq.s32 s10, $0x1;
	s10 =	sld [smem:$0x3FA7]  }
0x3d: {  	_ =	shalt  }
0x3e: {  	_ =	shalt  }
0x3f: {  	_ =	shalt  }
0x40: {  	_ =	shalt  }
0x41: {  	_ =	shalt  }
0x42: {  	_ =	shalt  }
0x43: {  	_ =	shalt  }
0x44: {  	_ =	shalt  }
0x45: {  	_ =	shalt  }
0x46: {  	_ =	shalt  }
0x47: {  	_ =	shalt  }
0x48: {  	_ =	shalt  }
0x49: {  	_ =	shalt  }
0x4a: {  	_ =	shalt  }
0x4b: {  	_ =	shalt  }
0x4c: {  	_ =	shalt  }
0x4d: {  	_ =	shalt  }
0x4e: {  	_ =	shalt  }
0x4f: {  	_ =	shalt  }
0x50: {  	_ =	shalt  }
0x51: {  	_ =	shalt  }
0x52: {  	_ =	shalt  }
0x53: {  	_ =	shalt  }
0x54: {  	_ =	shalt  }
0x55: {  	_ =	shalt  }
0x56: {  	_ =	shalt  }
0x57: {  	_ =	shalt  }
0x58: {  	_ =	shalt  }
0x59: {  	_ =	shalt  }
0x5a: {  	_ =	shalt  }
0x5b: {  	_ =	shalt  }
0x5c: {  	_ =	shalt  }
0x5d: {  	_ =	shalt  }
0x5e: {  	_ =	shalt  }
0x5f: {  	_ =	shalt  }
0x60: {  	_ =	shalt  }
0x61: {  	_ =	shalt  }
0x62: {  	_ =	shalt  }
0x63: {  	_ =	shalt  }
0x64: {  	_ =	shalt  }
0x65: {  	_ =	shalt  }
0x66: {  	_ =	shalt  }
0x67: {  	_ =	shalt  }
0x68: {  	_ =	shalt  }
0x69: {  	_ =	shalt  }
0x6a: {  	_ =	shalt  }
0x6b: {  	_ =	shalt  }
0x6c: {  	_ =	shalt  }
0x6d: {  	_ =	shalt  }
0x6e: {  	_ =	shalt  }
0x6f: {  	_ =	shalt  }
0x70: {  	_ =	shalt  }
0x71: {  	_ =	shalt  }
0x72: {  	_ =	shalt  }
0x73: {  	_ =	shalt  }
0x74: {  	_ =	shalt  }
0x75: {  	_ =	shalt  }
0x76: {  	_ =	shalt  }
0x77: {  	_ =	shalt  }
0x78: {  	_ =	shalt  }
0x79: {  	_ =	shalt  }
0x7a: {  	_ =	shalt  }
0x7b: {  	_ =	shalt  }
0x7c: {  	_ =	shalt  }
0x7d: {  	_ =	shalt  }
0x7e: {  	_ =	shalt  }
0x7f: {  	_ =	shalt  }
0x80: {  	_ =	shalt  }
0x81: {  	_ =	shalt  }
0x82: {  	_ =	shalt  }
0x83: {  	_ =	shalt  }
0x84: {  	_ =	shalt  }
0x85: {  	_ =	shalt  }
0x86: {  	_ =	shalt  }
0x87: {  	_ =	shalt  }
.Lfunc_end0:
.L_simem_size_0:
called_computation.3_lowered:
.L_overlay_start_0:
0x88: {  	s2 =	sld [smem:$0x3FD9]  }
0x89: {  	s3 =	sld [smem:$0x3FFE];
	_ =	sdelay $0x1  }
0x8a: {  	s1 =	srdreg.scid  }
0x8b: {  	s0 =	sand.u32 $0x1, s1  }
0x8c: {  	s16 =	sshll.u32 s0, $0xA;
	s2 =	sadd.s32 s3, s2  }
0x8d: {  	s2 =	sadd.s32 s2, s16  }
0x8e: {  	[smem:$0x3FB3] =	sst s2  }
0x8f: {  	_ = 	snop  }
0x90: {  	(tm) =	ssettm $0x1  }
0x91: {  	s17 =	sld [smem:$0x3FFB];
	_ =	sdelay $0x3  }
0x92: {  	_ =	strace s17  }
0x93: {  	s2 =	sld [smem:$0x3FFC];
	_ =	sdelay $0x3  }
0x94: {  	_ =	strace s2  }
0x95: {  	s2 =	sld [smem:$0x3FFD];
	_ =	sdelay $0x3  }
0x96: {  	_ =	strace s2  }
0x97: {  	_ =	strace $0x8FFFFFFF  }
0x98: {  	s18 =	sld [smem:$0x3FDB];
	_ =	sdelay $0x1  }
0x99: {  	s19 =	simm.s32 $_scs_section_size  }
0x9a: {  	s4 =	simm.s32 $_size__tile_overlayer_lowered;
	s5 =	simm.s32 $_tile_overlayer_lowered  }
0x9b: {  	s22 =	simm.s32 $0x1BFF;
	s21 =	sshll.u32 s5, $0x1;
	s2 =	sadd.s32 s19, s18  }
0x9c: {  	s6 =	simm.s32 $0x0;
	s20 =	sshll.u32 s4, $0x1;
	s4 =	sadd.s32 s21, s2  }
0x9d: {  	[timem:s6], [sflag:s22] =	dma.local [hbm:s4], s20  }
0x9e: {  	_ =	swait.ge [sflag:s22], s20  }
0x9f: {  	s3 =	ssub.s32 $0x0, s20;
	[sflag:s22] =	ssyncset.done $0x0  }
0xa0: {  	[sflag:s22] =	ssyncadd.s32 s3;
	_ =	sdelay $0x1  }
0xa1: {  	s23 =	simm.s32 $0x1B8B  }
0xa2: {  	_ =	swait.ge [sflag:s23], $0x1  }
0xa3: {  	[sflag:s23] =	ssyncset.done $0x0  }
0xa4: {  	s25 =	simm.s32 $0x1B8E;
	s24 =	sld [smem:$0x3FFE];
	[sflag:s23] =	ssyncadd.s32 $0xFFFFFFFF  }
0xa5: {  	s26 =	simm.s32 $execute0_lowered;
	[smem:$0x3FD2] =	sst s25  }
0xa6: {  	s4 =	sshll.u32 s26, $0x1;
	_ =	strace $0x8000004F;
	[dreg:$0x1] =	wrdreg $0xFFFFFFFF  }
0xa7: {  	s28 =	simm.s32 $_size_execute0_lowered;
	s2 =	sadd.s32 s2, s4;
	[dreg:$0x0] =	wrdreg $0x0  }
0xa8: {  	s4 =	sshll.u32 s28, $0x1;
	[dreg:$0x2] =	wrdreg s2  }
0xa9: {  	[dreg:$0x3] =	wrdreg s4  }
0xaa: {  	[dreg:$0x4] =	wrdreg $0xC0  }
0xab: {  	_ =	task [dreg:s6], $0x5FFFF  }
0xac: {  	[dreg:$0x1] =	wrdreg $0xFFFFFFFF  }
0xad: {  	[dreg:$0x0] =	wrdreg $0x60  }
0xae: {  	[dreg:$0x2] =	wrdreg s24  }
0xaf: {  	[dreg:$0x3] =	wrdreg $0x0  }
0xb0: {  	[dreg:$0x4] =	wrdreg $0x9  }
0xb1: {  	_ =	task.clear_ibuf [dreg:s6], $0x5FFFF;
	_ =	strace $0x9000004F  }
0xb2: {  	s29 =	simm.s32 $0x9;
	_ =	strace $0x80000051  }
0xb3: {  	_ =	swait.ge [sflag:s29], $0x1  }
0xb4: {  	[sflag:s29] =	ssyncadd.s32 $0xFFFFFFFF  }
0xb5: {  	_ =	strace $0x90000051  }
0xb6: {  	_ =	sfence  }
0xb7: {  	s30 =	sld [smem:$0x0];
	_ =	sdelay $0x2  }
0xb8: {  	s31 =	sshll.u32 s1, $0xD;
	s1 =	sshrl.u32 s1, $0x2  }
0xb9: {  	s3 =	sand.u32 $0x4000, s31;
	s1 =	sadd.s32 s1, s30  }
0xba: {  	s0 =	sor.u32 s3, s0;
	s1 =	sshll.u32 s1, $0x11  }
0xbb: {  	s0 =	sor.u32 s1, s0  }
0xbc: {  	s0 =	sadd.s32 $0x8F2B, s0  }
0xbd: {  	[sflag:s0] =	ssyncadd.remote.s32 $0x1  }
0xbe: {  	_ =	sfence.sel $0xFFFF  }
0xbf: {  	[dreg:$0x0] =	wrdreg $0xFFFFFFFF;
	(pc) =	sbr.abs _section_cstart, $3  }
0xc0: {  	[dreg:$0x1] =	wrdreg $0xFFFFFFFF  }
0xc1: {  	_ =	task.clear_ibuf [dreg:s6], $0x2FFFF;
	_ =	strace $0x9FFFFFFF  }
0xc2: {  	(tm) =	ssettm $0x7FFFFFFF  }
0xc3: {  	_ =	shalt  }
tec
execute0_lowered:
.L_overlay_start_1:
0x0: {  	(tag) =	ssettag $0x1  }
0x1: {  	s5 =	rddreg [dreg:$0x0]  }
0x2: {  	s2 =	rddreg [dreg:$0x1];
	s3 =	simm.s32 $0x0  }
0x3: {  	s4 =	srdreg.scid;
	s0 =	stileid.u32;
	s19 =	simm.s32 $0x190A0  }
0x4: {  	s20 =	simm.s32 $0x50;
	s21 =	simm.s32 $0x19140;
	s7 =	smul.u32 $0x19000, s0  }
0x5: {  	s22 =	simm.s32 $0x19050;
	s28 =	simm.s32 $0x0;
	s10 =	smul.u32 $0x3200, s0  }
0x6: {  	[smem:$0x7FF] =	sst s3;
	s6 =	sand.u32 $0x1, s4;
	s13 =	smul.u32 $0x2800, s0  }
0x7: {  	s4 =	sadd.s32 $0x112C00, s5;
	s15 =	sadd.s32 $0xCE00, s5;
	s31 =	smul.u32 $0x500, s0  }
0x8: {  	s14 =	sadd.s32 $0x7E00, s5;
	s25 =	sshll.u32 s0, $0x6;
	s8 =	smul.u32 $0x190000, s6  }
0x9: {  	_ =	strace $0x80000050;
	s9 =	smul.u32 $0x32000, s6;
	s11 =	ssub.s32 $0x2, s6  }
0xa: {  	s6 =	smul.u32 $0x28000, s6;
	s12 =	sshrl.u32 s11, $0x1;
	s17 =	sadd.s32 s7, s2  }
0xb: {  	s29 =	sshrl.u32 s13, $0x3;
	s8 =	sadd.s32 s7, s8;
	s11 =	ssub.s32 s11, s12  }
0xc: {  	s23 =	sadd.s32 s10, s9;
	s24 =	sadd.s32 s13, s6;
	s6 =	sor.u32 $0x1C03, s25  }
0xd: {  	s25 =	simm.s32 $0x1;
	s8 =	sshrl.u32 s8, $0x3;
	s26 =	sshrl.u32 s24, $0x3  }
0xe: {  	s10 =	smax.u32 s11, $0x1;
	s30 =	sor.u32 $0xA0, s24;
	s18 =	sor.u32 $0x50, s24  }
0xf: {  	s24 =	simm.s32 $0x1C340;
	s16 =	sadd.s32 s8, s5;
	s5 =	sadd.s32 s4, s23  }
0x10: {  	s7 =	sadd.s32 s15, s26;
	s8 =	sadd.s32 s14, s29;
	s13 =	sshrl.u32 s30, $0x3  }
0x11: {  	s18 =	sshrl.u32 s18, $0x3;
	s14 =	sadd.s32 s31, s14;
	s23 =	simm.s32 $0x190F0  }
0x12: {  	s26 =	simm.s32 $0x2;
	s9 =	sadd.s32 $0x16E00, s16;
	s11 =	sadd.s32 $0x4F6, s7  }
0x13: {  	s12 =	sadd.s32 $0x4F6, s8;
	s13 =	sadd.s32 s13, s15;
	s15 =	sadd.s32 s18, s15  }
0x14: {  	s16 =	sshrl.u32 s17, $0x3;
	s17 =	simm.s32 $0x3;
	s18 =	simm.s32 $0x19000  }
.LBB2_1:
0x15: {  	[spmem:s16], [sflag:s6] =	dma.local [hbm:s5], $0x3200  }
0x16: {  	_ =	swait.ge [sflag:s17], $0x3200  }
0x17: {  	[sflag:s17] =	ssyncset.done $0x0  }
0x18: {  	[sflag:s17] =	ssyncadd.s32 $0xFFFFCE00  }
0x19: {  	[tilespmem:s18], [sflag:$0x3] =	stream.linear.gather [hbm4b:s7+s3], $0x50, $0x38;
	[tilespmem:$0x1F540] =	vst v63  }
0x1a: {  	_ =	swait.ge [sflag:s17], $0x50  }
0x1b: {  	[sflag:s17] =	ssyncset.done $0x0  }
0x1c: {  	[sflag:s17] =	ssyncadd.s32 $0xFFFFFFB0  }
0x1d: {  	[tilespmem:s19], [sflag:$0x3] =	stream.linear.gather [hbm4b:s8+s3], $0x50, $0x38;
	[tilespmem:$0x1F540] =	vst v63  }
0x1e: {  	_ =	swait.ge [sflag:s17], $0x50  }
0x1f: {  	[sflag:s17] =	ssyncset.done $0x0  }
0x20: {  	[sflag:s17] =	ssyncadd.s32 $0xFFFFFFB0  }
0x21: {  	[bflag:$0x0] =	sbarrier.arrive $0xFFFF  }
0x22: {  	[tilespmem:s21], [sflag:$0x1] =	stream.indirect.gather [hbm4b:s4+s20], $0xA0, s18, s20, $0xb8;
	[tilespmem:$0x1F540] =	vst v63  }
0x23: {  	s29 =	sadd.s32 $0x0, s15  }
0x24: {  	[tilespmem:s22], [sflag:$0x3] =	stream.linear.gather [hbm4b:s29+s3], $0x50, $0x38;
	[tilespmem:$0x1F540] =	vst v63  }
0x25: {  	_ =	swait.ge [sflag:s17], $0x50  }
0x26: {  	s29 =	sadd.s32 $0x0, s14;
	[sflag:s17] =	ssyncset.done $0x0  }
0x27: {  	s30 =	sadd.s32 $0xA, s29;
	[sflag:s17] =	ssyncadd.s32 $0xFFFFFFB0  }
0x28: {  	[tilespmem:s23], [sflag:$0x3] =	stream.linear.gather [hbm4b:s30+s3], $0x50, $0x38;
	[tilespmem:$0x1F540] =	vst v63  }
0x29: {  	_ =	swait.ge [sflag:s17], $0x50  }
0x2a: {  	[sflag:s17] =	ssyncset.done $0x0  }
0x2b: {  	[sflag:s17] =	ssyncadd.s32 $0xFFFFFFB0  }
0x2c: {  	[tilespmem:s24], [sflag:$0x2] =	stream.indirect.gather [hbm4b:s4+s20], $0xA0, s22, s20, $0xb8;
	[tilespmem:$0x1F540] =	vst v63  }
0x2d: {  	_ =	swait.ge [sflag:s25], $0x3200  }
0x2e: {  	[sflag:s25] =	ssyncset.done $0x0  }
0x2f: {  	[sflag:s25] =	ssyncadd.s32 $0xFFFFCE00  }
0x30: {  	[spmem:s2] =	stream.indirect.scatter.add.f32 [tilespmem:s21], [sflag:$0x3], $0xA0, s19, s20, $0xb8;
	[tilespmem:$0x1F540] =	vst v63  }
0x31: {  	_ =	swait.ge [sflag:s17], $0x3200  }
0x32: {  	[sflag:s17] =	ssyncset.done $0x0  }
0x33: {  	s1 =	sadd.s32 $0x0, s13;
	[sflag:s17] =	ssyncadd.s32 $0xFFFFCE00  }
0x34: {  	[tilespmem:s18], [sflag:$0x3] =	stream.linear.gather [hbm4b:s1+s3], $0x50, $0x38;
	[tilespmem:$0x1F540] =	vst v63  }
0x35: {  	_ =	swait.ge [sflag:s17], $0x50  }
0x36: {  	[sflag:s17] =	ssyncset.done $0x0  }
0x37: {  	s29 =	sadd.s32 $0x14, s29;
	[sflag:s17] =	ssyncadd.s32 $0xFFFFFFB0  }
0x38: {  	[tilespmem:s19], [sflag:$0x3] =	stream.linear.gather [hbm4b:s29+s3], $0x50, $0x38;
	[tilespmem:$0x1F540] =	vst v63  }
0x39: {  	_ =	swait.ge [sflag:s17], $0x50  }
0x3a: {  	[sflag:s17] =	ssyncset.done $0x0  }
0x3b: {  	[sflag:s17] =	ssyncadd.s32 $0xFFFFFFB0  }
0x3c: {  	[tilespmem:s21], [sflag:$0x1] =	stream.indirect.gather [hbm4b:s4+s20], $0xA0, s18, s20, $0xb8;
	[tilespmem:$0x1F540] =	vst v63  }
0x3d: {  	_ =	swait.ge [sflag:s26], $0x3200  }
0x3e: {  	[sflag:s26] =	ssyncset.done $0x0  }
0x3f: {  	[sflag:s26] =	ssyncadd.s32 $0xFFFFCE00  }
0x40: {  	[spmem:s2] =	stream.indirect.scatter.add.f32 [tilespmem:s24], [sflag:$0x3], $0xA0, s23, s20, $0xb8;
	[tilespmem:$0x1F540] =	vst v63  }
0x41: {  	_ =	swait.ge [sflag:s17], $0x3200  }
0x42: {  	s31 =	simm.s32 $0x28;
	s29 =	simm.s32 $0x14;
	[sflag:s17] =	ssyncset.done $0x0  }
.LBB2_2:
0x43: {  	s0 =	sadd.s32 s29, s15  }
0x44: {  	[sflag:s17] =	ssyncadd.s32 $0xFFFFCE00;
	s1 =	smov.u32 s31;
	s30 =	sadd.s32 $0x14, s31  }
0x45: {  	[tilespmem:s22], [sflag:$0x3] =	stream.linear.gather [hbm4b:s0+s3], $0x50, $0x38;
	[tilespmem:$0x1F540] =	vst v63  }
0x46: {  	p0 =	sne.s32 s31, $0x4D8;
	_ =	swait.ge [sflag:s17], $0x50  }
0x47: {  	s0 =	sadd.s32 s29, s14;
	[sflag:s17] =	ssyncset.done $0x0  }
0x48: {  	s31 =	sadd.s32 $0xA, s0;
	[sflag:s17] =	ssyncadd.s32 $0xFFFFFFB0  }
0x49: {  	[tilespmem:s23], [sflag:$0x3] =	stream.linear.gather [hbm4b:s31+s3], $0x50, $0x38;
	[tilespmem:$0x1F540] =	vst v63  }
0x4a: {  	_ =	swait.ge [sflag:s17], $0x50  }
0x4b: {  	[sflag:s17] =	ssyncset.done $0x0  }
0x4c: {  	[sflag:s17] =	ssyncadd.s32 $0xFFFFFFB0  }
0x4d: {  	[tilespmem:s24], [sflag:$0x2] =	stream.indirect.gather [hbm4b:s4+s20], $0xA0, s22, s20, $0xb8;
	[tilespmem:$0x1F540] =	vst v63  }
0x4e: {  	_ =	swait.ge [sflag:s25], $0x3200  }
0x4f: {  	[sflag:s25] =	ssyncset.done $0x0  }
0x50: {  	[sflag:s25] =	ssyncadd.s32 $0xFFFFCE00  }
0x51: {  	[spmem:s2] =	stream.indirect.scatter.add.f32 [tilespmem:s21], [sflag:$0x3], $0xA0, s19, s20, $0xb8;
	[tilespmem:$0x1F540] =	vst v63  }
0x52: {  	_ =	swait.ge [sflag:s17], $0x3200  }
0x53: {  	[sflag:s17] =	ssyncset.done $0x0  }
0x54: {  	s31 =	sadd.s32 s29, s13;
	s29 =	smov.u32 s1;
	[sflag:s17] =	ssyncadd.s32 $0xFFFFCE00  }
0x55: {  	[tilespmem:s18], [sflag:$0x3] =	stream.linear.gather [hbm4b:s31+s3], $0x50, $0x38;
	[tilespmem:$0x1F540] =	vst v63  }
0x56: {  	_ =	swait.ge [sflag:s17], $0x50  }
0x57: {  	[sflag:s17] =	ssyncset.done $0x0  }
0x58: {  	s0 =	sadd.s32 $0x14, s0;
	[sflag:s17] =	ssyncadd.s32 $0xFFFFFFB0  }
0x59: {  	[tilespmem:s19], [sflag:$0x3] =	stream.linear.gather [hbm4b:s0+s3], $0x50, $0x38;
	[tilespmem:$0x1F540] =	vst v63  }
0x5a: {  	_ =	swait.ge [sflag:s17], $0x50  }
0x5b: {  	[sflag:s17] =	ssyncset.done $0x0  }
0x5c: {  	[sflag:s17] =	ssyncadd.s32 $0xFFFFFFB0  }
0x5d: {  	[tilespmem:s21], [sflag:$0x1] =	stream.indirect.gather [hbm4b:s4+s20], $0xA0, s18, s20, $0xb8;
	[tilespmem:$0x1F540] =	vst v63  }
0x5e: {  	_ =	swait.ge [sflag:s26], $0x3200  }
.Ltmp0:
0x5f: {  	[sflag:s26] =	ssyncset.done $0x0;
	(pc) =	sbr.rel @p0 .LBB2_2-.Ltmp0, $4  }
0x60: {  	[sflag:s26] =	ssyncadd.s32 $0xFFFFCE00  }
0x61: {  	[spmem:s2] =	stream.indirect.scatter.add.f32 [tilespmem:s24], [sflag:$0x3], $0xA0, s23, s20, $0xb8;
	[tilespmem:$0x1F540] =	vst v63  }
0x62: {  	_ =	swait.ge [sflag:s17], $0x3200  }
0x63: {  	s31 =	smov.u32 s30;
	[sflag:s17] =	ssyncset.done $0x0  }
0x64: {  	s0 =	sadd.s32 s29, s15;
	[sflag:s17] =	ssyncadd.s32 $0xFFFFCE00  }
0x65: {  	[tilespmem:s22], [sflag:$0x3] =	stream.linear.gather [hbm4b:s0+s3], $0x50, $0x38;
	[tilespmem:$0x1F540] =	vst v63  }
0x66: {  	_ =	swait.ge [sflag:s17], $0x50  }
0x67: {  	s30 =	sadd.s32 s29, s14;
	[sflag:s17] =	ssyncset.done $0x0  }
0x68: {  	s1 =	sadd.s32 $0xA, s30;
	[sflag:s17] =	ssyncadd.s32 $0xFFFFFFB0  }
0x69: {  	[tilespmem:s23], [sflag:$0x3] =	stream.linear.gather [hbm4b:s1+s3], $0x50, $0x38;
	[tilespmem:$0x1F540] =	vst v63  }
0x6a: {  	_ =	swait.ge [sflag:s17], $0x50  }
0x6b: {  	[sflag:s17] =	ssyncset.done $0x0  }
0x6c: {  	[sflag:s17] =	ssyncadd.s32 $0xFFFFFFB0  }
0x6d: {  	[tilespmem:s24], [sflag:$0x2] =	stream.indirect.gather [hbm4b:s4+s20], $0xA0, s22, s20, $0xb8;
	[tilespmem:$0x1F540] =	vst v63  }
0x6e: {  	_ =	swait.ge [sflag:s25], $0x3200  }
0x6f: {  	[sflag:s25] =	ssyncset.done $0x0  }
0x70: {  	[sflag:s25] =	ssyncadd.s32 $0xFFFFCE00  }
0x71: {  	[spmem:s2] =	stream.indirect.scatter.add.f32 [tilespmem:s21], [sflag:$0x3], $0xA0, s19, s20, $0xb8;
	[tilespmem:$0x1F540] =	vst v63  }
0x72: {  	_ =	swait.ge [sflag:s17], $0x3200  }
0x73: {  	[sflag:s17] =	ssyncset.done $0x0  }
0x74: {  	s31 =	sadd.s32 s29, s13;
	[sflag:s17] =	ssyncadd.s32 $0xFFFFCE00  }
0x75: {  	[tilespmem:s18], [sflag:$0x3] =	stream.linear.gather [hbm4b:s31+s3], $0x50, $0x38;
	[tilespmem:$0x1F540] =	vst v63  }
0x76: {  	_ =	swait.ge [sflag:s17], $0x50  }
0x77: {  	[sflag:s17] =	ssyncset.done $0x0  }
0x78: {  	s0 =	sadd.s32 $0x14, s30;
	[sflag:s17] =	ssyncadd.s32 $0xFFFFFFB0  }
0x79: {  	[tilespmem:s19], [sflag:$0x3] =	stream.linear.gather [hbm4b:s0+s3], $0x50, $0x38;
	[tilespmem:$0x1F540] =	vst v63  }
0x7a: {  	_ =	swait.ge [sflag:s17], $0x50  }
0x7b: {  	[sflag:s17] =	ssyncset.done $0x0  }
0x7c: {  	[sflag:s17] =	ssyncadd.s32 $0xFFFFFFB0  }
0x7d: {  	[tilespmem:s21], [sflag:$0x1] =	stream.indirect.gather [hbm4b:s4+s20], $0xA0, s18, s20, $0xb8;
	[tilespmem:$0x1F540] =	vst v63  }
0x7e: {  	_ =	swait.ge [sflag:s26], $0x3200  }
0x7f: {  	[sflag:s26] =	ssyncset.done $0x0  }
0x80: {  	[sflag:s26] =	ssyncadd.s32 $0xFFFFCE00  }
0x81: {  	[spmem:s2] =	stream.indirect.scatter.add.f32 [tilespmem:s24], [sflag:$0x3], $0xA0, s23, s20, $0xb8;
	[tilespmem:$0x1F540] =	vst v63  }
0x82: {  	_ =	swait.ge [sflag:s17], $0x3200  }
0x83: {  	[sflag:s17] =	ssyncset.done $0x0  }
0x84: {  	[sflag:s17] =	ssyncadd.s32 $0xFFFFCE00  }
0x85: {  	[tilespmem:s22], [sflag:$0x3] =	stream.linear.gather [hbm4b:s11+s3], $0x50, $0x38;
	[tilespmem:$0x1F540] =	vst v63  }
0x86: {  	_ =	swait.ge [sflag:s17], $0x50  }
0x87: {  	[sflag:s17] =	ssyncset.done $0x0  }
0x88: {  	[sflag:s17] =	ssyncadd.s32 $0xFFFFFFB0  }
0x89: {  	[tilespmem:s23], [sflag:$0x3] =	stream.linear.gather [hbm4b:s12+s3], $0x50, $0x38;
	[tilespmem:$0x1F540] =	vst v63  }
0x8a: {  	_ =	swait.ge [sflag:s17], $0x50  }
0x8b: {  	[sflag:s17] =	ssyncset.done $0x0  }
0x8c: {  	[sflag:s17] =	ssyncadd.s32 $0xFFFFFFB0  }
0x8d: {  	[tilespmem:s24], [sflag:$0x2] =	stream.indirect.gather [hbm4b:s4+s20], $0xA0, s22, s20, $0xb8;
	[tilespmem:$0x1F540] =	vst v63  }
0x8e: {  	_ =	swait.ge [sflag:s25], $0x3200  }
0x8f: {  	[sflag:s25] =	ssyncset.done $0x0  }
0x90: {  	[sflag:s25] =	ssyncadd.s32 $0xFFFFCE00  }
0x91: {  	[spmem:s2] =	stream.indirect.scatter.add.f32 [tilespmem:s21], [sflag:$0x3], $0xA0, s19, s20, $0xb8;
	[tilespmem:$0x1F540] =	vst v63  }
0x92: {  	_ =	swait.ge [sflag:s17], $0x3200  }
0x93: {  	[sflag:s17] =	ssyncset.done $0x0  }
0x94: {  	[sflag:s17] =	ssyncadd.s32 $0xFFFFCE00  }
0x95: {  	_ =	swait.ge [sflag:s26], $0x3200  }
0x96: {  	[sflag:s26] =	ssyncset.done $0x0  }
0x97: {  	[sflag:s26] =	ssyncadd.s32 $0xFFFFCE00  }
0x98: {  	[spmem:s2] =	stream.indirect.scatter.add.f32 [tilespmem:s24], [sflag:$0x3], $0xA0, s23, s20, $0xb8;
	[tilespmem:$0x1F540] =	vst v63  }
0x99: {  	_ =	swait.ge [sflag:s17], $0x3200  }
0x9a: {  	s28 =	sadd.s32 $0x1, s28;
	[sflag:s17] =	ssyncset.done $0x0  }
0x9b: {  	p0 =	sne.s32 s28, s10;
	[sflag:s17] =	ssyncadd.s32 $0xFFFFCE00  }
.Ltmp1:
0x9c: {  	[bflag:$0x0] =	sbarrier.arrive $0xFFFF;
	(pc) =	sbr.rel @p0 .LBB2_1-.Ltmp1, $4  }
0x9d: {  	[hbm:s9], [sflag:s6] =	dma.local [spmem:s16], $0x3200  }
0x9e: {  	_ =	swait.ge [sflag:s17], $0x3200  }
0x9f: {  	[sflag:s17] =	ssyncset.done $0x0  }
0xa0: {  	[sflag:s17] =	ssyncadd.s32 $0xFFFFCE00  }
0xa1: {  	_ =	sfence.sel $0x180000  }
0xa2: {  	[bflag:$0x0] =	sbarrier.arrive $0xFFFF  }
0xa3: {  	_ =	strace $0x90000050  }
0xa4: {  	s0 =	stileid.u32;
	[bflag:$0x2] =	sbarrier.arrive $0xFFFF  }
0xa5: {  	p0 =	sne.s32 s0, $0x0;
	s0 =	rddreg [dreg:$0x2]  }
0xa6: {  	s0 =	sadd.s32 @!p0 $0x100000, s0  }
0xa7: {  	[sflag:s0] =	ssyncadd.tile.s32 @!p0 $0x1;
	_ =	shalt  }
.Lfunc_end2:
_tile_overlayer_lowered:
.L_overlay_start_2:
0xa8: {  	(tag) =	ssettag $0x2  }
0xa9: {  	s0 =	rddreg [dreg:$0x0];
	s2 =	stileid.u32  }
0xaa: {  	s1 =	rddreg [dreg:$0x1];
	p0 =	sne.s32 s2, $0x0  }
0xab: {  	s3 =	rddreg [dreg:$0x2];
	[bflag:$0x3] =	sbarrier.arrive $0xFFFF;
	s2 =	simm.s32 @!p0 $0x1C03  }
0xac: {  	[timem:s3], [sflag:s2] =	dma.local @!p0 [hbm:s0], s1  }
0xad: {  	s0 =	simm.s32 @!p0 $0x3  }
0xae: {  	_ =	swait.ge @!p0 [sflag:s0], s1  }
0xaf: {  	s1 =	ssub.s32 @!p0 $0x0, s1;
	[sflag:s0] =	ssyncset.done @!p0 $0x0  }
0xb0: {  	[sflag:s0] =	ssyncadd.s32 @!p0 s1  }
0xb1: {  	[bflag:$0x3] =	sbarrier.arrive $0xFFFF  }
0xb2: {  	_ =	shalt  }

// kernel: kernel.31.cloned.1.call-start
scs
__scs_entry_jumppad:
0x0: {  	(pc) =	sbr.rel $0x88, $3  }
0x1: {  	(tag) =	ssettag $0x0;
	lr =	simm.s32 $0x1  }
0x2: {  	[smem:$0x3F8C] =	sst lr;
	_ =	strace $0xD0000000  }
0x3: {  	_ = 	snop  }
0x4: {  	_ = 	snop  }
0x5: {  	_ = 	snop  }
0x6: {  	_ = 	snop  }
0x7: {  	_ = 	snop  }
__scs_overlays_trampoline_lowered:
0x8: {  	[smem:$0x3F9B] =	sst s0  }
0x9: {  	[smem:$0x3F9C] =	sst s1  }
0xa: {  	[smem:$0x3F9D] =	sst s2  }
0xb: {  	[smem:$0x3F9E] =	sst s3  }
0xc: {  	[smem:$0x3F9F] =	sst s4  }
0xd: {  	[smem:$0x3FA0] =	sst s5  }
0xe: {  	[smem:$0x3FA1] =	sst s6  }
0xf: {  	[smem:$0x3FA2] =	sst s7  }
0x10: {  	[smem:$0x3FA3] =	sst s8  }
0x11: {  	[smem:$0x3FA4] =	sst s9;
	s0 =	simm.s32 @!p0 $0x0  }
0x12: {  	s1 =	sld [smem:$0x3F8A];
	s0 =	simm.s32 @p0 $0x1  }
0x13: {  	[smem:$0x3FA5] =	sst s0;
	s0 =	simm.s32 @!p1 $0x0  }
0x14: {  	s2 =	sld [smem:$0x3F89];
	s0 =	simm.s32 @p1 $0x1  }
0x15: {  	[smem:$0x3FA6] =	sst s0;
	s0 =	simm.s32 @!p2 $0x0  }
0x16: {  	s3 =	sld [smem:$0x3FDB];
	s0 =	simm.s32 @p2 $0x1  }
0x17: {  	s4 =	simm.s32 $0x1BF5;
	[smem:$0x3FA8] =	sst s0  }
0x18: {  	s0 =	sld [smem:$0x3F8B];
	_ =	swait.ge [sflag:s4], $0x0  }
0x19: {  	s7 =	sld [smem:$0x3F8C]  }
0x1a: {  	s8 =	sadd.s32 $0xFFFFE003, lr  }
0x1b: {  	s9 =	sadd.s32 $0xFFFFFEF7, lr;
	s5 =	simm.s32 $0xFFFFFFFF;
	p2 =	slt.u32 s8, $0xFFFFF086  }
0x1c: {  	p1 =	slt.u32 s9, $0xF7A;
	s5 =	simm.s32 @!p2 $0x0  }
0x1d: {  	s5 =	simm.s32 @p1 $0x1;
	p0 =	seq.s32 s7, s2  }
0x1e: {  	s7 =	smul.u32 @!p0 $0xF7A, s2;
	p2 =	seq.s32 @!p0 s5, $0x0  }
0x1f: {  	s9 =	smul.u32 $0xF7A, s1;
	s8 =	simm.s32 @!p0 $0x1BF5;
	p2 =	por !p2, p0  }
0x20: {  	[sflag:s8] =	ssyncset.s32 @!p0 $0xFFFFF086;
	s6 =	sadd.s32 @!p0 s3, s7;
	s7 =	simm.s32 @!p0 $0x108  }
0x21: {  	s3 =	sadd.s32 s3, s9;
	s6 =	sadd.s32 @!p0 $0x88, s6;
	s7 =	simm.s32 @p2 $0x1082  }
0x22: {  	[simem:s7], [sflag:s8] =	dma.local @!p0 [hbm:s6], $0xF7A  }
0x23: {  	s9 =	sor.u32 $0xD0000000, s2;
	s6 =	simm.s32 $0x108;
	_ =	swait.ge @!p0 [sflag:s8], $0x0  }
0x24: {  	s3 =	sadd.s32 $0x88, s3;
	s6 =	simm.s32 @!p1 $0x1082;
	[sflag:s4] =	ssyncset.s32 $0xFFFFF086  }
0x25: {  	[simem:s6], [sflag:s4] =	dma.local [hbm:s3], $0xF7A  }
0x26: {  	[smem:$0x3F8C] =	sst s1;
	(tag) =	ssettag s2;
	_ =	strace s9  }
0x27: {  	s1 =	sld [smem:$0x3F9C]  }
0x28: {  	s2 =	sld [smem:$0x3F9D]  }
0x29: {  	s4 =	sld [smem:$0x3F9F]  }
0x2a: {  	p0 =	seq.s32 s5, $0x0;
	s5 =	sld [smem:$0x3FA0]  }
0x2b: {  	s6 =	sld [smem:$0x3FA1]  }
0x2c: {  	s7 =	sld [smem:$0x3FA2]  }
0x2d: {  	s3 =	simm.s32 $0x108;
	s8 =	sld [smem:$0x3FA3]  }
0x2e: {  	s3 =	simm.s32 @!p0 $0x1082;
	s9 =	sld [smem:$0x3FA4]  }
0x2f: {  	lr =	sadd.s32 s0, s3;
	s0 =	sld [smem:$0x3F9B]  }
0x30: {  	s3 =	sld [smem:$0x3F9E]  }
0x31: {  	[smem:$0x3FA7] =	sst s10  }
0x32: {  	s10 =	sld [smem:$0x3FA5];
	_ =	sdelay $0x3  }
0x33: {  	p0 =	seq.s32 s10, $0x1;
	s10 =	sld [smem:$0x3FA7];
	_ =	sdelay $0x3  }
0x34: {  	[smem:$0x3FA7] =	sst s10  }
0x35: {  	s10 =	sld [smem:$0x3FA6];
	_ =	sdelay $0x3  }
0x36: {  	p1 =	seq.s32 s10, $0x1;
	s10 =	sld [smem:$0x3FA7];
	_ =	sdelay $0x3  }
0x37: {  	[smem:$0x3FA7] =	sst s10  }
0x38: {  	s10 =	sld [smem:$0x3FA8]  }
0x39: {  	_ = 	snop;
	(pc) =	sbr.ind lr, $3  }
0x3a: {  	_ = 	snop  }
0x3b: {  	_ = 	snop  }
0x3c: {  	p2 =	seq.s32 s10, $0x1;
	s10 =	sld [smem:$0x3FA7]  }
0x3d: {  	_ =	shalt  }
0x3e: {  	_ =	shalt  }
0x3f: {  	_ =	shalt  }
0x40: {  	_ =	shalt  }
0x41: {  	_ =	shalt  }
0x42: {  	_ =	shalt  }
0x43: {  	_ =	shalt  }
0x44: {  	_ =	shalt  }
0x45: {  	_ =	shalt  }
0x46: {  	_ =	shalt  }
0x47: {  	_ =	shalt  }
0x48: {  	_ =	shalt  }
0x49: {  	_ =	shalt  }
0x4a: {  	_ =	shalt  }
0x4b: {  	_ =	shalt  }
0x4c: {  	_ =	shalt  }
0x4d: {  	_ =	shalt  }
0x4e: {  	_ =	shalt  }
0x4f: {  	_ =	shalt  }
0x50: {  	_ =	shalt  }
0x51: {  	_ =	shalt  }
0x52: {  	_ =	shalt  }
0x53: {  	_ =	shalt  }
0x54: {  	_ =	shalt  }
0x55: {  	_ =	shalt  }
0x56: {  	_ =	shalt  }
0x57: {  	_ =	shalt  }
0x58: {  	_ =	shalt  }
0x59: {  	_ =	shalt  }
0x5a: {  	_ =	shalt  }
0x5b: {  	_ =	shalt  }
0x5c: {  	_ =	shalt  }
0x5d: {  	_ =	shalt  }
0x5e: {  	_ =	shalt  }
0x5f: {  	_ =	shalt  }
0x60: {  	_ =	shalt  }
0x61: {  	_ =	shalt  }
0x62: {  	_ =	shalt  }
0x63: {  	_ =	shalt  }
0x64: {  	_ =	shalt  }
0x65: {  	_ =	shalt  }
0x66: {  	_ =	shalt  }
0x67: {  	_ =	shalt  }
0x68: {  	_ =	shalt  }
0x69: {  	_ =	shalt  }
0x6a: {  	_ =	shalt  }
0x6b: {  	_ =	shalt  }
0x6c: {  	_ =	shalt  }
0x6d: {  	_ =	shalt  }
0x6e: {  	_ =	shalt  }
0x6f: {  	_ =	shalt  }
0x70: {  	_ =	shalt  }
0x71: {  	_ =	shalt  }
0x72: {  	_ =	shalt  }
0x73: {  	_ =	shalt  }
0x74: {  	_ =	shalt  }
0x75: {  	_ =	shalt  }
0x76: {  	_ =	shalt  }
0x77: {  	_ =	shalt  }
0x78: {  	_ =	shalt  }
0x79: {  	_ =	shalt  }
0x7a: {  	_ =	shalt  }
0x7b: {  	_ =	shalt  }
0x7c: {  	_ =	shalt  }
0x7d: {  	_ =	shalt  }
0x7e: {  	_ =	shalt  }
0x7f: {  	_ =	shalt  }
0x80: {  	_ =	shalt  }
0x81: {  	_ =	shalt  }
0x82: {  	_ =	shalt  }
0x83: {  	_ =	shalt  }
0x84: {  	_ =	shalt  }
0x85: {  	_ =	shalt  }
0x86: {  	_ =	shalt  }
0x87: {  	_ =	shalt  }
.Lfunc_end0:
.L_simem_size_0:
called_computation.4_lowered:
.L_overlay_start_0:
0x88: {  	s2 =	sld [smem:$0x3FD9]  }
0x89: {  	s3 =	sld [smem:$0x3FFE];
	_ =	sdelay $0x1  }
0x8a: {  	s1 =	srdreg.scid  }
0x8b: {  	s0 =	sand.u32 $0x1, s1  }
0x8c: {  	s16 =	sshll.u32 s0, $0xA;
	s2 =	sadd.s32 s3, s2  }
0x8d: {  	s2 =	sadd.s32 s2, s16  }
0x8e: {  	[smem:$0x3FB3] =	sst s2  }
0x8f: {  	_ = 	snop  }
0x90: {  	(tm) =	ssettm $0x1  }
0x91: {  	s17 =	sld [smem:$0x3FFB];
	_ =	sdelay $0x3  }
0x92: {  	_ =	strace s17  }
0x93: {  	s2 =	sld [smem:$0x3FFC];
	_ =	sdelay $0x3  }
0x94: {  	_ =	strace s2  }
0x95: {  	s2 =	sld [smem:$0x3FFD];
	_ =	sdelay $0x3  }
0x96: {  	_ =	strace s2  }
0x97: {  	_ =	strace $0x8FFFFFFF  }
0x98: {  	s18 =	sld [smem:$0x3FDB];
	_ =	sdelay $0x1  }
0x99: {  	s19 =	simm.s32 $_scs_section_size  }
0x9a: {  	s4 =	simm.s32 $_size__tile_overlayer_lowered;
	s5 =	simm.s32 $_tile_overlayer_lowered  }
0x9b: {  	s22 =	simm.s32 $0x1BFF;
	s21 =	sshll.u32 s5, $0x1;
	s2 =	sadd.s32 s19, s18  }
0x9c: {  	s6 =	simm.s32 $0x0;
	s20 =	sshll.u32 s4, $0x1;
	s4 =	sadd.s32 s21, s2  }
0x9d: {  	[timem:s6], [sflag:s22] =	dma.local [hbm:s4], s20  }
0x9e: {  	_ =	swait.ge [sflag:s22], s20  }
0x9f: {  	s3 =	ssub.s32 $0x0, s20;
	[sflag:s22] =	ssyncset.done $0x0  }
0xa0: {  	[sflag:s22] =	ssyncadd.s32 s3;
	_ =	sdelay $0x1  }
0xa1: {  	s23 =	simm.s32 $0x1B8B  }
0xa2: {  	_ =	swait.ge [sflag:s23], $0x1  }
0xa3: {  	[sflag:s23] =	ssyncset.done $0x0  }
0xa4: {  	s25 =	simm.s32 $0x1B8E;
	s24 =	sld [smem:$0x3FFE];
	[sflag:s23] =	ssyncadd.s32 $0xFFFFFFFF  }
0xa5: {  	s26 =	simm.s32 $execute0_lowered;
	[smem:$0x3FD2] =	sst s25  }
0xa6: {  	s4 =	sshll.u32 s26, $0x1;
	_ =	strace $0x80000052;
	[dreg:$0x1] =	wrdreg $0xFFFFFFFF  }
0xa7: {  	s28 =	simm.s32 $_size_execute0_lowered;
	s2 =	sadd.s32 s2, s4;
	[dreg:$0x0] =	wrdreg $0x0  }
0xa8: {  	s4 =	sshll.u32 s28, $0x1;
	[dreg:$0x2] =	wrdreg s2  }
0xa9: {  	[dreg:$0x3] =	wrdreg s4  }
0xaa: {  	[dreg:$0x4] =	wrdreg $0xC0  }
0xab: {  	_ =	task [dreg:s6], $0x5FFFF  }
0xac: {  	[dreg:$0x1] =	wrdreg $0xFFFFFFFF  }
0xad: {  	[dreg:$0x0] =	wrdreg $0x60  }
0xae: {  	[dreg:$0x2] =	wrdreg s24  }
0xaf: {  	[dreg:$0x3] =	wrdreg $0x0  }
0xb0: {  	[dreg:$0x4] =	wrdreg $0x9  }
0xb1: {  	_ =	task.clear_ibuf [dreg:s6], $0x5FFFF;
	_ =	strace $0x90000052  }
0xb2: {  	s29 =	simm.s32 $0x9;
	_ =	strace $0x80000054  }
0xb3: {  	_ =	swait.ge [sflag:s29], $0x1  }
0xb4: {  	[sflag:s29] =	ssyncadd.s32 $0xFFFFFFFF  }
0xb5: {  	_ =	strace $0x90000054  }
0xb6: {  	_ =	sfence  }
0xb7: {  	s30 =	sld [smem:$0x0];
	_ =	sdelay $0x2  }
0xb8: {  	s31 =	sshll.u32 s1, $0xD;
	s1 =	sshrl.u32 s1, $0x2  }
0xb9: {  	s3 =	sand.u32 $0x4000, s31;
	s1 =	sadd.s32 s1, s30  }
0xba: {  	s0 =	sor.u32 s3, s0;
	s1 =	sshll.u32 s1, $0x11  }
0xbb: {  	s0 =	sor.u32 s1, s0  }
0xbc: {  	s0 =	sadd.s32 $0x8F2B, s0  }
0xbd: {  	[sflag:s0] =	ssyncadd.remote.s32 $0x1  }
0xbe: {  	_ =	sfence.sel $0xFFFF  }
0xbf: {  	[dreg:$0x0] =	wrdreg $0xFFFFFFFF;
	(pc) =	sbr.abs _section_cstart, $3  }
0xc0: {  	[dreg:$0x1] =	wrdreg $0xFFFFFFFF  }
0xc1: {  	_ =	task.clear_ibuf [dreg:s6], $0x2FFFF;
	_ =	strace $0x9FFFFFFF  }
0xc2: {  	(tm) =	ssettm $0x7FFFFFFF  }
0xc3: {  	_ =	shalt  }
tec
execute0_lowered:
.L_overlay_start_1:
0x0: {  	(tag) =	ssettag $0x1  }
0x1: {  	s5 =	rddreg [dreg:$0x0]  }
0x2: {  	s2 =	rddreg [dreg:$0x1];
	s3 =	simm.s32 $0x0  }
0x3: {  	s4 =	srdreg.scid;
	s0 =	stileid.u32;
	s19 =	simm.s32 $0x190A0  }
0x4: {  	s20 =	simm.s32 $0x50;
	s21 =	simm.s32 $0x19140;
	s7 =	smul.u32 $0x19000, s0  }
0x5: {  	s22 =	simm.s32 $0x19050;
	s28 =	simm.s32 $0x0;
	s10 =	smul.u32 $0x3200, s0  }
0x6: {  	[smem:$0x7FF] =	sst s3;
	s6 =	sand.u32 $0x1, s4;
	s13 =	smul.u32 $0x2800, s0  }
0x7: {  	s4 =	sadd.s32 $0x112C00, s5;
	s15 =	sadd.s32 $0xCE00, s5;
	s31 =	smul.u32 $0x500, s0  }
0x8: {  	s14 =	sadd.s32 $0x7E00, s5;
	s25 =	sshll.u32 s0, $0x6;
	s8 =	smul.u32 $0x190000, s6  }
0x9: {  	_ =	strace $0x80000053;
	s9 =	smul.u32 $0x32000, s6;
	s11 =	ssub.s32 $0x2, s6  }
0xa: {  	s6 =	smul.u32 $0x28000, s6;
	s12 =	sshrl.u32 s11, $0x1;
	s17 =	sadd.s32 s7, s2  }
0xb: {  	s29 =	sshrl.u32 s13, $0x3;
	s8 =	sadd.s32 s7, s8;
	s11 =	ssub.s32 s11, s12  }
0xc: {  	s23 =	sadd.s32 s10, s9;
	s24 =	sadd.s32 s13, s6;
	s6 =	sor.u32 $0x1C03, s25  }
0xd: {  	s25 =	simm.s32 $0x1;
	s8 =	sshrl.u32 s8, $0x3;
	s26 =	sshrl.u32 s24, $0x3  }
0xe: {  	s10 =	smax.u32 s11, $0x1;
	s30 =	sor.u32 $0xA0, s24;
	s18 =	sor.u32 $0x50, s24  }
0xf: {  	s24 =	simm.s32 $0x1C340;
	s16 =	sadd.s32 s8, s5;
	s5 =	sadd.s32 s4, s23  }
0x10: {  	s7 =	sadd.s32 s15, s26;
	s8 =	sadd.s32 s14, s29;
	s13 =	sshrl.u32 s30, $0x3  }
0x11: {  	s18 =	sshrl.u32 s18, $0x3;
	s14 =	sadd.s32 s31, s14;
	s23 =	simm.s32 $0x190F0  }
0x12: {  	s26 =	simm.s32 $0x2;
	s9 =	sadd.s32 $0x16E00, s16;
	s11 =	sadd.s32 $0x4F6, s7  }
0x13: {  	s12 =	sadd.s32 $0x4F6, s8;
	s13 =	sadd.s32 s13, s15;
	s15 =	sadd.s32 s18, s15  }
0x14: {  	s16 =	sshrl.u32 s17, $0x3;
	s17 =	simm.s32 $0x3;
	s18 =	simm.s32 $0x19000  }
.LBB2_1:
0x15: {  	[spmem:s16], [sflag:s6] =	dma.local [hbm:s5], $0x3200  }
0x16: {  	_ =	swait.ge [sflag:s17], $0x3200  }
0x17: {  	[sflag:s17] =	ssyncset.done $0x0  }
0x18: {  	[sflag:s17] =	ssyncadd.s32 $0xFFFFCE00  }
0x19: {  	[tilespmem:s18], [sflag:$0x3] =	stream.linear.gather [hbm4b:s7+s3], $0x50, $0x38;
	[tilespmem:$0x1F540] =	vst v63  }
0x1a: {  	_ =	swait.ge [sflag:s17], $0x50  }
0x1b: {  	[sflag:s17] =	ssyncset.done $0x0  }
0x1c: {  	[sflag:s17] =	ssyncadd.s32 $0xFFFFFFB0  }
0x1d: {  	[tilespmem:s19], [sflag:$0x3] =	stream.linear.gather [hbm4b:s8+s3], $0x50, $0x38;
	[tilespmem:$0x1F540] =	vst v63  }
0x1e: {  	_ =	swait.ge [sflag:s17], $0x50  }
0x1f: {  	[sflag:s17] =	ssyncset.done $0x0  }
0x20: {  	[sflag:s17] =	ssyncadd.s32 $0xFFFFFFB0  }
0x21: {  	[bflag:$0x0] =	sbarrier.arrive $0xFFFF  }
0x22: {  	[tilespmem:s21], [sflag:$0x1] =	stream.indirect.gather [hbm4b:s4+s20], $0xA0, s18, s20, $0xb8;
	[tilespmem:$0x1F540] =	vst v63  }
0x23: {  	s29 =	sadd.s32 $0x0, s15  }
0x24: {  	[tilespmem:s22], [sflag:$0x3] =	stream.linear.gather [hbm4b:s29+s3], $0x50, $0x38;
	[tilespmem:$0x1F540] =	vst v63  }
0x25: {  	_ =	swait.ge [sflag:s17], $0x50  }
0x26: {  	s29 =	sadd.s32 $0x0, s14;
	[sflag:s17] =	ssyncset.done $0x0  }
0x27: {  	s30 =	sadd.s32 $0xA, s29;
	[sflag:s17] =	ssyncadd.s32 $0xFFFFFFB0  }
0x28: {  	[tilespmem:s23], [sflag:$0x3] =	stream.linear.gather [hbm4b:s30+s3], $0x50, $0x38;
	[tilespmem:$0x1F540] =	vst v63  }
0x29: {  	_ =	swait.ge [sflag:s17], $0x50  }
0x2a: {  	[sflag:s17] =	ssyncset.done $0x0  }
0x2b: {  	[sflag:s17] =	ssyncadd.s32 $0xFFFFFFB0  }
0x2c: {  	[tilespmem:s24], [sflag:$0x2] =	stream.indirect.gather [hbm4b:s4+s20], $0xA0, s22, s20, $0xb8;
	[tilespmem:$0x1F540] =	vst v63  }
0x2d: {  	_ =	swait.ge [sflag:s25], $0x3200  }
0x2e: {  	[sflag:s25] =	ssyncset.done $0x0  }
0x2f: {  	[sflag:s25] =	ssyncadd.s32 $0xFFFFCE00  }
0x30: {  	[spmem:s2] =	stream.indirect.scatter.add.f32 [tilespmem:s21], [sflag:$0x3], $0xA0, s19, s20, $0xb8;
	[tilespmem:$0x1F540] =	vst v63  }
0x31: {  	_ =	swait.ge [sflag:s17], $0x3200  }
0x32: {  	[sflag:s17] =	ssyncset.done $0x0  }
0x33: {  	s1 =	sadd.s32 $0x0, s13;
	[sflag:s17] =	ssyncadd.s32 $0xFFFFCE00  }
0x34: {  	[tilespmem:s18], [sflag:$0x3] =	stream.linear.gather [hbm4b:s1+s3], $0x50, $0x38;
	[tilespmem:$0x1F540] =	vst v63  }
0x35: {  	_ =	swait.ge [sflag:s17], $0x50  }
0x36: {  	[sflag:s17] =	ssyncset.done $0x0  }
0x37: {  	s29 =	sadd.s32 $0x14, s29;
	[sflag:s17] =	ssyncadd.s32 $0xFFFFFFB0  }
0x38: {  	[tilespmem:s19], [sflag:$0x3] =	stream.linear.gather [hbm4b:s29+s3], $0x50, $0x38;
	[tilespmem:$0x1F540] =	vst v63  }
0x39: {  	_ =	swait.ge [sflag:s17], $0x50  }
0x3a: {  	[sflag:s17] =	ssyncset.done $0x0  }
0x3b: {  	[sflag:s17] =	ssyncadd.s32 $0xFFFFFFB0  }
0x3c: {  	[tilespmem:s21], [sflag:$0x1] =	stream.indirect.gather [hbm4b:s4+s20], $0xA0, s18, s20, $0xb8;
	[tilespmem:$0x1F540] =	vst v63  }
0x3d: {  	_ =	swait.ge [sflag:s26], $0x3200  }
0x3e: {  	[sflag:s26] =	ssyncset.done $0x0  }
0x3f: {  	[sflag:s26] =	ssyncadd.s32 $0xFFFFCE00  }
0x40: {  	[spmem:s2] =	stream.indirect.scatter.add.f32 [tilespmem:s24], [sflag:$0x3], $0xA0, s23, s20, $0xb8;
	[tilespmem:$0x1F540] =	vst v63  }
0x41: {  	_ =	swait.ge [sflag:s17], $0x3200  }
0x42: {  	s31 =	simm.s32 $0x28;
	s29 =	simm.s32 $0x14;
	[sflag:s17] =	ssyncset.done $0x0  }
.LBB2_2:
0x43: {  	s0 =	sadd.s32 s29, s15  }
0x44: {  	[sflag:s17] =	ssyncadd.s32 $0xFFFFCE00;
	s1 =	smov.u32 s31;
	s30 =	sadd.s32 $0x14, s31  }
0x45: {  	[tilespmem:s22], [sflag:$0x3] =	stream.linear.gather [hbm4b:s0+s3], $0x50, $0x38;
	[tilespmem:$0x1F540] =	vst v63  }
0x46: {  	p0 =	sne.s32 s31, $0x4D8;
	_ =	swait.ge [sflag:s17], $0x50  }
0x47: {  	s0 =	sadd.s32 s29, s14;
	[sflag:s17] =	ssyncset.done $0x0  }
0x48: {  	s31 =	sadd.s32 $0xA, s0;
	[sflag:s17] =	ssyncadd.s32 $0xFFFFFFB0  }
0x49: {  	[tilespmem:s23], [sflag:$0x3] =	stream.linear.gather [hbm4b:s31+s3], $0x50, $0x38;
	[tilespmem:$0x1F540] =	vst v63  }
0x4a: {  	_ =	swait.ge [sflag:s17], $0x50  }
0x4b: {  	[sflag:s17] =	ssyncset.done $0x0  }
0x4c: {  	[sflag:s17] =	ssyncadd.s32 $0xFFFFFFB0  }
0x4d: {  	[tilespmem:s24], [sflag:$0x2] =	stream.indirect.gather [hbm4b:s4+s20], $0xA0, s22, s20, $0xb8;
	[tilespmem:$0x1F540] =	vst v63  }
0x4e: {  	_ =	swait.ge [sflag:s25], $0x3200  }
0x4f: {  	[sflag:s25] =	ssyncset.done $0x0  }
0x50: {  	[sflag:s25] =	ssyncadd.s32 $0xFFFFCE00  }
0x51: {  	[spmem:s2] =	stream.indirect.scatter.add.f32 [tilespmem:s21], [sflag:$0x3], $0xA0, s19, s20, $0xb8;
	[tilespmem:$0x1F540] =	vst v63  }
0x52: {  	_ =	swait.ge [sflag:s17], $0x3200  }
0x53: {  	[sflag:s17] =	ssyncset.done $0x0  }
0x54: {  	s31 =	sadd.s32 s29, s13;
	s29 =	smov.u32 s1;
	[sflag:s17] =	ssyncadd.s32 $0xFFFFCE00  }
0x55: {  	[tilespmem:s18], [sflag:$0x3] =	stream.linear.gather [hbm4b:s31+s3], $0x50, $0x38;
	[tilespmem:$0x1F540] =	vst v63  }
0x56: {  	_ =	swait.ge [sflag:s17], $0x50  }
0x57: {  	[sflag:s17] =	ssyncset.done $0x0  }
0x58: {  	s0 =	sadd.s32 $0x14, s0;
	[sflag:s17] =	ssyncadd.s32 $0xFFFFFFB0  }
0x59: {  	[tilespmem:s19], [sflag:$0x3] =	stream.linear.gather [hbm4b:s0+s3], $0x50, $0x38;
	[tilespmem:$0x1F540] =	vst v63  }
0x5a: {  	_ =	swait.ge [sflag:s17], $0x50  }
0x5b: {  	[sflag:s17] =	ssyncset.done $0x0  }
0x5c: {  	[sflag:s17] =	ssyncadd.s32 $0xFFFFFFB0  }
0x5d: {  	[tilespmem:s21], [sflag:$0x1] =	stream.indirect.gather [hbm4b:s4+s20], $0xA0, s18, s20, $0xb8;
	[tilespmem:$0x1F540] =	vst v63  }
0x5e: {  	_ =	swait.ge [sflag:s26], $0x3200  }
.Ltmp0:
0x5f: {  	[sflag:s26] =	ssyncset.done $0x0;
	(pc) =	sbr.rel @p0 .LBB2_2-.Ltmp0, $4  }
0x60: {  	[sflag:s26] =	ssyncadd.s32 $0xFFFFCE00  }
0x61: {  	[spmem:s2] =	stream.indirect.scatter.add.f32 [tilespmem:s24], [sflag:$0x3], $0xA0, s23, s20, $0xb8;
	[tilespmem:$0x1F540] =	vst v63  }
0x62: {  	_ =	swait.ge [sflag:s17], $0x3200  }
0x63: {  	s31 =	smov.u32 s30;
	[sflag:s17] =	ssyncset.done $0x0  }
0x64: {  	s0 =	sadd.s32 s29, s15;
	[sflag:s17] =	ssyncadd.s32 $0xFFFFCE00  }
0x65: {  	[tilespmem:s22], [sflag:$0x3] =	stream.linear.gather [hbm4b:s0+s3], $0x50, $0x38;
	[tilespmem:$0x1F540] =	vst v63  }
0x66: {  	_ =	swait.ge [sflag:s17], $0x50  }
0x67: {  	s30 =	sadd.s32 s29, s14;
	[sflag:s17] =	ssyncset.done $0x0  }
0x68: {  	s1 =	sadd.s32 $0xA, s30;
	[sflag:s17] =	ssyncadd.s32 $0xFFFFFFB0  }
0x69: {  	[tilespmem:s23], [sflag:$0x3] =	stream.linear.gather [hbm4b:s1+s3], $0x50, $0x38;
	[tilespmem:$0x1F540] =	vst v63  }
0x6a: {  	_ =	swait.ge [sflag:s17], $0x50  }
0x6b: {  	[sflag:s17] =	ssyncset.done $0x0  }
0x6c: {  	[sflag:s17] =	ssyncadd.s32 $0xFFFFFFB0  }
0x6d: {  	[tilespmem:s24], [sflag:$0x2] =	stream.indirect.gather [hbm4b:s4+s20], $0xA0, s22, s20, $0xb8;
	[tilespmem:$0x1F540] =	vst v63  }
0x6e: {  	_ =	swait.ge [sflag:s25], $0x3200  }
0x6f: {  	[sflag:s25] =	ssyncset.done $0x0  }
0x70: {  	[sflag:s25] =	ssyncadd.s32 $0xFFFFCE00  }
0x71: {  	[spmem:s2] =	stream.indirect.scatter.add.f32 [tilespmem:s21], [sflag:$0x3], $0xA0, s19, s20, $0xb8;
	[tilespmem:$0x1F540] =	vst v63  }
0x72: {  	_ =	swait.ge [sflag:s17], $0x3200  }
0x73: {  	[sflag:s17] =	ssyncset.done $0x0  }
0x74: {  	s31 =	sadd.s32 s29, s13;
	[sflag:s17] =	ssyncadd.s32 $0xFFFFCE00  }
0x75: {  	[tilespmem:s18], [sflag:$0x3] =	stream.linear.gather [hbm4b:s31+s3], $0x50, $0x38;
	[tilespmem:$0x1F540] =	vst v63  }
0x76: {  	_ =	swait.ge [sflag:s17], $0x50  }
0x77: {  	[sflag:s17] =	ssyncset.done $0x0  }
0x78: {  	s0 =	sadd.s32 $0x14, s30;
	[sflag:s17] =	ssyncadd.s32 $0xFFFFFFB0  }
0x79: {  	[tilespmem:s19], [sflag:$0x3] =	stream.linear.gather [hbm4b:s0+s3], $0x50, $0x38;
	[tilespmem:$0x1F540] =	vst v63  }
0x7a: {  	_ =	swait.ge [sflag:s17], $0x50  }
0x7b: {  	[sflag:s17] =	ssyncset.done $0x0  }
0x7c: {  	[sflag:s17] =	ssyncadd.s32 $0xFFFFFFB0  }
0x7d: {  	[tilespmem:s21], [sflag:$0x1] =	stream.indirect.gather [hbm4b:s4+s20], $0xA0, s18, s20, $0xb8;
	[tilespmem:$0x1F540] =	vst v63  }
0x7e: {  	_ =	swait.ge [sflag:s26], $0x3200  }
0x7f: {  	[sflag:s26] =	ssyncset.done $0x0  }
0x80: {  	[sflag:s26] =	ssyncadd.s32 $0xFFFFCE00  }
0x81: {  	[spmem:s2] =	stream.indirect.scatter.add.f32 [tilespmem:s24], [sflag:$0x3], $0xA0, s23, s20, $0xb8;
	[tilespmem:$0x1F540] =	vst v63  }
0x82: {  	_ =	swait.ge [sflag:s17], $0x3200  }
0x83: {  	[sflag:s17] =	ssyncset.done $0x0  }
0x84: {  	[sflag:s17] =	ssyncadd.s32 $0xFFFFCE00  }
0x85: {  	[tilespmem:s22], [sflag:$0x3] =	stream.linear.gather [hbm4b:s11+s3], $0x50, $0x38;
	[tilespmem:$0x1F540] =	vst v63  }
0x86: {  	_ =	swait.ge [sflag:s17], $0x50  }
0x87: {  	[sflag:s17] =	ssyncset.done $0x0  }
0x88: {  	[sflag:s17] =	ssyncadd.s32 $0xFFFFFFB0  }
0x89: {  	[tilespmem:s23], [sflag:$0x3] =	stream.linear.gather [hbm4b:s12+s3], $0x50, $0x38;
	[tilespmem:$0x1F540] =	vst v63  }
0x8a: {  	_ =	swait.ge [sflag:s17], $0x50  }
0x8b: {  	[sflag:s17] =	ssyncset.done $0x0  }
0x8c: {  	[sflag:s17] =	ssyncadd.s32 $0xFFFFFFB0  }
0x8d: {  	[tilespmem:s24], [sflag:$0x2] =	stream.indirect.gather [hbm4b:s4+s20], $0xA0, s22, s20, $0xb8;
	[tilespmem:$0x1F540] =	vst v63  }
0x8e: {  	_ =	swait.ge [sflag:s25], $0x3200  }
0x8f: {  	[sflag:s25] =	ssyncset.done $0x0  }
0x90: {  	[sflag:s25] =	ssyncadd.s32 $0xFFFFCE00  }
0x91: {  	[spmem:s2] =	stream.indirect.scatter.add.f32 [tilespmem:s21], [sflag:$0x3], $0xA0, s19, s20, $0xb8;
	[tilespmem:$0x1F540] =	vst v63  }
0x92: {  	_ =	swait.ge [sflag:s17], $0x3200  }
0x93: {  	[sflag:s17] =	ssyncset.done $0x0  }
0x94: {  	[sflag:s17] =	ssyncadd.s32 $0xFFFFCE00  }
0x95: {  	_ =	swait.ge [sflag:s26], $0x3200  }
0x96: {  	[sflag:s26] =	ssyncset.done $0x0  }
0x97: {  	[sflag:s26] =	ssyncadd.s32 $0xFFFFCE00  }
0x98: {  	[spmem:s2] =	stream.indirect.scatter.add.f32 [tilespmem:s24], [sflag:$0x3], $0xA0, s23, s20, $0xb8;
	[tilespmem:$0x1F540] =	vst v63  }
0x99: {  	_ =	swait.ge [sflag:s17], $0x3200  }
0x9a: {  	s28 =	sadd.s32 $0x1, s28;
	[sflag:s17] =	ssyncset.done $0x0  }
0x9b: {  	p0 =	sne.s32 s28, s10;
	[sflag:s17] =	ssyncadd.s32 $0xFFFFCE00  }
.Ltmp1:
0x9c: {  	[bflag:$0x0] =	sbarrier.arrive $0xFFFF;
	(pc) =	sbr.rel @p0 .LBB2_1-.Ltmp1, $4  }
0x9d: {  	[hbm:s9], [sflag:s6] =	dma.local [spmem:s16], $0x3200  }
0x9e: {  	_ =	swait.ge [sflag:s17], $0x3200  }
0x9f: {  	[sflag:s17] =	ssyncset.done $0x0  }
0xa0: {  	[sflag:s17] =	ssyncadd.s32 $0xFFFFCE00  }
0xa1: {  	_ =	sfence.sel $0x180000  }
0xa2: {  	[bflag:$0x0] =	sbarrier.arrive $0xFFFF  }
0xa3: {  	_ =	strace $0x90000053  }
0xa4: {  	s0 =	stileid.u32;
	[bflag:$0x2] =	sbarrier.arrive $0xFFFF  }
0xa5: {  	p0 =	sne.s32 s0, $0x0;
	s0 =	rddreg [dreg:$0x2]  }
0xa6: {  	s0 =	sadd.s32 @!p0 $0x100000, s0  }
0xa7: {  	[sflag:s0] =	ssyncadd.tile.s32 @!p0 $0x1;
	_ =	shalt  }
.Lfunc_end2:
_tile_overlayer_lowered:
.L_overlay_start_2:
0xa8: {  	(tag) =	ssettag $0x2  }
0xa9: {  	s0 =	rddreg [dreg:$0x0];
	s2 =	stileid.u32  }
0xaa: {  	s1 =	rddreg [dreg:$0x1];
	p0 =	sne.s32 s2, $0x0  }
0xab: {  	s3 =	rddreg [dreg:$0x2];
	[bflag:$0x3] =	sbarrier.arrive $0xFFFF;
	s2 =	simm.s32 @!p0 $0x1C03  }
0xac: {  	[timem:s3], [sflag:s2] =	dma.local @!p0 [hbm:s0], s1  }
0xad: {  	s0 =	simm.s32 @!p0 $0x3  }
0xae: {  	_ =	swait.ge @!p0 [sflag:s0], s1  }
0xaf: {  	s1 =	ssub.s32 @!p0 $0x0, s1;
	[sflag:s0] =	ssyncset.done @!p0 $0x0  }
0xb0: {  	[sflag:s0] =	ssyncadd.s32 @!p0 s1  }
0xb1: {  	[bflag:$0x3] =	sbarrier.arrive $0xFFFF  }
0xb2: {  	_ =	shalt  }

// kernel: kernel.34.cloned.1.call-start
scs
__scs_entry_jumppad:
0x0: {  	(pc) =	sbr.rel $0x88, $3  }
0x1: {  	(tag) =	ssettag $0x0;
	lr =	simm.s32 $0x1  }
0x2: {  	[smem:$0x3F8C] =	sst lr;
	_ =	strace $0xD0000000  }
0x3: {  	_ = 	snop  }
0x4: {  	_ = 	snop  }
0x5: {  	_ = 	snop  }
0x6: {  	_ = 	snop  }
0x7: {  	_ = 	snop  }
__scs_overlays_trampoline_lowered:
0x8: {  	[smem:$0x3F9B] =	sst s0  }
0x9: {  	[smem:$0x3F9C] =	sst s1  }
0xa: {  	[smem:$0x3F9D] =	sst s2  }
0xb: {  	[smem:$0x3F9E] =	sst s3  }
0xc: {  	[smem:$0x3F9F] =	sst s4  }
0xd: {  	[smem:$0x3FA0] =	sst s5  }
0xe: {  	[smem:$0x3FA1] =	sst s6  }
0xf: {  	[smem:$0x3FA2] =	sst s7  }
0x10: {  	[smem:$0x3FA3] =	sst s8  }
0x11: {  	[smem:$0x3FA4] =	sst s9;
	s0 =	simm.s32 @!p0 $0x0  }
0x12: {  	s1 =	sld [smem:$0x3F8A];
	s0 =	simm.s32 @p0 $0x1  }
0x13: {  	[smem:$0x3FA5] =	sst s0;
	s0 =	simm.s32 @!p1 $0x0  }
0x14: {  	s2 =	sld [smem:$0x3F89];
	s0 =	simm.s32 @p1 $0x1  }
0x15: {  	[smem:$0x3FA6] =	sst s0;
	s0 =	simm.s32 @!p2 $0x0  }
0x16: {  	s3 =	sld [smem:$0x3FDB];
	s0 =	simm.s32 @p2 $0x1  }
0x17: {  	s4 =	simm.s32 $0x1BF5;
	[smem:$0x3FA8] =	sst s0  }
0x18: {  	s0 =	sld [smem:$0x3F8B];
	_ =	swait.ge [sflag:s4], $0x0  }
0x19: {  	s7 =	sld [smem:$0x3F8C]  }
0x1a: {  	s8 =	sadd.s32 $0xFFFFE003, lr  }
0x1b: {  	s9 =	sadd.s32 $0xFFFFFEF7, lr;
	s5 =	simm.s32 $0xFFFFFFFF;
	p2 =	slt.u32 s8, $0xFFFFF086  }
0x1c: {  	p1 =	slt.u32 s9, $0xF7A;
	s5 =	simm.s32 @!p2 $0x0  }
0x1d: {  	s5 =	simm.s32 @p1 $0x1;
	p0 =	seq.s32 s7, s2  }
0x1e: {  	s7 =	smul.u32 @!p0 $0xF7A, s2;
	p2 =	seq.s32 @!p0 s5, $0x0  }
0x1f: {  	s9 =	smul.u32 $0xF7A, s1;
	s8 =	simm.s32 @!p0 $0x1BF5;
	p2 =	por !p2, p0  }
0x20: {  	[sflag:s8] =	ssyncset.s32 @!p0 $0xFFFFF086;
	s6 =	sadd.s32 @!p0 s3, s7;
	s7 =	simm.s32 @!p0 $0x108  }
0x21: {  	s3 =	sadd.s32 s3, s9;
	s6 =	sadd.s32 @!p0 $0x88, s6;
	s7 =	simm.s32 @p2 $0x1082  }
0x22: {  	[simem:s7], [sflag:s8] =	dma.local @!p0 [hbm:s6], $0xF7A  }
0x23: {  	s9 =	sor.u32 $0xD0000000, s2;
	s6 =	simm.s32 $0x108;
	_ =	swait.ge @!p0 [sflag:s8], $0x0  }
0x24: {  	s3 =	sadd.s32 $0x88, s3;
	s6 =	simm.s32 @!p1 $0x1082;
	[sflag:s4] =	ssyncset.s32 $0xFFFFF086  }
0x25: {  	[simem:s6], [sflag:s4] =	dma.local [hbm:s3], $0xF7A  }
0x26: {  	[smem:$0x3F8C] =	sst s1;
	(tag) =	ssettag s2;
	_ =	strace s9  }
0x27: {  	s1 =	sld [smem:$0x3F9C]  }
0x28: {  	s2 =	sld [smem:$0x3F9D]  }
0x29: {  	s4 =	sld [smem:$0x3F9F]  }
0x2a: {  	p0 =	seq.s32 s5, $0x0;
	s5 =	sld [smem:$0x3FA0]  }
0x2b: {  	s6 =	sld [smem:$0x3FA1]  }
0x2c: {  	s7 =	sld [smem:$0x3FA2]  }
0x2d: {  	s3 =	simm.s32 $0x108;
	s8 =	sld [smem:$0x3FA3]  }
0x2e: {  	s3 =	simm.s32 @!p0 $0x1082;
	s9 =	sld [smem:$0x3FA4]  }
0x2f: {  	lr =	sadd.s32 s0, s3;
	s0 =	sld [smem:$0x3F9B]  }
0x30: {  	s3 =	sld [smem:$0x3F9E]  }
0x31: {  	[smem:$0x3FA7] =	sst s10  }
0x32: {  	s10 =	sld [smem:$0x3FA5];
	_ =	sdelay $0x3  }
0x33: {  	p0 =	seq.s32 s10, $0x1;
	s10 =	sld [smem:$0x3FA7];
	_ =	sdelay $0x3  }
0x34: {  	[smem:$0x3FA7] =	sst s10  }
0x35: {  	s10 =	sld [smem:$0x3FA6];
	_ =	sdelay $0x3  }
0x36: {  	p1 =	seq.s32 s10, $0x1;
	s10 =	sld [smem:$0x3FA7];
	_ =	sdelay $0x3  }
0x37: {  	[smem:$0x3FA7] =	sst s10  }
0x38: {  	s10 =	sld [smem:$0x3FA8]  }
0x39: {  	_ = 	snop;
	(pc) =	sbr.ind lr, $3  }
0x3a: {  	_ = 	snop  }
0x3b: {  	_ = 	snop  }
0x3c: {  	p2 =	seq.s32 s10, $0x1;
	s10 =	sld [smem:$0x3FA7]  }
0x3d: {  	_ =	shalt  }
0x3e: {  	_ =	shalt  }
0x3f: {  	_ =	shalt  }
0x40: {  	_ =	shalt  }
0x41: {  	_ =	shalt  }
0x42: {  	_ =	shalt  }
0x43: {  	_ =	shalt  }
0x44: {  	_ =	shalt  }
0x45: {  	_ =	shalt  }
0x46: {  	_ =	shalt  }
0x47: {  	_ =	shalt  }
0x48: {  	_ =	shalt  }
0x49: {  	_ =	shalt  }
0x4a: {  	_ =	shalt  }
0x4b: {  	_ =	shalt  }
0x4c: {  	_ =	shalt  }
0x4d: {  	_ =	shalt  }
0x4e: {  	_ =	shalt  }
0x4f: {  	_ =	shalt  }
0x50: {  	_ =	shalt  }
0x51: {  	_ =	shalt  }
0x52: {  	_ =	shalt  }
0x53: {  	_ =	shalt  }
0x54: {  	_ =	shalt  }
0x55: {  	_ =	shalt  }
0x56: {  	_ =	shalt  }
0x57: {  	_ =	shalt  }
0x58: {  	_ =	shalt  }
0x59: {  	_ =	shalt  }
0x5a: {  	_ =	shalt  }
0x5b: {  	_ =	shalt  }
0x5c: {  	_ =	shalt  }
0x5d: {  	_ =	shalt  }
0x5e: {  	_ =	shalt  }
0x5f: {  	_ =	shalt  }
0x60: {  	_ =	shalt  }
0x61: {  	_ =	shalt  }
0x62: {  	_ =	shalt  }
0x63: {  	_ =	shalt  }
0x64: {  	_ =	shalt  }
0x65: {  	_ =	shalt  }
0x66: {  	_ =	shalt  }
0x67: {  	_ =	shalt  }
0x68: {  	_ =	shalt  }
0x69: {  	_ =	shalt  }
0x6a: {  	_ =	shalt  }
0x6b: {  	_ =	shalt  }
0x6c: {  	_ =	shalt  }
0x6d: {  	_ =	shalt  }
0x6e: {  	_ =	shalt  }
0x6f: {  	_ =	shalt  }
0x70: {  	_ =	shalt  }
0x71: {  	_ =	shalt  }
0x72: {  	_ =	shalt  }
0x73: {  	_ =	shalt  }
0x74: {  	_ =	shalt  }
0x75: {  	_ =	shalt  }
0x76: {  	_ =	shalt  }
0x77: {  	_ =	shalt  }
0x78: {  	_ =	shalt  }
0x79: {  	_ =	shalt  }
0x7a: {  	_ =	shalt  }
0x7b: {  	_ =	shalt  }
0x7c: {  	_ =	shalt  }
0x7d: {  	_ =	shalt  }
0x7e: {  	_ =	shalt  }
0x7f: {  	_ =	shalt  }
0x80: {  	_ =	shalt  }
0x81: {  	_ =	shalt  }
0x82: {  	_ =	shalt  }
0x83: {  	_ =	shalt  }
0x84: {  	_ =	shalt  }
0x85: {  	_ =	shalt  }
0x86: {  	_ =	shalt  }
0x87: {  	_ =	shalt  }
.Lfunc_end0:
.L_simem_size_0:
called_computation.5_lowered:
.L_overlay_start_0:
0x88: {  	s2 =	sld [smem:$0x3FD9]  }
0x89: {  	s3 =	sld [smem:$0x3FFE];
	_ =	sdelay $0x1  }
0x8a: {  	s1 =	srdreg.scid  }
0x8b: {  	s0 =	sand.u32 $0x1, s1  }
0x8c: {  	s16 =	sshll.u32 s0, $0xA;
	s2 =	sadd.s32 s3, s2  }
0x8d: {  	s2 =	sadd.s32 s2, s16  }
0x8e: {  	[smem:$0x3FB3] =	sst s2  }
0x8f: {  	_ = 	snop  }
0x90: {  	(tm) =	ssettm $0x1  }
0x91: {  	s17 =	sld [smem:$0x3FFB];
	_ =	sdelay $0x3  }
0x92: {  	_ =	strace s17  }
0x93: {  	s2 =	sld [smem:$0x3FFC];
	_ =	sdelay $0x3  }
0x94: {  	_ =	strace s2  }
0x95: {  	s2 =	sld [smem:$0x3FFD];
	_ =	sdelay $0x3  }
0x96: {  	_ =	strace s2  }
0x97: {  	_ =	strace $0x8FFFFFFF  }
0x98: {  	s18 =	sld [smem:$0x3FDB];
	_ =	sdelay $0x1  }
0x99: {  	s19 =	simm.s32 $_scs_section_size  }
0x9a: {  	s4 =	simm.s32 $_size__tile_overlayer_lowered;
	s5 =	simm.s32 $_tile_overlayer_lowered  }
0x9b: {  	s22 =	simm.s32 $0x1BFF;
	s21 =	sshll.u32 s5, $0x1;
	s2 =	sadd.s32 s19, s18  }
0x9c: {  	s6 =	simm.s32 $0x0;
	s20 =	sshll.u32 s4, $0x1;
	s4 =	sadd.s32 s21, s2  }
0x9d: {  	[timem:s6], [sflag:s22] =	dma.local [hbm:s4], s20  }
0x9e: {  	_ =	swait.ge [sflag:s22], s20  }
0x9f: {  	s3 =	ssub.s32 $0x0, s20;
	[sflag:s22] =	ssyncset.done $0x0  }
0xa0: {  	[sflag:s22] =	ssyncadd.s32 s3;
	_ =	sdelay $0x1  }
0xa1: {  	s23 =	simm.s32 $0x1B8B  }
0xa2: {  	_ =	swait.ge [sflag:s23], $0x1  }
0xa3: {  	[sflag:s23] =	ssyncset.done $0x0  }
0xa4: {  	s25 =	simm.s32 $0x1B8E;
	s24 =	sld [smem:$0x3FFE];
	[sflag:s23] =	ssyncadd.s32 $0xFFFFFFFF  }
0xa5: {  	s26 =	simm.s32 $execute0_lowered;
	[smem:$0x3FD2] =	sst s25  }
0xa6: {  	s4 =	sshll.u32 s26, $0x1;
	_ =	strace $0x80000055;
	[dreg:$0x1] =	wrdreg $0xFFFFFFFF  }
0xa7: {  	s28 =	simm.s32 $_size_execute0_lowered;
	s2 =	sadd.s32 s2, s4;
	[dreg:$0x0] =	wrdreg $0x0  }
0xa8: {  	s4 =	sshll.u32 s28, $0x1;
	[dreg:$0x2] =	wrdreg s2  }
0xa9: {  	[dreg:$0x3] =	wrdreg s4  }
0xaa: {  	[dreg:$0x4] =	wrdreg $0xC0  }
0xab: {  	_ =	task [dreg:s6], $0x5FFFF  }
0xac: {  	[dreg:$0x1] =	wrdreg $0xFFFFFFFF  }
0xad: {  	[dreg:$0x0] =	wrdreg $0x60  }
0xae: {  	[dreg:$0x2] =	wrdreg s24  }
0xaf: {  	[dreg:$0x3] =	wrdreg $0x0  }
0xb0: {  	[dreg:$0x4] =	wrdreg $0x9  }
0xb1: {  	_ =	task.clear_ibuf [dreg:s6], $0x5FFFF;
	_ =	strace $0x90000055  }
0xb2: {  	s29 =	simm.s32 $0x9;
	_ =	strace $0x80000057  }
0xb3: {  	_ =	swait.ge [sflag:s29], $0x1  }
0xb4: {  	[sflag:s29] =	ssyncadd.s32 $0xFFFFFFFF  }
0xb5: {  	_ =	strace $0x90000057  }
0xb6: {  	_ =	sfence  }
0xb7: {  	s30 =	sld [smem:$0x0];
	_ =	sdelay $0x2  }
0xb8: {  	s31 =	sshll.u32 s1, $0xD;
	s1 =	sshrl.u32 s1, $0x2  }
0xb9: {  	s3 =	sand.u32 $0x4000, s31;
	s1 =	sadd.s32 s1, s30  }
0xba: {  	s0 =	sor.u32 s3, s0;
	s1 =	sshll.u32 s1, $0x11  }
0xbb: {  	s0 =	sor.u32 s1, s0  }
0xbc: {  	s0 =	sadd.s32 $0x8F2B, s0  }
0xbd: {  	[sflag:s0] =	ssyncadd.remote.s32 $0x1  }
0xbe: {  	_ =	sfence.sel $0xFFFF  }
0xbf: {  	[dreg:$0x0] =	wrdreg $0xFFFFFFFF;
	(pc) =	sbr.abs _section_cstart, $3  }
0xc0: {  	[dreg:$0x1] =	wrdreg $0xFFFFFFFF  }
0xc1: {  	_ =	task.clear_ibuf [dreg:s6], $0x2FFFF;
	_ =	strace $0x9FFFFFFF  }
0xc2: {  	(tm) =	ssettm $0x7FFFFFFF  }
0xc3: {  	_ =	shalt  }
tec
execute0_lowered:
.L_overlay_start_1:
0x0: {  	(tag) =	ssettag $0x1  }
0x1: {  	s5 =	rddreg [dreg:$0x0]  }
0x2: {  	s2 =	rddreg [dreg:$0x1];
	s3 =	simm.s32 $0x0  }
0x3: {  	s4 =	srdreg.scid;
	s0 =	stileid.u32;
	s19 =	simm.s32 $0x190A0  }
0x4: {  	s20 =	simm.s32 $0x50;
	s21 =	simm.s32 $0x19140;
	s7 =	smul.u32 $0x19000, s0  }
0x5: {  	s22 =	simm.s32 $0x19050;
	s28 =	simm.s32 $0x0;
	s10 =	smul.u32 $0x3200, s0  }
0x6: {  	[smem:$0x7FF] =	sst s3;
	s6 =	sand.u32 $0x1, s4;
	s13 =	smul.u32 $0x2800, s0  }
0x7: {  	s4 =	sadd.s32 $0x112C00, s5;
	s15 =	sadd.s32 $0xCE00, s5;
	s31 =	smul.u32 $0x500, s0  }
0x8: {  	s14 =	sadd.s32 $0x7E00, s5;
	s25 =	sshll.u32 s0, $0x6;
	s8 =	smul.u32 $0x190000, s6  }
0x9: {  	_ =	strace $0x80000056;
	s9 =	smul.u32 $0x32000, s6;
	s11 =	ssub.s32 $0x2, s6  }
0xa: {  	s6 =	smul.u32 $0x28000, s6;
	s12 =	sshrl.u32 s11, $0x1;
	s17 =	sadd.s32 s7, s2  }
0xb: {  	s29 =	sshrl.u32 s13, $0x3;
	s8 =	sadd.s32 s7, s8;
	s11 =	ssub.s32 s11, s12  }
0xc: {  	s23 =	sadd.s32 s10, s9;
	s24 =	sadd.s32 s13, s6;
	s6 =	sor.u32 $0x1C03, s25  }
0xd: {  	s25 =	simm.s32 $0x1;
	s8 =	sshrl.u32 s8, $0x3;
	s26 =	sshrl.u32 s24, $0x3  }
0xe: {  	s10 =	smax.u32 s11, $0x1;
	s30 =	sor.u32 $0xA0, s24;
	s18 =	sor.u32 $0x50, s24  }
0xf: {  	s24 =	simm.s32 $0x1C340;
	s16 =	sadd.s32 s8, s5;
	s5 =	sadd.s32 s4, s23  }
0x10: {  	s7 =	sadd.s32 s15, s26;
	s8 =	sadd.s32 s14, s29;
	s13 =	sshrl.u32 s30, $0x3  }
0x11: {  	s18 =	sshrl.u32 s18, $0x3;
	s14 =	sadd.s32 s31, s14;
	s23 =	simm.s32 $0x190F0  }
0x12: {  	s26 =	simm.s32 $0x2;
	s9 =	sadd.s32 $0x16E00, s16;
	s11 =	sadd.s32 $0x4F6, s7  }
0x13: {  	s12 =	sadd.s32 $0x4F6, s8;
	s13 =	sadd.s32 s13, s15;
	s15 =	sadd.s32 s18, s15  }
0x14: {  	s16 =	sshrl.u32 s17, $0x3;
	s17 =	simm.s32 $0x3;
	s18 =	simm.s32 $0x19000  }
.LBB2_1:
0x15: {  	[spmem:s16], [sflag:s6] =	dma.local [hbm:s5], $0x3200  }
0x16: {  	_ =	swait.ge [sflag:s17], $0x3200  }
0x17: {  	[sflag:s17] =	ssyncset.done $0x0  }
0x18: {  	[sflag:s17] =	ssyncadd.s32 $0xFFFFCE00  }
0x19: {  	[tilespmem:s18], [sflag:$0x3] =	stream.linear.gather [hbm4b:s7+s3], $0x50, $0x38;
	[tilespmem:$0x1F540] =	vst v63  }
0x1a: {  	_ =	swait.ge [sflag:s17], $0x50  }
0x1b: {  	[sflag:s17] =	ssyncset.done $0x0  }
0x1c: {  	[sflag:s17] =	ssyncadd.s32 $0xFFFFFFB0  }
0x1d: {  	[tilespmem:s19], [sflag:$0x3] =	stream.linear.gather [hbm4b:s8+s3], $0x50, $0x38;
	[tilespmem:$0x1F540] =	vst v63  }
0x1e: {  	_ =	swait.ge [sflag:s17], $0x50  }
0x1f: {  	[sflag:s17] =	ssyncset.done $0x0  }
0x20: {  	[sflag:s17] =	ssyncadd.s32 $0xFFFFFFB0  }
0x21: {  	[bflag:$0x0] =	sbarrier.arrive $0xFFFF  }
0x22: {  	[tilespmem:s21], [sflag:$0x1] =	stream.indirect.gather [hbm4b:s4+s20], $0xA0, s18, s20, $0xb8;
	[tilespmem:$0x1F540] =	vst v63  }
0x23: {  	s29 =	sadd.s32 $0x0, s15  }
0x24: {  	[tilespmem:s22], [sflag:$0x3] =	stream.linear.gather [hbm4b:s29+s3], $0x50, $0x38;
	[tilespmem:$0x1F540] =	vst v63  }
0x25: {  	_ =	swait.ge [sflag:s17], $0x50  }
0x26: {  	s29 =	sadd.s32 $0x0, s14;
	[sflag:s17] =	ssyncset.done $0x0  }
0x27: {  	s30 =	sadd.s32 $0xA, s29;
	[sflag:s17] =	ssyncadd.s32 $0xFFFFFFB0  }
0x28: {  	[tilespmem:s23], [sflag:$0x3] =	stream.linear.gather [hbm4b:s30+s3], $0x50, $0x38;
	[tilespmem:$0x1F540] =	vst v63  }
0x29: {  	_ =	swait.ge [sflag:s17], $0x50  }
0x2a: {  	[sflag:s17] =	ssyncset.done $0x0  }
0x2b: {  	[sflag:s17] =	ssyncadd.s32 $0xFFFFFFB0  }
0x2c: {  	[tilespmem:s24], [sflag:$0x2] =	stream.indirect.gather [hbm4b:s4+s20], $0xA0, s22, s20, $0xb8;
	[tilespmem:$0x1F540] =	vst v63  }
0x2d: {  	_ =	swait.ge [sflag:s25], $0x3200  }
0x2e: {  	[sflag:s25] =	ssyncset.done $0x0  }
0x2f: {  	[sflag:s25] =	ssyncadd.s32 $0xFFFFCE00  }
0x30: {  	[spmem:s2] =	stream.indirect.scatter.add.f32 [tilespmem:s21], [sflag:$0x3], $0xA0, s19, s20, $0xb8;
	[tilespmem:$0x1F540] =	vst v63  }
0x31: {  	_ =	swait.ge [sflag:s17], $0x3200  }
0x32: {  	[sflag:s17] =	ssyncset.done $0x0  }
0x33: {  	s1 =	sadd.s32 $0x0, s13;
	[sflag:s17] =	ssyncadd.s32 $0xFFFFCE00  }
0x34: {  	[tilespmem:s18], [sflag:$0x3] =	stream.linear.gather [hbm4b:s1+s3], $0x50, $0x38;
	[tilespmem:$0x1F540] =	vst v63  }
0x35: {  	_ =	swait.ge [sflag:s17], $0x50  }
0x36: {  	[sflag:s17] =	ssyncset.done $0x0  }
0x37: {  	s29 =	sadd.s32 $0x14, s29;
	[sflag:s17] =	ssyncadd.s32 $0xFFFFFFB0  }
0x38: {  	[tilespmem:s19], [sflag:$0x3] =	stream.linear.gather [hbm4b:s29+s3], $0x50, $0x38;
	[tilespmem:$0x1F540] =	vst v63  }
0x39: {  	_ =	swait.ge [sflag:s17], $0x50  }
0x3a: {  	[sflag:s17] =	ssyncset.done $0x0  }
0x3b: {  	[sflag:s17] =	ssyncadd.s32 $0xFFFFFFB0  }
0x3c: {  	[tilespmem:s21], [sflag:$0x1] =	stream.indirect.gather [hbm4b:s4+s20], $0xA0, s18, s20, $0xb8;
	[tilespmem:$0x1F540] =	vst v63  }
0x3d: {  	_ =	swait.ge [sflag:s26], $0x3200  }
0x3e: {  	[sflag:s26] =	ssyncset.done $0x0  }
0x3f: {  	[sflag:s26] =	ssyncadd.s32 $0xFFFFCE00  }
0x40: {  	[spmem:s2] =	stream.indirect.scatter.add.f32 [tilespmem:s24], [sflag:$0x3], $0xA0, s23, s20, $0xb8;
	[tilespmem:$0x1F540] =	vst v63  }
0x41: {  	_ =	swait.ge [sflag:s17], $0x3200  }
0x42: {  	s31 =	simm.s32 $0x28;
	s29 =	simm.s32 $0x14;
	[sflag:s17] =	ssyncset.done $0x0  }
.LBB2_2:
0x43: {  	s0 =	sadd.s32 s29, s15  }
0x44: {  	[sflag:s17] =	ssyncadd.s32 $0xFFFFCE00;
	s1 =	smov.u32 s31;
	s30 =	sadd.s32 $0x14, s31  }
0x45: {  	[tilespmem:s22], [sflag:$0x3] =	stream.linear.gather [hbm4b:s0+s3], $0x50, $0x38;
	[tilespmem:$0x1F540] =	vst v63  }
0x46: {  	p0 =	sne.s32 s31, $0x4D8;
	_ =	swait.ge [sflag:s17], $0x50  }
0x47: {  	s0 =	sadd.s32 s29, s14;
	[sflag:s17] =	ssyncset.done $0x0  }
0x48: {  	s31 =	sadd.s32 $0xA, s0;
	[sflag:s17] =	ssyncadd.s32 $0xFFFFFFB0  }
0x49: {  	[tilespmem:s23], [sflag:$0x3] =	stream.linear.gather [hbm4b:s31+s3], $0x50, $0x38;
	[tilespmem:$0x1F540] =	vst v63  }
0x4a: {  	_ =	swait.ge [sflag:s17], $0x50  }
0x4b: {  	[sflag:s17] =	ssyncset.done $0x0  }
0x4c: {  	[sflag:s17] =	ssyncadd.s32 $0xFFFFFFB0  }
0x4d: {  	[tilespmem:s24], [sflag:$0x2] =	stream.indirect.gather [hbm4b:s4+s20], $0xA0, s22, s20, $0xb8;
	[tilespmem:$0x1F540] =	vst v63  }
0x4e: {  	_ =	swait.ge [sflag:s25], $0x3200  }
0x4f: {  	[sflag:s25] =	ssyncset.done $0x0  }
0x50: {  	[sflag:s25] =	ssyncadd.s32 $0xFFFFCE00  }
0x51: {  	[spmem:s2] =	stream.indirect.scatter.add.f32 [tilespmem:s21], [sflag:$0x3], $0xA0, s19, s20, $0xb8;
	[tilespmem:$0x1F540] =	vst v63  }
0x52: {  	_ =	swait.ge [sflag:s17], $0x3200  }
0x53: {  	[sflag:s17] =	ssyncset.done $0x0  }
0x54: {  	s31 =	sadd.s32 s29, s13;
	s29 =	smov.u32 s1;
	[sflag:s17] =	ssyncadd.s32 $0xFFFFCE00  }
0x55: {  	[tilespmem:s18], [sflag:$0x3] =	stream.linear.gather [hbm4b:s31+s3], $0x50, $0x38;
	[tilespmem:$0x1F540] =	vst v63  }
0x56: {  	_ =	swait.ge [sflag:s17], $0x50  }
0x57: {  	[sflag:s17] =	ssyncset.done $0x0  }
0x58: {  	s0 =	sadd.s32 $0x14, s0;
	[sflag:s17] =	ssyncadd.s32 $0xFFFFFFB0  }
0x59: {  	[tilespmem:s19], [sflag:$0x3] =	stream.linear.gather [hbm4b:s0+s3], $0x50, $0x38;
	[tilespmem:$0x1F540] =	vst v63  }
0x5a: {  	_ =	swait.ge [sflag:s17], $0x50  }
0x5b: {  	[sflag:s17] =	ssyncset.done $0x0  }
0x5c: {  	[sflag:s17] =	ssyncadd.s32 $0xFFFFFFB0  }
0x5d: {  	[tilespmem:s21], [sflag:$0x1] =	stream.indirect.gather [hbm4b:s4+s20], $0xA0, s18, s20, $0xb8;
	[tilespmem:$0x1F540] =	vst v63  }
0x5e: {  	_ =	swait.ge [sflag:s26], $0x3200  }
.Ltmp0:
0x5f: {  	[sflag:s26] =	ssyncset.done $0x0;
	(pc) =	sbr.rel @p0 .LBB2_2-.Ltmp0, $4  }
0x60: {  	[sflag:s26] =	ssyncadd.s32 $0xFFFFCE00  }
0x61: {  	[spmem:s2] =	stream.indirect.scatter.add.f32 [tilespmem:s24], [sflag:$0x3], $0xA0, s23, s20, $0xb8;
	[tilespmem:$0x1F540] =	vst v63  }
0x62: {  	_ =	swait.ge [sflag:s17], $0x3200  }
0x63: {  	s31 =	smov.u32 s30;
	[sflag:s17] =	ssyncset.done $0x0  }
0x64: {  	s0 =	sadd.s32 s29, s15;
	[sflag:s17] =	ssyncadd.s32 $0xFFFFCE00  }
0x65: {  	[tilespmem:s22], [sflag:$0x3] =	stream.linear.gather [hbm4b:s0+s3], $0x50, $0x38;
	[tilespmem:$0x1F540] =	vst v63  }
0x66: {  	_ =	swait.ge [sflag:s17], $0x50  }
0x67: {  	s30 =	sadd.s32 s29, s14;
	[sflag:s17] =	ssyncset.done $0x0  }
0x68: {  	s1 =	sadd.s32 $0xA, s30;
	[sflag:s17] =	ssyncadd.s32 $0xFFFFFFB0  }
0x69: {  	[tilespmem:s23], [sflag:$0x3] =	stream.linear.gather [hbm4b:s1+s3], $0x50, $0x38;
	[tilespmem:$0x1F540] =	vst v63  }
0x6a: {  	_ =	swait.ge [sflag:s17], $0x50  }
0x6b: {  	[sflag:s17] =	ssyncset.done $0x0  }
0x6c: {  	[sflag:s17] =	ssyncadd.s32 $0xFFFFFFB0  }
0x6d: {  	[tilespmem:s24], [sflag:$0x2] =	stream.indirect.gather [hbm4b:s4+s20], $0xA0, s22, s20, $0xb8;
	[tilespmem:$0x1F540] =	vst v63  }
0x6e: {  	_ =	swait.ge [sflag:s25], $0x3200  }
0x6f: {  	[sflag:s25] =	ssyncset.done $0x0  }
0x70: {  	[sflag:s25] =	ssyncadd.s32 $0xFFFFCE00  }
0x71: {  	[spmem:s2] =	stream.indirect.scatter.add.f32 [tilespmem:s21], [sflag:$0x3], $0xA0, s19, s20, $0xb8;
	[tilespmem:$0x1F540] =	vst v63  }
0x72: {  	_ =	swait.ge [sflag:s17], $0x3200  }
0x73: {  	[sflag:s17] =	ssyncset.done $0x0  }
0x74: {  	s31 =	sadd.s32 s29, s13;
	[sflag:s17] =	ssyncadd.s32 $0xFFFFCE00  }
0x75: {  	[tilespmem:s18], [sflag:$0x3] =	stream.linear.gather [hbm4b:s31+s3], $0x50, $0x38;
	[tilespmem:$0x1F540] =	vst v63  }
0x76: {  	_ =	swait.ge [sflag:s17], $0x50  }
0x77: {  	[sflag:s17] =	ssyncset.done $0x0  }
0x78: {  	s0 =	sadd.s32 $0x14, s30;
	[sflag:s17] =	ssyncadd.s32 $0xFFFFFFB0  }
0x79: {  	[tilespmem:s19], [sflag:$0x3] =	stream.linear.gather [hbm4b:s0+s3], $0x50, $0x38;
	[tilespmem:$0x1F540] =	vst v63  }
0x7a: {  	_ =	swait.ge [sflag:s17], $0x50  }
0x7b: {  	[sflag:s17] =	ssyncset.done $0x0  }
0x7c: {  	[sflag:s17] =	ssyncadd.s32 $0xFFFFFFB0  }
0x7d: {  	[tilespmem:s21], [sflag:$0x1] =	stream.indirect.gather [hbm4b:s4+s20], $0xA0, s18, s20, $0xb8;
	[tilespmem:$0x1F540] =	vst v63  }
0x7e: {  	_ =	swait.ge [sflag:s26], $0x3200  }
0x7f: {  	[sflag:s26] =	ssyncset.done $0x0  }
0x80: {  	[sflag:s26] =	ssyncadd.s32 $0xFFFFCE00  }
0x81: {  	[spmem:s2] =	stream.indirect.scatter.add.f32 [tilespmem:s24], [sflag:$0x3], $0xA0, s23, s20, $0xb8;
	[tilespmem:$0x1F540] =	vst v63  }
0x82: {  	_ =	swait.ge [sflag:s17], $0x3200  }
0x83: {  	[sflag:s17] =	ssyncset.done $0x0  }
0x84: {  	[sflag:s17] =	ssyncadd.s32 $0xFFFFCE00  }
0x85: {  	[tilespmem:s22], [sflag:$0x3] =	stream.linear.gather [hbm4b:s11+s3], $0x50, $0x38;
	[tilespmem:$0x1F540] =	vst v63  }
0x86: {  	_ =	swait.ge [sflag:s17], $0x50  }
0x87: {  	[sflag:s17] =	ssyncset.done $0x0  }
0x88: {  	[sflag:s17] =	ssyncadd.s32 $0xFFFFFFB0  }
0x89: {  	[tilespmem:s23], [sflag:$0x3] =	stream.linear.gather [hbm4b:s12+s3], $0x50, $0x38;
	[tilespmem:$0x1F540] =	vst v63  }
0x8a: {  	_ =	swait.ge [sflag:s17], $0x50  }
0x8b: {  	[sflag:s17] =	ssyncset.done $0x0  }
0x8c: {  	[sflag:s17] =	ssyncadd.s32 $0xFFFFFFB0  }
0x8d: {  	[tilespmem:s24], [sflag:$0x2] =	stream.indirect.gather [hbm4b:s4+s20], $0xA0, s22, s20, $0xb8;
	[tilespmem:$0x1F540] =	vst v63  }
0x8e: {  	_ =	swait.ge [sflag:s25], $0x3200  }
0x8f: {  	[sflag:s25] =	ssyncset.done $0x0  }
0x90: {  	[sflag:s25] =	ssyncadd.s32 $0xFFFFCE00  }
0x91: {  	[spmem:s2] =	stream.indirect.scatter.add.f32 [tilespmem:s21], [sflag:$0x3], $0xA0, s19, s20, $0xb8;
	[tilespmem:$0x1F540] =	vst v63  }
0x92: {  	_ =	swait.ge [sflag:s17], $0x3200  }
0x93: {  	[sflag:s17] =	ssyncset.done $0x0  }
0x94: {  	[sflag:s17] =	ssyncadd.s32 $0xFFFFCE00  }
0x95: {  	_ =	swait.ge [sflag:s26], $0x3200  }
0x96: {  	[sflag:s26] =	ssyncset.done $0x0  }
0x97: {  	[sflag:s26] =	ssyncadd.s32 $0xFFFFCE00  }
0x98: {  	[spmem:s2] =	stream.indirect.scatter.add.f32 [tilespmem:s24], [sflag:$0x3], $0xA0, s23, s20, $0xb8;
	[tilespmem:$0x1F540] =	vst v63  }
0x99: {  	_ =	swait.ge [sflag:s17], $0x3200  }
0x9a: {  	s28 =	sadd.s32 $0x1, s28;
	[sflag:s17] =	ssyncset.done $0x0  }
0x9b: {  	p0 =	sne.s32 s28, s10;
	[sflag:s17] =	ssyncadd.s32 $0xFFFFCE00  }
.Ltmp1:
0x9c: {  	[bflag:$0x0] =	sbarrier.arrive $0xFFFF;
	(pc) =	sbr.rel @p0 .LBB2_1-.Ltmp1, $4  }
0x9d: {  	[hbm:s9], [sflag:s6] =	dma.local [spmem:s16], $0x3200  }
0x9e: {  	_ =	swait.ge [sflag:s17], $0x3200  }
0x9f: {  	[sflag:s17] =	ssyncset.done $0x0  }
0xa0: {  	[sflag:s17] =	ssyncadd.s32 $0xFFFFCE00  }
0xa1: {  	_ =	sfence.sel $0x180000  }
0xa2: {  	[bflag:$0x0] =	sbarrier.arrive $0xFFFF  }
0xa3: {  	_ =	strace $0x90000056  }
0xa4: {  	s0 =	stileid.u32;
	[bflag:$0x2] =	sbarrier.arrive $0xFFFF  }
0xa5: {  	p0 =	sne.s32 s0, $0x0;
	s0 =	rddreg [dreg:$0x2]  }
0xa6: {  	s0 =	sadd.s32 @!p0 $0x100000, s0  }
0xa7: {  	[sflag:s0] =	ssyncadd.tile.s32 @!p0 $0x1;
	_ =	shalt  }
.Lfunc_end2:
_tile_overlayer_lowered:
.L_overlay_start_2:
0xa8: {  	(tag) =	ssettag $0x2  }
0xa9: {  	s0 =	rddreg [dreg:$0x0];
	s2 =	stileid.u32  }
0xaa: {  	s1 =	rddreg [dreg:$0x1];
	p0 =	sne.s32 s2, $0x0  }
0xab: {  	s3 =	rddreg [dreg:$0x2];
	[bflag:$0x3] =	sbarrier.arrive $0xFFFF;
	s2 =	simm.s32 @!p0 $0x1C03  }
0xac: {  	[timem:s3], [sflag:s2] =	dma.local @!p0 [hbm:s0], s1  }
0xad: {  	s0 =	simm.s32 @!p0 $0x3  }
0xae: {  	_ =	swait.ge @!p0 [sflag:s0], s1  }
0xaf: {  	s1 =	ssub.s32 @!p0 $0x0, s1;
	[sflag:s0] =	ssyncset.done @!p0 $0x0  }
0xb0: {  	[sflag:s0] =	ssyncadd.s32 @!p0 s1  }
0xb1: {  	[bflag:$0x3] =	sbarrier.arrive $0xFFFF  }
0xb2: {  	_ =	shalt  }

</sc_bundles>
